<compile_context>
chip_gen: v7x
topology: tpu7x:2x2x1
jax: 0.10.2.dev20260603
libtpu: 0.0.44.dev20260713+nightly
codegen_flags: <defaults>
</compile_context>

<pallas_src>
import functools

import numpy as np
import jax
import jax.numpy as jnp
from jax import lax
from jax.experimental import pallas as pl
from jax.experimental.pallas import tpu as pltpu
from jax.experimental.pallas import tpu_sc as plsc

N = 10000
NPAD = 10240
E = 320000
NC = 2
NS = 16
NW = NC * NS
CH = 128
CPW = 80
NCH = E // CH
REAL_LAST = NCH - (NW - 1) * CPW
PAD_CH = CPW - REAL_LAST
ROWS_PT = NPAD // NS
NBUF = 8
LOOKAHEAD = 4

_PAD_ROWS = N + (np.arange(64 * CH, dtype=np.int32) % (NPAD - N)).reshape(64, CH)

_MESH = plsc.VectorSubcoreMesh(
    core_axis_name="c", subcore_axis_name="s", num_cores=NC, num_subcores=NS
)


def _load_idx(eidx_hbm, row, pad_hbm, idx_v, wid, is_last):
    @pl.when(jnp.logical_not(is_last))
    def _normal():
        pltpu.sync_copy(eidx_hbm.at[row, pl.ds(wid * CPW, CPW)], idx_v)

    @pl.when(is_last)
    def _last():
        pltpu.sync_copy(eidx_hbm.at[row, pl.ds(NCH - REAL_LAST, REAL_LAST)],
                        idx_v.at[pl.ds(0, REAL_LAST)])
        pltpu.sync_copy(pad_hbm.at[pl.ds(0, PAD_CH)],
                        idx_v.at[pl.ds(REAL_LAST, PAD_CH)])


def _make_deg_kernel():
    @functools.partial(
        pl.kernel,
        out_type=jax.ShapeDtypeStruct((NC, NPAD, 16), jnp.float32),
        mesh=_MESH,
        scratch_types=[
            pltpu.VMEM((CPW, CH), jnp.int32),
            pltpu.VMEM((CH, 16), jnp.float32),
            pltpu.VMEM_SHARED((NPAD, 16), jnp.float32),
            pltpu.SemaphoreType.DMA,
        ],
        compiler_params=pltpu.CompilerParams(use_tc_tiling_on_sc=False),
    )
    def deg_kernel(eidx_hbm, pad_hbm, zeros_hbm, ones_hbm, out_hbm,
                   didx_v, ones_v, acc, sem):
        c = lax.axis_index("c")
        s = lax.axis_index("s")
        wid = c * NS + s
        is_last = jnp.logical_and(c == NC - 1, s == NS - 1)
        r0 = s * ROWS_PT
        pltpu.sync_copy(zeros_hbm.at[pl.ds(r0, ROWS_PT)], acc.at[pl.ds(r0, ROWS_PT)])
        pltpu.sync_copy(ones_hbm, ones_v)
        _load_idx(eidx_hbm, 1, pad_hbm, didx_v, wid, is_last)
        plsc.subcore_barrier()

        def body(j, carry):
            pltpu.async_copy(ones_v, acc.at[didx_v.at[j]], sem, add=True)
            return carry

        lax.fori_loop(0, CPW, body, 0)

        def drain(j, carry):
            pltpu.make_async_copy(ones_v, acc.at[didx_v.at[j]], sem).wait()
            return carry

        lax.fori_loop(0, CPW, drain, 0)
        plsc.subcore_barrier()
        pltpu.sync_copy(acc.at[pl.ds(r0, ROWS_PT)], out_hbm.at[c, pl.ds(r0, ROWS_PT)])

    return deg_kernel


def _make_agg_kernel(D):
    @functools.partial(
        pl.kernel,
        out_type=jax.ShapeDtypeStruct((NC, NPAD, D), jnp.float32),
        mesh=_MESH,
        scratch_types=[
            pltpu.VMEM((CPW, CH), jnp.int32),
            pltpu.VMEM((CPW, CH), jnp.int32),
            pltpu.VMEM((NBUF, CH, D), jnp.float32),
            pltpu.VMEM_SHARED((NPAD, D), jnp.float32),
            pltpu.SemaphoreType.DMA((NBUF,)),
            pltpu.SemaphoreType.DMA((NBUF,)),
        ],
        compiler_params=pltpu.CompilerParams(use_tc_tiling_on_sc=False),
    )
    def agg_kernel(hp_hbm, eidx_hbm, pad_hbm, zeros_hbm, out_hbm,
                   sidx_v, didx_v, rows_v, acc, gsem, ssem):
        c = lax.axis_index("c")
        s = lax.axis_index("s")
        wid = c * NS + s
        is_last = jnp.logical_and(c == NC - 1, s == NS - 1)
        r0 = s * ROWS_PT
        pltpu.sync_copy(zeros_hbm.at[pl.ds(r0, ROWS_PT)], acc.at[pl.ds(r0, ROWS_PT)])
        _load_idx(eidx_hbm, 0, pad_hbm, sidx_v, wid, is_last)
        _load_idx(eidx_hbm, 1, pad_hbm, didx_v, wid, is_last)
        plsc.subcore_barrier()

        for b in range(LOOKAHEAD):
            pltpu.async_copy(hp_hbm.at[sidx_v.at[b]], rows_v.at[b], gsem.at[b])

        def step_body(step, carry):
            base = step * NBUF
            for b in range(NBUF):
                j = base + b
                pltpu.make_async_copy(
                    hp_hbm.at[sidx_v.at[j]], rows_v.at[b], gsem.at[b]).wait()
                pltpu.async_copy(
                    rows_v.at[b], acc.at[didx_v.at[j]], ssem.at[b], add=True)
                bn = (b + LOOKAHEAD) % NBUF
                jg = j + LOOKAHEAD
                jp = jg - NBUF

                @pl.when(jp >= 0)
                def _wait_prev_scatter():
                    pltpu.make_async_copy(
                        rows_v.at[bn],
                        acc.at[didx_v.at[jnp.maximum(jp, 0)]],
                        ssem.at[bn]).wait()

                @pl.when(jg < CPW)
                def _prefetch_gather():
                    pltpu.async_copy(
                        hp_hbm.at[sidx_v.at[jnp.minimum(jg, CPW - 1)]],
                        rows_v.at[bn], gsem.at[bn])
            return carry

        lax.fori_loop(0, CPW // NBUF, step_body, 0)
        for i in range(NBUF - LOOKAHEAD):
            j = CPW - (NBUF - LOOKAHEAD) + i
            b = j % NBUF
            pltpu.make_async_copy(
                rows_v.at[b], acc.at[didx_v.at[j]], ssem.at[b]).wait()
        plsc.subcore_barrier()
        pltpu.sync_copy(acc.at[pl.ds(r0, ROWS_PT)], out_hbm.at[c, pl.ds(r0, ROWS_PT)])

    return agg_kernel


_deg_kernel = _make_deg_kernel()
_agg64 = _make_agg_kernel(64)
_agg32 = _make_agg_kernel(32)


def _dis(dp_ref):
    deg = dp_ref[0, :, 0:1] + dp_ref[1, :, 0:1] + 1.0
    return lax.rsqrt(deg)


def _tc1_body(x_ref, w1_ref, dp_ref, o_ref):
    dis = _dis(dp_ref)
    m = jnp.dot(x_ref[...], w1_ref[...], preferred_element_type=jnp.float32)
    o_ref[0:N, :] = m * dis[0:N]
    o_ref[N:NPAD, :] = jnp.zeros((NPAD - N, o_ref.shape[1]), jnp.float32)


def _tc2_body(p_ref, hp_ref, dp_ref, b1_ref, w2_ref, o_ref):
    dis = _dis(dp_ref)
    sm = p_ref[0] + p_ref[1] + hp_ref[...]
    h = jnp.maximum(sm * dis + b1_ref[...], 0.0)
    o_ref[...] = jnp.dot(h, w2_ref[...], preferred_element_type=jnp.float32) * dis


def _tc3_body(p_ref, hp_ref, dp_ref, b2_ref, o_ref):
    dis = _dis(dp_ref)
    sm = p_ref[0] + p_ref[1] + hp_ref[...]
    o_ref[...] = (sm * dis + b2_ref[...])[0:N]


def kernel(x, edge_index, W1, b1, W2, b2):
    eidx = edge_index.astype(jnp.int32).reshape(2, NCH, CH)
    pad_c = jnp.asarray(_PAD_ROWS)

    zeros16 = jnp.zeros((NPAD, 16), jnp.float32)
    zeros64 = jnp.zeros((NPAD, 64), jnp.float32)
    zeros32 = jnp.zeros((NPAD, 32), jnp.float32)
    ones = jnp.ones((CH, 16), jnp.float32)

    dparts = _deg_kernel(eidx, pad_c, zeros16, ones)

    hp1 = pl.pallas_call(
        _tc1_body,
        out_shape=jax.ShapeDtypeStruct((NPAD, 64), jnp.float32),
    )(x, W1, dparts)

    p1 = _agg64(hp1, eidx, pad_c, zeros64)

    hp2 = pl.pallas_call(
        _tc2_body,
        out_shape=jax.ShapeDtypeStruct((NPAD, 32), jnp.float32),
    )(p1, hp1, dparts, b1.reshape(1, 64), W2)

    p2 = _agg32(hp2, eidx, pad_c, zeros32)

    z = pl.pallas_call(
        _tc3_body,
        out_shape=jax.ShapeDtypeStruct((N, 32), jnp.float32),
    )(p2, hp2, dparts, b2.reshape(1, 32))

    return z

# --- scband reference (transcript-rebuilt; emitter-appended) ---
"""Pipeline reference for scband-gae-5377299054952 (READ-ONLY COPY).

The authoritative reference and input builder live on the scoring server;
editing this copy changes nothing except your own understanding.
"""

import jax, jax.numpy as jnp
import numpy as np

N_NODES = 10000
N_EDGES = 320000
IN_DIM = 128
HID_L = 64
HID_OUT = 32


def setup_inputs(seed: int = 0) -> dict:
    key = jax.random.key(seed)
    k1, k2, k3, k4, k5, k6 = jax.random.split(key, 6)
    x = jax.random.normal(k1, (N_NODES, IN_DIM), dtype=jnp.float32)
    edge_index = jax.random.randint(k2, (2, N_EDGES), 0, N_NODES, dtype=jnp.int64)
    # Glorot-initialized weights like PyG GCNConv, zero bias
    W1 = jax.random.normal(k3, (IN_DIM, HID_L), dtype=jnp.float32) * (2.0 / (IN_DIM + HID_L)) ** 0.5
    b1 = jnp.zeros((HID_L,), dtype=jnp.float32)
    W2 = jax.random.normal(k4, (HID_L, HID_OUT), dtype=jnp.float32) * (2.0 / (HID_L + HID_OUT)) ** 0.5
    b2 = jnp.zeros((HID_OUT,), dtype=jnp.float32)
    return {"x": x, "edge_index": edge_index, "W1": W1, "b1": b1, "W2": W2, "b2": b2}


def _gcn_conv(x, src, dst, W, b, num_nodes):
    # PyG GCNConv: add self-loops, symmetric normalization, linear, scatter-add, bias
    h = x @ W
    deg = jnp.zeros((num_nodes,), dtype=x.dtype).at[dst].add(1.0)
    deg_inv_sqrt = jnp.where(deg > 0, jax.lax.rsqrt(jnp.maximum(deg, 1e-12)), 0.0)
    norm = deg_inv_sqrt[src] * deg_inv_sqrt[dst]
    msgs = jnp.take(h, src, axis=0) * norm[:, None]
    out = jnp.zeros((num_nodes, W.shape[1]), dtype=x.dtype).at[dst].add(msgs)
    return out + b


def reference(x, edge_index, W1, b1, W2, b2):
    num_nodes = x.shape[0]
    loop = jnp.arange(num_nodes, dtype=edge_index.dtype)
    src = jnp.concatenate([edge_index[0], loop])
    dst = jnp.concatenate([edge_index[1], loop])
    # encode: conv1 -> relu -> (dropout is identity in eval) -> conv2
    h = _gcn_conv(x, src, dst, W1, b1, num_nodes)
    h = jax.nn.relu(h)
    z = _gcn_conv(h, src, dst, W2, b2, num_nodes)
    return z

if __name__ == "__main__":
    import jax
    _d = setup_inputs()
    print(jax.jit(kernel)(*tuple(_d.values())))

</pallas_src>

<mosaic_0001>
#map = affine_map<(d0, d1) -> (0, 0, 0)>
#map1 = affine_map<(d0, d1) -> (0, 0)>
module attributes {stable_mosaic.version = 14 : i64} {
  func.func @deg_kernel(%arg0: i32, %arg1: i32, %arg2: memref<2x2500x128xi32, #tpu.memory_space<hbm>>, %arg3: memref<64x128xi32, #tpu.memory_space<hbm>>, %arg4: memref<10240x16xf32, #tpu.memory_space<hbm>>, %arg5: memref<128x16xf32, #tpu.memory_space<hbm>>, %arg6: memref<2x10240x16xf32, #tpu.memory_space<hbm>>, %arg7: memref<80x128xi32, #tpu.memory_space<vmem>>, %arg8: memref<128x16xf32, #tpu.memory_space<vmem>>, %arg9: memref<10240x16xf32, #tpu.memory_space<vmem_shared>>, %arg10: memref<!tpu.dma_semaphore, #tpu.memory_space<semaphore_mem>>) attributes {dimension_semantics = [#tpu.dimension_semantics<core_parallel>, #tpu.dimension_semantics<subcore_parallel>], iteration_bounds = array<i64: 2, 16>, scalar_prefetch = 0 : i64, scratch_operands = 4 : i64, tpu.core_type = #tpu.core_type<sc_vector_subcore>, window_params = [{transform_indices = #map}, {transform_indices = #map1}, {transform_indices = #map1}, {transform_indices = #map1}, {transform_indices = #map}]} {
    %mul3A = arith.constant 16 : i32
    %mul3A_0 = arith.muli %arg0, %mul3A : i32
    %add3A = arith.addi %mul3A_0, %arg1 : i32
    %eq3A = arith.constant 1 : i32
    %eq3A_1 = arith.cmpi eq, %arg0, %eq3A : i32
    %eq3A_2 = arith.constant 15 : i32
    %eq3A_3 = arith.cmpi eq, %arg1, %eq3A_2 : i32
    %and3A = arith.andi %eq3A_1, %eq3A_3 : i1
    %mul3A_4 = arith.constant 640 : i32
    %mul3A_5 = arith.muli %arg1, %mul3A_4 : i32
    "tpu.region"() ({
      %run_scoped3A = tpu.sem_alloc : memref<!tpu.dma_semaphore, #tpu.memory_space<semaphore_mem>>
      %dma_start3A = arith.constant 0 : i32
      %dma_start3A_23 = tpu.memref_slice %arg9[%mul3A_5, %dma_start3A] : memref<10240x16xf32, #tpu.memory_space<vmem_shared>> -> memref<640x16xf32, #tpu.memory_space<vmem_shared>>
      %dma_start3A_24 = arith.constant 0 : i32
      %dma_start3A_25 = tpu.memref_slice %arg4[%mul3A_5, %dma_start3A_24] : memref<10240x16xf32, #tpu.memory_space<hbm>> -> memref<640x16xf32, #tpu.memory_space<hbm>>
      tpu.enqueue_dma source(%dma_start3A_25 : memref<640x16xf32, #tpu.memory_space<hbm>>) target(%dma_start3A_23 : memref<640x16xf32, #tpu.memory_space<vmem_shared>>) target_semaphore(%run_scoped3A : memref<!tpu.dma_semaphore, #tpu.memory_space<semaphore_mem>>)
      %dma_wait3A = arith.constant 0 : i32
      %dma_wait3A_26 = tpu.memref_slice %arg9[%mul3A_5, %dma_wait3A] : memref<10240x16xf32, #tpu.memory_space<vmem_shared>> -> memref<640x16xf32, #tpu.memory_space<vmem_shared>>
      %dma_wait3A_27 = arith.constant 0 : i32
      %dma_wait3A_28 = tpu.memref_slice %arg4[%mul3A_5, %dma_wait3A_27] : memref<10240x16xf32, #tpu.memory_space<hbm>> -> memref<640x16xf32, #tpu.memory_space<hbm>>
      tpu.wait_dma2 semaphore(%run_scoped3A : memref<!tpu.dma_semaphore, #tpu.memory_space<semaphore_mem>>) src(%dma_wait3A_28 : memref<640x16xf32, #tpu.memory_space<hbm>>) dst(%dma_wait3A_26 : memref<640x16xf32, #tpu.memory_space<vmem_shared>>)
      tpu.yield
    }) : () -> ()
    "tpu.region"() ({
      %run_scoped3A = tpu.sem_alloc : memref<!tpu.dma_semaphore, #tpu.memory_space<semaphore_mem>>
      tpu.enqueue_dma source(%arg5 : memref<128x16xf32, #tpu.memory_space<hbm>>) target(%arg8 : memref<128x16xf32, #tpu.memory_space<vmem>>) target_semaphore(%run_scoped3A : memref<!tpu.dma_semaphore, #tpu.memory_space<semaphore_mem>>)
      tpu.wait_dma2 semaphore(%run_scoped3A : memref<!tpu.dma_semaphore, #tpu.memory_space<semaphore_mem>>) src(%arg5 : memref<128x16xf32, #tpu.memory_space<hbm>>) dst(%arg8 : memref<128x16xf32, #tpu.memory_space<vmem>>)
      tpu.yield
    }) : () -> ()
    %not3A = arith.constant true
    %not3A_6 = arith.xori %and3A, %not3A : i1
    %convert_element_type3A = arith.extui %not3A_6 : i1 to i32
    %cond3A = arith.constant 0 : i32
    %cond3A_7 = arith.cmpi ne, %convert_element_type3A, %cond3A : i32
    scf.if %cond3A_7 {
      %mul3A_23 = arith.constant 80 : i32
      %mul3A_24 = arith.muli %add3A, %mul3A_23 : i32
      %run_scoped3A = arith.constant 1 : i32
      "tpu.region"() ({
        %run_scoped3A_25 = tpu.sem_alloc : memref<!tpu.dma_semaphore, #tpu.memory_space<semaphore_mem>>
        %dma_start3A = arith.constant 0 : i32
        %dma_start3A_26 = tpu.memref_slice %arg2[%run_scoped3A, %mul3A_24, %dma_start3A] : memref<2x2500x128xi32, #tpu.memory_space<hbm>> -> memref<1x80x128xi32, #tpu.memory_space<hbm>>
        %dma_start3A_27 = tpu.memref_squeeze %dma_start3A_26 : memref<1x80x128xi32, #tpu.memory_space<hbm>> -> memref<80x128xi32, #tpu.memory_space<hbm>>
        %dma_start3A_28 = arith.constant 0 : i32
        %dma_start3A_29 = tpu.memref_slice %arg2[%run_scoped3A, %mul3A_24, %dma_start3A_28] : memref<2x2500x128xi32, #tpu.memory_space<hbm>> -> memref<1x80x128xi32, #tpu.memory_space<hbm>>
        %dma_start3A_30 = tpu.memref_squeeze %dma_start3A_29 : memref<1x80x128xi32, #tpu.memory_space<hbm>> -> memref<80x128xi32, #tpu.memory_space<hbm>>
        tpu.enqueue_dma source(%dma_start3A_30 : memref<80x128xi32, #tpu.memory_space<hbm>>) target(%arg7 : memref<80x128xi32, #tpu.memory_space<vmem>>) target_semaphore(%run_scoped3A_25 : memref<!tpu.dma_semaphore, #tpu.memory_space<semaphore_mem>>)
        %dma_wait3A = arith.constant 0 : i32
        %dma_wait3A_31 = tpu.memref_slice %arg2[%run_scoped3A, %mul3A_24, %dma_wait3A] : memref<2x2500x128xi32, #tpu.memory_space<hbm>> -> memref<1x80x128xi32, #tpu.memory_space<hbm>>
        %dma_wait3A_32 = tpu.memref_squeeze %dma_wait3A_31 : memref<1x80x128xi32, #tpu.memory_space<hbm>> -> memref<80x128xi32, #tpu.memory_space<hbm>>
        %dma_wait3A_33 = arith.constant 0 : i32
        %dma_wait3A_34 = tpu.memref_slice %arg2[%run_scoped3A, %mul3A_24, %dma_wait3A_33] : memref<2x2500x128xi32, #tpu.memory_space<hbm>> -> memref<1x80x128xi32, #tpu.memory_space<hbm>>
        %dma_wait3A_35 = tpu.memref_squeeze %dma_wait3A_34 : memref<1x80x128xi32, #tpu.memory_space<hbm>> -> memref<80x128xi32, #tpu.memory_space<hbm>>
        tpu.wait_dma2 semaphore(%run_scoped3A_25 : memref<!tpu.dma_semaphore, #tpu.memory_space<semaphore_mem>>) src(%dma_wait3A_35 : memref<80x128xi32, #tpu.memory_space<hbm>>) dst(%arg7 : memref<80x128xi32, #tpu.memory_space<vmem>>)
        tpu.yield
      }) : () -> ()
    } else {
    }
    %convert_element_type3A_8 = arith.extui %and3A : i1 to i32
    %cond3A_9 = arith.constant 0 : i32
    %cond3A_10 = arith.cmpi ne, %convert_element_type3A_8, %cond3A_9 : i32
    scf.if %cond3A_10 {
      %run_scoped3A = arith.constant 1 : i32
      "tpu.region"() ({
        %run_scoped3A_23 = tpu.sem_alloc : memref<!tpu.dma_semaphore, #tpu.memory_space<semaphore_mem>>
        %dma_start3A = arith.constant 0 : i32
        %dma_start3A_24 = arith.constant 0 : i32
        %dma_start3A_25 = tpu.memref_slice %arg7[%dma_start3A, %dma_start3A_24] : memref<80x128xi32, #tpu.memory_space<vmem>> -> memref<20x128xi32, #tpu.memory_space<vmem>>
        %dma_start3A_26 = arith.constant 2480 : i32
        %dma_start3A_27 = arith.constant 0 : i32
        %dma_start3A_28 = tpu.memref_slice %arg2[%run_scoped3A, %dma_start3A_26, %dma_start3A_27] : memref<2x2500x128xi32, #tpu.memory_space<hbm>> -> memref<1x20x128xi32, #tpu.memory_space<hbm>>
        %dma_start3A_29 = tpu.memref_squeeze %dma_start3A_28 : memref<1x20x128xi32, #tpu.memory_space<hbm>> -> memref<20x128xi32, #tpu.memory_space<hbm>>
        %dma_start3A_30 = arith.constant 0 : i32
        %dma_start3A_31 = arith.constant 0 : i32
        %dma_start3A_32 = tpu.memref_slice %arg7[%dma_start3A_30, %dma_start3A_31] : memref<80x128xi32, #tpu.memory_space<vmem>> -> memref<20x128xi32, #tpu.memory_space<vmem>>
        %dma_start3A_33 = arith.constant 2480 : i32
        %dma_start3A_34 = arith.constant 0 : i32
        %dma_start3A_35 = tpu.memref_slice %arg2[%run_scoped3A, %dma_start3A_33, %dma_start3A_34] : memref<2x2500x128xi32, #tpu.memory_space<hbm>> -> memref<1x20x128xi32, #tpu.memory_space<hbm>>
        %dma_start3A_36 = tpu.memref_squeeze %dma_start3A_35 : memref<1x20x128xi32, #tpu.memory_space<hbm>> -> memref<20x128xi32, #tpu.memory_space<hbm>>
        tpu.enqueue_dma source(%dma_start3A_36 : memref<20x128xi32, #tpu.memory_space<hbm>>) target(%dma_start3A_32 : memref<20x128xi32, #tpu.memory_space<vmem>>) target_semaphore(%run_scoped3A_23 : memref<!tpu.dma_semaphore, #tpu.memory_space<semaphore_mem>>)
        %dma_wait3A = arith.constant 0 : i32
        %dma_wait3A_37 = arith.constant 0 : i32
        %dma_wait3A_38 = tpu.memref_slice %arg7[%dma_wait3A, %dma_wait3A_37] : memref<80x128xi32, #tpu.memory_space<vmem>> -> memref<20x128xi32, #tpu.memory_space<vmem>>
        %dma_wait3A_39 = arith.constant 2480 : i32
        %dma_wait3A_40 = arith.constant 0 : i32
        %dma_wait3A_41 = tpu.memref_slice %arg2[%run_scoped3A, %dma_wait3A_39, %dma_wait3A_40] : memref<2x2500x128xi32, #tpu.memory_space<hbm>> -> memref<1x20x128xi32, #tpu.memory_space<hbm>>
        %dma_wait3A_42 = tpu.memref_squeeze %dma_wait3A_41 : memref<1x20x128xi32, #tpu.memory_space<hbm>> -> memref<20x128xi32, #tpu.memory_space<hbm>>
        %dma_wait3A_43 = arith.constant 0 : i32
        %dma_wait3A_44 = arith.constant 0 : i32
        %dma_wait3A_45 = tpu.memref_slice %arg7[%dma_wait3A_43, %dma_wait3A_44] : memref<80x128xi32, #tpu.memory_space<vmem>> -> memref<20x128xi32, #tpu.memory_space<vmem>>
        %dma_wait3A_46 = arith.constant 2480 : i32
        %dma_wait3A_47 = arith.constant 0 : i32
        %dma_wait3A_48 = tpu.memref_slice %arg2[%run_scoped3A, %dma_wait3A_46, %dma_wait3A_47] : memref<2x2500x128xi32, #tpu.memory_space<hbm>> -> memref<1x20x128xi32, #tpu.memory_space<hbm>>
        %dma_wait3A_49 = tpu.memref_squeeze %dma_wait3A_48 : memref<1x20x128xi32, #tpu.memory_space<hbm>> -> memref<20x128xi32, #tpu.memory_space<hbm>>
        tpu.wait_dma2 semaphore(%run_scoped3A_23 : memref<!tpu.dma_semaphore, #tpu.memory_space<semaphore_mem>>) src(%dma_wait3A_49 : memref<20x128xi32, #tpu.memory_space<hbm>>) dst(%dma_wait3A_45 : memref<20x128xi32, #tpu.memory_space<vmem>>)
        tpu.yield
      }) : () -> ()
      "tpu.region"() ({
        %run_scoped3A_23 = tpu.sem_alloc : memref<!tpu.dma_semaphore, #tpu.memory_space<semaphore_mem>>
        %dma_start3A = arith.constant 20 : i32
        %dma_start3A_24 = arith.constant 0 : i32
        %dma_start3A_25 = tpu.memref_slice %arg7[%dma_start3A, %dma_start3A_24] : memref<80x128xi32, #tpu.memory_space<vmem>> -> memref<60x128xi32, #tpu.memory_space<vmem>>
        %dma_start3A_26 = arith.constant 0 : i32
        %dma_start3A_27 = arith.constant 0 : i32
        %dma_start3A_28 = tpu.memref_slice %arg3[%dma_start3A_26, %dma_start3A_27] : memref<64x128xi32, #tpu.memory_space<hbm>> -> memref<60x128xi32, #tpu.memory_space<hbm>>
        %dma_start3A_29 = arith.constant 20 : i32
        %dma_start3A_30 = arith.constant 0 : i32
        %dma_start3A_31 = tpu.memref_slice %arg7[%dma_start3A_29, %dma_start3A_30] : memref<80x128xi32, #tpu.memory_space<vmem>> -> memref<60x128xi32, #tpu.memory_space<vmem>>
        %dma_start3A_32 = arith.constant 0 : i32
        %dma_start3A_33 = arith.constant 0 : i32
        %dma_start3A_34 = tpu.memref_slice %arg3[%dma_start3A_32, %dma_start3A_33] : memref<64x128xi32, #tpu.memory_space<hbm>> -> memref<60x128xi32, #tpu.memory_space<hbm>>
        tpu.enqueue_dma source(%dma_start3A_34 : memref<60x128xi32, #tpu.memory_space<hbm>>) target(%dma_start3A_31 : memref<60x128xi32, #tpu.memory_space<vmem>>) target_semaphore(%run_scoped3A_23 : memref<!tpu.dma_semaphore, #tpu.memory_space<semaphore_mem>>)
        %dma_wait3A = arith.constant 20 : i32
        %dma_wait3A_35 = arith.constant 0 : i32
        %dma_wait3A_36 = tpu.memref_slice %arg7[%dma_wait3A, %dma_wait3A_35] : memref<80x128xi32, #tpu.memory_space<vmem>> -> memref<60x128xi32, #tpu.memory_space<vmem>>
        %dma_wait3A_37 = arith.constant 0 : i32
        %dma_wait3A_38 = arith.constant 0 : i32
        %dma_wait3A_39 = tpu.memref_slice %arg3[%dma_wait3A_37, %dma_wait3A_38] : memref<64x128xi32, #tpu.memory_space<hbm>> -> memref<60x128xi32, #tpu.memory_space<hbm>>
        %dma_wait3A_40 = arith.constant 20 : i32
        %dma_wait3A_41 = arith.constant 0 : i32
        %dma_wait3A_42 = tpu.memref_slice %arg7[%dma_wait3A_40, %dma_wait3A_41] : memref<80x128xi32, #tpu.memory_space<vmem>> -> memref<60x128xi32, #tpu.memory_space<vmem>>
        %dma_wait3A_43 = arith.constant 0 : i32
        %dma_wait3A_44 = arith.constant 0 : i32
        %dma_wait3A_45 = tpu.memref_slice %arg3[%dma_wait3A_43, %dma_wait3A_44] : memref<64x128xi32, #tpu.memory_space<hbm>> -> memref<60x128xi32, #tpu.memory_space<hbm>>
        tpu.wait_dma2 semaphore(%run_scoped3A_23 : memref<!tpu.dma_semaphore, #tpu.memory_space<semaphore_mem>>) src(%dma_wait3A_45 : memref<60x128xi32, #tpu.memory_space<hbm>>) dst(%dma_wait3A_42 : memref<60x128xi32, #tpu.memory_space<vmem>>)
        tpu.yield
      }) : () -> ()
    } else {
    }
    %barrier3A = arith.constant 0 : index
    tpu.barrier barrier_id(%barrier3A)
    %scan3A = arith.constant 0 : i32
    %scan3A_11 = arith.constant 0 : i32
    %scan3A_12 = arith.constant 80 : i32
    %scan3A_13 = arith.addi %scan3A_11, %scan3A_12 : i32
    %scan3A_14 = arith.constant 1 : i32
    scf.for %scan3A_23 = %scan3A_11 to %scan3A_13 step %scan3A_14  : i32 {
      %dma_start3A = arith.constant 0 : i32
      %dma_start3A_24 = tpu.memref_slice %arg7[%scan3A_23, %dma_start3A] : memref<80x128xi32, #tpu.memory_space<vmem>> -> memref<1x128xi32, #tpu.memory_space<vmem>>
      %dma_start3A_25 = tpu.memref_squeeze %dma_start3A_24 : memref<1x128xi32, #tpu.memory_space<vmem>> -> memref<128xi32, #tpu.memory_space<vmem>>
      %dma_start3A_26 = arith.constant 0 : i32
      %dma_start3A_27 = arith.constant 0 : i32
      %dma_start3A_28 = tpu.memref_slice %arg9[%dma_start3A_26, %dma_start3A_27] : memref<10240x16xf32, #tpu.memory_space<vmem_shared>> -> memref<10240x16xf32, #tpu.memory_space<vmem_shared>>
      tpu.enqueue_indirect_dma source(%arg8 : memref<128x16xf32, #tpu.memory_space<vmem>>) target(%dma_start3A_28 : memref<10240x16xf32, #tpu.memory_space<vmem_shared>>) offsets(%dma_start3A_25 : memref<128xi32, #tpu.memory_space<vmem>>) semaphore(%arg10 : memref<!tpu.dma_semaphore, #tpu.memory_space<semaphore_mem>>) {add = true}
    }
    %scan3A_15 = arith.constant 80 : i32
    %scan3A_16 = arith.constant 0 : i32
    %scan3A_17 = arith.constant 0 : i32
    %scan3A_18 = arith.constant 80 : i32
    %scan3A_19 = arith.addi %scan3A_17, %scan3A_18 : i32
    %scan3A_20 = arith.constant 1 : i32
    scf.for %scan3A_23 = %scan3A_17 to %scan3A_19 step %scan3A_20  : i32 {
      %dma_wait3A = arith.constant 0 : i32
      %dma_wait3A_24 = tpu.memref_slice %arg7[%scan3A_23, %dma_wait3A] : memref<80x128xi32, #tpu.memory_space<vmem>> -> memref<1x128xi32, #tpu.memory_space<vmem>>
      %dma_wait3A_25 = tpu.memref_squeeze %dma_wait3A_24 : memref<1x128xi32, #tpu.memory_space<vmem>> -> memref<128xi32, #tpu.memory_space<vmem>>
      %dma_wait3A_26 = arith.constant 0 : i32
      %dma_wait3A_27 = arith.constant 0 : i32
      %dma_wait3A_28 = tpu.memref_slice %arg9[%dma_wait3A_26, %dma_wait3A_27] : memref<10240x16xf32, #tpu.memory_space<vmem_shared>> -> memref<10240x16xf32, #tpu.memory_space<vmem_shared>>
      tpu.wait_indirect_dma semaphore(%arg10 : memref<!tpu.dma_semaphore, #tpu.memory_space<semaphore_mem>>) src(%arg8 : memref<128x16xf32, #tpu.memory_space<vmem>>) dst(%dma_wait3A_28 : memref<10240x16xf32, #tpu.memory_space<vmem_shared>>)
    }
    %scan3A_21 = arith.constant 80 : i32
    %barrier3A_22 = arith.constant 0 : index
    tpu.barrier barrier_id(%barrier3A_22)
    "tpu.region"() ({
      %run_scoped3A = tpu.sem_alloc : memref<!tpu.dma_semaphore, #tpu.memory_space<semaphore_mem>>
      %dma_start3A = arith.constant 0 : i32
      %dma_start3A_23 = tpu.memref_slice %arg6[%arg0, %mul3A_5, %dma_start3A] : memref<2x10240x16xf32, #tpu.memory_space<hbm>> -> memref<1x640x16xf32, #tpu.memory_space<hbm>>
      %dma_start3A_24 = tpu.memref_squeeze %dma_start3A_23 : memref<1x640x16xf32, #tpu.memory_space<hbm>> -> memref<640x16xf32, #tpu.memory_space<hbm>>
      %dma_start3A_25 = arith.constant 0 : i32
      %dma_start3A_26 = tpu.memref_slice %arg9[%mul3A_5, %dma_start3A_25] : memref<10240x16xf32, #tpu.memory_space<vmem_shared>> -> memref<640x16xf32, #tpu.memory_space<vmem_shared>>
      tpu.enqueue_dma source(%dma_start3A_26 : memref<640x16xf32, #tpu.memory_space<vmem_shared>>) target(%dma_start3A_24 : memref<640x16xf32, #tpu.memory_space<hbm>>) target_semaphore(%run_scoped3A : memref<!tpu.dma_semaphore, #tpu.memory_space<semaphore_mem>>)
      %dma_wait3A = arith.constant 0 : i32
      %dma_wait3A_27 = tpu.memref_slice %arg6[%arg0, %mul3A_5, %dma_wait3A] : memref<2x10240x16xf32, #tpu.memory_space<hbm>> -> memref<1x640x16xf32, #tpu.memory_space<hbm>>
      %dma_wait3A_28 = tpu.memref_squeeze %dma_wait3A_27 : memref<1x640x16xf32, #tpu.memory_space<hbm>> -> memref<640x16xf32, #tpu.memory_space<hbm>>
      %dma_wait3A_29 = arith.constant 0 : i32
      %dma_wait3A_30 = tpu.memref_slice %arg9[%mul3A_5, %dma_wait3A_29] : memref<10240x16xf32, #tpu.memory_space<vmem_shared>> -> memref<640x16xf32, #tpu.memory_space<vmem_shared>>
      tpu.wait_dma2 semaphore(%run_scoped3A : memref<!tpu.dma_semaphore, #tpu.memory_space<semaphore_mem>>) src(%dma_wait3A_30 : memref<640x16xf32, #tpu.memory_space<vmem_shared>>) dst(%dma_wait3A_28 : memref<640x16xf32, #tpu.memory_space<hbm>>)
      tpu.yield
    }) : () -> ()
    return
  }
}

#map = affine_map<(d0, d1) -> (0, 0)>
#map1 = affine_map<(d0, d1) -> (0, 0, 0)>
module attributes {stable_mosaic.version = 14 : i64} {
  func.func @agg_kernel(%arg0: i32, %arg1: i32, %arg2: memref<10240x32xf32, #tpu.memory_space<hbm>>, %arg3: memref<2x2500x128xi32, #tpu.memory_space<hbm>>, %arg4: memref<64x128xi32, #tpu.memory_space<hbm>>, %arg5: memref<10240x32xf32, #tpu.memory_space<hbm>>, %arg6: memref<2x10240x32xf32, #tpu.memory_space<hbm>>, %arg7: memref<80x128xi32, #tpu.memory_space<vmem>>, %arg8: memref<80x128xi32, #tpu.memory_space<vmem>>, %arg9: memref<8x128x32xf32, #tpu.memory_space<vmem>>, %arg10: memref<10240x32xf32, #tpu.memory_space<vmem_shared>>, %arg11: memref<8x!tpu.dma_semaphore, #tpu.memory_space<semaphore_mem>>, %arg12: memref<8x!tpu.dma_semaphore, #tpu.memory_space<semaphore_mem>>) attributes {dimension_semantics = [#tpu.dimension_semantics<core_parallel>, #tpu.dimension_semantics<subcore_parallel>], iteration_bounds = array<i64: 2, 16>, scalar_prefetch = 0 : i64, scratch_operands = 6 : i64, tpu.core_type = #tpu.core_type<sc_vector_subcore>, window_params = [{transform_indices = #map}, {transform_indices = #map1}, {transform_indices = #map}, {transform_indices = #map}, {transform_indices = #map1}]} {
    %mul3A = arith.constant 16 : i32
    %mul3A_0 = arith.muli %arg0, %mul3A : i32
    %add3A = arith.addi %mul3A_0, %arg1 : i32
    %eq3A = arith.constant 1 : i32
    %eq3A_1 = arith.cmpi eq, %arg0, %eq3A : i32
    %eq3A_2 = arith.constant 15 : i32
    %eq3A_3 = arith.cmpi eq, %arg1, %eq3A_2 : i32
    %and3A = arith.andi %eq3A_1, %eq3A_3 : i1
    %mul3A_4 = arith.constant 640 : i32
    %mul3A_5 = arith.muli %arg1, %mul3A_4 : i32
    "tpu.region"() ({
      %run_scoped3A = tpu.sem_alloc : memref<!tpu.dma_semaphore, #tpu.memory_space<semaphore_mem>>
      %dma_start3A_143 = arith.constant 0 : i32
      %dma_start3A_144 = tpu.memref_slice %arg10[%mul3A_5, %dma_start3A_143] : memref<10240x32xf32, #tpu.memory_space<vmem_shared>> -> memref<640x32xf32, #tpu.memory_space<vmem_shared>>
      %dma_start3A_145 = arith.constant 0 : i32
      %dma_start3A_146 = tpu.memref_slice %arg5[%mul3A_5, %dma_start3A_145] : memref<10240x32xf32, #tpu.memory_space<hbm>> -> memref<640x32xf32, #tpu.memory_space<hbm>>
      tpu.enqueue_dma source(%dma_start3A_146 : memref<640x32xf32, #tpu.memory_space<hbm>>) target(%dma_start3A_144 : memref<640x32xf32, #tpu.memory_space<vmem_shared>>) target_semaphore(%run_scoped3A : memref<!tpu.dma_semaphore, #tpu.memory_space<semaphore_mem>>)
      %dma_wait3A_147 = arith.constant 0 : i32
      %dma_wait3A_148 = tpu.memref_slice %arg10[%mul3A_5, %dma_wait3A_147] : memref<10240x32xf32, #tpu.memory_space<vmem_shared>> -> memref<640x32xf32, #tpu.memory_space<vmem_shared>>
      %dma_wait3A_149 = arith.constant 0 : i32
      %dma_wait3A_150 = tpu.memref_slice %arg5[%mul3A_5, %dma_wait3A_149] : memref<10240x32xf32, #tpu.memory_space<hbm>> -> memref<640x32xf32, #tpu.memory_space<hbm>>
      tpu.wait_dma2 semaphore(%run_scoped3A : memref<!tpu.dma_semaphore, #tpu.memory_space<semaphore_mem>>) src(%dma_wait3A_150 : memref<640x32xf32, #tpu.memory_space<hbm>>) dst(%dma_wait3A_148 : memref<640x32xf32, #tpu.memory_space<vmem_shared>>)
      tpu.yield
    }) : () -> ()
    %not3A = arith.constant true
    %not3A_6 = arith.xori %and3A, %not3A : i1
    %convert_element_type3A = arith.extui %not3A_6 : i1 to i32
    %cond3A = arith.constant 0 : i32
    %cond3A_7 = arith.cmpi ne, %convert_element_type3A, %cond3A : i32
    scf.if %cond3A_7 {
      %mul3A_143 = arith.constant 80 : i32
      %mul3A_144 = arith.muli %add3A, %mul3A_143 : i32
      %run_scoped3A = arith.constant 0 : i32
      "tpu.region"() ({
        %run_scoped3A_145 = tpu.sem_alloc : memref<!tpu.dma_semaphore, #tpu.memory_space<semaphore_mem>>
        %dma_start3A_146 = arith.constant 0 : i32
        %dma_start3A_147 = tpu.memref_slice %arg3[%run_scoped3A, %mul3A_144, %dma_start3A_146] : memref<2x2500x128xi32, #tpu.memory_space<hbm>> -> memref<1x80x128xi32, #tpu.memory_space<hbm>>
        %dma_start3A_148 = tpu.memref_squeeze %dma_start3A_147 : memref<1x80x128xi32, #tpu.memory_space<hbm>> -> memref<80x128xi32, #tpu.memory_space<hbm>>
        %dma_start3A_149 = arith.constant 0 : i32
        %dma_start3A_150 = tpu.memref_slice %arg3[%run_scoped3A, %mul3A_144, %dma_start3A_149] : memref<2x2500x128xi32, #tpu.memory_space<hbm>> -> memref<1x80x128xi32, #tpu.memory_space<hbm>>
        %dma_start3A_151 = tpu.memref_squeeze %dma_start3A_150 : memref<1x80x128xi32, #tpu.memory_space<hbm>> -> memref<80x128xi32, #tpu.memory_space<hbm>>
        tpu.enqueue_dma source(%dma_start3A_151 : memref<80x128xi32, #tpu.memory_space<hbm>>) target(%arg7 : memref<80x128xi32, #tpu.memory_space<vmem>>) target_semaphore(%run_scoped3A_145 : memref<!tpu.dma_semaphore, #tpu.memory_space<semaphore_mem>>)
        %dma_wait3A_152 = arith.constant 0 : i32
        %dma_wait3A_153 = tpu.memref_slice %arg3[%run_scoped3A, %mul3A_144, %dma_wait3A_152] : memref<2x2500x128xi32, #tpu.memory_space<hbm>> -> memref<1x80x128xi32, #tpu.memory_space<hbm>>
        %dma_wait3A_154 = tpu.memref_squeeze %dma_wait3A_153 : memref<1x80x128xi32, #tpu.memory_space<hbm>> -> memref<80x128xi32, #tpu.memory_space<hbm>>
        %dma_wait3A_155 = arith.constant 0 : i32
        %dma_wait3A_156 = tpu.memref_slice %arg3[%run_scoped3A, %mul3A_144, %dma_wait3A_155] : memref<2x2500x128xi32, #tpu.memory_space<hbm>> -> memref<1x80x128xi32, #tpu.memory_space<hbm>>
        %dma_wait3A_157 = tpu.memref_squeeze %dma_wait3A_156 : memref<1x80x128xi32, #tpu.memory_space<hbm>> -> memref<80x128xi32, #tpu.memory_space<hbm>>
        tpu.wait_dma2 semaphore(%run_scoped3A_145 : memref<!tpu.dma_semaphore, #tpu.memory_space<semaphore_mem>>) src(%dma_wait3A_157 : memref<80x128xi32, #tpu.memory_space<hbm>>) dst(%arg7 : memref<80x128xi32, #tpu.memory_space<vmem>>)
        tpu.yield
      }) : () -> ()
    } else {
    }
    %convert_element_type3A_8 = arith.extui %and3A : i1 to i32
    %cond3A_9 = arith.constant 0 : i32
    %cond3A_10 = arith.cmpi ne, %convert_element_type3A_8, %cond3A_9 : i32
    scf.if %cond3A_10 {
      %run_scoped3A = arith.constant 0 : i32
      "tpu.region"() ({
        %run_scoped3A_143 = tpu.sem_alloc : memref<!tpu.dma_semaphore, #tpu.memory_space<semaphore_mem>>
        %dma_start3A_144 = arith.constant 0 : i32
        %dma_start3A_145 = arith.constant 0 : i32
        %dma_start3A_146 = tpu.memref_slice %arg7[%dma_start3A_144, %dma_start3A_145] : memref<80x128xi32, #tpu.memory_space<vmem>> -> memref<20x128xi32, #tpu.memory_space<vmem>>
        %dma_start3A_147 = arith.constant 2480 : i32
        %dma_start3A_148 = arith.constant 0 : i32
        %dma_start3A_149 = tpu.memref_slice %arg3[%run_scoped3A, %dma_start3A_147, %dma_start3A_148] : memref<2x2500x128xi32, #tpu.memory_space<hbm>> -> memref<1x20x128xi32, #tpu.memory_space<hbm>>
        %dma_start3A_150 = tpu.memref_squeeze %dma_start3A_149 : memref<1x20x128xi32, #tpu.memory_space<hbm>> -> memref<20x128xi32, #tpu.memory_space<hbm>>
        %dma_start3A_151 = arith.constant 0 : i32
        %dma_start3A_152 = arith.constant 0 : i32
        %dma_start3A_153 = tpu.memref_slice %arg7[%dma_start3A_151, %dma_start3A_152] : memref<80x128xi32, #tpu.memory_space<vmem>> -> memref<20x128xi32, #tpu.memory_space<vmem>>
        %dma_start3A_154 = arith.constant 2480 : i32
        %dma_start3A_155 = arith.constant 0 : i32
        %dma_start3A_156 = tpu.memref_slice %arg3[%run_scoped3A, %dma_start3A_154, %dma_start3A_155] : memref<2x2500x128xi32, #tpu.memory_space<hbm>> -> memref<1x20x128xi32, #tpu.memory_space<hbm>>
        %dma_start3A_157 = tpu.memref_squeeze %dma_start3A_156 : memref<1x20x128xi32, #tpu.memory_space<hbm>> -> memref<20x128xi32, #tpu.memory_space<hbm>>
        tpu.enqueue_dma source(%dma_start3A_157 : memref<20x128xi32, #tpu.memory_space<hbm>>) target(%dma_start3A_153 : memref<20x128xi32, #tpu.memory_space<vmem>>) target_semaphore(%run_scoped3A_143 : memref<!tpu.dma_semaphore, #tpu.memory_space<semaphore_mem>>)
        %dma_wait3A_158 = arith.constant 0 : i32
        %dma_wait3A_159 = arith.constant 0 : i32
        %dma_wait3A_160 = tpu.memref_slice %arg7[%dma_wait3A_158, %dma_wait3A_159] : memref<80x128xi32, #tpu.memory_space<vmem>> -> memref<20x128xi32, #tpu.memory_space<vmem>>
        %dma_wait3A_161 = arith.constant 2480 : i32
        %dma_wait3A_162 = arith.constant 0 : i32
        %dma_wait3A_163 = tpu.memref_slice %arg3[%run_scoped3A, %dma_wait3A_161, %dma_wait3A_162] : memref<2x2500x128xi32, #tpu.memory_space<hbm>> -> memref<1x20x128xi32, #tpu.memory_space<hbm>>
        %dma_wait3A_164 = tpu.memref_squeeze %dma_wait3A_163 : memref<1x20x128xi32, #tpu.memory_space<hbm>> -> memref<20x128xi32, #tpu.memory_space<hbm>>
        %dma_wait3A_165 = arith.constant 0 : i32
        %dma_wait3A_166 = arith.constant 0 : i32
        %dma_wait3A_167 = tpu.memref_slice %arg7[%dma_wait3A_165, %dma_wait3A_166] : memref<80x128xi32, #tpu.memory_space<vmem>> -> memref<20x128xi32, #tpu.memory_space<vmem>>
        %dma_wait3A_168 = arith.constant 2480 : i32
        %dma_wait3A_169 = arith.constant 0 : i32
        %dma_wait3A_170 = tpu.memref_slice %arg3[%run_scoped3A, %dma_wait3A_168, %dma_wait3A_169] : memref<2x2500x128xi32, #tpu.memory_space<hbm>> -> memref<1x20x128xi32, #tpu.memory_space<hbm>>
        %dma_wait3A_171 = tpu.memref_squeeze %dma_wait3A_170 : memref<1x20x128xi32, #tpu.memory_space<hbm>> -> memref<20x128xi32, #tpu.memory_space<hbm>>
        tpu.wait_dma2 semaphore(%run_scoped3A_143 : memref<!tpu.dma_semaphore, #tpu.memory_space<semaphore_mem>>) src(%dma_wait3A_171 : memref<20x128xi32, #tpu.memory_space<hbm>>) dst(%dma_wait3A_167 : memref<20x128xi32, #tpu.memory_space<vmem>>)
        tpu.yield
      }) : () -> ()
      "tpu.region"() ({
        %run_scoped3A_143 = tpu.sem_alloc : memref<!tpu.dma_semaphore, #tpu.memory_space<semaphore_mem>>
        %dma_start3A_144 = arith.constant 20 : i32
        %dma_start3A_145 = arith.constant 0 : i32
        %dma_start3A_146 = tpu.memref_slice %arg7[%dma_start3A_144, %dma_start3A_145] : memref<80x128xi32, #tpu.memory_space<vmem>> -> memref<60x128xi32, #tpu.memory_space<vmem>>
        %dma_start3A_147 = arith.constant 0 : i32
        %dma_start3A_148 = arith.constant 0 : i32
        %dma_start3A_149 = tpu.memref_slice %arg4[%dma_start3A_147, %dma_start3A_148] : memref<64x128xi32, #tpu.memory_space<hbm>> -> memref<60x128xi32, #tpu.memory_space<hbm>>
        %dma_start3A_150 = arith.constant 20 : i32
        %dma_start3A_151 = arith.constant 0 : i32
        %dma_start3A_152 = tpu.memref_slice %arg7[%dma_start3A_150, %dma_start3A_151] : memref<80x128xi32, #tpu.memory_space<vmem>> -> memref<60x128xi32, #tpu.memory_space<vmem>>
        %dma_start3A_153 = arith.constant 0 : i32
        %dma_start3A_154 = arith.constant 0 : i32
        %dma_start3A_155 = tpu.memref_slice %arg4[%dma_start3A_153, %dma_start3A_154] : memref<64x128xi32, #tpu.memory_space<hbm>> -> memref<60x128xi32, #tpu.memory_space<hbm>>
        tpu.enqueue_dma source(%dma_start3A_155 : memref<60x128xi32, #tpu.memory_space<hbm>>) target(%dma_start3A_152 : memref<60x128xi32, #tpu.memory_space<vmem>>) target_semaphore(%run_scoped3A_143 : memref<!tpu.dma_semaphore, #tpu.memory_space<semaphore_mem>>)
        %dma_wait3A_156 = arith.constant 20 : i32
        %dma_wait3A_157 = arith.constant 0 : i32
        %dma_wait3A_158 = tpu.memref_slice %arg7[%dma_wait3A_156, %dma_wait3A_157] : memref<80x128xi32, #tpu.memory_space<vmem>> -> memref<60x128xi32, #tpu.memory_space<vmem>>
        %dma_wait3A_159 = arith.constant 0 : i32
        %dma_wait3A_160 = arith.constant 0 : i32
        %dma_wait3A_161 = tpu.memref_slice %arg4[%dma_wait3A_159, %dma_wait3A_160] : memref<64x128xi32, #tpu.memory_space<hbm>> -> memref<60x128xi32, #tpu.memory_space<hbm>>
        %dma_wait3A_162 = arith.constant 20 : i32
        %dma_wait3A_163 = arith.constant 0 : i32
        %dma_wait3A_164 = tpu.memref_slice %arg7[%dma_wait3A_162, %dma_wait3A_163] : memref<80x128xi32, #tpu.memory_space<vmem>> -> memref<60x128xi32, #tpu.memory_space<vmem>>
        %dma_wait3A_165 = arith.constant 0 : i32
        %dma_wait3A_166 = arith.constant 0 : i32
        %dma_wait3A_167 = tpu.memref_slice %arg4[%dma_wait3A_165, %dma_wait3A_166] : memref<64x128xi32, #tpu.memory_space<hbm>> -> memref<60x128xi32, #tpu.memory_space<hbm>>
        tpu.wait_dma2 semaphore(%run_scoped3A_143 : memref<!tpu.dma_semaphore, #tpu.memory_space<semaphore_mem>>) src(%dma_wait3A_167 : memref<60x128xi32, #tpu.memory_space<hbm>>) dst(%dma_wait3A_164 : memref<60x128xi32, #tpu.memory_space<vmem>>)
        tpu.yield
      }) : () -> ()
    } else {
    }
    %not3A_11 = arith.constant true
    %not3A_12 = arith.xori %and3A, %not3A_11 : i1
    %convert_element_type3A_13 = arith.extui %not3A_12 : i1 to i32
    %cond3A_14 = arith.constant 0 : i32
    %cond3A_15 = arith.cmpi ne, %convert_element_type3A_13, %cond3A_14 : i32
    scf.if %cond3A_15 {
      %mul3A_143 = arith.constant 80 : i32
      %mul3A_144 = arith.muli %add3A, %mul3A_143 : i32
      %run_scoped3A = arith.constant 1 : i32
      "tpu.region"() ({
        %run_scoped3A_145 = tpu.sem_alloc : memref<!tpu.dma_semaphore, #tpu.memory_space<semaphore_mem>>
        %dma_start3A_146 = arith.constant 0 : i32
        %dma_start3A_147 = tpu.memref_slice %arg3[%run_scoped3A, %mul3A_144, %dma_start3A_146] : memref<2x2500x128xi32, #tpu.memory_space<hbm>> -> memref<1x80x128xi32, #tpu.memory_space<hbm>>
        %dma_start3A_148 = tpu.memref_squeeze %dma_start3A_147 : memref<1x80x128xi32, #tpu.memory_space<hbm>> -> memref<80x128xi32, #tpu.memory_space<hbm>>
        %dma_start3A_149 = arith.constant 0 : i32
        %dma_start3A_150 = tpu.memref_slice %arg3[%run_scoped3A, %mul3A_144, %dma_start3A_149] : memref<2x2500x128xi32, #tpu.memory_space<hbm>> -> memref<1x80x128xi32, #tpu.memory_space<hbm>>
        %dma_start3A_151 = tpu.memref_squeeze %dma_start3A_150 : memref<1x80x128xi32, #tpu.memory_space<hbm>> -> memref<80x128xi32, #tpu.memory_space<hbm>>
        tpu.enqueue_dma source(%dma_start3A_151 : memref<80x128xi32, #tpu.memory_space<hbm>>) target(%arg8 : memref<80x128xi32, #tpu.memory_space<vmem>>) target_semaphore(%run_scoped3A_145 : memref<!tpu.dma_semaphore, #tpu.memory_space<semaphore_mem>>)
        %dma_wait3A_152 = arith.constant 0 : i32
        %dma_wait3A_153 = tpu.memref_slice %arg3[%run_scoped3A, %mul3A_144, %dma_wait3A_152] : memref<2x2500x128xi32, #tpu.memory_space<hbm>> -> memref<1x80x128xi32, #tpu.memory_space<hbm>>
        %dma_wait3A_154 = tpu.memref_squeeze %dma_wait3A_153 : memref<1x80x128xi32, #tpu.memory_space<hbm>> -> memref<80x128xi32, #tpu.memory_space<hbm>>
        %dma_wait3A_155 = arith.constant 0 : i32
        %dma_wait3A_156 = tpu.memref_slice %arg3[%run_scoped3A, %mul3A_144, %dma_wait3A_155] : memref<2x2500x128xi32, #tpu.memory_space<hbm>> -> memref<1x80x128xi32, #tpu.memory_space<hbm>>
        %dma_wait3A_157 = tpu.memref_squeeze %dma_wait3A_156 : memref<1x80x128xi32, #tpu.memory_space<hbm>> -> memref<80x128xi32, #tpu.memory_space<hbm>>
        tpu.wait_dma2 semaphore(%run_scoped3A_145 : memref<!tpu.dma_semaphore, #tpu.memory_space<semaphore_mem>>) src(%dma_wait3A_157 : memref<80x128xi32, #tpu.memory_space<hbm>>) dst(%arg8 : memref<80x128xi32, #tpu.memory_space<vmem>>)
        tpu.yield
      }) : () -> ()
    } else {
    }
    %convert_element_type3A_16 = arith.extui %and3A : i1 to i32
    %cond3A_17 = arith.constant 0 : i32
    %cond3A_18 = arith.cmpi ne, %convert_element_type3A_16, %cond3A_17 : i32
    scf.if %cond3A_18 {
      %run_scoped3A = arith.constant 1 : i32
      "tpu.region"() ({
        %run_scoped3A_143 = tpu.sem_alloc : memref<!tpu.dma_semaphore, #tpu.memory_space<semaphore_mem>>
        %dma_start3A_144 = arith.constant 0 : i32
        %dma_start3A_145 = arith.constant 0 : i32
        %dma_start3A_146 = tpu.memref_slice %arg8[%dma_start3A_144, %dma_start3A_145] : memref<80x128xi32, #tpu.memory_space<vmem>> -> memref<20x128xi32, #tpu.memory_space<vmem>>
        %dma_start3A_147 = arith.constant 2480 : i32
        %dma_start3A_148 = arith.constant 0 : i32
        %dma_start3A_149 = tpu.memref_slice %arg3[%run_scoped3A, %dma_start3A_147, %dma_start3A_148] : memref<2x2500x128xi32, #tpu.memory_space<hbm>> -> memref<1x20x128xi32, #tpu.memory_space<hbm>>
        %dma_start3A_150 = tpu.memref_squeeze %dma_start3A_149 : memref<1x20x128xi32, #tpu.memory_space<hbm>> -> memref<20x128xi32, #tpu.memory_space<hbm>>
        %dma_start3A_151 = arith.constant 0 : i32
        %dma_start3A_152 = arith.constant 0 : i32
        %dma_start3A_153 = tpu.memref_slice %arg8[%dma_start3A_151, %dma_start3A_152] : memref<80x128xi32, #tpu.memory_space<vmem>> -> memref<20x128xi32, #tpu.memory_space<vmem>>
        %dma_start3A_154 = arith.constant 2480 : i32
        %dma_start3A_155 = arith.constant 0 : i32
        %dma_start3A_156 = tpu.memref_slice %arg3[%run_scoped3A, %dma_start3A_154, %dma_start3A_155] : memref<2x2500x128xi32, #tpu.memory_space<hbm>> -> memref<1x20x128xi32, #tpu.memory_space<hbm>>
        %dma_start3A_157 = tpu.memref_squeeze %dma_start3A_156 : memref<1x20x128xi32, #tpu.memory_space<hbm>> -> memref<20x128xi32, #tpu.memory_space<hbm>>
        tpu.enqueue_dma source(%dma_start3A_157 : memref<20x128xi32, #tpu.memory_space<hbm>>) target(%dma_start3A_153 : memref<20x128xi32, #tpu.memory_space<vmem>>) target_semaphore(%run_scoped3A_143 : memref<!tpu.dma_semaphore, #tpu.memory_space<semaphore_mem>>)
        %dma_wait3A_158 = arith.constant 0 : i32
        %dma_wait3A_159 = arith.constant 0 : i32
        %dma_wait3A_160 = tpu.memref_slice %arg8[%dma_wait3A_158, %dma_wait3A_159] : memref<80x128xi32, #tpu.memory_space<vmem>> -> memref<20x128xi32, #tpu.memory_space<vmem>>
        %dma_wait3A_161 = arith.constant 2480 : i32
        %dma_wait3A_162 = arith.constant 0 : i32
        %dma_wait3A_163 = tpu.memref_slice %arg3[%run_scoped3A, %dma_wait3A_161, %dma_wait3A_162] : memref<2x2500x128xi32, #tpu.memory_space<hbm>> -> memref<1x20x128xi32, #tpu.memory_space<hbm>>
        %dma_wait3A_164 = tpu.memref_squeeze %dma_wait3A_163 : memref<1x20x128xi32, #tpu.memory_space<hbm>> -> memref<20x128xi32, #tpu.memory_space<hbm>>
        %dma_wait3A_165 = arith.constant 0 : i32
        %dma_wait3A_166 = arith.constant 0 : i32
        %dma_wait3A_167 = tpu.memref_slice %arg8[%dma_wait3A_165, %dma_wait3A_166] : memref<80x128xi32, #tpu.memory_space<vmem>> -> memref<20x128xi32, #tpu.memory_space<vmem>>
        %dma_wait3A_168 = arith.constant 2480 : i32
        %dma_wait3A_169 = arith.constant 0 : i32
        %dma_wait3A_170 = tpu.memref_slice %arg3[%run_scoped3A, %dma_wait3A_168, %dma_wait3A_169] : memref<2x2500x128xi32, #tpu.memory_space<hbm>> -> memref<1x20x128xi32, #tpu.memory_space<hbm>>
        %dma_wait3A_171 = tpu.memref_squeeze %dma_wait3A_170 : memref<1x20x128xi32, #tpu.memory_space<hbm>> -> memref<20x128xi32, #tpu.memory_space<hbm>>
        tpu.wait_dma2 semaphore(%run_scoped3A_143 : memref<!tpu.dma_semaphore, #tpu.memory_space<semaphore_mem>>) src(%dma_wait3A_171 : memref<20x128xi32, #tpu.memory_space<hbm>>) dst(%dma_wait3A_167 : memref<20x128xi32, #tpu.memory_space<vmem>>)
        tpu.yield
      }) : () -> ()
      "tpu.region"() ({
        %run_scoped3A_143 = tpu.sem_alloc : memref<!tpu.dma_semaphore, #tpu.memory_space<semaphore_mem>>
        %dma_start3A_144 = arith.constant 20 : i32
        %dma_start3A_145 = arith.constant 0 : i32
        %dma_start3A_146 = tpu.memref_slice %arg8[%dma_start3A_144, %dma_start3A_145] : memref<80x128xi32, #tpu.memory_space<vmem>> -> memref<60x128xi32, #tpu.memory_space<vmem>>
        %dma_start3A_147 = arith.constant 0 : i32
        %dma_start3A_148 = arith.constant 0 : i32
        %dma_start3A_149 = tpu.memref_slice %arg4[%dma_start3A_147, %dma_start3A_148] : memref<64x128xi32, #tpu.memory_space<hbm>> -> memref<60x128xi32, #tpu.memory_space<hbm>>
        %dma_start3A_150 = arith.constant 20 : i32
        %dma_start3A_151 = arith.constant 0 : i32
        %dma_start3A_152 = tpu.memref_slice %arg8[%dma_start3A_150, %dma_start3A_151] : memref<80x128xi32, #tpu.memory_space<vmem>> -> memref<60x128xi32, #tpu.memory_space<vmem>>
        %dma_start3A_153 = arith.constant 0 : i32
        %dma_start3A_154 = arith.constant 0 : i32
        %dma_start3A_155 = tpu.memref_slice %arg4[%dma_start3A_153, %dma_start3A_154] : memref<64x128xi32, #tpu.memory_space<hbm>> -> memref<60x128xi32, #tpu.memory_space<hbm>>
        tpu.enqueue_dma source(%dma_start3A_155 : memref<60x128xi32, #tpu.memory_space<hbm>>) target(%dma_start3A_152 : memref<60x128xi32, #tpu.memory_space<vmem>>) target_semaphore(%run_scoped3A_143 : memref<!tpu.dma_semaphore, #tpu.memory_space<semaphore_mem>>)
        %dma_wait3A_156 = arith.constant 20 : i32
        %dma_wait3A_157 = arith.constant 0 : i32
        %dma_wait3A_158 = tpu.memref_slice %arg8[%dma_wait3A_156, %dma_wait3A_157] : memref<80x128xi32, #tpu.memory_space<vmem>> -> memref<60x128xi32, #tpu.memory_space<vmem>>
        %dma_wait3A_159 = arith.constant 0 : i32
        %dma_wait3A_160 = arith.constant 0 : i32
        %dma_wait3A_161 = tpu.memref_slice %arg4[%dma_wait3A_159, %dma_wait3A_160] : memref<64x128xi32, #tpu.memory_space<hbm>> -> memref<60x128xi32, #tpu.memory_space<hbm>>
        %dma_wait3A_162 = arith.constant 20 : i32
        %dma_wait3A_163 = arith.constant 0 : i32
        %dma_wait3A_164 = tpu.memref_slice %arg8[%dma_wait3A_162, %dma_wait3A_163] : memref<80x128xi32, #tpu.memory_space<vmem>> -> memref<60x128xi32, #tpu.memory_space<vmem>>
        %dma_wait3A_165 = arith.constant 0 : i32
        %dma_wait3A_166 = arith.constant 0 : i32
        %dma_wait3A_167 = tpu.memref_slice %arg4[%dma_wait3A_165, %dma_wait3A_166] : memref<64x128xi32, #tpu.memory_space<hbm>> -> memref<60x128xi32, #tpu.memory_space<hbm>>
        tpu.wait_dma2 semaphore(%run_scoped3A_143 : memref<!tpu.dma_semaphore, #tpu.memory_space<semaphore_mem>>) src(%dma_wait3A_167 : memref<60x128xi32, #tpu.memory_space<hbm>>) dst(%dma_wait3A_164 : memref<60x128xi32, #tpu.memory_space<vmem>>)
        tpu.yield
      }) : () -> ()
    } else {
    }
    %barrier3A = arith.constant 0 : index
    tpu.barrier barrier_id(%barrier3A)
    %dma_start3A = arith.constant 0 : i32
    %dma_start3A_19 = arith.constant 0 : i32
    %dma_start3A_20 = arith.constant 0 : i32
    %dma_start3A_21 = arith.constant 0 : i32
    %dma_start3A_22 = arith.constant 0 : i32
    %dma_start3A_23 = tpu.memref_slice %arg9[%dma_start3A_19, %dma_start3A_21, %dma_start3A_22] : memref<8x128x32xf32, #tpu.memory_space<vmem>> -> memref<1x128x32xf32, #tpu.memory_space<vmem>>
    %dma_start3A_24 = tpu.memref_squeeze %dma_start3A_23 : memref<1x128x32xf32, #tpu.memory_space<vmem>> -> memref<128x32xf32, #tpu.memory_space<vmem>>
    %dma_start3A_25 = arith.constant 0 : i32
    %dma_start3A_26 = tpu.memref_slice %arg7[%dma_start3A, %dma_start3A_25] : memref<80x128xi32, #tpu.memory_space<vmem>> -> memref<1x128xi32, #tpu.memory_space<vmem>>
    %dma_start3A_27 = tpu.memref_squeeze %dma_start3A_26 : memref<1x128xi32, #tpu.memory_space<vmem>> -> memref<128xi32, #tpu.memory_space<vmem>>
    %dma_start3A_28 = arith.constant 0 : i32
    %dma_start3A_29 = arith.constant 0 : i32
    %dma_start3A_30 = tpu.memref_slice %arg2[%dma_start3A_28, %dma_start3A_29] : memref<10240x32xf32, #tpu.memory_space<hbm>> -> memref<10240x32xf32, #tpu.memory_space<hbm>>
    %dma_start3A_31 = tpu.memref_slice %arg11[%dma_start3A_20] : memref<8x!tpu.dma_semaphore, #tpu.memory_space<semaphore_mem>> -> memref<1x!tpu.dma_semaphore, #tpu.memory_space<semaphore_mem>>
    %dma_start3A_32 = tpu.memref_squeeze %dma_start3A_31 : memref<1x!tpu.dma_semaphore, #tpu.memory_space<semaphore_mem>> -> memref<!tpu.dma_semaphore, #tpu.memory_space<semaphore_mem>>
    tpu.enqueue_indirect_dma source(%dma_start3A_30 : memref<10240x32xf32, #tpu.memory_space<hbm>>) target(%dma_start3A_24 : memref<128x32xf32, #tpu.memory_space<vmem>>) offsets(%dma_start3A_27 : memref<128xi32, #tpu.memory_space<vmem>>) semaphore(%dma_start3A_32 : memref<!tpu.dma_semaphore, #tpu.memory_space<semaphore_mem>>)
    %dma_start3A_33 = arith.constant 1 : i32
    %dma_start3A_34 = arith.constant 1 : i32
    %dma_start3A_35 = arith.constant 1 : i32
    %dma_start3A_36 = arith.constant 0 : i32
    %dma_start3A_37 = arith.constant 0 : i32
    %dma_start3A_38 = tpu.memref_slice %arg9[%dma_start3A_34, %dma_start3A_36, %dma_start3A_37] : memref<8x128x32xf32, #tpu.memory_space<vmem>> -> memref<1x128x32xf32, #tpu.memory_space<vmem>>
    %dma_start3A_39 = tpu.memref_squeeze %dma_start3A_38 : memref<1x128x32xf32, #tpu.memory_space<vmem>> -> memref<128x32xf32, #tpu.memory_space<vmem>>
    %dma_start3A_40 = arith.constant 0 : i32
    %dma_start3A_41 = tpu.memref_slice %arg7[%dma_start3A_33, %dma_start3A_40] : memref<80x128xi32, #tpu.memory_space<vmem>> -> memref<1x128xi32, #tpu.memory_space<vmem>>
    %dma_start3A_42 = tpu.memref_squeeze %dma_start3A_41 : memref<1x128xi32, #tpu.memory_space<vmem>> -> memref<128xi32, #tpu.memory_space<vmem>>
    %dma_start3A_43 = arith.constant 0 : i32
    %dma_start3A_44 = arith.constant 0 : i32
    %dma_start3A_45 = tpu.memref_slice %arg2[%dma_start3A_43, %dma_start3A_44] : memref<10240x32xf32, #tpu.memory_space<hbm>> -> memref<10240x32xf32, #tpu.memory_space<hbm>>
    %dma_start3A_46 = tpu.memref_slice %arg11[%dma_start3A_35] : memref<8x!tpu.dma_semaphore, #tpu.memory_space<semaphore_mem>> -> memref<1x!tpu.dma_semaphore, #tpu.memory_space<semaphore_mem>>
    %dma_start3A_47 = tpu.memref_squeeze %dma_start3A_46 : memref<1x!tpu.dma_semaphore, #tpu.memory_space<semaphore_mem>> -> memref<!tpu.dma_semaphore, #tpu.memory_space<semaphore_mem>>
    tpu.enqueue_indirect_dma source(%dma_start3A_45 : memref<10240x32xf32, #tpu.memory_space<hbm>>) target(%dma_start3A_39 : memref<128x32xf32, #tpu.memory_space<vmem>>) offsets(%dma_start3A_42 : memref<128xi32, #tpu.memory_space<vmem>>) semaphore(%dma_start3A_47 : memref<!tpu.dma_semaphore, #tpu.memory_space<semaphore_mem>>)
    %dma_start3A_48 = arith.constant 2 : i32
    %dma_start3A_49 = arith.constant 2 : i32
    %dma_start3A_50 = arith.constant 2 : i32
    %dma_start3A_51 = arith.constant 0 : i32
    %dma_start3A_52 = arith.constant 0 : i32
    %dma_start3A_53 = tpu.memref_slice %arg9[%dma_start3A_49, %dma_start3A_51, %dma_start3A_52] : memref<8x128x32xf32, #tpu.memory_space<vmem>> -> memref<1x128x32xf32, #tpu.memory_space<vmem>>
    %dma_start3A_54 = tpu.memref_squeeze %dma_start3A_53 : memref<1x128x32xf32, #tpu.memory_space<vmem>> -> memref<128x32xf32, #tpu.memory_space<vmem>>
    %dma_start3A_55 = arith.constant 0 : i32
    %dma_start3A_56 = tpu.memref_slice %arg7[%dma_start3A_48, %dma_start3A_55] : memref<80x128xi32, #tpu.memory_space<vmem>> -> memref<1x128xi32, #tpu.memory_space<vmem>>
    %dma_start3A_57 = tpu.memref_squeeze %dma_start3A_56 : memref<1x128xi32, #tpu.memory_space<vmem>> -> memref<128xi32, #tpu.memory_space<vmem>>
    %dma_start3A_58 = arith.constant 0 : i32
    %dma_start3A_59 = arith.constant 0 : i32
    %dma_start3A_60 = tpu.memref_slice %arg2[%dma_start3A_58, %dma_start3A_59] : memref<10240x32xf32, #tpu.memory_space<hbm>> -> memref<10240x32xf32, #tpu.memory_space<hbm>>
    %dma_start3A_61 = tpu.memref_slice %arg11[%dma_start3A_50] : memref<8x!tpu.dma_semaphore, #tpu.memory_space<semaphore_mem>> -> memref<1x!tpu.dma_semaphore, #tpu.memory_space<semaphore_mem>>
    %dma_start3A_62 = tpu.memref_squeeze %dma_start3A_61 : memref<1x!tpu.dma_semaphore, #tpu.memory_space<semaphore_mem>> -> memref<!tpu.dma_semaphore, #tpu.memory_space<semaphore_mem>>
    tpu.enqueue_indirect_dma source(%dma_start3A_60 : memref<10240x32xf32, #tpu.memory_space<hbm>>) target(%dma_start3A_54 : memref<128x32xf32, #tpu.memory_space<vmem>>) offsets(%dma_start3A_57 : memref<128xi32, #tpu.memory_space<vmem>>) semaphore(%dma_start3A_62 : memref<!tpu.dma_semaphore, #tpu.memory_space<semaphore_mem>>)
    %dma_start3A_63 = arith.constant 3 : i32
    %dma_start3A_64 = arith.constant 3 : i32
    %dma_start3A_65 = arith.constant 3 : i32
    %dma_start3A_66 = arith.constant 0 : i32
    %dma_start3A_67 = arith.constant 0 : i32
    %dma_start3A_68 = tpu.memref_slice %arg9[%dma_start3A_64, %dma_start3A_66, %dma_start3A_67] : memref<8x128x32xf32, #tpu.memory_space<vmem>> -> memref<1x128x32xf32, #tpu.memory_space<vmem>>
    %dma_start3A_69 = tpu.memref_squeeze %dma_start3A_68 : memref<1x128x32xf32, #tpu.memory_space<vmem>> -> memref<128x32xf32, #tpu.memory_space<vmem>>
    %dma_start3A_70 = arith.constant 0 : i32
    %dma_start3A_71 = tpu.memref_slice %arg7[%dma_start3A_63, %dma_start3A_70] : memref<80x128xi32, #tpu.memory_space<vmem>> -> memref<1x128xi32, #tpu.memory_space<vmem>>
    %dma_start3A_72 = tpu.memref_squeeze %dma_start3A_71 : memref<1x128xi32, #tpu.memory_space<vmem>> -> memref<128xi32, #tpu.memory_space<vmem>>
    %dma_start3A_73 = arith.constant 0 : i32
    %dma_start3A_74 = arith.constant 0 : i32
    %dma_start3A_75 = tpu.memref_slice %arg2[%dma_start3A_73, %dma_start3A_74] : memref<10240x32xf32, #tpu.memory_space<hbm>> -> memref<10240x32xf32, #tpu.memory_space<hbm>>
    %dma_start3A_76 = tpu.memref_slice %arg11[%dma_start3A_65] : memref<8x!tpu.dma_semaphore, #tpu.memory_space<semaphore_mem>> -> memref<1x!tpu.dma_semaphore, #tpu.memory_space<semaphore_mem>>
    %dma_start3A_77 = tpu.memref_squeeze %dma_start3A_76 : memref<1x!tpu.dma_semaphore, #tpu.memory_space<semaphore_mem>> -> memref<!tpu.dma_semaphore, #tpu.memory_space<semaphore_mem>>
    tpu.enqueue_indirect_dma source(%dma_start3A_75 : memref<10240x32xf32, #tpu.memory_space<hbm>>) target(%dma_start3A_69 : memref<128x32xf32, #tpu.memory_space<vmem>>) offsets(%dma_start3A_72 : memref<128xi32, #tpu.memory_space<vmem>>) semaphore(%dma_start3A_77 : memref<!tpu.dma_semaphore, #tpu.memory_space<semaphore_mem>>)
    %scan3A = arith.constant 0 : i32
    %scan3A_78 = arith.constant 0 : i32
    %scan3A_79 = arith.constant 10 : i32
    %scan3A_80 = arith.addi %scan3A_78, %scan3A_79 : i32
    %scan3A_81 = arith.constant 1 : i32
    scf.for %scan3A_143 = %scan3A_78 to %scan3A_80 step %scan3A_81  : i32 {
      %mul3A_144 = arith.constant 8 : i32
      %mul3A_145 = arith.muli %scan3A_143, %mul3A_144 : i32
      %add3A_146 = arith.constant 0 : i32
      %add3A_147 = arith.addi %mul3A_145, %add3A_146 : i32
      %dma_wait3A_148 = arith.constant 0 : i32
      %dma_wait3A_149 = arith.constant 0 : i32
      %dma_wait3A_150 = arith.constant 0 : i32
      %dma_wait3A_151 = arith.constant 0 : i32
      %dma_wait3A_152 = tpu.memref_slice %arg9[%dma_wait3A_148, %dma_wait3A_150, %dma_wait3A_151] : memref<8x128x32xf32, #tpu.memory_space<vmem>> -> memref<1x128x32xf32, #tpu.memory_space<vmem>>
      %dma_wait3A_153 = tpu.memref_squeeze %dma_wait3A_152 : memref<1x128x32xf32, #tpu.memory_space<vmem>> -> memref<128x32xf32, #tpu.memory_space<vmem>>
      %dma_wait3A_154 = arith.constant 0 : i32
      %dma_wait3A_155 = tpu.memref_slice %arg7[%add3A_147, %dma_wait3A_154] : memref<80x128xi32, #tpu.memory_space<vmem>> -> memref<1x128xi32, #tpu.memory_space<vmem>>
      %dma_wait3A_156 = tpu.memref_squeeze %dma_wait3A_155 : memref<1x128xi32, #tpu.memory_space<vmem>> -> memref<128xi32, #tpu.memory_space<vmem>>
      %dma_wait3A_157 = arith.constant 0 : i32
      %dma_wait3A_158 = arith.constant 0 : i32
      %dma_wait3A_159 = tpu.memref_slice %arg2[%dma_wait3A_157, %dma_wait3A_158] : memref<10240x32xf32, #tpu.memory_space<hbm>> -> memref<10240x32xf32, #tpu.memory_space<hbm>>
      %dma_wait3A_160 = tpu.memref_slice %arg11[%dma_wait3A_149] : memref<8x!tpu.dma_semaphore, #tpu.memory_space<semaphore_mem>> -> memref<1x!tpu.dma_semaphore, #tpu.memory_space<semaphore_mem>>
      %dma_wait3A_161 = tpu.memref_squeeze %dma_wait3A_160 : memref<1x!tpu.dma_semaphore, #tpu.memory_space<semaphore_mem>> -> memref<!tpu.dma_semaphore, #tpu.memory_space<semaphore_mem>>
      tpu.wait_indirect_dma semaphore(%dma_wait3A_161 : memref<!tpu.dma_semaphore, #tpu.memory_space<semaphore_mem>>) src(%dma_wait3A_159 : memref<10240x32xf32, #tpu.memory_space<hbm>>) dst(%dma_wait3A_153 : memref<128x32xf32, #tpu.memory_space<vmem>>)
      %dma_start3A_162 = arith.constant 0 : i32
      %dma_start3A_163 = arith.constant 0 : i32
      %dma_start3A_164 = arith.constant 0 : i32
      %dma_start3A_165 = arith.constant 0 : i32
      %dma_start3A_166 = tpu.memref_slice %arg9[%dma_start3A_162, %dma_start3A_164, %dma_start3A_165] : memref<8x128x32xf32, #tpu.memory_space<vmem>> -> memref<1x128x32xf32, #tpu.memory_space<vmem>>
      %dma_start3A_167 = tpu.memref_squeeze %dma_start3A_166 : memref<1x128x32xf32, #tpu.memory_space<vmem>> -> memref<128x32xf32, #tpu.memory_space<vmem>>
      %dma_start3A_168 = arith.constant 0 : i32
      %dma_start3A_169 = tpu.memref_slice %arg8[%add3A_147, %dma_start3A_168] : memref<80x128xi32, #tpu.memory_space<vmem>> -> memref<1x128xi32, #tpu.memory_space<vmem>>
      %dma_start3A_170 = tpu.memref_squeeze %dma_start3A_169 : memref<1x128xi32, #tpu.memory_space<vmem>> -> memref<128xi32, #tpu.memory_space<vmem>>
      %dma_start3A_171 = arith.constant 0 : i32
      %dma_start3A_172 = arith.constant 0 : i32
      %dma_start3A_173 = tpu.memref_slice %arg10[%dma_start3A_171, %dma_start3A_172] : memref<10240x32xf32, #tpu.memory_space<vmem_shared>> -> memref<10240x32xf32, #tpu.memory_space<vmem_shared>>
      %dma_start3A_174 = tpu.memref_slice %arg12[%dma_start3A_163] : memref<8x!tpu.dma_semaphore, #tpu.memory_space<semaphore_mem>> -> memref<1x!tpu.dma_semaphore, #tpu.memory_space<semaphore_mem>>
      %dma_start3A_175 = tpu.memref_squeeze %dma_start3A_174 : memref<1x!tpu.dma_semaphore, #tpu.memory_space<semaphore_mem>> -> memref<!tpu.dma_semaphore, #tpu.memory_space<semaphore_mem>>
      tpu.enqueue_indirect_dma source(%dma_start3A_167 : memref<128x32xf32, #tpu.memory_space<vmem>>) target(%dma_start3A_173 : memref<10240x32xf32, #tpu.memory_space<vmem_shared>>) offsets(%dma_start3A_170 : memref<128xi32, #tpu.memory_space<vmem>>) semaphore(%dma_start3A_175 : memref<!tpu.dma_semaphore, #tpu.memory_space<semaphore_mem>>) {add = true}
      %add3A_176 = arith.constant 4 : i32
      %add3A_177 = arith.addi %add3A_147, %add3A_176 : i32
      %sub3A = arith.constant 8 : i32
      %sub3A_178 = arith.subi %add3A_177, %sub3A : i32
      %ge3A = arith.constant 0 : i32
      %ge3A_179 = arith.cmpi sge, %sub3A_178, %ge3A : i32
      %convert_element_type3A_180 = arith.extui %ge3A_179 : i1 to i32
      %cond3A_181 = arith.constant 0 : i32
      %cond3A_182 = arith.cmpi ne, %convert_element_type3A_180, %cond3A_181 : i32
      scf.if %cond3A_182 {
        %max3A = arith.constant 0 : i32
        %max3A_495 = arith.maxsi %sub3A_178, %max3A : i32
        %dma_wait3A_496 = arith.constant 4 : i32
        %dma_wait3A_497 = arith.constant 4 : i32
        %dma_wait3A_498 = arith.constant 0 : i32
        %dma_wait3A_499 = arith.constant 0 : i32
        %dma_wait3A_500 = tpu.memref_slice %arg9[%dma_wait3A_496, %dma_wait3A_498, %dma_wait3A_499] : memref<8x128x32xf32, #tpu.memory_space<vmem>> -> memref<1x128x32xf32, #tpu.memory_space<vmem>>
        %dma_wait3A_501 = tpu.memref_squeeze %dma_wait3A_500 : memref<1x128x32xf32, #tpu.memory_space<vmem>> -> memref<128x32xf32, #tpu.memory_space<vmem>>
        %dma_wait3A_502 = arith.constant 0 : i32
        %dma_wait3A_503 = tpu.memref_slice %arg8[%max3A_495, %dma_wait3A_502] : memref<80x128xi32, #tpu.memory_space<vmem>> -> memref<1x128xi32, #tpu.memory_space<vmem>>
        %dma_wait3A_504 = tpu.memref_squeeze %dma_wait3A_503 : memref<1x128xi32, #tpu.memory_space<vmem>> -> memref<128xi32, #tpu.memory_space<vmem>>
        %dma_wait3A_505 = arith.constant 0 : i32
        %dma_wait3A_506 = arith.constant 0 : i32
        %dma_wait3A_507 = tpu.memref_slice %arg10[%dma_wait3A_505, %dma_wait3A_506] : memref<10240x32xf32, #tpu.memory_space<vmem_shared>> -> memref<10240x32xf32, #tpu.memory_space<vmem_shared>>
        %dma_wait3A_508 = tpu.memref_slice %arg12[%dma_wait3A_497] : memref<8x!tpu.dma_semaphore, #tpu.memory_space<semaphore_mem>> -> memref<1x!tpu.dma_semaphore, #tpu.memory_space<semaphore_mem>>
        %dma_wait3A_509 = tpu.memref_squeeze %dma_wait3A_508 : memref<1x!tpu.dma_semaphore, #tpu.memory_space<semaphore_mem>> -> memref<!tpu.dma_semaphore, #tpu.memory_space<semaphore_mem>>
        tpu.wait_indirect_dma semaphore(%dma_wait3A_509 : memref<!tpu.dma_semaphore, #tpu.memory_space<semaphore_mem>>) src(%dma_wait3A_501 : memref<128x32xf32, #tpu.memory_space<vmem>>) dst(%dma_wait3A_507 : memref<10240x32xf32, #tpu.memory_space<vmem_shared>>)
      } else {
      }
      %lt3A = arith.constant 80 : i32
      %lt3A_183 = arith.cmpi slt, %add3A_177, %lt3A : i32
      %convert_element_type3A_184 = arith.extui %lt3A_183 : i1 to i32
      %cond3A_185 = arith.constant 0 : i32
      %cond3A_186 = arith.cmpi ne, %convert_element_type3A_184, %cond3A_185 : i32
      scf.if %cond3A_186 {
        %min3A = arith.constant 79 : i32
        %min3A_495 = arith.minsi %add3A_177, %min3A : i32
        %dma_start3A_496 = arith.constant 4 : i32
        %dma_start3A_497 = arith.constant 4 : i32
        %dma_start3A_498 = arith.constant 0 : i32
        %dma_start3A_499 = arith.constant 0 : i32
        %dma_start3A_500 = tpu.memref_slice %arg9[%dma_start3A_496, %dma_start3A_498, %dma_start3A_499] : memref<8x128x32xf32, #tpu.memory_space<vmem>> -> memref<1x128x32xf32, #tpu.memory_space<vmem>>
        %dma_start3A_501 = tpu.memref_squeeze %dma_start3A_500 : memref<1x128x32xf32, #tpu.memory_space<vmem>> -> memref<128x32xf32, #tpu.memory_space<vmem>>
        %dma_start3A_502 = arith.constant 0 : i32
        %dma_start3A_503 = tpu.memref_slice %arg7[%min3A_495, %dma_start3A_502] : memref<80x128xi32, #tpu.memory_space<vmem>> -> memref<1x128xi32, #tpu.memory_space<vmem>>
        %dma_start3A_504 = tpu.memref_squeeze %dma_start3A_503 : memref<1x128xi32, #tpu.memory_space<vmem>> -> memref<128xi32, #tpu.memory_space<vmem>>
        %dma_start3A_505 = arith.constant 0 : i32
        %dma_start3A_506 = arith.constant 0 : i32
        %dma_start3A_507 = tpu.memref_slice %arg2[%dma_start3A_505, %dma_start3A_506] : memref<10240x32xf32, #tpu.memory_space<hbm>> -> memref<10240x32xf32, #tpu.memory_space<hbm>>
        %dma_start3A_508 = tpu.memref_slice %arg11[%dma_start3A_497] : memref<8x!tpu.dma_semaphore, #tpu.memory_space<semaphore_mem>> -> memref<1x!tpu.dma_semaphore, #tpu.memory_space<semaphore_mem>>
        %dma_start3A_509 = tpu.memref_squeeze %dma_start3A_508 : memref<1x!tpu.dma_semaphore, #tpu.memory_space<semaphore_mem>> -> memref<!tpu.dma_semaphore, #tpu.memory_space<semaphore_mem>>
        tpu.enqueue_indirect_dma source(%dma_start3A_507 : memref<10240x32xf32, #tpu.memory_space<hbm>>) target(%dma_start3A_501 : memref<128x32xf32, #tpu.memory_space<vmem>>) offsets(%dma_start3A_504 : memref<128xi32, #tpu.memory_space<vmem>>) semaphore(%dma_start3A_509 : memref<!tpu.dma_semaphore, #tpu.memory_space<semaphore_mem>>)
      } else {
      }
      %add3A_187 = arith.constant 1 : i32
      %add3A_188 = arith.addi %mul3A_145, %add3A_187 : i32
      %dma_wait3A_189 = arith.constant 1 : i32
      %dma_wait3A_190 = arith.constant 1 : i32
      %dma_wait3A_191 = arith.constant 0 : i32
      %dma_wait3A_192 = arith.constant 0 : i32
      %dma_wait3A_193 = tpu.memref_slice %arg9[%dma_wait3A_189, %dma_wait3A_191, %dma_wait3A_192] : memref<8x128x32xf32, #tpu.memory_space<vmem>> -> memref<1x128x32xf32, #tpu.memory_space<vmem>>
      %dma_wait3A_194 = tpu.memref_squeeze %dma_wait3A_193 : memref<1x128x32xf32, #tpu.memory_space<vmem>> -> memref<128x32xf32, #tpu.memory_space<vmem>>
      %dma_wait3A_195 = arith.constant 0 : i32
      %dma_wait3A_196 = tpu.memref_slice %arg7[%add3A_188, %dma_wait3A_195] : memref<80x128xi32, #tpu.memory_space<vmem>> -> memref<1x128xi32, #tpu.memory_space<vmem>>
      %dma_wait3A_197 = tpu.memref_squeeze %dma_wait3A_196 : memref<1x128xi32, #tpu.memory_space<vmem>> -> memref<128xi32, #tpu.memory_space<vmem>>
      %dma_wait3A_198 = arith.constant 0 : i32
      %dma_wait3A_199 = arith.constant 0 : i32
      %dma_wait3A_200 = tpu.memref_slice %arg2[%dma_wait3A_198, %dma_wait3A_199] : memref<10240x32xf32, #tpu.memory_space<hbm>> -> memref<10240x32xf32, #tpu.memory_space<hbm>>
      %dma_wait3A_201 = tpu.memref_slice %arg11[%dma_wait3A_190] : memref<8x!tpu.dma_semaphore, #tpu.memory_space<semaphore_mem>> -> memref<1x!tpu.dma_semaphore, #tpu.memory_space<semaphore_mem>>
      %dma_wait3A_202 = tpu.memref_squeeze %dma_wait3A_201 : memref<1x!tpu.dma_semaphore, #tpu.memory_space<semaphore_mem>> -> memref<!tpu.dma_semaphore, #tpu.memory_space<semaphore_mem>>
      tpu.wait_indirect_dma semaphore(%dma_wait3A_202 : memref<!tpu.dma_semaphore, #tpu.memory_space<semaphore_mem>>) src(%dma_wait3A_200 : memref<10240x32xf32, #tpu.memory_space<hbm>>) dst(%dma_wait3A_194 : memref<128x32xf32, #tpu.memory_space<vmem>>)
      %dma_start3A_203 = arith.constant 1 : i32
      %dma_start3A_204 = arith.constant 1 : i32
      %dma_start3A_205 = arith.constant 0 : i32
      %dma_start3A_206 = arith.constant 0 : i32
      %dma_start3A_207 = tpu.memref_slice %arg9[%dma_start3A_203, %dma_start3A_205, %dma_start3A_206] : memref<8x128x32xf32, #tpu.memory_space<vmem>> -> memref<1x128x32xf32, #tpu.memory_space<vmem>>
      %dma_start3A_208 = tpu.memref_squeeze %dma_start3A_207 : memref<1x128x32xf32, #tpu.memory_space<vmem>> -> memref<128x32xf32, #tpu.memory_space<vmem>>
      %dma_start3A_209 = arith.constant 0 : i32
      %dma_start3A_210 = tpu.memref_slice %arg8[%add3A_188, %dma_start3A_209] : memref<80x128xi32, #tpu.memory_space<vmem>> -> memref<1x128xi32, #tpu.memory_space<vmem>>
      %dma_start3A_211 = tpu.memref_squeeze %dma_start3A_210 : memref<1x128xi32, #tpu.memory_space<vmem>> -> memref<128xi32, #tpu.memory_space<vmem>>
      %dma_start3A_212 = arith.constant 0 : i32
      %dma_start3A_213 = arith.constant 0 : i32
      %dma_start3A_214 = tpu.memref_slice %arg10[%dma_start3A_212, %dma_start3A_213] : memref<10240x32xf32, #tpu.memory_space<vmem_shared>> -> memref<10240x32xf32, #tpu.memory_space<vmem_shared>>
      %dma_start3A_215 = tpu.memref_slice %arg12[%dma_start3A_204] : memref<8x!tpu.dma_semaphore, #tpu.memory_space<semaphore_mem>> -> memref<1x!tpu.dma_semaphore, #tpu.memory_space<semaphore_mem>>
      %dma_start3A_216 = tpu.memref_squeeze %dma_start3A_215 : memref<1x!tpu.dma_semaphore, #tpu.memory_space<semaphore_mem>> -> memref<!tpu.dma_semaphore, #tpu.memory_space<semaphore_mem>>
      tpu.enqueue_indirect_dma source(%dma_start3A_208 : memref<128x32xf32, #tpu.memory_space<vmem>>) target(%dma_start3A_214 : memref<10240x32xf32, #tpu.memory_space<vmem_shared>>) offsets(%dma_start3A_211 : memref<128xi32, #tpu.memory_space<vmem>>) semaphore(%dma_start3A_216 : memref<!tpu.dma_semaphore, #tpu.memory_space<semaphore_mem>>) {add = true}
      %add3A_217 = arith.constant 4 : i32
      %add3A_218 = arith.addi %add3A_188, %add3A_217 : i32
      %sub3A_219 = arith.constant 8 : i32
      %sub3A_220 = arith.subi %add3A_218, %sub3A_219 : i32
      %ge3A_221 = arith.constant 0 : i32
      %ge3A_222 = arith.cmpi sge, %sub3A_220, %ge3A_221 : i32
      %convert_element_type3A_223 = arith.extui %ge3A_222 : i1 to i32
      %cond3A_224 = arith.constant 0 : i32
      %cond3A_225 = arith.cmpi ne, %convert_element_type3A_223, %cond3A_224 : i32
      scf.if %cond3A_225 {
        %max3A = arith.constant 0 : i32
        %max3A_495 = arith.maxsi %sub3A_220, %max3A : i32
        %dma_wait3A_496 = arith.constant 5 : i32
        %dma_wait3A_497 = arith.constant 5 : i32
        %dma_wait3A_498 = arith.constant 0 : i32
        %dma_wait3A_499 = arith.constant 0 : i32
        %dma_wait3A_500 = tpu.memref_slice %arg9[%dma_wait3A_496, %dma_wait3A_498, %dma_wait3A_499] : memref<8x128x32xf32, #tpu.memory_space<vmem>> -> memref<1x128x32xf32, #tpu.memory_space<vmem>>
        %dma_wait3A_501 = tpu.memref_squeeze %dma_wait3A_500 : memref<1x128x32xf32, #tpu.memory_space<vmem>> -> memref<128x32xf32, #tpu.memory_space<vmem>>
        %dma_wait3A_502 = arith.constant 0 : i32
        %dma_wait3A_503 = tpu.memref_slice %arg8[%max3A_495, %dma_wait3A_502] : memref<80x128xi32, #tpu.memory_space<vmem>> -> memref<1x128xi32, #tpu.memory_space<vmem>>
        %dma_wait3A_504 = tpu.memref_squeeze %dma_wait3A_503 : memref<1x128xi32, #tpu.memory_space<vmem>> -> memref<128xi32, #tpu.memory_space<vmem>>
        %dma_wait3A_505 = arith.constant 0 : i32
        %dma_wait3A_506 = arith.constant 0 : i32
        %dma_wait3A_507 = tpu.memref_slice %arg10[%dma_wait3A_505, %dma_wait3A_506] : memref<10240x32xf32, #tpu.memory_space<vmem_shared>> -> memref<10240x32xf32, #tpu.memory_space<vmem_shared>>
        %dma_wait3A_508 = tpu.memref_slice %arg12[%dma_wait3A_497] : memref<8x!tpu.dma_semaphore, #tpu.memory_space<semaphore_mem>> -> memref<1x!tpu.dma_semaphore, #tpu.memory_space<semaphore_mem>>
        %dma_wait3A_509 = tpu.memref_squeeze %dma_wait3A_508 : memref<1x!tpu.dma_semaphore, #tpu.memory_space<semaphore_mem>> -> memref<!tpu.dma_semaphore, #tpu.memory_space<semaphore_mem>>
        tpu.wait_indirect_dma semaphore(%dma_wait3A_509 : memref<!tpu.dma_semaphore, #tpu.memory_space<semaphore_mem>>) src(%dma_wait3A_501 : memref<128x32xf32, #tpu.memory_space<vmem>>) dst(%dma_wait3A_507 : memref<10240x32xf32, #tpu.memory_space<vmem_shared>>)
      } else {
      }
      %lt3A_226 = arith.constant 80 : i32
      %lt3A_227 = arith.cmpi slt, %add3A_218, %lt3A_226 : i32
      %convert_element_type3A_228 = arith.extui %lt3A_227 : i1 to i32
      %cond3A_229 = arith.constant 0 : i32
      %cond3A_230 = arith.cmpi ne, %convert_element_type3A_228, %cond3A_229 : i32
      scf.if %cond3A_230 {
        %min3A = arith.constant 79 : i32
        %min3A_495 = arith.minsi %add3A_218, %min3A : i32
        %dma_start3A_496 = arith.constant 5 : i32
        %dma_start3A_497 = arith.constant 5 : i32
        %dma_start3A_498 = arith.constant 0 : i32
        %dma_start3A_499 = arith.constant 0 : i32
        %dma_start3A_500 = tpu.memref_slice %arg9[%dma_start3A_496, %dma_start3A_498, %dma_start3A_499] : memref<8x128x32xf32, #tpu.memory_space<vmem>> -> memref<1x128x32xf32, #tpu.memory_space<vmem>>
        %dma_start3A_501 = tpu.memref_squeeze %dma_start3A_500 : memref<1x128x32xf32, #tpu.memory_space<vmem>> -> memref<128x32xf32, #tpu.memory_space<vmem>>
        %dma_start3A_502 = arith.constant 0 : i32
        %dma_start3A_503 = tpu.memref_slice %arg7[%min3A_495, %dma_start3A_502] : memref<80x128xi32, #tpu.memory_space<vmem>> -> memref<1x128xi32, #tpu.memory_space<vmem>>
        %dma_start3A_504 = tpu.memref_squeeze %dma_start3A_503 : memref<1x128xi32, #tpu.memory_space<vmem>> -> memref<128xi32, #tpu.memory_space<vmem>>
        %dma_start3A_505 = arith.constant 0 : i32
        %dma_start3A_506 = arith.constant 0 : i32
        %dma_start3A_507 = tpu.memref_slice %arg2[%dma_start3A_505, %dma_start3A_506] : memref<10240x32xf32, #tpu.memory_space<hbm>> -> memref<10240x32xf32, #tpu.memory_space<hbm>>
        %dma_start3A_508 = tpu.memref_slice %arg11[%dma_start3A_497] : memref<8x!tpu.dma_semaphore, #tpu.memory_space<semaphore_mem>> -> memref<1x!tpu.dma_semaphore, #tpu.memory_space<semaphore_mem>>
        %dma_start3A_509 = tpu.memref_squeeze %dma_start3A_508 : memref<1x!tpu.dma_semaphore, #tpu.memory_space<semaphore_mem>> -> memref<!tpu.dma_semaphore, #tpu.memory_space<semaphore_mem>>
        tpu.enqueue_indirect_dma source(%dma_start3A_507 : memref<10240x32xf32, #tpu.memory_space<hbm>>) target(%dma_start3A_501 : memref<128x32xf32, #tpu.memory_space<vmem>>) offsets(%dma_start3A_504 : memref<128xi32, #tpu.memory_space<vmem>>) semaphore(%dma_start3A_509 : memref<!tpu.dma_semaphore, #tpu.memory_space<semaphore_mem>>)
      } else {
      }
      %add3A_231 = arith.constant 2 : i32
      %add3A_232 = arith.addi %mul3A_145, %add3A_231 : i32
      %dma_wait3A_233 = arith.constant 2 : i32
      %dma_wait3A_234 = arith.constant 2 : i32
      %dma_wait3A_235 = arith.constant 0 : i32
      %dma_wait3A_236 = arith.constant 0 : i32
      %dma_wait3A_237 = tpu.memref_slice %arg9[%dma_wait3A_233, %dma_wait3A_235, %dma_wait3A_236] : memref<8x128x32xf32, #tpu.memory_space<vmem>> -> memref<1x128x32xf32, #tpu.memory_space<vmem>>
      %dma_wait3A_238 = tpu.memref_squeeze %dma_wait3A_237 : memref<1x128x32xf32, #tpu.memory_space<vmem>> -> memref<128x32xf32, #tpu.memory_space<vmem>>
      %dma_wait3A_239 = arith.constant 0 : i32
      %dma_wait3A_240 = tpu.memref_slice %arg7[%add3A_232, %dma_wait3A_239] : memref<80x128xi32, #tpu.memory_space<vmem>> -> memref<1x128xi32, #tpu.memory_space<vmem>>
      %dma_wait3A_241 = tpu.memref_squeeze %dma_wait3A_240 : memref<1x128xi32, #tpu.memory_space<vmem>> -> memref<128xi32, #tpu.memory_space<vmem>>
      %dma_wait3A_242 = arith.constant 0 : i32
      %dma_wait3A_243 = arith.constant 0 : i32
      %dma_wait3A_244 = tpu.memref_slice %arg2[%dma_wait3A_242, %dma_wait3A_243] : memref<10240x32xf32, #tpu.memory_space<hbm>> -> memref<10240x32xf32, #tpu.memory_space<hbm>>
      %dma_wait3A_245 = tpu.memref_slice %arg11[%dma_wait3A_234] : memref<8x!tpu.dma_semaphore, #tpu.memory_space<semaphore_mem>> -> memref<1x!tpu.dma_semaphore, #tpu.memory_space<semaphore_mem>>
      %dma_wait3A_246 = tpu.memref_squeeze %dma_wait3A_245 : memref<1x!tpu.dma_semaphore, #tpu.memory_space<semaphore_mem>> -> memref<!tpu.dma_semaphore, #tpu.memory_space<semaphore_mem>>
      tpu.wait_indirect_dma semaphore(%dma_wait3A_246 : memref<!tpu.dma_semaphore, #tpu.memory_space<semaphore_mem>>) src(%dma_wait3A_244 : memref<10240x32xf32, #tpu.memory_space<hbm>>) dst(%dma_wait3A_238 : memref<128x32xf32, #tpu.memory_space<vmem>>)
      %dma_start3A_247 = arith.constant 2 : i32
      %dma_start3A_248 = arith.constant 2 : i32
      %dma_start3A_249 = arith.constant 0 : i32
      %dma_start3A_250 = arith.constant 0 : i32
      %dma_start3A_251 = tpu.memref_slice %arg9[%dma_start3A_247, %dma_start3A_249, %dma_start3A_250] : memref<8x128x32xf32, #tpu.memory_space<vmem>> -> memref<1x128x32xf32, #tpu.memory_space<vmem>>
      %dma_start3A_252 = tpu.memref_squeeze %dma_start3A_251 : memref<1x128x32xf32, #tpu.memory_space<vmem>> -> memref<128x32xf32, #tpu.memory_space<vmem>>
      %dma_start3A_253 = arith.constant 0 : i32
      %dma_start3A_254 = tpu.memref_slice %arg8[%add3A_232, %dma_start3A_253] : memref<80x128xi32, #tpu.memory_space<vmem>> -> memref<1x128xi32, #tpu.memory_space<vmem>>
      %dma_start3A_255 = tpu.memref_squeeze %dma_start3A_254 : memref<1x128xi32, #tpu.memory_space<vmem>> -> memref<128xi32, #tpu.memory_space<vmem>>
      %dma_start3A_256 = arith.constant 0 : i32
      %dma_start3A_257 = arith.constant 0 : i32
      %dma_start3A_258 = tpu.memref_slice %arg10[%dma_start3A_256, %dma_start3A_257] : memref<10240x32xf32, #tpu.memory_space<vmem_shared>> -> memref<10240x32xf32, #tpu.memory_space<vmem_shared>>
      %dma_start3A_259 = tpu.memref_slice %arg12[%dma_start3A_248] : memref<8x!tpu.dma_semaphore, #tpu.memory_space<semaphore_mem>> -> memref<1x!tpu.dma_semaphore, #tpu.memory_space<semaphore_mem>>
      %dma_start3A_260 = tpu.memref_squeeze %dma_start3A_259 : memref<1x!tpu.dma_semaphore, #tpu.memory_space<semaphore_mem>> -> memref<!tpu.dma_semaphore, #tpu.memory_space<semaphore_mem>>
      tpu.enqueue_indirect_dma source(%dma_start3A_252 : memref<128x32xf32, #tpu.memory_space<vmem>>) target(%dma_start3A_258 : memref<10240x32xf32, #tpu.memory_space<vmem_shared>>) offsets(%dma_start3A_255 : memref<128xi32, #tpu.memory_space<vmem>>) semaphore(%dma_start3A_260 : memref<!tpu.dma_semaphore, #tpu.memory_space<semaphore_mem>>) {add = true}
      %add3A_261 = arith.constant 4 : i32
      %add3A_262 = arith.addi %add3A_232, %add3A_261 : i32
      %sub3A_263 = arith.constant 8 : i32
      %sub3A_264 = arith.subi %add3A_262, %sub3A_263 : i32
      %ge3A_265 = arith.constant 0 : i32
      %ge3A_266 = arith.cmpi sge, %sub3A_264, %ge3A_265 : i32
      %convert_element_type3A_267 = arith.extui %ge3A_266 : i1 to i32
      %cond3A_268 = arith.constant 0 : i32
      %cond3A_269 = arith.cmpi ne, %convert_element_type3A_267, %cond3A_268 : i32
      scf.if %cond3A_269 {
        %max3A = arith.constant 0 : i32
        %max3A_495 = arith.maxsi %sub3A_264, %max3A : i32
        %dma_wait3A_496 = arith.constant 6 : i32
        %dma_wait3A_497 = arith.constant 6 : i32
        %dma_wait3A_498 = arith.constant 0 : i32
        %dma_wait3A_499 = arith.constant 0 : i32
        %dma_wait3A_500 = tpu.memref_slice %arg9[%dma_wait3A_496, %dma_wait3A_498, %dma_wait3A_499] : memref<8x128x32xf32, #tpu.memory_space<vmem>> -> memref<1x128x32xf32, #tpu.memory_space<vmem>>
        %dma_wait3A_501 = tpu.memref_squeeze %dma_wait3A_500 : memref<1x128x32xf32, #tpu.memory_space<vmem>> -> memref<128x32xf32, #tpu.memory_space<vmem>>
        %dma_wait3A_502 = arith.constant 0 : i32
        %dma_wait3A_503 = tpu.memref_slice %arg8[%max3A_495, %dma_wait3A_502] : memref<80x128xi32, #tpu.memory_space<vmem>> -> memref<1x128xi32, #tpu.memory_space<vmem>>
        %dma_wait3A_504 = tpu.memref_squeeze %dma_wait3A_503 : memref<1x128xi32, #tpu.memory_space<vmem>> -> memref<128xi32, #tpu.memory_space<vmem>>
        %dma_wait3A_505 = arith.constant 0 : i32
        %dma_wait3A_506 = arith.constant 0 : i32
        %dma_wait3A_507 = tpu.memref_slice %arg10[%dma_wait3A_505, %dma_wait3A_506] : memref<10240x32xf32, #tpu.memory_space<vmem_shared>> -> memref<10240x32xf32, #tpu.memory_space<vmem_shared>>
        %dma_wait3A_508 = tpu.memref_slice %arg12[%dma_wait3A_497] : memref<8x!tpu.dma_semaphore, #tpu.memory_space<semaphore_mem>> -> memref<1x!tpu.dma_semaphore, #tpu.memory_space<semaphore_mem>>
        %dma_wait3A_509 = tpu.memref_squeeze %dma_wait3A_508 : memref<1x!tpu.dma_semaphore, #tpu.memory_space<semaphore_mem>> -> memref<!tpu.dma_semaphore, #tpu.memory_space<semaphore_mem>>
        tpu.wait_indirect_dma semaphore(%dma_wait3A_509 : memref<!tpu.dma_semaphore, #tpu.memory_space<semaphore_mem>>) src(%dma_wait3A_501 : memref<128x32xf32, #tpu.memory_space<vmem>>) dst(%dma_wait3A_507 : memref<10240x32xf32, #tpu.memory_space<vmem_shared>>)
      } else {
      }
      %lt3A_270 = arith.constant 80 : i32
      %lt3A_271 = arith.cmpi slt, %add3A_262, %lt3A_270 : i32
      %convert_element_type3A_272 = arith.extui %lt3A_271 : i1 to i32
      %cond3A_273 = arith.constant 0 : i32
      %cond3A_274 = arith.cmpi ne, %convert_element_type3A_272, %cond3A_273 : i32
      scf.if %cond3A_274 {
        %min3A = arith.constant 79 : i32
        %min3A_495 = arith.minsi %add3A_262, %min3A : i32
        %dma_start3A_496 = arith.constant 6 : i32
        %dma_start3A_497 = arith.constant 6 : i32
        %dma_start3A_498 = arith.constant 0 : i32
        %dma_start3A_499 = arith.constant 0 : i32
        %dma_start3A_500 = tpu.memref_slice %arg9[%dma_start3A_496, %dma_start3A_498, %dma_start3A_499] : memref<8x128x32xf32, #tpu.memory_space<vmem>> -> memref<1x128x32xf32, #tpu.memory_space<vmem>>
        %dma_start3A_501 = tpu.memref_squeeze %dma_start3A_500 : memref<1x128x32xf32, #tpu.memory_space<vmem>> -> memref<128x32xf32, #tpu.memory_space<vmem>>
        %dma_start3A_502 = arith.constant 0 : i32
        %dma_start3A_503 = tpu.memref_slice %arg7[%min3A_495, %dma_start3A_502] : memref<80x128xi32, #tpu.memory_space<vmem>> -> memref<1x128xi32, #tpu.memory_space<vmem>>
        %dma_start3A_504 = tpu.memref_squeeze %dma_start3A_503 : memref<1x128xi32, #tpu.memory_space<vmem>> -> memref<128xi32, #tpu.memory_space<vmem>>
        %dma_start3A_505 = arith.constant 0 : i32
        %dma_start3A_506 = arith.constant 0 : i32
        %dma_start3A_507 = tpu.memref_slice %arg2[%dma_start3A_505, %dma_start3A_506] : memref<10240x32xf32, #tpu.memory_space<hbm>> -> memref<10240x32xf32, #tpu.memory_space<hbm>>
        %dma_start3A_508 = tpu.memref_slice %arg11[%dma_start3A_497] : memref<8x!tpu.dma_semaphore, #tpu.memory_space<semaphore_mem>> -> memref<1x!tpu.dma_semaphore, #tpu.memory_space<semaphore_mem>>
        %dma_start3A_509 = tpu.memref_squeeze %dma_start3A_508 : memref<1x!tpu.dma_semaphore, #tpu.memory_space<semaphore_mem>> -> memref<!tpu.dma_semaphore, #tpu.memory_space<semaphore_mem>>
        tpu.enqueue_indirect_dma source(%dma_start3A_507 : memref<10240x32xf32, #tpu.memory_space<hbm>>) target(%dma_start3A_501 : memref<128x32xf32, #tpu.memory_space<vmem>>) offsets(%dma_start3A_504 : memref<128xi32, #tpu.memory_space<vmem>>) semaphore(%dma_start3A_509 : memref<!tpu.dma_semaphore, #tpu.memory_space<semaphore_mem>>)
      } else {
      }
      %add3A_275 = arith.constant 3 : i32
      %add3A_276 = arith.addi %mul3A_145, %add3A_275 : i32
      %dma_wait3A_277 = arith.constant 3 : i32
      %dma_wait3A_278 = arith.constant 3 : i32
      %dma_wait3A_279 = arith.constant 0 : i32
      %dma_wait3A_280 = arith.constant 0 : i32
      %dma_wait3A_281 = tpu.memref_slice %arg9[%dma_wait3A_277, %dma_wait3A_279, %dma_wait3A_280] : memref<8x128x32xf32, #tpu.memory_space<vmem>> -> memref<1x128x32xf32, #tpu.memory_space<vmem>>
      %dma_wait3A_282 = tpu.memref_squeeze %dma_wait3A_281 : memref<1x128x32xf32, #tpu.memory_space<vmem>> -> memref<128x32xf32, #tpu.memory_space<vmem>>
      %dma_wait3A_283 = arith.constant 0 : i32
      %dma_wait3A_284 = tpu.memref_slice %arg7[%add3A_276, %dma_wait3A_283] : memref<80x128xi32, #tpu.memory_space<vmem>> -> memref<1x128xi32, #tpu.memory_space<vmem>>
      %dma_wait3A_285 = tpu.memref_squeeze %dma_wait3A_284 : memref<1x128xi32, #tpu.memory_space<vmem>> -> memref<128xi32, #tpu.memory_space<vmem>>
      %dma_wait3A_286 = arith.constant 0 : i32
      %dma_wait3A_287 = arith.constant 0 : i32
      %dma_wait3A_288 = tpu.memref_slice %arg2[%dma_wait3A_286, %dma_wait3A_287] : memref<10240x32xf32, #tpu.memory_space<hbm>> -> memref<10240x32xf32, #tpu.memory_space<hbm>>
      %dma_wait3A_289 = tpu.memref_slice %arg11[%dma_wait3A_278] : memref<8x!tpu.dma_semaphore, #tpu.memory_space<semaphore_mem>> -> memref<1x!tpu.dma_semaphore, #tpu.memory_space<semaphore_mem>>
      %dma_wait3A_290 = tpu.memref_squeeze %dma_wait3A_289 : memref<1x!tpu.dma_semaphore, #tpu.memory_space<semaphore_mem>> -> memref<!tpu.dma_semaphore, #tpu.memory_space<semaphore_mem>>
      tpu.wait_indirect_dma semaphore(%dma_wait3A_290 : memref<!tpu.dma_semaphore, #tpu.memory_space<semaphore_mem>>) src(%dma_wait3A_288 : memref<10240x32xf32, #tpu.memory_space<hbm>>) dst(%dma_wait3A_282 : memref<128x32xf32, #tpu.memory_space<vmem>>)
      %dma_start3A_291 = arith.constant 3 : i32
      %dma_start3A_292 = arith.constant 3 : i32
      %dma_start3A_293 = arith.constant 0 : i32
      %dma_start3A_294 = arith.constant 0 : i32
      %dma_start3A_295 = tpu.memref_slice %arg9[%dma_start3A_291, %dma_start3A_293, %dma_start3A_294] : memref<8x128x32xf32, #tpu.memory_space<vmem>> -> memref<1x128x32xf32, #tpu.memory_space<vmem>>
      %dma_start3A_296 = tpu.memref_squeeze %dma_start3A_295 : memref<1x128x32xf32, #tpu.memory_space<vmem>> -> memref<128x32xf32, #tpu.memory_space<vmem>>
      %dma_start3A_297 = arith.constant 0 : i32
      %dma_start3A_298 = tpu.memref_slice %arg8[%add3A_276, %dma_start3A_297] : memref<80x128xi32, #tpu.memory_space<vmem>> -> memref<1x128xi32, #tpu.memory_space<vmem>>
      %dma_start3A_299 = tpu.memref_squeeze %dma_start3A_298 : memref<1x128xi32, #tpu.memory_space<vmem>> -> memref<128xi32, #tpu.memory_space<vmem>>
      %dma_start3A_300 = arith.constant 0 : i32
      %dma_start3A_301 = arith.constant 0 : i32
      %dma_start3A_302 = tpu.memref_slice %arg10[%dma_start3A_300, %dma_start3A_301] : memref<10240x32xf32, #tpu.memory_space<vmem_shared>> -> memref<10240x32xf32, #tpu.memory_space<vmem_shared>>
      %dma_start3A_303 = tpu.memref_slice %arg12[%dma_start3A_292] : memref<8x!tpu.dma_semaphore, #tpu.memory_space<semaphore_mem>> -> memref<1x!tpu.dma_semaphore, #tpu.memory_space<semaphore_mem>>
      %dma_start3A_304 = tpu.memref_squeeze %dma_start3A_303 : memref<1x!tpu.dma_semaphore, #tpu.memory_space<semaphore_mem>> -> memref<!tpu.dma_semaphore, #tpu.memory_space<semaphore_mem>>
      tpu.enqueue_indirect_dma source(%dma_start3A_296 : memref<128x32xf32, #tpu.memory_space<vmem>>) target(%dma_start3A_302 : memref<10240x32xf32, #tpu.memory_space<vmem_shared>>) offsets(%dma_start3A_299 : memref<128xi32, #tpu.memory_space<vmem>>) semaphore(%dma_start3A_304 : memref<!tpu.dma_semaphore, #tpu.memory_space<semaphore_mem>>) {add = true}
      %add3A_305 = arith.constant 4 : i32
      %add3A_306 = arith.addi %add3A_276, %add3A_305 : i32
      %sub3A_307 = arith.constant 8 : i32
      %sub3A_308 = arith.subi %add3A_306, %sub3A_307 : i32
      %ge3A_309 = arith.constant 0 : i32
      %ge3A_310 = arith.cmpi sge, %sub3A_308, %ge3A_309 : i32
      %convert_element_type3A_311 = arith.extui %ge3A_310 : i1 to i32
      %cond3A_312 = arith.constant 0 : i32
      %cond3A_313 = arith.cmpi ne, %convert_element_type3A_311, %cond3A_312 : i32
      scf.if %cond3A_313 {
        %max3A = arith.constant 0 : i32
        %max3A_495 = arith.maxsi %sub3A_308, %max3A : i32
        %dma_wait3A_496 = arith.constant 7 : i32
        %dma_wait3A_497 = arith.constant 7 : i32
        %dma_wait3A_498 = arith.constant 0 : i32
        %dma_wait3A_499 = arith.constant 0 : i32
        %dma_wait3A_500 = tpu.memref_slice %arg9[%dma_wait3A_496, %dma_wait3A_498, %dma_wait3A_499] : memref<8x128x32xf32, #tpu.memory_space<vmem>> -> memref<1x128x32xf32, #tpu.memory_space<vmem>>
        %dma_wait3A_501 = tpu.memref_squeeze %dma_wait3A_500 : memref<1x128x32xf32, #tpu.memory_space<vmem>> -> memref<128x32xf32, #tpu.memory_space<vmem>>
        %dma_wait3A_502 = arith.constant 0 : i32
        %dma_wait3A_503 = tpu.memref_slice %arg8[%max3A_495, %dma_wait3A_502] : memref<80x128xi32, #tpu.memory_space<vmem>> -> memref<1x128xi32, #tpu.memory_space<vmem>>
        %dma_wait3A_504 = tpu.memref_squeeze %dma_wait3A_503 : memref<1x128xi32, #tpu.memory_space<vmem>> -> memref<128xi32, #tpu.memory_space<vmem>>
        %dma_wait3A_505 = arith.constant 0 : i32
        %dma_wait3A_506 = arith.constant 0 : i32
        %dma_wait3A_507 = tpu.memref_slice %arg10[%dma_wait3A_505, %dma_wait3A_506] : memref<10240x32xf32, #tpu.memory_space<vmem_shared>> -> memref<10240x32xf32, #tpu.memory_space<vmem_shared>>
        %dma_wait3A_508 = tpu.memref_slice %arg12[%dma_wait3A_497] : memref<8x!tpu.dma_semaphore, #tpu.memory_space<semaphore_mem>> -> memref<1x!tpu.dma_semaphore, #tpu.memory_space<semaphore_mem>>
        %dma_wait3A_509 = tpu.memref_squeeze %dma_wait3A_508 : memref<1x!tpu.dma_semaphore, #tpu.memory_space<semaphore_mem>> -> memref<!tpu.dma_semaphore, #tpu.memory_space<semaphore_mem>>
        tpu.wait_indirect_dma semaphore(%dma_wait3A_509 : memref<!tpu.dma_semaphore, #tpu.memory_space<semaphore_mem>>) src(%dma_wait3A_501 : memref<128x32xf32, #tpu.memory_space<vmem>>) dst(%dma_wait3A_507 : memref<10240x32xf32, #tpu.memory_space<vmem_shared>>)
      } else {
      }
      %lt3A_314 = arith.constant 80 : i32
      %lt3A_315 = arith.cmpi slt, %add3A_306, %lt3A_314 : i32
      %convert_element_type3A_316 = arith.extui %lt3A_315 : i1 to i32
      %cond3A_317 = arith.constant 0 : i32
      %cond3A_318 = arith.cmpi ne, %convert_element_type3A_316, %cond3A_317 : i32
      scf.if %cond3A_318 {
        %min3A = arith.constant 79 : i32
        %min3A_495 = arith.minsi %add3A_306, %min3A : i32
        %dma_start3A_496 = arith.constant 7 : i32
        %dma_start3A_497 = arith.constant 7 : i32
        %dma_start3A_498 = arith.constant 0 : i32
        %dma_start3A_499 = arith.constant 0 : i32
        %dma_start3A_500 = tpu.memref_slice %arg9[%dma_start3A_496, %dma_start3A_498, %dma_start3A_499] : memref<8x128x32xf32, #tpu.memory_space<vmem>> -> memref<1x128x32xf32, #tpu.memory_space<vmem>>
        %dma_start3A_501 = tpu.memref_squeeze %dma_start3A_500 : memref<1x128x32xf32, #tpu.memory_space<vmem>> -> memref<128x32xf32, #tpu.memory_space<vmem>>
        %dma_start3A_502 = arith.constant 0 : i32
        %dma_start3A_503 = tpu.memref_slice %arg7[%min3A_495, %dma_start3A_502] : memref<80x128xi32, #tpu.memory_space<vmem>> -> memref<1x128xi32, #tpu.memory_space<vmem>>
        %dma_start3A_504 = tpu.memref_squeeze %dma_start3A_503 : memref<1x128xi32, #tpu.memory_space<vmem>> -> memref<128xi32, #tpu.memory_space<vmem>>
        %dma_start3A_505 = arith.constant 0 : i32
        %dma_start3A_506 = arith.constant 0 : i32
        %dma_start3A_507 = tpu.memref_slice %arg2[%dma_start3A_505, %dma_start3A_506] : memref<10240x32xf32, #tpu.memory_space<hbm>> -> memref<10240x32xf32, #tpu.memory_space<hbm>>
        %dma_start3A_508 = tpu.memref_slice %arg11[%dma_start3A_497] : memref<8x!tpu.dma_semaphore, #tpu.memory_space<semaphore_mem>> -> memref<1x!tpu.dma_semaphore, #tpu.memory_space<semaphore_mem>>
        %dma_start3A_509 = tpu.memref_squeeze %dma_start3A_508 : memref<1x!tpu.dma_semaphore, #tpu.memory_space<semaphore_mem>> -> memref<!tpu.dma_semaphore, #tpu.memory_space<semaphore_mem>>
        tpu.enqueue_indirect_dma source(%dma_start3A_507 : memref<10240x32xf32, #tpu.memory_space<hbm>>) target(%dma_start3A_501 : memref<128x32xf32, #tpu.memory_space<vmem>>) offsets(%dma_start3A_504 : memref<128xi32, #tpu.memory_space<vmem>>) semaphore(%dma_start3A_509 : memref<!tpu.dma_semaphore, #tpu.memory_space<semaphore_mem>>)
      } else {
      }
      %add3A_319 = arith.constant 4 : i32
      %add3A_320 = arith.addi %mul3A_145, %add3A_319 : i32
      %dma_wait3A_321 = arith.constant 4 : i32
      %dma_wait3A_322 = arith.constant 4 : i32
      %dma_wait3A_323 = arith.constant 0 : i32
      %dma_wait3A_324 = arith.constant 0 : i32
      %dma_wait3A_325 = tpu.memref_slice %arg9[%dma_wait3A_321, %dma_wait3A_323, %dma_wait3A_324] : memref<8x128x32xf32, #tpu.memory_space<vmem>> -> memref<1x128x32xf32, #tpu.memory_space<vmem>>
      %dma_wait3A_326 = tpu.memref_squeeze %dma_wait3A_325 : memref<1x128x32xf32, #tpu.memory_space<vmem>> -> memref<128x32xf32, #tpu.memory_space<vmem>>
      %dma_wait3A_327 = arith.constant 0 : i32
      %dma_wait3A_328 = tpu.memref_slice %arg7[%add3A_320, %dma_wait3A_327] : memref<80x128xi32, #tpu.memory_space<vmem>> -> memref<1x128xi32, #tpu.memory_space<vmem>>
      %dma_wait3A_329 = tpu.memref_squeeze %dma_wait3A_328 : memref<1x128xi32, #tpu.memory_space<vmem>> -> memref<128xi32, #tpu.memory_space<vmem>>
      %dma_wait3A_330 = arith.constant 0 : i32
      %dma_wait3A_331 = arith.constant 0 : i32
      %dma_wait3A_332 = tpu.memref_slice %arg2[%dma_wait3A_330, %dma_wait3A_331] : memref<10240x32xf32, #tpu.memory_space<hbm>> -> memref<10240x32xf32, #tpu.memory_space<hbm>>
      %dma_wait3A_333 = tpu.memref_slice %arg11[%dma_wait3A_322] : memref<8x!tpu.dma_semaphore, #tpu.memory_space<semaphore_mem>> -> memref<1x!tpu.dma_semaphore, #tpu.memory_space<semaphore_mem>>
      %dma_wait3A_334 = tpu.memref_squeeze %dma_wait3A_333 : memref<1x!tpu.dma_semaphore, #tpu.memory_space<semaphore_mem>> -> memref<!tpu.dma_semaphore, #tpu.memory_space<semaphore_mem>>
      tpu.wait_indirect_dma semaphore(%dma_wait3A_334 : memref<!tpu.dma_semaphore, #tpu.memory_space<semaphore_mem>>) src(%dma_wait3A_332 : memref<10240x32xf32, #tpu.memory_space<hbm>>) dst(%dma_wait3A_326 : memref<128x32xf32, #tpu.memory_space<vmem>>)
      %dma_start3A_335 = arith.constant 4 : i32
      %dma_start3A_336 = arith.constant 4 : i32
      %dma_start3A_337 = arith.constant 0 : i32
      %dma_start3A_338 = arith.constant 0 : i32
      %dma_start3A_339 = tpu.memref_slice %arg9[%dma_start3A_335, %dma_start3A_337, %dma_start3A_338] : memref<8x128x32xf32, #tpu.memory_space<vmem>> -> memref<1x128x32xf32, #tpu.memory_space<vmem>>
      %dma_start3A_340 = tpu.memref_squeeze %dma_start3A_339 : memref<1x128x32xf32, #tpu.memory_space<vmem>> -> memref<128x32xf32, #tpu.memory_space<vmem>>
      %dma_start3A_341 = arith.constant 0 : i32
      %dma_start3A_342 = tpu.memref_slice %arg8[%add3A_320, %dma_start3A_341] : memref<80x128xi32, #tpu.memory_space<vmem>> -> memref<1x128xi32, #tpu.memory_space<vmem>>
      %dma_start3A_343 = tpu.memref_squeeze %dma_start3A_342 : memref<1x128xi32, #tpu.memory_space<vmem>> -> memref<128xi32, #tpu.memory_space<vmem>>
      %dma_start3A_344 = arith.constant 0 : i32
      %dma_start3A_345 = arith.constant 0 : i32
      %dma_start3A_346 = tpu.memref_slice %arg10[%dma_start3A_344, %dma_start3A_345] : memref<10240x32xf32, #tpu.memory_space<vmem_shared>> -> memref<10240x32xf32, #tpu.memory_space<vmem_shared>>
      %dma_start3A_347 = tpu.memref_slice %arg12[%dma_start3A_336] : memref<8x!tpu.dma_semaphore, #tpu.memory_space<semaphore_mem>> -> memref<1x!tpu.dma_semaphore, #tpu.memory_space<semaphore_mem>>
      %dma_start3A_348 = tpu.memref_squeeze %dma_start3A_347 : memref<1x!tpu.dma_semaphore, #tpu.memory_space<semaphore_mem>> -> memref<!tpu.dma_semaphore, #tpu.memory_space<semaphore_mem>>
      tpu.enqueue_indirect_dma source(%dma_start3A_340 : memref<128x32xf32, #tpu.memory_space<vmem>>) target(%dma_start3A_346 : memref<10240x32xf32, #tpu.memory_space<vmem_shared>>) offsets(%dma_start3A_343 : memref<128xi32, #tpu.memory_space<vmem>>) semaphore(%dma_start3A_348 : memref<!tpu.dma_semaphore, #tpu.memory_space<semaphore_mem>>) {add = true}
      %add3A_349 = arith.constant 4 : i32
      %add3A_350 = arith.addi %add3A_320, %add3A_349 : i32
      %sub3A_351 = arith.constant 8 : i32
      %sub3A_352 = arith.subi %add3A_350, %sub3A_351 : i32
      %ge3A_353 = arith.constant 0 : i32
      %ge3A_354 = arith.cmpi sge, %sub3A_352, %ge3A_353 : i32
      %convert_element_type3A_355 = arith.extui %ge3A_354 : i1 to i32
      %cond3A_356 = arith.constant 0 : i32
      %cond3A_357 = arith.cmpi ne, %convert_element_type3A_355, %cond3A_356 : i32
      scf.if %cond3A_357 {
        %max3A = arith.constant 0 : i32
        %max3A_495 = arith.maxsi %sub3A_352, %max3A : i32
        %dma_wait3A_496 = arith.constant 0 : i32
        %dma_wait3A_497 = arith.constant 0 : i32
        %dma_wait3A_498 = arith.constant 0 : i32
        %dma_wait3A_499 = arith.constant 0 : i32
        %dma_wait3A_500 = tpu.memref_slice %arg9[%dma_wait3A_496, %dma_wait3A_498, %dma_wait3A_499] : memref<8x128x32xf32, #tpu.memory_space<vmem>> -> memref<1x128x32xf32, #tpu.memory_space<vmem>>
        %dma_wait3A_501 = tpu.memref_squeeze %dma_wait3A_500 : memref<1x128x32xf32, #tpu.memory_space<vmem>> -> memref<128x32xf32, #tpu.memory_space<vmem>>
        %dma_wait3A_502 = arith.constant 0 : i32
        %dma_wait3A_503 = tpu.memref_slice %arg8[%max3A_495, %dma_wait3A_502] : memref<80x128xi32, #tpu.memory_space<vmem>> -> memref<1x128xi32, #tpu.memory_space<vmem>>
        %dma_wait3A_504 = tpu.memref_squeeze %dma_wait3A_503 : memref<1x128xi32, #tpu.memory_space<vmem>> -> memref<128xi32, #tpu.memory_space<vmem>>
        %dma_wait3A_505 = arith.constant 0 : i32
        %dma_wait3A_506 = arith.constant 0 : i32
        %dma_wait3A_507 = tpu.memref_slice %arg10[%dma_wait3A_505, %dma_wait3A_506] : memref<10240x32xf32, #tpu.memory_space<vmem_shared>> -> memref<10240x32xf32, #tpu.memory_space<vmem_shared>>
        %dma_wait3A_508 = tpu.memref_slice %arg12[%dma_wait3A_497] : memref<8x!tpu.dma_semaphore, #tpu.memory_space<semaphore_mem>> -> memref<1x!tpu.dma_semaphore, #tpu.memory_space<semaphore_mem>>
        %dma_wait3A_509 = tpu.memref_squeeze %dma_wait3A_508 : memref<1x!tpu.dma_semaphore, #tpu.memory_space<semaphore_mem>> -> memref<!tpu.dma_semaphore, #tpu.memory_space<semaphore_mem>>
        tpu.wait_indirect_dma semaphore(%dma_wait3A_509 : memref<!tpu.dma_semaphore, #tpu.memory_space<semaphore_mem>>) src(%dma_wait3A_501 : memref<128x32xf32, #tpu.memory_space<vmem>>) dst(%dma_wait3A_507 : memref<10240x32xf32, #tpu.memory_space<vmem_shared>>)
      } else {
      }
      %lt3A_358 = arith.constant 80 : i32
      %lt3A_359 = arith.cmpi slt, %add3A_350, %lt3A_358 : i32
      %convert_element_type3A_360 = arith.extui %lt3A_359 : i1 to i32
      %cond3A_361 = arith.constant 0 : i32
      %cond3A_362 = arith.cmpi ne, %convert_element_type3A_360, %cond3A_361 : i32
      scf.if %cond3A_362 {
        %min3A = arith.constant 79 : i32
        %min3A_495 = arith.minsi %add3A_350, %min3A : i32
        %dma_start3A_496 = arith.constant 0 : i32
        %dma_start3A_497 = arith.constant 0 : i32
        %dma_start3A_498 = arith.constant 0 : i32
        %dma_start3A_499 = arith.constant 0 : i32
        %dma_start3A_500 = tpu.memref_slice %arg9[%dma_start3A_496, %dma_start3A_498, %dma_start3A_499] : memref<8x128x32xf32, #tpu.memory_space<vmem>> -> memref<1x128x32xf32, #tpu.memory_space<vmem>>
        %dma_start3A_501 = tpu.memref_squeeze %dma_start3A_500 : memref<1x128x32xf32, #tpu.memory_space<vmem>> -> memref<128x32xf32, #tpu.memory_space<vmem>>
        %dma_start3A_502 = arith.constant 0 : i32
        %dma_start3A_503 = tpu.memref_slice %arg7[%min3A_495, %dma_start3A_502] : memref<80x128xi32, #tpu.memory_space<vmem>> -> memref<1x128xi32, #tpu.memory_space<vmem>>
        %dma_start3A_504 = tpu.memref_squeeze %dma_start3A_503 : memref<1x128xi32, #tpu.memory_space<vmem>> -> memref<128xi32, #tpu.memory_space<vmem>>
        %dma_start3A_505 = arith.constant 0 : i32
        %dma_start3A_506 = arith.constant 0 : i32
        %dma_start3A_507 = tpu.memref_slice %arg2[%dma_start3A_505, %dma_start3A_506] : memref<10240x32xf32, #tpu.memory_space<hbm>> -> memref<10240x32xf32, #tpu.memory_space<hbm>>
        %dma_start3A_508 = tpu.memref_slice %arg11[%dma_start3A_497] : memref<8x!tpu.dma_semaphore, #tpu.memory_space<semaphore_mem>> -> memref<1x!tpu.dma_semaphore, #tpu.memory_space<semaphore_mem>>
        %dma_start3A_509 = tpu.memref_squeeze %dma_start3A_508 : memref<1x!tpu.dma_semaphore, #tpu.memory_space<semaphore_mem>> -> memref<!tpu.dma_semaphore, #tpu.memory_space<semaphore_mem>>
        tpu.enqueue_indirect_dma source(%dma_start3A_507 : memref<10240x32xf32, #tpu.memory_space<hbm>>) target(%dma_start3A_501 : memref<128x32xf32, #tpu.memory_space<vmem>>) offsets(%dma_start3A_504 : memref<128xi32, #tpu.memory_space<vmem>>) semaphore(%dma_start3A_509 : memref<!tpu.dma_semaphore, #tpu.memory_space<semaphore_mem>>)
      } else {
      }
      %add3A_363 = arith.constant 5 : i32
      %add3A_364 = arith.addi %mul3A_145, %add3A_363 : i32
      %dma_wait3A_365 = arith.constant 5 : i32
      %dma_wait3A_366 = arith.constant 5 : i32
      %dma_wait3A_367 = arith.constant 0 : i32
      %dma_wait3A_368 = arith.constant 0 : i32
      %dma_wait3A_369 = tpu.memref_slice %arg9[%dma_wait3A_365, %dma_wait3A_367, %dma_wait3A_368] : memref<8x128x32xf32, #tpu.memory_space<vmem>> -> memref<1x128x32xf32, #tpu.memory_space<vmem>>
      %dma_wait3A_370 = tpu.memref_squeeze %dma_wait3A_369 : memref<1x128x32xf32, #tpu.memory_space<vmem>> -> memref<128x32xf32, #tpu.memory_space<vmem>>
      %dma_wait3A_371 = arith.constant 0 : i32
      %dma_wait3A_372 = tpu.memref_slice %arg7[%add3A_364, %dma_wait3A_371] : memref<80x128xi32, #tpu.memory_space<vmem>> -> memref<1x128xi32, #tpu.memory_space<vmem>>
      %dma_wait3A_373 = tpu.memref_squeeze %dma_wait3A_372 : memref<1x128xi32, #tpu.memory_space<vmem>> -> memref<128xi32, #tpu.memory_space<vmem>>
      %dma_wait3A_374 = arith.constant 0 : i32
      %dma_wait3A_375 = arith.constant 0 : i32
      %dma_wait3A_376 = tpu.memref_slice %arg2[%dma_wait3A_374, %dma_wait3A_375] : memref<10240x32xf32, #tpu.memory_space<hbm>> -> memref<10240x32xf32, #tpu.memory_space<hbm>>
      %dma_wait3A_377 = tpu.memref_slice %arg11[%dma_wait3A_366] : memref<8x!tpu.dma_semaphore, #tpu.memory_space<semaphore_mem>> -> memref<1x!tpu.dma_semaphore, #tpu.memory_space<semaphore_mem>>
      %dma_wait3A_378 = tpu.memref_squeeze %dma_wait3A_377 : memref<1x!tpu.dma_semaphore, #tpu.memory_space<semaphore_mem>> -> memref<!tpu.dma_semaphore, #tpu.memory_space<semaphore_mem>>
      tpu.wait_indirect_dma semaphore(%dma_wait3A_378 : memref<!tpu.dma_semaphore, #tpu.memory_space<semaphore_mem>>) src(%dma_wait3A_376 : memref<10240x32xf32, #tpu.memory_space<hbm>>) dst(%dma_wait3A_370 : memref<128x32xf32, #tpu.memory_space<vmem>>)
      %dma_start3A_379 = arith.constant 5 : i32
      %dma_start3A_380 = arith.constant 5 : i32
      %dma_start3A_381 = arith.constant 0 : i32
      %dma_start3A_382 = arith.constant 0 : i32
      %dma_start3A_383 = tpu.memref_slice %arg9[%dma_start3A_379, %dma_start3A_381, %dma_start3A_382] : memref<8x128x32xf32, #tpu.memory_space<vmem>> -> memref<1x128x32xf32, #tpu.memory_space<vmem>>
      %dma_start3A_384 = tpu.memref_squeeze %dma_start3A_383 : memref<1x128x32xf32, #tpu.memory_space<vmem>> -> memref<128x32xf32, #tpu.memory_space<vmem>>
      %dma_start3A_385 = arith.constant 0 : i32
      %dma_start3A_386 = tpu.memref_slice %arg8[%add3A_364, %dma_start3A_385] : memref<80x128xi32, #tpu.memory_space<vmem>> -> memref<1x128xi32, #tpu.memory_space<vmem>>
      %dma_start3A_387 = tpu.memref_squeeze %dma_start3A_386 : memref<1x128xi32, #tpu.memory_space<vmem>> -> memref<128xi32, #tpu.memory_space<vmem>>
      %dma_start3A_388 = arith.constant 0 : i32
      %dma_start3A_389 = arith.constant 0 : i32
      %dma_start3A_390 = tpu.memref_slice %arg10[%dma_start3A_388, %dma_start3A_389] : memref<10240x32xf32, #tpu.memory_space<vmem_shared>> -> memref<10240x32xf32, #tpu.memory_space<vmem_shared>>
      %dma_start3A_391 = tpu.memref_slice %arg12[%dma_start3A_380] : memref<8x!tpu.dma_semaphore, #tpu.memory_space<semaphore_mem>> -> memref<1x!tpu.dma_semaphore, #tpu.memory_space<semaphore_mem>>
      %dma_start3A_392 = tpu.memref_squeeze %dma_start3A_391 : memref<1x!tpu.dma_semaphore, #tpu.memory_space<semaphore_mem>> -> memref<!tpu.dma_semaphore, #tpu.memory_space<semaphore_mem>>
      tpu.enqueue_indirect_dma source(%dma_start3A_384 : memref<128x32xf32, #tpu.memory_space<vmem>>) target(%dma_start3A_390 : memref<10240x32xf32, #tpu.memory_space<vmem_shared>>) offsets(%dma_start3A_387 : memref<128xi32, #tpu.memory_space<vmem>>) semaphore(%dma_start3A_392 : memref<!tpu.dma_semaphore, #tpu.memory_space<semaphore_mem>>) {add = true}
      %add3A_393 = arith.constant 4 : i32
      %add3A_394 = arith.addi %add3A_364, %add3A_393 : i32
      %sub3A_395 = arith.constant 8 : i32
      %sub3A_396 = arith.subi %add3A_394, %sub3A_395 : i32
      %ge3A_397 = arith.constant 0 : i32
      %ge3A_398 = arith.cmpi sge, %sub3A_396, %ge3A_397 : i32
      %convert_element_type3A_399 = arith.extui %ge3A_398 : i1 to i32
      %cond3A_400 = arith.constant 0 : i32
      %cond3A_401 = arith.cmpi ne, %convert_element_type3A_399, %cond3A_400 : i32
      scf.if %cond3A_401 {
        %max3A = arith.constant 0 : i32
        %max3A_495 = arith.maxsi %sub3A_396, %max3A : i32
        %dma_wait3A_496 = arith.constant 1 : i32
        %dma_wait3A_497 = arith.constant 1 : i32
        %dma_wait3A_498 = arith.constant 0 : i32
        %dma_wait3A_499 = arith.constant 0 : i32
        %dma_wait3A_500 = tpu.memref_slice %arg9[%dma_wait3A_496, %dma_wait3A_498, %dma_wait3A_499] : memref<8x128x32xf32, #tpu.memory_space<vmem>> -> memref<1x128x32xf32, #tpu.memory_space<vmem>>
        %dma_wait3A_501 = tpu.memref_squeeze %dma_wait3A_500 : memref<1x128x32xf32, #tpu.memory_space<vmem>> -> memref<128x32xf32, #tpu.memory_space<vmem>>
        %dma_wait3A_502 = arith.constant 0 : i32
        %dma_wait3A_503 = tpu.memref_slice %arg8[%max3A_495, %dma_wait3A_502] : memref<80x128xi32, #tpu.memory_space<vmem>> -> memref<1x128xi32, #tpu.memory_space<vmem>>
        %dma_wait3A_504 = tpu.memref_squeeze %dma_wait3A_503 : memref<1x128xi32, #tpu.memory_space<vmem>> -> memref<128xi32, #tpu.memory_space<vmem>>
        %dma_wait3A_505 = arith.constant 0 : i32
        %dma_wait3A_506 = arith.constant 0 : i32
        %dma_wait3A_507 = tpu.memref_slice %arg10[%dma_wait3A_505, %dma_wait3A_506] : memref<10240x32xf32, #tpu.memory_space<vmem_shared>> -> memref<10240x32xf32, #tpu.memory_space<vmem_shared>>
        %dma_wait3A_508 = tpu.memref_slice %arg12[%dma_wait3A_497] : memref<8x!tpu.dma_semaphore, #tpu.memory_space<semaphore_mem>> -> memref<1x!tpu.dma_semaphore, #tpu.memory_space<semaphore_mem>>
        %dma_wait3A_509 = tpu.memref_squeeze %dma_wait3A_508 : memref<1x!tpu.dma_semaphore, #tpu.memory_space<semaphore_mem>> -> memref<!tpu.dma_semaphore, #tpu.memory_space<semaphore_mem>>
        tpu.wait_indirect_dma semaphore(%dma_wait3A_509 : memref<!tpu.dma_semaphore, #tpu.memory_space<semaphore_mem>>) src(%dma_wait3A_501 : memref<128x32xf32, #tpu.memory_space<vmem>>) dst(%dma_wait3A_507 : memref<10240x32xf32, #tpu.memory_space<vmem_shared>>)
      } else {
      }
      %lt3A_402 = arith.constant 80 : i32
      %lt3A_403 = arith.cmpi slt, %add3A_394, %lt3A_402 : i32
      %convert_element_type3A_404 = arith.extui %lt3A_403 : i1 to i32
      %cond3A_405 = arith.constant 0 : i32
      %cond3A_406 = arith.cmpi ne, %convert_element_type3A_404, %cond3A_405 : i32
      scf.if %cond3A_406 {
        %min3A = arith.constant 79 : i32
        %min3A_495 = arith.minsi %add3A_394, %min3A : i32
        %dma_start3A_496 = arith.constant 1 : i32
        %dma_start3A_497 = arith.constant 1 : i32
        %dma_start3A_498 = arith.constant 0 : i32
        %dma_start3A_499 = arith.constant 0 : i32
        %dma_start3A_500 = tpu.memref_slice %arg9[%dma_start3A_496, %dma_start3A_498, %dma_start3A_499] : memref<8x128x32xf32, #tpu.memory_space<vmem>> -> memref<1x128x32xf32, #tpu.memory_space<vmem>>
        %dma_start3A_501 = tpu.memref_squeeze %dma_start3A_500 : memref<1x128x32xf32, #tpu.memory_space<vmem>> -> memref<128x32xf32, #tpu.memory_space<vmem>>
        %dma_start3A_502 = arith.constant 0 : i32
        %dma_start3A_503 = tpu.memref_slice %arg7[%min3A_495, %dma_start3A_502] : memref<80x128xi32, #tpu.memory_space<vmem>> -> memref<1x128xi32, #tpu.memory_space<vmem>>
        %dma_start3A_504 = tpu.memref_squeeze %dma_start3A_503 : memref<1x128xi32, #tpu.memory_space<vmem>> -> memref<128xi32, #tpu.memory_space<vmem>>
        %dma_start3A_505 = arith.constant 0 : i32
        %dma_start3A_506 = arith.constant 0 : i32
        %dma_start3A_507 = tpu.memref_slice %arg2[%dma_start3A_505, %dma_start3A_506] : memref<10240x32xf32, #tpu.memory_space<hbm>> -> memref<10240x32xf32, #tpu.memory_space<hbm>>
        %dma_start3A_508 = tpu.memref_slice %arg11[%dma_start3A_497] : memref<8x!tpu.dma_semaphore, #tpu.memory_space<semaphore_mem>> -> memref<1x!tpu.dma_semaphore, #tpu.memory_space<semaphore_mem>>
        %dma_start3A_509 = tpu.memref_squeeze %dma_start3A_508 : memref<1x!tpu.dma_semaphore, #tpu.memory_space<semaphore_mem>> -> memref<!tpu.dma_semaphore, #tpu.memory_space<semaphore_mem>>
        tpu.enqueue_indirect_dma source(%dma_start3A_507 : memref<10240x32xf32, #tpu.memory_space<hbm>>) target(%dma_start3A_501 : memref<128x32xf32, #tpu.memory_space<vmem>>) offsets(%dma_start3A_504 : memref<128xi32, #tpu.memory_space<vmem>>) semaphore(%dma_start3A_509 : memref<!tpu.dma_semaphore, #tpu.memory_space<semaphore_mem>>)
      } else {
      }
      %add3A_407 = arith.constant 6 : i32
      %add3A_408 = arith.addi %mul3A_145, %add3A_407 : i32
      %dma_wait3A_409 = arith.constant 6 : i32
      %dma_wait3A_410 = arith.constant 6 : i32
      %dma_wait3A_411 = arith.constant 0 : i32
      %dma_wait3A_412 = arith.constant 0 : i32
      %dma_wait3A_413 = tpu.memref_slice %arg9[%dma_wait3A_409, %dma_wait3A_411, %dma_wait3A_412] : memref<8x128x32xf32, #tpu.memory_space<vmem>> -> memref<1x128x32xf32, #tpu.memory_space<vmem>>
      %dma_wait3A_414 = tpu.memref_squeeze %dma_wait3A_413 : memref<1x128x32xf32, #tpu.memory_space<vmem>> -> memref<128x32xf32, #tpu.memory_space<vmem>>
      %dma_wait3A_415 = arith.constant 0 : i32
      %dma_wait3A_416 = tpu.memref_slice %arg7[%add3A_408, %dma_wait3A_415] : memref<80x128xi32, #tpu.memory_space<vmem>> -> memref<1x128xi32, #tpu.memory_space<vmem>>
      %dma_wait3A_417 = tpu.memref_squeeze %dma_wait3A_416 : memref<1x128xi32, #tpu.memory_space<vmem>> -> memref<128xi32, #tpu.memory_space<vmem>>
      %dma_wait3A_418 = arith.constant 0 : i32
      %dma_wait3A_419 = arith.constant 0 : i32
      %dma_wait3A_420 = tpu.memref_slice %arg2[%dma_wait3A_418, %dma_wait3A_419] : memref<10240x32xf32, #tpu.memory_space<hbm>> -> memref<10240x32xf32, #tpu.memory_space<hbm>>
      %dma_wait3A_421 = tpu.memref_slice %arg11[%dma_wait3A_410] : memref<8x!tpu.dma_semaphore, #tpu.memory_space<semaphore_mem>> -> memref<1x!tpu.dma_semaphore, #tpu.memory_space<semaphore_mem>>
      %dma_wait3A_422 = tpu.memref_squeeze %dma_wait3A_421 : memref<1x!tpu.dma_semaphore, #tpu.memory_space<semaphore_mem>> -> memref<!tpu.dma_semaphore, #tpu.memory_space<semaphore_mem>>
      tpu.wait_indirect_dma semaphore(%dma_wait3A_422 : memref<!tpu.dma_semaphore, #tpu.memory_space<semaphore_mem>>) src(%dma_wait3A_420 : memref<10240x32xf32, #tpu.memory_space<hbm>>) dst(%dma_wait3A_414 : memref<128x32xf32, #tpu.memory_space<vmem>>)
      %dma_start3A_423 = arith.constant 6 : i32
      %dma_start3A_424 = arith.constant 6 : i32
      %dma_start3A_425 = arith.constant 0 : i32
      %dma_start3A_426 = arith.constant 0 : i32
      %dma_start3A_427 = tpu.memref_slice %arg9[%dma_start3A_423, %dma_start3A_425, %dma_start3A_426] : memref<8x128x32xf32, #tpu.memory_space<vmem>> -> memref<1x128x32xf32, #tpu.memory_space<vmem>>
      %dma_start3A_428 = tpu.memref_squeeze %dma_start3A_427 : memref<1x128x32xf32, #tpu.memory_space<vmem>> -> memref<128x32xf32, #tpu.memory_space<vmem>>
      %dma_start3A_429 = arith.constant 0 : i32
      %dma_start3A_430 = tpu.memref_slice %arg8[%add3A_408, %dma_start3A_429] : memref<80x128xi32, #tpu.memory_space<vmem>> -> memref<1x128xi32, #tpu.memory_space<vmem>>
      %dma_start3A_431 = tpu.memref_squeeze %dma_start3A_430 : memref<1x128xi32, #tpu.memory_space<vmem>> -> memref<128xi32, #tpu.memory_space<vmem>>
      %dma_start3A_432 = arith.constant 0 : i32
      %dma_start3A_433 = arith.constant 0 : i32
      %dma_start3A_434 = tpu.memref_slice %arg10[%dma_start3A_432, %dma_start3A_433] : memref<10240x32xf32, #tpu.memory_space<vmem_shared>> -> memref<10240x32xf32, #tpu.memory_space<vmem_shared>>
      %dma_start3A_435 = tpu.memref_slice %arg12[%dma_start3A_424] : memref<8x!tpu.dma_semaphore, #tpu.memory_space<semaphore_mem>> -> memref<1x!tpu.dma_semaphore, #tpu.memory_space<semaphore_mem>>
      %dma_start3A_436 = tpu.memref_squeeze %dma_start3A_435 : memref<1x!tpu.dma_semaphore, #tpu.memory_space<semaphore_mem>> -> memref<!tpu.dma_semaphore, #tpu.memory_space<semaphore_mem>>
      tpu.enqueue_indirect_dma source(%dma_start3A_428 : memref<128x32xf32, #tpu.memory_space<vmem>>) target(%dma_start3A_434 : memref<10240x32xf32, #tpu.memory_space<vmem_shared>>) offsets(%dma_start3A_431 : memref<128xi32, #tpu.memory_space<vmem>>) semaphore(%dma_start3A_436 : memref<!tpu.dma_semaphore, #tpu.memory_space<semaphore_mem>>) {add = true}
      %add3A_437 = arith.constant 4 : i32
      %add3A_438 = arith.addi %add3A_408, %add3A_437 : i32
      %sub3A_439 = arith.constant 8 : i32
      %sub3A_440 = arith.subi %add3A_438, %sub3A_439 : i32
      %ge3A_441 = arith.constant 0 : i32
      %ge3A_442 = arith.cmpi sge, %sub3A_440, %ge3A_441 : i32
      %convert_element_type3A_443 = arith.extui %ge3A_442 : i1 to i32
      %cond3A_444 = arith.constant 0 : i32
      %cond3A_445 = arith.cmpi ne, %convert_element_type3A_443, %cond3A_444 : i32
      scf.if %cond3A_445 {
        %max3A = arith.constant 0 : i32
        %max3A_495 = arith.maxsi %sub3A_440, %max3A : i32
        %dma_wait3A_496 = arith.constant 2 : i32
        %dma_wait3A_497 = arith.constant 2 : i32
        %dma_wait3A_498 = arith.constant 0 : i32
        %dma_wait3A_499 = arith.constant 0 : i32
        %dma_wait3A_500 = tpu.memref_slice %arg9[%dma_wait3A_496, %dma_wait3A_498, %dma_wait3A_499] : memref<8x128x32xf32, #tpu.memory_space<vmem>> -> memref<1x128x32xf32, #tpu.memory_space<vmem>>
        %dma_wait3A_501 = tpu.memref_squeeze %dma_wait3A_500 : memref<1x128x32xf32, #tpu.memory_space<vmem>> -> memref<128x32xf32, #tpu.memory_space<vmem>>
        %dma_wait3A_502 = arith.constant 0 : i32
        %dma_wait3A_503 = tpu.memref_slice %arg8[%max3A_495, %dma_wait3A_502] : memref<80x128xi32, #tpu.memory_space<vmem>> -> memref<1x128xi32, #tpu.memory_space<vmem>>
        %dma_wait3A_504 = tpu.memref_squeeze %dma_wait3A_503 : memref<1x128xi32, #tpu.memory_space<vmem>> -> memref<128xi32, #tpu.memory_space<vmem>>
        %dma_wait3A_505 = arith.constant 0 : i32
        %dma_wait3A_506 = arith.constant 0 : i32
        %dma_wait3A_507 = tpu.memref_slice %arg10[%dma_wait3A_505, %dma_wait3A_506] : memref<10240x32xf32, #tpu.memory_space<vmem_shared>> -> memref<10240x32xf32, #tpu.memory_space<vmem_shared>>
        %dma_wait3A_508 = tpu.memref_slice %arg12[%dma_wait3A_497] : memref<8x!tpu.dma_semaphore, #tpu.memory_space<semaphore_mem>> -> memref<1x!tpu.dma_semaphore, #tpu.memory_space<semaphore_mem>>
        %dma_wait3A_509 = tpu.memref_squeeze %dma_wait3A_508 : memref<1x!tpu.dma_semaphore, #tpu.memory_space<semaphore_mem>> -> memref<!tpu.dma_semaphore, #tpu.memory_space<semaphore_mem>>
        tpu.wait_indirect_dma semaphore(%dma_wait3A_509 : memref<!tpu.dma_semaphore, #tpu.memory_space<semaphore_mem>>) src(%dma_wait3A_501 : memref<128x32xf32, #tpu.memory_space<vmem>>) dst(%dma_wait3A_507 : memref<10240x32xf32, #tpu.memory_space<vmem_shared>>)
      } else {
      }
      %lt3A_446 = arith.constant 80 : i32
      %lt3A_447 = arith.cmpi slt, %add3A_438, %lt3A_446 : i32
      %convert_element_type3A_448 = arith.extui %lt3A_447 : i1 to i32
      %cond3A_449 = arith.constant 0 : i32
      %cond3A_450 = arith.cmpi ne, %convert_element_type3A_448, %cond3A_449 : i32
      scf.if %cond3A_450 {
        %min3A = arith.constant 79 : i32
        %min3A_495 = arith.minsi %add3A_438, %min3A : i32
        %dma_start3A_496 = arith.constant 2 : i32
        %dma_start3A_497 = arith.constant 2 : i32
        %dma_start3A_498 = arith.constant 0 : i32
        %dma_start3A_499 = arith.constant 0 : i32
        %dma_start3A_500 = tpu.memref_slice %arg9[%dma_start3A_496, %dma_start3A_498, %dma_start3A_499] : memref<8x128x32xf32, #tpu.memory_space<vmem>> -> memref<1x128x32xf32, #tpu.memory_space<vmem>>
        %dma_start3A_501 = tpu.memref_squeeze %dma_start3A_500 : memref<1x128x32xf32, #tpu.memory_space<vmem>> -> memref<128x32xf32, #tpu.memory_space<vmem>>
        %dma_start3A_502 = arith.constant 0 : i32
        %dma_start3A_503 = tpu.memref_slice %arg7[%min3A_495, %dma_start3A_502] : memref<80x128xi32, #tpu.memory_space<vmem>> -> memref<1x128xi32, #tpu.memory_space<vmem>>
        %dma_start3A_504 = tpu.memref_squeeze %dma_start3A_503 : memref<1x128xi32, #tpu.memory_space<vmem>> -> memref<128xi32, #tpu.memory_space<vmem>>
        %dma_start3A_505 = arith.constant 0 : i32
        %dma_start3A_506 = arith.constant 0 : i32
        %dma_start3A_507 = tpu.memref_slice %arg2[%dma_start3A_505, %dma_start3A_506] : memref<10240x32xf32, #tpu.memory_space<hbm>> -> memref<10240x32xf32, #tpu.memory_space<hbm>>
        %dma_start3A_508 = tpu.memref_slice %arg11[%dma_start3A_497] : memref<8x!tpu.dma_semaphore, #tpu.memory_space<semaphore_mem>> -> memref<1x!tpu.dma_semaphore, #tpu.memory_space<semaphore_mem>>
        %dma_start3A_509 = tpu.memref_squeeze %dma_start3A_508 : memref<1x!tpu.dma_semaphore, #tpu.memory_space<semaphore_mem>> -> memref<!tpu.dma_semaphore, #tpu.memory_space<semaphore_mem>>
        tpu.enqueue_indirect_dma source(%dma_start3A_507 : memref<10240x32xf32, #tpu.memory_space<hbm>>) target(%dma_start3A_501 : memref<128x32xf32, #tpu.memory_space<vmem>>) offsets(%dma_start3A_504 : memref<128xi32, #tpu.memory_space<vmem>>) semaphore(%dma_start3A_509 : memref<!tpu.dma_semaphore, #tpu.memory_space<semaphore_mem>>)
      } else {
      }
      %add3A_451 = arith.constant 7 : i32
      %add3A_452 = arith.addi %mul3A_145, %add3A_451 : i32
      %dma_wait3A_453 = arith.constant 7 : i32
      %dma_wait3A_454 = arith.constant 7 : i32
      %dma_wait3A_455 = arith.constant 0 : i32
      %dma_wait3A_456 = arith.constant 0 : i32
      %dma_wait3A_457 = tpu.memref_slice %arg9[%dma_wait3A_453, %dma_wait3A_455, %dma_wait3A_456] : memref<8x128x32xf32, #tpu.memory_space<vmem>> -> memref<1x128x32xf32, #tpu.memory_space<vmem>>
      %dma_wait3A_458 = tpu.memref_squeeze %dma_wait3A_457 : memref<1x128x32xf32, #tpu.memory_space<vmem>> -> memref<128x32xf32, #tpu.memory_space<vmem>>
      %dma_wait3A_459 = arith.constant 0 : i32
      %dma_wait3A_460 = tpu.memref_slice %arg7[%add3A_452, %dma_wait3A_459] : memref<80x128xi32, #tpu.memory_space<vmem>> -> memref<1x128xi32, #tpu.memory_space<vmem>>
      %dma_wait3A_461 = tpu.memref_squeeze %dma_wait3A_460 : memref<1x128xi32, #tpu.memory_space<vmem>> -> memref<128xi32, #tpu.memory_space<vmem>>
      %dma_wait3A_462 = arith.constant 0 : i32
      %dma_wait3A_463 = arith.constant 0 : i32
      %dma_wait3A_464 = tpu.memref_slice %arg2[%dma_wait3A_462, %dma_wait3A_463] : memref<10240x32xf32, #tpu.memory_space<hbm>> -> memref<10240x32xf32, #tpu.memory_space<hbm>>
      %dma_wait3A_465 = tpu.memref_slice %arg11[%dma_wait3A_454] : memref<8x!tpu.dma_semaphore, #tpu.memory_space<semaphore_mem>> -> memref<1x!tpu.dma_semaphore, #tpu.memory_space<semaphore_mem>>
      %dma_wait3A_466 = tpu.memref_squeeze %dma_wait3A_465 : memref<1x!tpu.dma_semaphore, #tpu.memory_space<semaphore_mem>> -> memref<!tpu.dma_semaphore, #tpu.memory_space<semaphore_mem>>
      tpu.wait_indirect_dma semaphore(%dma_wait3A_466 : memref<!tpu.dma_semaphore, #tpu.memory_space<semaphore_mem>>) src(%dma_wait3A_464 : memref<10240x32xf32, #tpu.memory_space<hbm>>) dst(%dma_wait3A_458 : memref<128x32xf32, #tpu.memory_space<vmem>>)
      %dma_start3A_467 = arith.constant 7 : i32
      %dma_start3A_468 = arith.constant 7 : i32
      %dma_start3A_469 = arith.constant 0 : i32
      %dma_start3A_470 = arith.constant 0 : i32
      %dma_start3A_471 = tpu.memref_slice %arg9[%dma_start3A_467, %dma_start3A_469, %dma_start3A_470] : memref<8x128x32xf32, #tpu.memory_space<vmem>> -> memref<1x128x32xf32, #tpu.memory_space<vmem>>
      %dma_start3A_472 = tpu.memref_squeeze %dma_start3A_471 : memref<1x128x32xf32, #tpu.memory_space<vmem>> -> memref<128x32xf32, #tpu.memory_space<vmem>>
      %dma_start3A_473 = arith.constant 0 : i32
      %dma_start3A_474 = tpu.memref_slice %arg8[%add3A_452, %dma_start3A_473] : memref<80x128xi32, #tpu.memory_space<vmem>> -> memref<1x128xi32, #tpu.memory_space<vmem>>
      %dma_start3A_475 = tpu.memref_squeeze %dma_start3A_474 : memref<1x128xi32, #tpu.memory_space<vmem>> -> memref<128xi32, #tpu.memory_space<vmem>>
      %dma_start3A_476 = arith.constant 0 : i32
      %dma_start3A_477 = arith.constant 0 : i32
      %dma_start3A_478 = tpu.memref_slice %arg10[%dma_start3A_476, %dma_start3A_477] : memref<10240x32xf32, #tpu.memory_space<vmem_shared>> -> memref<10240x32xf32, #tpu.memory_space<vmem_shared>>
      %dma_start3A_479 = tpu.memref_slice %arg12[%dma_start3A_468] : memref<8x!tpu.dma_semaphore, #tpu.memory_space<semaphore_mem>> -> memref<1x!tpu.dma_semaphore, #tpu.memory_space<semaphore_mem>>
      %dma_start3A_480 = tpu.memref_squeeze %dma_start3A_479 : memref<1x!tpu.dma_semaphore, #tpu.memory_space<semaphore_mem>> -> memref<!tpu.dma_semaphore, #tpu.memory_space<semaphore_mem>>
      tpu.enqueue_indirect_dma source(%dma_start3A_472 : memref<128x32xf32, #tpu.memory_space<vmem>>) target(%dma_start3A_478 : memref<10240x32xf32, #tpu.memory_space<vmem_shared>>) offsets(%dma_start3A_475 : memref<128xi32, #tpu.memory_space<vmem>>) semaphore(%dma_start3A_480 : memref<!tpu.dma_semaphore, #tpu.memory_space<semaphore_mem>>) {add = true}
      %add3A_481 = arith.constant 4 : i32
      %add3A_482 = arith.addi %add3A_452, %add3A_481 : i32
      %sub3A_483 = arith.constant 8 : i32
      %sub3A_484 = arith.subi %add3A_482, %sub3A_483 : i32
      %ge3A_485 = arith.constant 0 : i32
      %ge3A_486 = arith.cmpi sge, %sub3A_484, %ge3A_485 : i32
      %convert_element_type3A_487 = arith.extui %ge3A_486 : i1 to i32
      %cond3A_488 = arith.constant 0 : i32
      %cond3A_489 = arith.cmpi ne, %convert_element_type3A_487, %cond3A_488 : i32
      scf.if %cond3A_489 {
        %max3A = arith.constant 0 : i32
        %max3A_495 = arith.maxsi %sub3A_484, %max3A : i32
        %dma_wait3A_496 = arith.constant 3 : i32
        %dma_wait3A_497 = arith.constant 3 : i32
        %dma_wait3A_498 = arith.constant 0 : i32
        %dma_wait3A_499 = arith.constant 0 : i32
        %dma_wait3A_500 = tpu.memref_slice %arg9[%dma_wait3A_496, %dma_wait3A_498, %dma_wait3A_499] : memref<8x128x32xf32, #tpu.memory_space<vmem>> -> memref<1x128x32xf32, #tpu.memory_space<vmem>>
        %dma_wait3A_501 = tpu.memref_squeeze %dma_wait3A_500 : memref<1x128x32xf32, #tpu.memory_space<vmem>> -> memref<128x32xf32, #tpu.memory_space<vmem>>
        %dma_wait3A_502 = arith.constant 0 : i32
        %dma_wait3A_503 = tpu.memref_slice %arg8[%max3A_495, %dma_wait3A_502] : memref<80x128xi32, #tpu.memory_space<vmem>> -> memref<1x128xi32, #tpu.memory_space<vmem>>
        %dma_wait3A_504 = tpu.memref_squeeze %dma_wait3A_503 : memref<1x128xi32, #tpu.memory_space<vmem>> -> memref<128xi32, #tpu.memory_space<vmem>>
        %dma_wait3A_505 = arith.constant 0 : i32
        %dma_wait3A_506 = arith.constant 0 : i32
        %dma_wait3A_507 = tpu.memref_slice %arg10[%dma_wait3A_505, %dma_wait3A_506] : memref<10240x32xf32, #tpu.memory_space<vmem_shared>> -> memref<10240x32xf32, #tpu.memory_space<vmem_shared>>
        %dma_wait3A_508 = tpu.memref_slice %arg12[%dma_wait3A_497] : memref<8x!tpu.dma_semaphore, #tpu.memory_space<semaphore_mem>> -> memref<1x!tpu.dma_semaphore, #tpu.memory_space<semaphore_mem>>
        %dma_wait3A_509 = tpu.memref_squeeze %dma_wait3A_508 : memref<1x!tpu.dma_semaphore, #tpu.memory_space<semaphore_mem>> -> memref<!tpu.dma_semaphore, #tpu.memory_space<semaphore_mem>>
        tpu.wait_indirect_dma semaphore(%dma_wait3A_509 : memref<!tpu.dma_semaphore, #tpu.memory_space<semaphore_mem>>) src(%dma_wait3A_501 : memref<128x32xf32, #tpu.memory_space<vmem>>) dst(%dma_wait3A_507 : memref<10240x32xf32, #tpu.memory_space<vmem_shared>>)
      } else {
      }
      %lt3A_490 = arith.constant 80 : i32
      %lt3A_491 = arith.cmpi slt, %add3A_482, %lt3A_490 : i32
      %convert_element_type3A_492 = arith.extui %lt3A_491 : i1 to i32
      %cond3A_493 = arith.constant 0 : i32
      %cond3A_494 = arith.cmpi ne, %convert_element_type3A_492, %cond3A_493 : i32
      scf.if %cond3A_494 {
        %min3A = arith.constant 79 : i32
        %min3A_495 = arith.minsi %add3A_482, %min3A : i32
        %dma_start3A_496 = arith.constant 3 : i32
        %dma_start3A_497 = arith.constant 3 : i32
        %dma_start3A_498 = arith.constant 0 : i32
        %dma_start3A_499 = arith.constant 0 : i32
        %dma_start3A_500 = tpu.memref_slice %arg9[%dma_start3A_496, %dma_start3A_498, %dma_start3A_499] : memref<8x128x32xf32, #tpu.memory_space<vmem>> -> memref<1x128x32xf32, #tpu.memory_space<vmem>>
        %dma_start3A_501 = tpu.memref_squeeze %dma_start3A_500 : memref<1x128x32xf32, #tpu.memory_space<vmem>> -> memref<128x32xf32, #tpu.memory_space<vmem>>
        %dma_start3A_502 = arith.constant 0 : i32
        %dma_start3A_503 = tpu.memref_slice %arg7[%min3A_495, %dma_start3A_502] : memref<80x128xi32, #tpu.memory_space<vmem>> -> memref<1x128xi32, #tpu.memory_space<vmem>>
        %dma_start3A_504 = tpu.memref_squeeze %dma_start3A_503 : memref<1x128xi32, #tpu.memory_space<vmem>> -> memref<128xi32, #tpu.memory_space<vmem>>
        %dma_start3A_505 = arith.constant 0 : i32
        %dma_start3A_506 = arith.constant 0 : i32
        %dma_start3A_507 = tpu.memref_slice %arg2[%dma_start3A_505, %dma_start3A_506] : memref<10240x32xf32, #tpu.memory_space<hbm>> -> memref<10240x32xf32, #tpu.memory_space<hbm>>
        %dma_start3A_508 = tpu.memref_slice %arg11[%dma_start3A_497] : memref<8x!tpu.dma_semaphore, #tpu.memory_space<semaphore_mem>> -> memref<1x!tpu.dma_semaphore, #tpu.memory_space<semaphore_mem>>
        %dma_start3A_509 = tpu.memref_squeeze %dma_start3A_508 : memref<1x!tpu.dma_semaphore, #tpu.memory_space<semaphore_mem>> -> memref<!tpu.dma_semaphore, #tpu.memory_space<semaphore_mem>>
        tpu.enqueue_indirect_dma source(%dma_start3A_507 : memref<10240x32xf32, #tpu.memory_space<hbm>>) target(%dma_start3A_501 : memref<128x32xf32, #tpu.memory_space<vmem>>) offsets(%dma_start3A_504 : memref<128xi32, #tpu.memory_space<vmem>>) semaphore(%dma_start3A_509 : memref<!tpu.dma_semaphore, #tpu.memory_space<semaphore_mem>>)
      } else {
      }
    }
    %scan3A_82 = arith.constant 10 : i32
    %dma_wait3A = arith.constant 4 : i32
    %dma_wait3A_83 = arith.constant 76 : i32
    %dma_wait3A_84 = arith.constant 4 : i32
    %dma_wait3A_85 = arith.constant 0 : i32
    %dma_wait3A_86 = arith.constant 0 : i32
    %dma_wait3A_87 = tpu.memref_slice %arg9[%dma_wait3A, %dma_wait3A_85, %dma_wait3A_86] : memref<8x128x32xf32, #tpu.memory_space<vmem>> -> memref<1x128x32xf32, #tpu.memory_space<vmem>>
    %dma_wait3A_88 = tpu.memref_squeeze %dma_wait3A_87 : memref<1x128x32xf32, #tpu.memory_space<vmem>> -> memref<128x32xf32, #tpu.memory_space<vmem>>
    %dma_wait3A_89 = arith.constant 0 : i32
    %dma_wait3A_90 = tpu.memref_slice %arg8[%dma_wait3A_83, %dma_wait3A_89] : memref<80x128xi32, #tpu.memory_space<vmem>> -> memref<1x128xi32, #tpu.memory_space<vmem>>
    %dma_wait3A_91 = tpu.memref_squeeze %dma_wait3A_90 : memref<1x128xi32, #tpu.memory_space<vmem>> -> memref<128xi32, #tpu.memory_space<vmem>>
    %dma_wait3A_92 = arith.constant 0 : i32
    %dma_wait3A_93 = arith.constant 0 : i32
    %dma_wait3A_94 = tpu.memref_slice %arg10[%dma_wait3A_92, %dma_wait3A_93] : memref<10240x32xf32, #tpu.memory_space<vmem_shared>> -> memref<10240x32xf32, #tpu.memory_space<vmem_shared>>
    %dma_wait3A_95 = tpu.memref_slice %arg12[%dma_wait3A_84] : memref<8x!tpu.dma_semaphore, #tpu.memory_space<semaphore_mem>> -> memref<1x!tpu.dma_semaphore, #tpu.memory_space<semaphore_mem>>
    %dma_wait3A_96 = tpu.memref_squeeze %dma_wait3A_95 : memref<1x!tpu.dma_semaphore, #tpu.memory_space<semaphore_mem>> -> memref<!tpu.dma_semaphore, #tpu.memory_space<semaphore_mem>>
    tpu.wait_indirect_dma semaphore(%dma_wait3A_96 : memref<!tpu.dma_semaphore, #tpu.memory_space<semaphore_mem>>) src(%dma_wait3A_88 : memref<128x32xf32, #tpu.memory_space<vmem>>) dst(%dma_wait3A_94 : memref<10240x32xf32, #tpu.memory_space<vmem_shared>>)
    %dma_wait3A_97 = arith.constant 5 : i32
    %dma_wait3A_98 = arith.constant 77 : i32
    %dma_wait3A_99 = arith.constant 5 : i32
    %dma_wait3A_100 = arith.constant 0 : i32
    %dma_wait3A_101 = arith.constant 0 : i32
    %dma_wait3A_102 = tpu.memref_slice %arg9[%dma_wait3A_97, %dma_wait3A_100, %dma_wait3A_101] : memref<8x128x32xf32, #tpu.memory_space<vmem>> -> memref<1x128x32xf32, #tpu.memory_space<vmem>>
    %dma_wait3A_103 = tpu.memref_squeeze %dma_wait3A_102 : memref<1x128x32xf32, #tpu.memory_space<vmem>> -> memref<128x32xf32, #tpu.memory_space<vmem>>
    %dma_wait3A_104 = arith.constant 0 : i32
    %dma_wait3A_105 = tpu.memref_slice %arg8[%dma_wait3A_98, %dma_wait3A_104] : memref<80x128xi32, #tpu.memory_space<vmem>> -> memref<1x128xi32, #tpu.memory_space<vmem>>
    %dma_wait3A_106 = tpu.memref_squeeze %dma_wait3A_105 : memref<1x128xi32, #tpu.memory_space<vmem>> -> memref<128xi32, #tpu.memory_space<vmem>>
    %dma_wait3A_107 = arith.constant 0 : i32
    %dma_wait3A_108 = arith.constant 0 : i32
    %dma_wait3A_109 = tpu.memref_slice %arg10[%dma_wait3A_107, %dma_wait3A_108] : memref<10240x32xf32, #tpu.memory_space<vmem_shared>> -> memref<10240x32xf32, #tpu.memory_space<vmem_shared>>
    %dma_wait3A_110 = tpu.memref_slice %arg12[%dma_wait3A_99] : memref<8x!tpu.dma_semaphore, #tpu.memory_space<semaphore_mem>> -> memref<1x!tpu.dma_semaphore, #tpu.memory_space<semaphore_mem>>
    %dma_wait3A_111 = tpu.memref_squeeze %dma_wait3A_110 : memref<1x!tpu.dma_semaphore, #tpu.memory_space<semaphore_mem>> -> memref<!tpu.dma_semaphore, #tpu.memory_space<semaphore_mem>>
    tpu.wait_indirect_dma semaphore(%dma_wait3A_111 : memref<!tpu.dma_semaphore, #tpu.memory_space<semaphore_mem>>) src(%dma_wait3A_103 : memref<128x32xf32, #tpu.memory_space<vmem>>) dst(%dma_wait3A_109 : memref<10240x32xf32, #tpu.memory_space<vmem_shared>>)
    %dma_wait3A_112 = arith.constant 6 : i32
    %dma_wait3A_113 = arith.constant 78 : i32
    %dma_wait3A_114 = arith.constant 6 : i32
    %dma_wait3A_115 = arith.constant 0 : i32
    %dma_wait3A_116 = arith.constant 0 : i32
    %dma_wait3A_117 = tpu.memref_slice %arg9[%dma_wait3A_112, %dma_wait3A_115, %dma_wait3A_116] : memref<8x128x32xf32, #tpu.memory_space<vmem>> -> memref<1x128x32xf32, #tpu.memory_space<vmem>>
    %dma_wait3A_118 = tpu.memref_squeeze %dma_wait3A_117 : memref<1x128x32xf32, #tpu.memory_space<vmem>> -> memref<128x32xf32, #tpu.memory_space<vmem>>
    %dma_wait3A_119 = arith.constant 0 : i32
    %dma_wait3A_120 = tpu.memref_slice %arg8[%dma_wait3A_113, %dma_wait3A_119] : memref<80x128xi32, #tpu.memory_space<vmem>> -> memref<1x128xi32, #tpu.memory_space<vmem>>
    %dma_wait3A_121 = tpu.memref_squeeze %dma_wait3A_120 : memref<1x128xi32, #tpu.memory_space<vmem>> -> memref<128xi32, #tpu.memory_space<vmem>>
    %dma_wait3A_122 = arith.constant 0 : i32
    %dma_wait3A_123 = arith.constant 0 : i32
    %dma_wait3A_124 = tpu.memref_slice %arg10[%dma_wait3A_122, %dma_wait3A_123] : memref<10240x32xf32, #tpu.memory_space<vmem_shared>> -> memref<10240x32xf32, #tpu.memory_space<vmem_shared>>
    %dma_wait3A_125 = tpu.memref_slice %arg12[%dma_wait3A_114] : memref<8x!tpu.dma_semaphore, #tpu.memory_space<semaphore_mem>> -> memref<1x!tpu.dma_semaphore, #tpu.memory_space<semaphore_mem>>
    %dma_wait3A_126 = tpu.memref_squeeze %dma_wait3A_125 : memref<1x!tpu.dma_semaphore, #tpu.memory_space<semaphore_mem>> -> memref<!tpu.dma_semaphore, #tpu.memory_space<semaphore_mem>>
    tpu.wait_indirect_dma semaphore(%dma_wait3A_126 : memref<!tpu.dma_semaphore, #tpu.memory_space<semaphore_mem>>) src(%dma_wait3A_118 : memref<128x32xf32, #tpu.memory_space<vmem>>) dst(%dma_wait3A_124 : memref<10240x32xf32, #tpu.memory_space<vmem_shared>>)
    %dma_wait3A_127 = arith.constant 7 : i32
    %dma_wait3A_128 = arith.constant 79 : i32
    %dma_wait3A_129 = arith.constant 7 : i32
    %dma_wait3A_130 = arith.constant 0 : i32
    %dma_wait3A_131 = arith.constant 0 : i32
    %dma_wait3A_132 = tpu.memref_slice %arg9[%dma_wait3A_127, %dma_wait3A_130, %dma_wait3A_131] : memref<8x128x32xf32, #tpu.memory_space<vmem>> -> memref<1x128x32xf32, #tpu.memory_space<vmem>>
    %dma_wait3A_133 = tpu.memref_squeeze %dma_wait3A_132 : memref<1x128x32xf32, #tpu.memory_space<vmem>> -> memref<128x32xf32, #tpu.memory_space<vmem>>
    %dma_wait3A_134 = arith.constant 0 : i32
    %dma_wait3A_135 = tpu.memref_slice %arg8[%dma_wait3A_128, %dma_wait3A_134] : memref<80x128xi32, #tpu.memory_space<vmem>> -> memref<1x128xi32, #tpu.memory_space<vmem>>
    %dma_wait3A_136 = tpu.memref_squeeze %dma_wait3A_135 : memref<1x128xi32, #tpu.memory_space<vmem>> -> memref<128xi32, #tpu.memory_space<vmem>>
    %dma_wait3A_137 = arith.constant 0 : i32
    %dma_wait3A_138 = arith.constant 0 : i32
    %dma_wait3A_139 = tpu.memref_slice %arg10[%dma_wait3A_137, %dma_wait3A_138] : memref<10240x32xf32, #tpu.memory_space<vmem_shared>> -> memref<10240x32xf32, #tpu.memory_space<vmem_shared>>
    %dma_wait3A_140 = tpu.memref_slice %arg12[%dma_wait3A_129] : memref<8x!tpu.dma_semaphore, #tpu.memory_space<semaphore_mem>> -> memref<1x!tpu.dma_semaphore, #tpu.memory_space<semaphore_mem>>
    %dma_wait3A_141 = tpu.memref_squeeze %dma_wait3A_140 : memref<1x!tpu.dma_semaphore, #tpu.memory_space<semaphore_mem>> -> memref<!tpu.dma_semaphore, #tpu.memory_space<semaphore_mem>>
    tpu.wait_indirect_dma semaphore(%dma_wait3A_141 : memref<!tpu.dma_semaphore, #tpu.memory_space<semaphore_mem>>) src(%dma_wait3A_133 : memref<128x32xf32, #tpu.memory_space<vmem>>) dst(%dma_wait3A_139 : memref<10240x32xf32, #tpu.memory_space<vmem_shared>>)
    %barrier3A_142 = arith.constant 0 : index
    tpu.barrier barrier_id(%barrier3A_142)
    "tpu.region"() ({
      %run_scoped3A = tpu.sem_alloc : memref<!tpu.dma_semaphore, #tpu.memory_space<semaphore_mem>>
      %dma_start3A_143 = arith.constant 0 : i32
      %dma_start3A_144 = tpu.memref_slice %arg6[%arg0, %mul3A_5, %dma_start3A_143] : memref<2x10240x32xf32, #tpu.memory_space<hbm>> -> memref<1x640x32xf32, #tpu.memory_space<hbm>>
      %dma_start3A_145 = tpu.memref_squeeze %dma_start3A_144 : memref<1x640x32xf32, #tpu.memory_space<hbm>> -> memref<640x32xf32, #tpu.memory_space<hbm>>
      %dma_start3A_146 = arith.constant 0 : i32
      %dma_start3A_147 = tpu.memref_slice %arg10[%mul3A_5, %dma_start3A_146] : memref<10240x32xf32, #tpu.memory_space<vmem_shared>> -> memref<640x32xf32, #tpu.memory_space<vmem_shared>>
      tpu.enqueue_dma source(%dma_start3A_147 : memref<640x32xf32, #tpu.memory_space<vmem_shared>>) target(%dma_start3A_145 : memref<640x32xf32, #tpu.memory_space<hbm>>) target_semaphore(%run_scoped3A : memref<!tpu.dma_semaphore, #tpu.memory_space<semaphore_mem>>)
      %dma_wait3A_148 = arith.constant 0 : i32
      %dma_wait3A_149 = tpu.memref_slice %arg6[%arg0, %mul3A_5, %dma_wait3A_148] : memref<2x10240x32xf32, #tpu.memory_space<hbm>> -> memref<1x640x32xf32, #tpu.memory_space<hbm>>
      %dma_wait3A_150 = tpu.memref_squeeze %dma_wait3A_149 : memref<1x640x32xf32, #tpu.memory_space<hbm>> -> memref<640x32xf32, #tpu.memory_space<hbm>>
      %dma_wait3A_151 = arith.constant 0 : i32
      %dma_wait3A_152 = tpu.memref_slice %arg10[%mul3A_5, %dma_wait3A_151] : memref<10240x32xf32, #tpu.memory_space<vmem_shared>> -> memref<640x32xf32, #tpu.memory_space<vmem_shared>>
      tpu.wait_dma2 semaphore(%run_scoped3A : memref<!tpu.dma_semaphore, #tpu.memory_space<semaphore_mem>>) src(%dma_wait3A_152 : memref<640x32xf32, #tpu.memory_space<vmem_shared>>) dst(%dma_wait3A_150 : memref<640x32xf32, #tpu.memory_space<hbm>>)
      tpu.yield
    }) : () -> ()
    return
  }
}

#map = affine_map<(d0, d1) -> (0, 0)>
#map1 = affine_map<(d0, d1) -> (0, 0, 0)>
module attributes {stable_mosaic.version = 14 : i64} {
  func.func @agg_kernel(%arg0: i32, %arg1: i32, %arg2: memref<10240x64xf32, #tpu.memory_space<hbm>>, %arg3: memref<2x2500x128xi32, #tpu.memory_space<hbm>>, %arg4: memref<64x128xi32, #tpu.memory_space<hbm>>, %arg5: memref<10240x64xf32, #tpu.memory_space<hbm>>, %arg6: memref<2x10240x64xf32, #tpu.memory_space<hbm>>, %arg7: memref<80x128xi32, #tpu.memory_space<vmem>>, %arg8: memref<80x128xi32, #tpu.memory_space<vmem>>, %arg9: memref<8x128x64xf32, #tpu.memory_space<vmem>>, %arg10: memref<10240x64xf32, #tpu.memory_space<vmem_shared>>, %arg11: memref<8x!tpu.dma_semaphore, #tpu.memory_space<semaphore_mem>>, %arg12: memref<8x!tpu.dma_semaphore, #tpu.memory_space<semaphore_mem>>) attributes {dimension_semantics = [#tpu.dimension_semantics<core_parallel>, #tpu.dimension_semantics<subcore_parallel>], iteration_bounds = array<i64: 2, 16>, scalar_prefetch = 0 : i64, scratch_operands = 6 : i64, tpu.core_type = #tpu.core_type<sc_vector_subcore>, window_params = [{transform_indices = #map}, {transform_indices = #map1}, {transform_indices = #map}, {transform_indices = #map}, {transform_indices = #map1}]} {
    %mul3A = arith.constant 16 : i32
    %mul3A_0 = arith.muli %arg0, %mul3A : i32
    %add3A = arith.addi %mul3A_0, %arg1 : i32
    %eq3A = arith.constant 1 : i32
    %eq3A_1 = arith.cmpi eq, %arg0, %eq3A : i32
    %eq3A_2 = arith.constant 15 : i32
    %eq3A_3 = arith.cmpi eq, %arg1, %eq3A_2 : i32
    %and3A = arith.andi %eq3A_1, %eq3A_3 : i1
    %mul3A_4 = arith.constant 640 : i32
    %mul3A_5 = arith.muli %arg1, %mul3A_4 : i32
    "tpu.region"() ({
      %run_scoped3A = tpu.sem_alloc : memref<!tpu.dma_semaphore, #tpu.memory_space<semaphore_mem>>
      %dma_start3A_143 = arith.constant 0 : i32
      %dma_start3A_144 = tpu.memref_slice %arg10[%mul3A_5, %dma_start3A_143] : memref<10240x64xf32, #tpu.memory_space<vmem_shared>> -> memref<640x64xf32, #tpu.memory_space<vmem_shared>>
      %dma_start3A_145 = arith.constant 0 : i32
      %dma_start3A_146 = tpu.memref_slice %arg5[%mul3A_5, %dma_start3A_145] : memref<10240x64xf32, #tpu.memory_space<hbm>> -> memref<640x64xf32, #tpu.memory_space<hbm>>
      tpu.enqueue_dma source(%dma_start3A_146 : memref<640x64xf32, #tpu.memory_space<hbm>>) target(%dma_start3A_144 : memref<640x64xf32, #tpu.memory_space<vmem_shared>>) target_semaphore(%run_scoped3A : memref<!tpu.dma_semaphore, #tpu.memory_space<semaphore_mem>>)
      %dma_wait3A_147 = arith.constant 0 : i32
      %dma_wait3A_148 = tpu.memref_slice %arg10[%mul3A_5, %dma_wait3A_147] : memref<10240x64xf32, #tpu.memory_space<vmem_shared>> -> memref<640x64xf32, #tpu.memory_space<vmem_shared>>
      %dma_wait3A_149 = arith.constant 0 : i32
      %dma_wait3A_150 = tpu.memref_slice %arg5[%mul3A_5, %dma_wait3A_149] : memref<10240x64xf32, #tpu.memory_space<hbm>> -> memref<640x64xf32, #tpu.memory_space<hbm>>
      tpu.wait_dma2 semaphore(%run_scoped3A : memref<!tpu.dma_semaphore, #tpu.memory_space<semaphore_mem>>) src(%dma_wait3A_150 : memref<640x64xf32, #tpu.memory_space<hbm>>) dst(%dma_wait3A_148 : memref<640x64xf32, #tpu.memory_space<vmem_shared>>)
      tpu.yield
    }) : () -> ()
    %not3A = arith.constant true
    %not3A_6 = arith.xori %and3A, %not3A : i1
    %convert_element_type3A = arith.extui %not3A_6 : i1 to i32
    %cond3A = arith.constant 0 : i32
    %cond3A_7 = arith.cmpi ne, %convert_element_type3A, %cond3A : i32
    scf.if %cond3A_7 {
      %mul3A_143 = arith.constant 80 : i32
      %mul3A_144 = arith.muli %add3A, %mul3A_143 : i32
      %run_scoped3A = arith.constant 0 : i32
      "tpu.region"() ({
        %run_scoped3A_145 = tpu.sem_alloc : memref<!tpu.dma_semaphore, #tpu.memory_space<semaphore_mem>>
        %dma_start3A_146 = arith.constant 0 : i32
        %dma_start3A_147 = tpu.memref_slice %arg3[%run_scoped3A, %mul3A_144, %dma_start3A_146] : memref<2x2500x128xi32, #tpu.memory_space<hbm>> -> memref<1x80x128xi32, #tpu.memory_space<hbm>>
        %dma_start3A_148 = tpu.memref_squeeze %dma_start3A_147 : memref<1x80x128xi32, #tpu.memory_space<hbm>> -> memref<80x128xi32, #tpu.memory_space<hbm>>
        %dma_start3A_149 = arith.constant 0 : i32
        %dma_start3A_150 = tpu.memref_slice %arg3[%run_scoped3A, %mul3A_144, %dma_start3A_149] : memref<2x2500x128xi32, #tpu.memory_space<hbm>> -> memref<1x80x128xi32, #tpu.memory_space<hbm>>
        %dma_start3A_151 = tpu.memref_squeeze %dma_start3A_150 : memref<1x80x128xi32, #tpu.memory_space<hbm>> -> memref<80x128xi32, #tpu.memory_space<hbm>>
        tpu.enqueue_dma source(%dma_start3A_151 : memref<80x128xi32, #tpu.memory_space<hbm>>) target(%arg7 : memref<80x128xi32, #tpu.memory_space<vmem>>) target_semaphore(%run_scoped3A_145 : memref<!tpu.dma_semaphore, #tpu.memory_space<semaphore_mem>>)
        %dma_wait3A_152 = arith.constant 0 : i32
        %dma_wait3A_153 = tpu.memref_slice %arg3[%run_scoped3A, %mul3A_144, %dma_wait3A_152] : memref<2x2500x128xi32, #tpu.memory_space<hbm>> -> memref<1x80x128xi32, #tpu.memory_space<hbm>>
        %dma_wait3A_154 = tpu.memref_squeeze %dma_wait3A_153 : memref<1x80x128xi32, #tpu.memory_space<hbm>> -> memref<80x128xi32, #tpu.memory_space<hbm>>
        %dma_wait3A_155 = arith.constant 0 : i32
        %dma_wait3A_156 = tpu.memref_slice %arg3[%run_scoped3A, %mul3A_144, %dma_wait3A_155] : memref<2x2500x128xi32, #tpu.memory_space<hbm>> -> memref<1x80x128xi32, #tpu.memory_space<hbm>>
        %dma_wait3A_157 = tpu.memref_squeeze %dma_wait3A_156 : memref<1x80x128xi32, #tpu.memory_space<hbm>> -> memref<80x128xi32, #tpu.memory_space<hbm>>
        tpu.wait_dma2 semaphore(%run_scoped3A_145 : memref<!tpu.dma_semaphore, #tpu.memory_space<semaphore_mem>>) src(%dma_wait3A_157 : memref<80x128xi32, #tpu.memory_space<hbm>>) dst(%arg7 : memref<80x128xi32, #tpu.memory_space<vmem>>)
        tpu.yield
      }) : () -> ()
    } else {
    }
    %convert_element_type3A_8 = arith.extui %and3A : i1 to i32
    %cond3A_9 = arith.constant 0 : i32
    %cond3A_10 = arith.cmpi ne, %convert_element_type3A_8, %cond3A_9 : i32
    scf.if %cond3A_10 {
      %run_scoped3A = arith.constant 0 : i32
      "tpu.region"() ({
        %run_scoped3A_143 = tpu.sem_alloc : memref<!tpu.dma_semaphore, #tpu.memory_space<semaphore_mem>>
        %dma_start3A_144 = arith.constant 0 : i32
        %dma_start3A_145 = arith.constant 0 : i32
        %dma_start3A_146 = tpu.memref_slice %arg7[%dma_start3A_144, %dma_start3A_145] : memref<80x128xi32, #tpu.memory_space<vmem>> -> memref<20x128xi32, #tpu.memory_space<vmem>>
        %dma_start3A_147 = arith.constant 2480 : i32
        %dma_start3A_148 = arith.constant 0 : i32
        %dma_start3A_149 = tpu.memref_slice %arg3[%run_scoped3A, %dma_start3A_147, %dma_start3A_148] : memref<2x2500x128xi32, #tpu.memory_space<hbm>> -> memref<1x20x128xi32, #tpu.memory_space<hbm>>
        %dma_start3A_150 = tpu.memref_squeeze %dma_start3A_149 : memref<1x20x128xi32, #tpu.memory_space<hbm>> -> memref<20x128xi32, #tpu.memory_space<hbm>>
        %dma_start3A_151 = arith.constant 0 : i32
        %dma_start3A_152 = arith.constant 0 : i32
        %dma_start3A_153 = tpu.memref_slice %arg7[%dma_start3A_151, %dma_start3A_152] : memref<80x128xi32, #tpu.memory_space<vmem>> -> memref<20x128xi32, #tpu.memory_space<vmem>>
        %dma_start3A_154 = arith.constant 2480 : i32
        %dma_start3A_155 = arith.constant 0 : i32
        %dma_start3A_156 = tpu.memref_slice %arg3[%run_scoped3A, %dma_start3A_154, %dma_start3A_155] : memref<2x2500x128xi32, #tpu.memory_space<hbm>> -> memref<1x20x128xi32, #tpu.memory_space<hbm>>
        %dma_start3A_157 = tpu.memref_squeeze %dma_start3A_156 : memref<1x20x128xi32, #tpu.memory_space<hbm>> -> memref<20x128xi32, #tpu.memory_space<hbm>>
        tpu.enqueue_dma source(%dma_start3A_157 : memref<20x128xi32, #tpu.memory_space<hbm>>) target(%dma_start3A_153 : memref<20x128xi32, #tpu.memory_space<vmem>>) target_semaphore(%run_scoped3A_143 : memref<!tpu.dma_semaphore, #tpu.memory_space<semaphore_mem>>)
        %dma_wait3A_158 = arith.constant 0 : i32
        %dma_wait3A_159 = arith.constant 0 : i32
        %dma_wait3A_160 = tpu.memref_slice %arg7[%dma_wait3A_158, %dma_wait3A_159] : memref<80x128xi32, #tpu.memory_space<vmem>> -> memref<20x128xi32, #tpu.memory_space<vmem>>
        %dma_wait3A_161 = arith.constant 2480 : i32
        %dma_wait3A_162 = arith.constant 0 : i32
        %dma_wait3A_163 = tpu.memref_slice %arg3[%run_scoped3A, %dma_wait3A_161, %dma_wait3A_162] : memref<2x2500x128xi32, #tpu.memory_space<hbm>> -> memref<1x20x128xi32, #tpu.memory_space<hbm>>
        %dma_wait3A_164 = tpu.memref_squeeze %dma_wait3A_163 : memref<1x20x128xi32, #tpu.memory_space<hbm>> -> memref<20x128xi32, #tpu.memory_space<hbm>>
        %dma_wait3A_165 = arith.constant 0 : i32
        %dma_wait3A_166 = arith.constant 0 : i32
        %dma_wait3A_167 = tpu.memref_slice %arg7[%dma_wait3A_165, %dma_wait3A_166] : memref<80x128xi32, #tpu.memory_space<vmem>> -> memref<20x128xi32, #tpu.memory_space<vmem>>
        %dma_wait3A_168 = arith.constant 2480 : i32
        %dma_wait3A_169 = arith.constant 0 : i32
        %dma_wait3A_170 = tpu.memref_slice %arg3[%run_scoped3A, %dma_wait3A_168, %dma_wait3A_169] : memref<2x2500x128xi32, #tpu.memory_space<hbm>> -> memref<1x20x128xi32, #tpu.memory_space<hbm>>
        %dma_wait3A_171 = tpu.memref_squeeze %dma_wait3A_170 : memref<1x20x128xi32, #tpu.memory_space<hbm>> -> memref<20x128xi32, #tpu.memory_space<hbm>>
        tpu.wait_dma2 semaphore(%run_scoped3A_143 : memref<!tpu.dma_semaphore, #tpu.memory_space<semaphore_mem>>) src(%dma_wait3A_171 : memref<20x128xi32, #tpu.memory_space<hbm>>) dst(%dma_wait3A_167 : memref<20x128xi32, #tpu.memory_space<vmem>>)
        tpu.yield
      }) : () -> ()
      "tpu.region"() ({
        %run_scoped3A_143 = tpu.sem_alloc : memref<!tpu.dma_semaphore, #tpu.memory_space<semaphore_mem>>
        %dma_start3A_144 = arith.constant 20 : i32
        %dma_start3A_145 = arith.constant 0 : i32
        %dma_start3A_146 = tpu.memref_slice %arg7[%dma_start3A_144, %dma_start3A_145] : memref<80x128xi32, #tpu.memory_space<vmem>> -> memref<60x128xi32, #tpu.memory_space<vmem>>
        %dma_start3A_147 = arith.constant 0 : i32
        %dma_start3A_148 = arith.constant 0 : i32
        %dma_start3A_149 = tpu.memref_slice %arg4[%dma_start3A_147, %dma_start3A_148] : memref<64x128xi32, #tpu.memory_space<hbm>> -> memref<60x128xi32, #tpu.memory_space<hbm>>
        %dma_start3A_150 = arith.constant 20 : i32
        %dma_start3A_151 = arith.constant 0 : i32
        %dma_start3A_152 = tpu.memref_slice %arg7[%dma_start3A_150, %dma_start3A_151] : memref<80x128xi32, #tpu.memory_space<vmem>> -> memref<60x128xi32, #tpu.memory_space<vmem>>
        %dma_start3A_153 = arith.constant 0 : i32
        %dma_start3A_154 = arith.constant 0 : i32
        %dma_start3A_155 = tpu.memref_slice %arg4[%dma_start3A_153, %dma_start3A_154] : memref<64x128xi32, #tpu.memory_space<hbm>> -> memref<60x128xi32, #tpu.memory_space<hbm>>
        tpu.enqueue_dma source(%dma_start3A_155 : memref<60x128xi32, #tpu.memory_space<hbm>>) target(%dma_start3A_152 : memref<60x128xi32, #tpu.memory_space<vmem>>) target_semaphore(%run_scoped3A_143 : memref<!tpu.dma_semaphore, #tpu.memory_space<semaphore_mem>>)
        %dma_wait3A_156 = arith.constant 20 : i32
        %dma_wait3A_157 = arith.constant 0 : i32
        %dma_wait3A_158 = tpu.memref_slice %arg7[%dma_wait3A_156, %dma_wait3A_157] : memref<80x128xi32, #tpu.memory_space<vmem>> -> memref<60x128xi32, #tpu.memory_space<vmem>>
        %dma_wait3A_159 = arith.constant 0 : i32
        %dma_wait3A_160 = arith.constant 0 : i32
        %dma_wait3A_161 = tpu.memref_slice %arg4[%dma_wait3A_159, %dma_wait3A_160] : memref<64x128xi32, #tpu.memory_space<hbm>> -> memref<60x128xi32, #tpu.memory_space<hbm>>
        %dma_wait3A_162 = arith.constant 20 : i32
        %dma_wait3A_163 = arith.constant 0 : i32
        %dma_wait3A_164 = tpu.memref_slice %arg7[%dma_wait3A_162, %dma_wait3A_163] : memref<80x128xi32, #tpu.memory_space<vmem>> -> memref<60x128xi32, #tpu.memory_space<vmem>>
        %dma_wait3A_165 = arith.constant 0 : i32
        %dma_wait3A_166 = arith.constant 0 : i32
        %dma_wait3A_167 = tpu.memref_slice %arg4[%dma_wait3A_165, %dma_wait3A_166] : memref<64x128xi32, #tpu.memory_space<hbm>> -> memref<60x128xi32, #tpu.memory_space<hbm>>
        tpu.wait_dma2 semaphore(%run_scoped3A_143 : memref<!tpu.dma_semaphore, #tpu.memory_space<semaphore_mem>>) src(%dma_wait3A_167 : memref<60x128xi32, #tpu.memory_space<hbm>>) dst(%dma_wait3A_164 : memref<60x128xi32, #tpu.memory_space<vmem>>)
        tpu.yield
      }) : () -> ()
    } else {
    }
    %not3A_11 = arith.constant true
    %not3A_12 = arith.xori %and3A, %not3A_11 : i1
    %convert_element_type3A_13 = arith.extui %not3A_12 : i1 to i32
    %cond3A_14 = arith.constant 0 : i32
    %cond3A_15 = arith.cmpi ne, %convert_element_type3A_13, %cond3A_14 : i32
    scf.if %cond3A_15 {
      %mul3A_143 = arith.constant 80 : i32
      %mul3A_144 = arith.muli %add3A, %mul3A_143 : i32
      %run_scoped3A = arith.constant 1 : i32
      "tpu.region"() ({
        %run_scoped3A_145 = tpu.sem_alloc : memref<!tpu.dma_semaphore, #tpu.memory_space<semaphore_mem>>
        %dma_start3A_146 = arith.constant 0 : i32
        %dma_start3A_147 = tpu.memref_slice %arg3[%run_scoped3A, %mul3A_144, %dma_start3A_146] : memref<2x2500x128xi32, #tpu.memory_space<hbm>> -> memref<1x80x128xi32, #tpu.memory_space<hbm>>
        %dma_start3A_148 = tpu.memref_squeeze %dma_start3A_147 : memref<1x80x128xi32, #tpu.memory_space<hbm>> -> memref<80x128xi32, #tpu.memory_space<hbm>>
        %dma_start3A_149 = arith.constant 0 : i32
        %dma_start3A_150 = tpu.memref_slice %arg3[%run_scoped3A, %mul3A_144, %dma_start3A_149] : memref<2x2500x128xi32, #tpu.memory_space<hbm>> -> memref<1x80x128xi32, #tpu.memory_space<hbm>>
        %dma_start3A_151 = tpu.memref_squeeze %dma_start3A_150 : memref<1x80x128xi32, #tpu.memory_space<hbm>> -> memref<80x128xi32, #tpu.memory_space<hbm>>
        tpu.enqueue_dma source(%dma_start3A_151 : memref<80x128xi32, #tpu.memory_space<hbm>>) target(%arg8 : memref<80x128xi32, #tpu.memory_space<vmem>>) target_semaphore(%run_scoped3A_145 : memref<!tpu.dma_semaphore, #tpu.memory_space<semaphore_mem>>)
        %dma_wait3A_152 = arith.constant 0 : i32
        %dma_wait3A_153 = tpu.memref_slice %arg3[%run_scoped3A, %mul3A_144, %dma_wait3A_152] : memref<2x2500x128xi32, #tpu.memory_space<hbm>> -> memref<1x80x128xi32, #tpu.memory_space<hbm>>
        %dma_wait3A_154 = tpu.memref_squeeze %dma_wait3A_153 : memref<1x80x128xi32, #tpu.memory_space<hbm>> -> memref<80x128xi32, #tpu.memory_space<hbm>>
        %dma_wait3A_155 = arith.constant 0 : i32
        %dma_wait3A_156 = tpu.memref_slice %arg3[%run_scoped3A, %mul3A_144, %dma_wait3A_155] : memref<2x2500x128xi32, #tpu.memory_space<hbm>> -> memref<1x80x128xi32, #tpu.memory_space<hbm>>
        %dma_wait3A_157 = tpu.memref_squeeze %dma_wait3A_156 : memref<1x80x128xi32, #tpu.memory_space<hbm>> -> memref<80x128xi32, #tpu.memory_space<hbm>>
        tpu.wait_dma2 semaphore(%run_scoped3A_145 : memref<!tpu.dma_semaphore, #tpu.memory_space<semaphore_mem>>) src(%dma_wait3A_157 : memref<80x128xi32, #tpu.memory_space<hbm>>) dst(%arg8 : memref<80x128xi32, #tpu.memory_space<vmem>>)
        tpu.yield
      }) : () -> ()
    } else {
    }
    %convert_element_type3A_16 = arith.extui %and3A : i1 to i32
    %cond3A_17 = arith.constant 0 : i32
    %cond3A_18 = arith.cmpi ne, %convert_element_type3A_16, %cond3A_17 : i32
    scf.if %cond3A_18 {
      %run_scoped3A = arith.constant 1 : i32
      "tpu.region"() ({
        %run_scoped3A_143 = tpu.sem_alloc : memref<!tpu.dma_semaphore, #tpu.memory_space<semaphore_mem>>
        %dma_start3A_144 = arith.constant 0 : i32
        %dma_start3A_145 = arith.constant 0 : i32
        %dma_start3A_146 = tpu.memref_slice %arg8[%dma_start3A_144, %dma_start3A_145] : memref<80x128xi32, #tpu.memory_space<vmem>> -> memref<20x128xi32, #tpu.memory_space<vmem>>
        %dma_start3A_147 = arith.constant 2480 : i32
        %dma_start3A_148 = arith.constant 0 : i32
        %dma_start3A_149 = tpu.memref_slice %arg3[%run_scoped3A, %dma_start3A_147, %dma_start3A_148] : memref<2x2500x128xi32, #tpu.memory_space<hbm>> -> memref<1x20x128xi32, #tpu.memory_space<hbm>>
        %dma_start3A_150 = tpu.memref_squeeze %dma_start3A_149 : memref<1x20x128xi32, #tpu.memory_space<hbm>> -> memref<20x128xi32, #tpu.memory_space<hbm>>
        %dma_start3A_151 = arith.constant 0 : i32
        %dma_start3A_152 = arith.constant 0 : i32
        %dma_start3A_153 = tpu.memref_slice %arg8[%dma_start3A_151, %dma_start3A_152] : memref<80x128xi32, #tpu.memory_space<vmem>> -> memref<20x128xi32, #tpu.memory_space<vmem>>
        %dma_start3A_154 = arith.constant 2480 : i32
        %dma_start3A_155 = arith.constant 0 : i32
        %dma_start3A_156 = tpu.memref_slice %arg3[%run_scoped3A, %dma_start3A_154, %dma_start3A_155] : memref<2x2500x128xi32, #tpu.memory_space<hbm>> -> memref<1x20x128xi32, #tpu.memory_space<hbm>>
        %dma_start3A_157 = tpu.memref_squeeze %dma_start3A_156 : memref<1x20x128xi32, #tpu.memory_space<hbm>> -> memref<20x128xi32, #tpu.memory_space<hbm>>
        tpu.enqueue_dma source(%dma_start3A_157 : memref<20x128xi32, #tpu.memory_space<hbm>>) target(%dma_start3A_153 : memref<20x128xi32, #tpu.memory_space<vmem>>) target_semaphore(%run_scoped3A_143 : memref<!tpu.dma_semaphore, #tpu.memory_space<semaphore_mem>>)
        %dma_wait3A_158 = arith.constant 0 : i32
        %dma_wait3A_159 = arith.constant 0 : i32
        %dma_wait3A_160 = tpu.memref_slice %arg8[%dma_wait3A_158, %dma_wait3A_159] : memref<80x128xi32, #tpu.memory_space<vmem>> -> memref<20x128xi32, #tpu.memory_space<vmem>>
        %dma_wait3A_161 = arith.constant 2480 : i32
        %dma_wait3A_162 = arith.constant 0 : i32
        %dma_wait3A_163 = tpu.memref_slice %arg3[%run_scoped3A, %dma_wait3A_161, %dma_wait3A_162] : memref<2x2500x128xi32, #tpu.memory_space<hbm>> -> memref<1x20x128xi32, #tpu.memory_space<hbm>>
        %dma_wait3A_164 = tpu.memref_squeeze %dma_wait3A_163 : memref<1x20x128xi32, #tpu.memory_space<hbm>> -> memref<20x128xi32, #tpu.memory_space<hbm>>
        %dma_wait3A_165 = arith.constant 0 : i32
        %dma_wait3A_166 = arith.constant 0 : i32
        %dma_wait3A_167 = tpu.memref_slice %arg8[%dma_wait3A_165, %dma_wait3A_166] : memref<80x128xi32, #tpu.memory_space<vmem>> -> memref<20x128xi32, #tpu.memory_space<vmem>>
        %dma_wait3A_168 = arith.constant 2480 : i32
        %dma_wait3A_169 = arith.constant 0 : i32
        %dma_wait3A_170 = tpu.memref_slice %arg3[%run_scoped3A, %dma_wait3A_168, %dma_wait3A_169] : memref<2x2500x128xi32, #tpu.memory_space<hbm>> -> memref<1x20x128xi32, #tpu.memory_space<hbm>>
        %dma_wait3A_171 = tpu.memref_squeeze %dma_wait3A_170 : memref<1x20x128xi32, #tpu.memory_space<hbm>> -> memref<20x128xi32, #tpu.memory_space<hbm>>
        tpu.wait_dma2 semaphore(%run_scoped3A_143 : memref<!tpu.dma_semaphore, #tpu.memory_space<semaphore_mem>>) src(%dma_wait3A_171 : memref<20x128xi32, #tpu.memory_space<hbm>>) dst(%dma_wait3A_167 : memref<20x128xi32, #tpu.memory_space<vmem>>)
        tpu.yield
      }) : () -> ()
      "tpu.region"() ({
        %run_scoped3A_143 = tpu.sem_alloc : memref<!tpu.dma_semaphore, #tpu.memory_space<semaphore_mem>>
        %dma_start3A_144 = arith.constant 20 : i32
        %dma_start3A_145 = arith.constant 0 : i32
        %dma_start3A_146 = tpu.memref_slice %arg8[%dma_start3A_144, %dma_start3A_145] : memref<80x128xi32, #tpu.memory_space<vmem>> -> memref<60x128xi32, #tpu.memory_space<vmem>>
        %dma_start3A_147 = arith.constant 0 : i32
        %dma_start3A_148 = arith.constant 0 : i32
        %dma_start3A_149 = tpu.memref_slice %arg4[%dma_start3A_147, %dma_start3A_148] : memref<64x128xi32, #tpu.memory_space<hbm>> -> memref<60x128xi32, #tpu.memory_space<hbm>>
        %dma_start3A_150 = arith.constant 20 : i32
        %dma_start3A_151 = arith.constant 0 : i32
        %dma_start3A_152 = tpu.memref_slice %arg8[%dma_start3A_150, %dma_start3A_151] : memref<80x128xi32, #tpu.memory_space<vmem>> -> memref<60x128xi32, #tpu.memory_space<vmem>>
        %dma_start3A_153 = arith.constant 0 : i32
        %dma_start3A_154 = arith.constant 0 : i32
        %dma_start3A_155 = tpu.memref_slice %arg4[%dma_start3A_153, %dma_start3A_154] : memref<64x128xi32, #tpu.memory_space<hbm>> -> memref<60x128xi32, #tpu.memory_space<hbm>>
        tpu.enqueue_dma source(%dma_start3A_155 : memref<60x128xi32, #tpu.memory_space<hbm>>) target(%dma_start3A_152 : memref<60x128xi32, #tpu.memory_space<vmem>>) target_semaphore(%run_scoped3A_143 : memref<!tpu.dma_semaphore, #tpu.memory_space<semaphore_mem>>)
        %dma_wait3A_156 = arith.constant 20 : i32
        %dma_wait3A_157 = arith.constant 0 : i32
        %dma_wait3A_158 = tpu.memref_slice %arg8[%dma_wait3A_156, %dma_wait3A_157] : memref<80x128xi32, #tpu.memory_space<vmem>> -> memref<60x128xi32, #tpu.memory_space<vmem>>
        %dma_wait3A_159 = arith.constant 0 : i32
        %dma_wait3A_160 = arith.constant 0 : i32
        %dma_wait3A_161 = tpu.memref_slice %arg4[%dma_wait3A_159, %dma_wait3A_160] : memref<64x128xi32, #tpu.memory_space<hbm>> -> memref<60x128xi32, #tpu.memory_space<hbm>>
        %dma_wait3A_162 = arith.constant 20 : i32
        %dma_wait3A_163 = arith.constant 0 : i32
        %dma_wait3A_164 = tpu.memref_slice %arg8[%dma_wait3A_162, %dma_wait3A_163] : memref<80x128xi32, #tpu.memory_space<vmem>> -> memref<60x128xi32, #tpu.memory_space<vmem>>
        %dma_wait3A_165 = arith.constant 0 : i32
        %dma_wait3A_166 = arith.constant 0 : i32
        %dma_wait3A_167 = tpu.memref_slice %arg4[%dma_wait3A_165, %dma_wait3A_166] : memref<64x128xi32, #tpu.memory_space<hbm>> -> memref<60x128xi32, #tpu.memory_space<hbm>>
        tpu.wait_dma2 semaphore(%run_scoped3A_143 : memref<!tpu.dma_semaphore, #tpu.memory_space<semaphore_mem>>) src(%dma_wait3A_167 : memref<60x128xi32, #tpu.memory_space<hbm>>) dst(%dma_wait3A_164 : memref<60x128xi32, #tpu.memory_space<vmem>>)
        tpu.yield
      }) : () -> ()
    } else {
    }
    %barrier3A = arith.constant 0 : index
    tpu.barrier barrier_id(%barrier3A)
    %dma_start3A = arith.constant 0 : i32
    %dma_start3A_19 = arith.constant 0 : i32
    %dma_start3A_20 = arith.constant 0 : i32
    %dma_start3A_21 = arith.constant 0 : i32
    %dma_start3A_22 = arith.constant 0 : i32
    %dma_start3A_23 = tpu.memref_slice %arg9[%dma_start3A_19, %dma_start3A_21, %dma_start3A_22] : memref<8x128x64xf32, #tpu.memory_space<vmem>> -> memref<1x128x64xf32, #tpu.memory_space<vmem>>
    %dma_start3A_24 = tpu.memref_squeeze %dma_start3A_23 : memref<1x128x64xf32, #tpu.memory_space<vmem>> -> memref<128x64xf32, #tpu.memory_space<vmem>>
    %dma_start3A_25 = arith.constant 0 : i32
    %dma_start3A_26 = tpu.memref_slice %arg7[%dma_start3A, %dma_start3A_25] : memref<80x128xi32, #tpu.memory_space<vmem>> -> memref<1x128xi32, #tpu.memory_space<vmem>>
    %dma_start3A_27 = tpu.memref_squeeze %dma_start3A_26 : memref<1x128xi32, #tpu.memory_space<vmem>> -> memref<128xi32, #tpu.memory_space<vmem>>
    %dma_start3A_28 = arith.constant 0 : i32
    %dma_start3A_29 = arith.constant 0 : i32
    %dma_start3A_30 = tpu.memref_slice %arg2[%dma_start3A_28, %dma_start3A_29] : memref<10240x64xf32, #tpu.memory_space<hbm>> -> memref<10240x64xf32, #tpu.memory_space<hbm>>
    %dma_start3A_31 = tpu.memref_slice %arg11[%dma_start3A_20] : memref<8x!tpu.dma_semaphore, #tpu.memory_space<semaphore_mem>> -> memref<1x!tpu.dma_semaphore, #tpu.memory_space<semaphore_mem>>
    %dma_start3A_32 = tpu.memref_squeeze %dma_start3A_31 : memref<1x!tpu.dma_semaphore, #tpu.memory_space<semaphore_mem>> -> memref<!tpu.dma_semaphore, #tpu.memory_space<semaphore_mem>>
    tpu.enqueue_indirect_dma source(%dma_start3A_30 : memref<10240x64xf32, #tpu.memory_space<hbm>>) target(%dma_start3A_24 : memref<128x64xf32, #tpu.memory_space<vmem>>) offsets(%dma_start3A_27 : memref<128xi32, #tpu.memory_space<vmem>>) semaphore(%dma_start3A_32 : memref<!tpu.dma_semaphore, #tpu.memory_space<semaphore_mem>>)
    %dma_start3A_33 = arith.constant 1 : i32
    %dma_start3A_34 = arith.constant 1 : i32
    %dma_start3A_35 = arith.constant 1 : i32
    %dma_start3A_36 = arith.constant 0 : i32
    %dma_start3A_37 = arith.constant 0 : i32
    %dma_start3A_38 = tpu.memref_slice %arg9[%dma_start3A_34, %dma_start3A_36, %dma_start3A_37] : memref<8x128x64xf32, #tpu.memory_space<vmem>> -> memref<1x128x64xf32, #tpu.memory_space<vmem>>
    %dma_start3A_39 = tpu.memref_squeeze %dma_start3A_38 : memref<1x128x64xf32, #tpu.memory_space<vmem>> -> memref<128x64xf32, #tpu.memory_space<vmem>>
    %dma_start3A_40 = arith.constant 0 : i32
    %dma_start3A_41 = tpu.memref_slice %arg7[%dma_start3A_33, %dma_start3A_40] : memref<80x128xi32, #tpu.memory_space<vmem>> -> memref<1x128xi32, #tpu.memory_space<vmem>>
    %dma_start3A_42 = tpu.memref_squeeze %dma_start3A_41 : memref<1x128xi32, #tpu.memory_space<vmem>> -> memref<128xi32, #tpu.memory_space<vmem>>
    %dma_start3A_43 = arith.constant 0 : i32
    %dma_start3A_44 = arith.constant 0 : i32
    %dma_start3A_45 = tpu.memref_slice %arg2[%dma_start3A_43, %dma_start3A_44] : memref<10240x64xf32, #tpu.memory_space<hbm>> -> memref<10240x64xf32, #tpu.memory_space<hbm>>
    %dma_start3A_46 = tpu.memref_slice %arg11[%dma_start3A_35] : memref<8x!tpu.dma_semaphore, #tpu.memory_space<semaphore_mem>> -> memref<1x!tpu.dma_semaphore, #tpu.memory_space<semaphore_mem>>
    %dma_start3A_47 = tpu.memref_squeeze %dma_start3A_46 : memref<1x!tpu.dma_semaphore, #tpu.memory_space<semaphore_mem>> -> memref<!tpu.dma_semaphore, #tpu.memory_space<semaphore_mem>>
    tpu.enqueue_indirect_dma source(%dma_start3A_45 : memref<10240x64xf32, #tpu.memory_space<hbm>>) target(%dma_start3A_39 : memref<128x64xf32, #tpu.memory_space<vmem>>) offsets(%dma_start3A_42 : memref<128xi32, #tpu.memory_space<vmem>>) semaphore(%dma_start3A_47 : memref<!tpu.dma_semaphore, #tpu.memory_space<semaphore_mem>>)
    %dma_start3A_48 = arith.constant 2 : i32
    %dma_start3A_49 = arith.constant 2 : i32
    %dma_start3A_50 = arith.constant 2 : i32
    %dma_start3A_51 = arith.constant 0 : i32
    %dma_start3A_52 = arith.constant 0 : i32
    %dma_start3A_53 = tpu.memref_slice %arg9[%dma_start3A_49, %dma_start3A_51, %dma_start3A_52] : memref<8x128x64xf32, #tpu.memory_space<vmem>> -> memref<1x128x64xf32, #tpu.memory_space<vmem>>
    %dma_start3A_54 = tpu.memref_squeeze %dma_start3A_53 : memref<1x128x64xf32, #tpu.memory_space<vmem>> -> memref<128x64xf32, #tpu.memory_space<vmem>>
    %dma_start3A_55 = arith.constant 0 : i32
    %dma_start3A_56 = tpu.memref_slice %arg7[%dma_start3A_48, %dma_start3A_55] : memref<80x128xi32, #tpu.memory_space<vmem>> -> memref<1x128xi32, #tpu.memory_space<vmem>>
    %dma_start3A_57 = tpu.memref_squeeze %dma_start3A_56 : memref<1x128xi32, #tpu.memory_space<vmem>> -> memref<128xi32, #tpu.memory_space<vmem>>
    %dma_start3A_58 = arith.constant 0 : i32
    %dma_start3A_59 = arith.constant 0 : i32
    %dma_start3A_60 = tpu.memref_slice %arg2[%dma_start3A_58, %dma_start3A_59] : memref<10240x64xf32, #tpu.memory_space<hbm>> -> memref<10240x64xf32, #tpu.memory_space<hbm>>
    %dma_start3A_61 = tpu.memref_slice %arg11[%dma_start3A_50] : memref<8x!tpu.dma_semaphore, #tpu.memory_space<semaphore_mem>> -> memref<1x!tpu.dma_semaphore, #tpu.memory_space<semaphore_mem>>
    %dma_start3A_62 = tpu.memref_squeeze %dma_start3A_61 : memref<1x!tpu.dma_semaphore, #tpu.memory_space<semaphore_mem>> -> memref<!tpu.dma_semaphore, #tpu.memory_space<semaphore_mem>>
    tpu.enqueue_indirect_dma source(%dma_start3A_60 : memref<10240x64xf32, #tpu.memory_space<hbm>>) target(%dma_start3A_54 : memref<128x64xf32, #tpu.memory_space<vmem>>) offsets(%dma_start3A_57 : memref<128xi32, #tpu.memory_space<vmem>>) semaphore(%dma_start3A_62 : memref<!tpu.dma_semaphore, #tpu.memory_space<semaphore_mem>>)
    %dma_start3A_63 = arith.constant 3 : i32
    %dma_start3A_64 = arith.constant 3 : i32
    %dma_start3A_65 = arith.constant 3 : i32
    %dma_start3A_66 = arith.constant 0 : i32
    %dma_start3A_67 = arith.constant 0 : i32
    %dma_start3A_68 = tpu.memref_slice %arg9[%dma_start3A_64, %dma_start3A_66, %dma_start3A_67] : memref<8x128x64xf32, #tpu.memory_space<vmem>> -> memref<1x128x64xf32, #tpu.memory_space<vmem>>
    %dma_start3A_69 = tpu.memref_squeeze %dma_start3A_68 : memref<1x128x64xf32, #tpu.memory_space<vmem>> -> memref<128x64xf32, #tpu.memory_space<vmem>>
    %dma_start3A_70 = arith.constant 0 : i32
    %dma_start3A_71 = tpu.memref_slice %arg7[%dma_start3A_63, %dma_start3A_70] : memref<80x128xi32, #tpu.memory_space<vmem>> -> memref<1x128xi32, #tpu.memory_space<vmem>>
    %dma_start3A_72 = tpu.memref_squeeze %dma_start3A_71 : memref<1x128xi32, #tpu.memory_space<vmem>> -> memref<128xi32, #tpu.memory_space<vmem>>
    %dma_start3A_73 = arith.constant 0 : i32
    %dma_start3A_74 = arith.constant 0 : i32
    %dma_start3A_75 = tpu.memref_slice %arg2[%dma_start3A_73, %dma_start3A_74] : memref<10240x64xf32, #tpu.memory_space<hbm>> -> memref<10240x64xf32, #tpu.memory_space<hbm>>
    %dma_start3A_76 = tpu.memref_slice %arg11[%dma_start3A_65] : memref<8x!tpu.dma_semaphore, #tpu.memory_space<semaphore_mem>> -> memref<1x!tpu.dma_semaphore, #tpu.memory_space<semaphore_mem>>
    %dma_start3A_77 = tpu.memref_squeeze %dma_start3A_76 : memref<1x!tpu.dma_semaphore, #tpu.memory_space<semaphore_mem>> -> memref<!tpu.dma_semaphore, #tpu.memory_space<semaphore_mem>>
    tpu.enqueue_indirect_dma source(%dma_start3A_75 : memref<10240x64xf32, #tpu.memory_space<hbm>>) target(%dma_start3A_69 : memref<128x64xf32, #tpu.memory_space<vmem>>) offsets(%dma_start3A_72 : memref<128xi32, #tpu.memory_space<vmem>>) semaphore(%dma_start3A_77 : memref<!tpu.dma_semaphore, #tpu.memory_space<semaphore_mem>>)
    %scan3A = arith.constant 0 : i32
    %scan3A_78 = arith.constant 0 : i32
    %scan3A_79 = arith.constant 10 : i32
    %scan3A_80 = arith.addi %scan3A_78, %scan3A_79 : i32
    %scan3A_81 = arith.constant 1 : i32
    scf.for %scan3A_143 = %scan3A_78 to %scan3A_80 step %scan3A_81  : i32 {
      %mul3A_144 = arith.constant 8 : i32
      %mul3A_145 = arith.muli %scan3A_143, %mul3A_144 : i32
      %add3A_146 = arith.constant 0 : i32
      %add3A_147 = arith.addi %mul3A_145, %add3A_146 : i32
      %dma_wait3A_148 = arith.constant 0 : i32
      %dma_wait3A_149 = arith.constant 0 : i32
      %dma_wait3A_150 = arith.constant 0 : i32
      %dma_wait3A_151 = arith.constant 0 : i32
      %dma_wait3A_152 = tpu.memref_slice %arg9[%dma_wait3A_148, %dma_wait3A_150, %dma_wait3A_151] : memref<8x128x64xf32, #tpu.memory_space<vmem>> -> memref<1x128x64xf32, #tpu.memory_space<vmem>>
      %dma_wait3A_153 = tpu.memref_squeeze %dma_wait3A_152 : memref<1x128x64xf32, #tpu.memory_space<vmem>> -> memref<128x64xf32, #tpu.memory_space<vmem>>
      %dma_wait3A_154 = arith.constant 0 : i32
      %dma_wait3A_155 = tpu.memref_slice %arg7[%add3A_147, %dma_wait3A_154] : memref<80x128xi32, #tpu.memory_space<vmem>> -> memref<1x128xi32, #tpu.memory_space<vmem>>
      %dma_wait3A_156 = tpu.memref_squeeze %dma_wait3A_155 : memref<1x128xi32, #tpu.memory_space<vmem>> -> memref<128xi32, #tpu.memory_space<vmem>>
      %dma_wait3A_157 = arith.constant 0 : i32
      %dma_wait3A_158 = arith.constant 0 : i32
      %dma_wait3A_159 = tpu.memref_slice %arg2[%dma_wait3A_157, %dma_wait3A_158] : memref<10240x64xf32, #tpu.memory_space<hbm>> -> memref<10240x64xf32, #tpu.memory_space<hbm>>
      %dma_wait3A_160 = tpu.memref_slice %arg11[%dma_wait3A_149] : memref<8x!tpu.dma_semaphore, #tpu.memory_space<semaphore_mem>> -> memref<1x!tpu.dma_semaphore, #tpu.memory_space<semaphore_mem>>
      %dma_wait3A_161 = tpu.memref_squeeze %dma_wait3A_160 : memref<1x!tpu.dma_semaphore, #tpu.memory_space<semaphore_mem>> -> memref<!tpu.dma_semaphore, #tpu.memory_space<semaphore_mem>>
      tpu.wait_indirect_dma semaphore(%dma_wait3A_161 : memref<!tpu.dma_semaphore, #tpu.memory_space<semaphore_mem>>) src(%dma_wait3A_159 : memref<10240x64xf32, #tpu.memory_space<hbm>>) dst(%dma_wait3A_153 : memref<128x64xf32, #tpu.memory_space<vmem>>)
      %dma_start3A_162 = arith.constant 0 : i32
      %dma_start3A_163 = arith.constant 0 : i32
      %dma_start3A_164 = arith.constant 0 : i32
      %dma_start3A_165 = arith.constant 0 : i32
      %dma_start3A_166 = tpu.memref_slice %arg9[%dma_start3A_162, %dma_start3A_164, %dma_start3A_165] : memref<8x128x64xf32, #tpu.memory_space<vmem>> -> memref<1x128x64xf32, #tpu.memory_space<vmem>>
      %dma_start3A_167 = tpu.memref_squeeze %dma_start3A_166 : memref<1x128x64xf32, #tpu.memory_space<vmem>> -> memref<128x64xf32, #tpu.memory_space<vmem>>
      %dma_start3A_168 = arith.constant 0 : i32
      %dma_start3A_169 = tpu.memref_slice %arg8[%add3A_147, %dma_start3A_168] : memref<80x128xi32, #tpu.memory_space<vmem>> -> memref<1x128xi32, #tpu.memory_space<vmem>>
      %dma_start3A_170 = tpu.memref_squeeze %dma_start3A_169 : memref<1x128xi32, #tpu.memory_space<vmem>> -> memref<128xi32, #tpu.memory_space<vmem>>
      %dma_start3A_171 = arith.constant 0 : i32
      %dma_start3A_172 = arith.constant 0 : i32
      %dma_start3A_173 = tpu.memref_slice %arg10[%dma_start3A_171, %dma_start3A_172] : memref<10240x64xf32, #tpu.memory_space<vmem_shared>> -> memref<10240x64xf32, #tpu.memory_space<vmem_shared>>
      %dma_start3A_174 = tpu.memref_slice %arg12[%dma_start3A_163] : memref<8x!tpu.dma_semaphore, #tpu.memory_space<semaphore_mem>> -> memref<1x!tpu.dma_semaphore, #tpu.memory_space<semaphore_mem>>
      %dma_start3A_175 = tpu.memref_squeeze %dma_start3A_174 : memref<1x!tpu.dma_semaphore, #tpu.memory_space<semaphore_mem>> -> memref<!tpu.dma_semaphore, #tpu.memory_space<semaphore_mem>>
      tpu.enqueue_indirect_dma source(%dma_start3A_167 : memref<128x64xf32, #tpu.memory_space<vmem>>) target(%dma_start3A_173 : memref<10240x64xf32, #tpu.memory_space<vmem_shared>>) offsets(%dma_start3A_170 : memref<128xi32, #tpu.memory_space<vmem>>) semaphore(%dma_start3A_175 : memref<!tpu.dma_semaphore, #tpu.memory_space<semaphore_mem>>) {add = true}
      %add3A_176 = arith.constant 4 : i32
      %add3A_177 = arith.addi %add3A_147, %add3A_176 : i32
      %sub3A = arith.constant 8 : i32
      %sub3A_178 = arith.subi %add3A_177, %sub3A : i32
      %ge3A = arith.constant 0 : i32
      %ge3A_179 = arith.cmpi sge, %sub3A_178, %ge3A : i32
      %convert_element_type3A_180 = arith.extui %ge3A_179 : i1 to i32
      %cond3A_181 = arith.constant 0 : i32
      %cond3A_182 = arith.cmpi ne, %convert_element_type3A_180, %cond3A_181 : i32
      scf.if %cond3A_182 {
        %max3A = arith.constant 0 : i32
        %max3A_495 = arith.maxsi %sub3A_178, %max3A : i32
        %dma_wait3A_496 = arith.constant 4 : i32
        %dma_wait3A_497 = arith.constant 4 : i32
        %dma_wait3A_498 = arith.constant 0 : i32
        %dma_wait3A_499 = arith.constant 0 : i32
        %dma_wait3A_500 = tpu.memref_slice %arg9[%dma_wait3A_496, %dma_wait3A_498, %dma_wait3A_499] : memref<8x128x64xf32, #tpu.memory_space<vmem>> -> memref<1x128x64xf32, #tpu.memory_space<vmem>>
        %dma_wait3A_501 = tpu.memref_squeeze %dma_wait3A_500 : memref<1x128x64xf32, #tpu.memory_space<vmem>> -> memref<128x64xf32, #tpu.memory_space<vmem>>
        %dma_wait3A_502 = arith.constant 0 : i32
        %dma_wait3A_503 = tpu.memref_slice %arg8[%max3A_495, %dma_wait3A_502] : memref<80x128xi32, #tpu.memory_space<vmem>> -> memref<1x128xi32, #tpu.memory_space<vmem>>
        %dma_wait3A_504 = tpu.memref_squeeze %dma_wait3A_503 : memref<1x128xi32, #tpu.memory_space<vmem>> -> memref<128xi32, #tpu.memory_space<vmem>>
        %dma_wait3A_505 = arith.constant 0 : i32
        %dma_wait3A_506 = arith.constant 0 : i32
        %dma_wait3A_507 = tpu.memref_slice %arg10[%dma_wait3A_505, %dma_wait3A_506] : memref<10240x64xf32, #tpu.memory_space<vmem_shared>> -> memref<10240x64xf32, #tpu.memory_space<vmem_shared>>
        %dma_wait3A_508 = tpu.memref_slice %arg12[%dma_wait3A_497] : memref<8x!tpu.dma_semaphore, #tpu.memory_space<semaphore_mem>> -> memref<1x!tpu.dma_semaphore, #tpu.memory_space<semaphore_mem>>
        %dma_wait3A_509 = tpu.memref_squeeze %dma_wait3A_508 : memref<1x!tpu.dma_semaphore, #tpu.memory_space<semaphore_mem>> -> memref<!tpu.dma_semaphore, #tpu.memory_space<semaphore_mem>>
        tpu.wait_indirect_dma semaphore(%dma_wait3A_509 : memref<!tpu.dma_semaphore, #tpu.memory_space<semaphore_mem>>) src(%dma_wait3A_501 : memref<128x64xf32, #tpu.memory_space<vmem>>) dst(%dma_wait3A_507 : memref<10240x64xf32, #tpu.memory_space<vmem_shared>>)
      } else {
      }
      %lt3A = arith.constant 80 : i32
      %lt3A_183 = arith.cmpi slt, %add3A_177, %lt3A : i32
      %convert_element_type3A_184 = arith.extui %lt3A_183 : i1 to i32
      %cond3A_185 = arith.constant 0 : i32
      %cond3A_186 = arith.cmpi ne, %convert_element_type3A_184, %cond3A_185 : i32
      scf.if %cond3A_186 {
        %min3A = arith.constant 79 : i32
        %min3A_495 = arith.minsi %add3A_177, %min3A : i32
        %dma_start3A_496 = arith.constant 4 : i32
        %dma_start3A_497 = arith.constant 4 : i32
        %dma_start3A_498 = arith.constant 0 : i32
        %dma_start3A_499 = arith.constant 0 : i32
        %dma_start3A_500 = tpu.memref_slice %arg9[%dma_start3A_496, %dma_start3A_498, %dma_start3A_499] : memref<8x128x64xf32, #tpu.memory_space<vmem>> -> memref<1x128x64xf32, #tpu.memory_space<vmem>>
        %dma_start3A_501 = tpu.memref_squeeze %dma_start3A_500 : memref<1x128x64xf32, #tpu.memory_space<vmem>> -> memref<128x64xf32, #tpu.memory_space<vmem>>
        %dma_start3A_502 = arith.constant 0 : i32
        %dma_start3A_503 = tpu.memref_slice %arg7[%min3A_495, %dma_start3A_502] : memref<80x128xi32, #tpu.memory_space<vmem>> -> memref<1x128xi32, #tpu.memory_space<vmem>>
        %dma_start3A_504 = tpu.memref_squeeze %dma_start3A_503 : memref<1x128xi32, #tpu.memory_space<vmem>> -> memref<128xi32, #tpu.memory_space<vmem>>
        %dma_start3A_505 = arith.constant 0 : i32
        %dma_start3A_506 = arith.constant 0 : i32
        %dma_start3A_507 = tpu.memref_slice %arg2[%dma_start3A_505, %dma_start3A_506] : memref<10240x64xf32, #tpu.memory_space<hbm>> -> memref<10240x64xf32, #tpu.memory_space<hbm>>
        %dma_start3A_508 = tpu.memref_slice %arg11[%dma_start3A_497] : memref<8x!tpu.dma_semaphore, #tpu.memory_space<semaphore_mem>> -> memref<1x!tpu.dma_semaphore, #tpu.memory_space<semaphore_mem>>
        %dma_start3A_509 = tpu.memref_squeeze %dma_start3A_508 : memref<1x!tpu.dma_semaphore, #tpu.memory_space<semaphore_mem>> -> memref<!tpu.dma_semaphore, #tpu.memory_space<semaphore_mem>>
        tpu.enqueue_indirect_dma source(%dma_start3A_507 : memref<10240x64xf32, #tpu.memory_space<hbm>>) target(%dma_start3A_501 : memref<128x64xf32, #tpu.memory_space<vmem>>) offsets(%dma_start3A_504 : memref<128xi32, #tpu.memory_space<vmem>>) semaphore(%dma_start3A_509 : memref<!tpu.dma_semaphore, #tpu.memory_space<semaphore_mem>>)
      } else {
      }
      %add3A_187 = arith.constant 1 : i32
      %add3A_188 = arith.addi %mul3A_145, %add3A_187 : i32
      %dma_wait3A_189 = arith.constant 1 : i32
      %dma_wait3A_190 = arith.constant 1 : i32
      %dma_wait3A_191 = arith.constant 0 : i32
      %dma_wait3A_192 = arith.constant 0 : i32
      %dma_wait3A_193 = tpu.memref_slice %arg9[%dma_wait3A_189, %dma_wait3A_191, %dma_wait3A_192] : memref<8x128x64xf32, #tpu.memory_space<vmem>> -> memref<1x128x64xf32, #tpu.memory_space<vmem>>
      %dma_wait3A_194 = tpu.memref_squeeze %dma_wait3A_193 : memref<1x128x64xf32, #tpu.memory_space<vmem>> -> memref<128x64xf32, #tpu.memory_space<vmem>>
      %dma_wait3A_195 = arith.constant 0 : i32
      %dma_wait3A_196 = tpu.memref_slice %arg7[%add3A_188, %dma_wait3A_195] : memref<80x128xi32, #tpu.memory_space<vmem>> -> memref<1x128xi32, #tpu.memory_space<vmem>>
      %dma_wait3A_197 = tpu.memref_squeeze %dma_wait3A_196 : memref<1x128xi32, #tpu.memory_space<vmem>> -> memref<128xi32, #tpu.memory_space<vmem>>
      %dma_wait3A_198 = arith.constant 0 : i32
      %dma_wait3A_199 = arith.constant 0 : i32
      %dma_wait3A_200 = tpu.memref_slice %arg2[%dma_wait3A_198, %dma_wait3A_199] : memref<10240x64xf32, #tpu.memory_space<hbm>> -> memref<10240x64xf32, #tpu.memory_space<hbm>>
      %dma_wait3A_201 = tpu.memref_slice %arg11[%dma_wait3A_190] : memref<8x!tpu.dma_semaphore, #tpu.memory_space<semaphore_mem>> -> memref<1x!tpu.dma_semaphore, #tpu.memory_space<semaphore_mem>>
      %dma_wait3A_202 = tpu.memref_squeeze %dma_wait3A_201 : memref<1x!tpu.dma_semaphore, #tpu.memory_space<semaphore_mem>> -> memref<!tpu.dma_semaphore, #tpu.memory_space<semaphore_mem>>
      tpu.wait_indirect_dma semaphore(%dma_wait3A_202 : memref<!tpu.dma_semaphore, #tpu.memory_space<semaphore_mem>>) src(%dma_wait3A_200 : memref<10240x64xf32, #tpu.memory_space<hbm>>) dst(%dma_wait3A_194 : memref<128x64xf32, #tpu.memory_space<vmem>>)
      %dma_start3A_203 = arith.constant 1 : i32
      %dma_start3A_204 = arith.constant 1 : i32
      %dma_start3A_205 = arith.constant 0 : i32
      %dma_start3A_206 = arith.constant 0 : i32
      %dma_start3A_207 = tpu.memref_slice %arg9[%dma_start3A_203, %dma_start3A_205, %dma_start3A_206] : memref<8x128x64xf32, #tpu.memory_space<vmem>> -> memref<1x128x64xf32, #tpu.memory_space<vmem>>
      %dma_start3A_208 = tpu.memref_squeeze %dma_start3A_207 : memref<1x128x64xf32, #tpu.memory_space<vmem>> -> memref<128x64xf32, #tpu.memory_space<vmem>>
      %dma_start3A_209 = arith.constant 0 : i32
      %dma_start3A_210 = tpu.memref_slice %arg8[%add3A_188, %dma_start3A_209] : memref<80x128xi32, #tpu.memory_space<vmem>> -> memref<1x128xi32, #tpu.memory_space<vmem>>
      %dma_start3A_211 = tpu.memref_squeeze %dma_start3A_210 : memref<1x128xi32, #tpu.memory_space<vmem>> -> memref<128xi32, #tpu.memory_space<vmem>>
      %dma_start3A_212 = arith.constant 0 : i32
      %dma_start3A_213 = arith.constant 0 : i32
      %dma_start3A_214 = tpu.memref_slice %arg10[%dma_start3A_212, %dma_start3A_213] : memref<10240x64xf32, #tpu.memory_space<vmem_shared>> -> memref<10240x64xf32, #tpu.memory_space<vmem_shared>>
      %dma_start3A_215 = tpu.memref_slice %arg12[%dma_start3A_204] : memref<8x!tpu.dma_semaphore, #tpu.memory_space<semaphore_mem>> -> memref<1x!tpu.dma_semaphore, #tpu.memory_space<semaphore_mem>>
      %dma_start3A_216 = tpu.memref_squeeze %dma_start3A_215 : memref<1x!tpu.dma_semaphore, #tpu.memory_space<semaphore_mem>> -> memref<!tpu.dma_semaphore, #tpu.memory_space<semaphore_mem>>
      tpu.enqueue_indirect_dma source(%dma_start3A_208 : memref<128x64xf32, #tpu.memory_space<vmem>>) target(%dma_start3A_214 : memref<10240x64xf32, #tpu.memory_space<vmem_shared>>) offsets(%dma_start3A_211 : memref<128xi32, #tpu.memory_space<vmem>>) semaphore(%dma_start3A_216 : memref<!tpu.dma_semaphore, #tpu.memory_space<semaphore_mem>>) {add = true}
      %add3A_217 = arith.constant 4 : i32
      %add3A_218 = arith.addi %add3A_188, %add3A_217 : i32
      %sub3A_219 = arith.constant 8 : i32
      %sub3A_220 = arith.subi %add3A_218, %sub3A_219 : i32
      %ge3A_221 = arith.constant 0 : i32
      %ge3A_222 = arith.cmpi sge, %sub3A_220, %ge3A_221 : i32
      %convert_element_type3A_223 = arith.extui %ge3A_222 : i1 to i32
      %cond3A_224 = arith.constant 0 : i32
      %cond3A_225 = arith.cmpi ne, %convert_element_type3A_223, %cond3A_224 : i32
      scf.if %cond3A_225 {
        %max3A = arith.constant 0 : i32
        %max3A_495 = arith.maxsi %sub3A_220, %max3A : i32
        %dma_wait3A_496 = arith.constant 5 : i32
        %dma_wait3A_497 = arith.constant 5 : i32
        %dma_wait3A_498 = arith.constant 0 : i32
        %dma_wait3A_499 = arith.constant 0 : i32
        %dma_wait3A_500 = tpu.memref_slice %arg9[%dma_wait3A_496, %dma_wait3A_498, %dma_wait3A_499] : memref<8x128x64xf32, #tpu.memory_space<vmem>> -> memref<1x128x64xf32, #tpu.memory_space<vmem>>
        %dma_wait3A_501 = tpu.memref_squeeze %dma_wait3A_500 : memref<1x128x64xf32, #tpu.memory_space<vmem>> -> memref<128x64xf32, #tpu.memory_space<vmem>>
        %dma_wait3A_502 = arith.constant 0 : i32
        %dma_wait3A_503 = tpu.memref_slice %arg8[%max3A_495, %dma_wait3A_502] : memref<80x128xi32, #tpu.memory_space<vmem>> -> memref<1x128xi32, #tpu.memory_space<vmem>>
        %dma_wait3A_504 = tpu.memref_squeeze %dma_wait3A_503 : memref<1x128xi32, #tpu.memory_space<vmem>> -> memref<128xi32, #tpu.memory_space<vmem>>
        %dma_wait3A_505 = arith.constant 0 : i32
        %dma_wait3A_506 = arith.constant 0 : i32
        %dma_wait3A_507 = tpu.memref_slice %arg10[%dma_wait3A_505, %dma_wait3A_506] : memref<10240x64xf32, #tpu.memory_space<vmem_shared>> -> memref<10240x64xf32, #tpu.memory_space<vmem_shared>>
        %dma_wait3A_508 = tpu.memref_slice %arg12[%dma_wait3A_497] : memref<8x!tpu.dma_semaphore, #tpu.memory_space<semaphore_mem>> -> memref<1x!tpu.dma_semaphore, #tpu.memory_space<semaphore_mem>>
        %dma_wait3A_509 = tpu.memref_squeeze %dma_wait3A_508 : memref<1x!tpu.dma_semaphore, #tpu.memory_space<semaphore_mem>> -> memref<!tpu.dma_semaphore, #tpu.memory_space<semaphore_mem>>
        tpu.wait_indirect_dma semaphore(%dma_wait3A_509 : memref<!tpu.dma_semaphore, #tpu.memory_space<semaphore_mem>>) src(%dma_wait3A_501 : memref<128x64xf32, #tpu.memory_space<vmem>>) dst(%dma_wait3A_507 : memref<10240x64xf32, #tpu.memory_space<vmem_shared>>)
      } else {
      }
      %lt3A_226 = arith.constant 80 : i32
      %lt3A_227 = arith.cmpi slt, %add3A_218, %lt3A_226 : i32
      %convert_element_type3A_228 = arith.extui %lt3A_227 : i1 to i32
      %cond3A_229 = arith.constant 0 : i32
      %cond3A_230 = arith.cmpi ne, %convert_element_type3A_228, %cond3A_229 : i32
      scf.if %cond3A_230 {
        %min3A = arith.constant 79 : i32
        %min3A_495 = arith.minsi %add3A_218, %min3A : i32
        %dma_start3A_496 = arith.constant 5 : i32
        %dma_start3A_497 = arith.constant 5 : i32
        %dma_start3A_498 = arith.constant 0 : i32
        %dma_start3A_499 = arith.constant 0 : i32
        %dma_start3A_500 = tpu.memref_slice %arg9[%dma_start3A_496, %dma_start3A_498, %dma_start3A_499] : memref<8x128x64xf32, #tpu.memory_space<vmem>> -> memref<1x128x64xf32, #tpu.memory_space<vmem>>
        %dma_start3A_501 = tpu.memref_squeeze %dma_start3A_500 : memref<1x128x64xf32, #tpu.memory_space<vmem>> -> memref<128x64xf32, #tpu.memory_space<vmem>>
        %dma_start3A_502 = arith.constant 0 : i32
        %dma_start3A_503 = tpu.memref_slice %arg7[%min3A_495, %dma_start3A_502] : memref<80x128xi32, #tpu.memory_space<vmem>> -> memref<1x128xi32, #tpu.memory_space<vmem>>
        %dma_start3A_504 = tpu.memref_squeeze %dma_start3A_503 : memref<1x128xi32, #tpu.memory_space<vmem>> -> memref<128xi32, #tpu.memory_space<vmem>>
        %dma_start3A_505 = arith.constant 0 : i32
        %dma_start3A_506 = arith.constant 0 : i32
        %dma_start3A_507 = tpu.memref_slice %arg2[%dma_start3A_505, %dma_start3A_506] : memref<10240x64xf32, #tpu.memory_space<hbm>> -> memref<10240x64xf32, #tpu.memory_space<hbm>>
        %dma_start3A_508 = tpu.memref_slice %arg11[%dma_start3A_497] : memref<8x!tpu.dma_semaphore, #tpu.memory_space<semaphore_mem>> -> memref<1x!tpu.dma_semaphore, #tpu.memory_space<semaphore_mem>>
        %dma_start3A_509 = tpu.memref_squeeze %dma_start3A_508 : memref<1x!tpu.dma_semaphore, #tpu.memory_space<semaphore_mem>> -> memref<!tpu.dma_semaphore, #tpu.memory_space<semaphore_mem>>
        tpu.enqueue_indirect_dma source(%dma_start3A_507 : memref<10240x64xf32, #tpu.memory_space<hbm>>) target(%dma_start3A_501 : memref<128x64xf32, #tpu.memory_space<vmem>>) offsets(%dma_start3A_504 : memref<128xi32, #tpu.memory_space<vmem>>) semaphore(%dma_start3A_509 : memref<!tpu.dma_semaphore, #tpu.memory_space<semaphore_mem>>)
      } else {
      }
      %add3A_231 = arith.constant 2 : i32
      %add3A_232 = arith.addi %mul3A_145, %add3A_231 : i32
      %dma_wait3A_233 = arith.constant 2 : i32
      %dma_wait3A_234 = arith.constant 2 : i32
      %dma_wait3A_235 = arith.constant 0 : i32
      %dma_wait3A_236 = arith.constant 0 : i32
      %dma_wait3A_237 = tpu.memref_slice %arg9[%dma_wait3A_233, %dma_wait3A_235, %dma_wait3A_236] : memref<8x128x64xf32, #tpu.memory_space<vmem>> -> memref<1x128x64xf32, #tpu.memory_space<vmem>>
      %dma_wait3A_238 = tpu.memref_squeeze %dma_wait3A_237 : memref<1x128x64xf32, #tpu.memory_space<vmem>> -> memref<128x64xf32, #tpu.memory_space<vmem>>
      %dma_wait3A_239 = arith.constant 0 : i32
      %dma_wait3A_240 = tpu.memref_slice %arg7[%add3A_232, %dma_wait3A_239] : memref<80x128xi32, #tpu.memory_space<vmem>> -> memref<1x128xi32, #tpu.memory_space<vmem>>
      %dma_wait3A_241 = tpu.memref_squeeze %dma_wait3A_240 : memref<1x128xi32, #tpu.memory_space<vmem>> -> memref<128xi32, #tpu.memory_space<vmem>>
      %dma_wait3A_242 = arith.constant 0 : i32
      %dma_wait3A_243 = arith.constant 0 : i32
      %dma_wait3A_244 = tpu.memref_slice %arg2[%dma_wait3A_242, %dma_wait3A_243] : memref<10240x64xf32, #tpu.memory_space<hbm>> -> memref<10240x64xf32, #tpu.memory_space<hbm>>
      %dma_wait3A_245 = tpu.memref_slice %arg11[%dma_wait3A_234] : memref<8x!tpu.dma_semaphore, #tpu.memory_space<semaphore_mem>> -> memref<1x!tpu.dma_semaphore, #tpu.memory_space<semaphore_mem>>
      %dma_wait3A_246 = tpu.memref_squeeze %dma_wait3A_245 : memref<1x!tpu.dma_semaphore, #tpu.memory_space<semaphore_mem>> -> memref<!tpu.dma_semaphore, #tpu.memory_space<semaphore_mem>>
      tpu.wait_indirect_dma semaphore(%dma_wait3A_246 : memref<!tpu.dma_semaphore, #tpu.memory_space<semaphore_mem>>) src(%dma_wait3A_244 : memref<10240x64xf32, #tpu.memory_space<hbm>>) dst(%dma_wait3A_238 : memref<128x64xf32, #tpu.memory_space<vmem>>)
      %dma_start3A_247 = arith.constant 2 : i32
      %dma_start3A_248 = arith.constant 2 : i32
      %dma_start3A_249 = arith.constant 0 : i32
      %dma_start3A_250 = arith.constant 0 : i32
      %dma_start3A_251 = tpu.memref_slice %arg9[%dma_start3A_247, %dma_start3A_249, %dma_start3A_250] : memref<8x128x64xf32, #tpu.memory_space<vmem>> -> memref<1x128x64xf32, #tpu.memory_space<vmem>>
      %dma_start3A_252 = tpu.memref_squeeze %dma_start3A_251 : memref<1x128x64xf32, #tpu.memory_space<vmem>> -> memref<128x64xf32, #tpu.memory_space<vmem>>
      %dma_start3A_253 = arith.constant 0 : i32
      %dma_start3A_254 = tpu.memref_slice %arg8[%add3A_232, %dma_start3A_253] : memref<80x128xi32, #tpu.memory_space<vmem>> -> memref<1x128xi32, #tpu.memory_space<vmem>>
      %dma_start3A_255 = tpu.memref_squeeze %dma_start3A_254 : memref<1x128xi32, #tpu.memory_space<vmem>> -> memref<128xi32, #tpu.memory_space<vmem>>
      %dma_start3A_256 = arith.constant 0 : i32
      %dma_start3A_257 = arith.constant 0 : i32
      %dma_start3A_258 = tpu.memref_slice %arg10[%dma_start3A_256, %dma_start3A_257] : memref<10240x64xf32, #tpu.memory_space<vmem_shared>> -> memref<10240x64xf32, #tpu.memory_space<vmem_shared>>
      %dma_start3A_259 = tpu.memref_slice %arg12[%dma_start3A_248] : memref<8x!tpu.dma_semaphore, #tpu.memory_space<semaphore_mem>> -> memref<1x!tpu.dma_semaphore, #tpu.memory_space<semaphore_mem>>
      %dma_start3A_260 = tpu.memref_squeeze %dma_start3A_259 : memref<1x!tpu.dma_semaphore, #tpu.memory_space<semaphore_mem>> -> memref<!tpu.dma_semaphore, #tpu.memory_space<semaphore_mem>>
      tpu.enqueue_indirect_dma source(%dma_start3A_252 : memref<128x64xf32, #tpu.memory_space<vmem>>) target(%dma_start3A_258 : memref<10240x64xf32, #tpu.memory_space<vmem_shared>>) offsets(%dma_start3A_255 : memref<128xi32, #tpu.memory_space<vmem>>) semaphore(%dma_start3A_260 : memref<!tpu.dma_semaphore, #tpu.memory_space<semaphore_mem>>) {add = true}
      %add3A_261 = arith.constant 4 : i32
      %add3A_262 = arith.addi %add3A_232, %add3A_261 : i32
      %sub3A_263 = arith.constant 8 : i32
      %sub3A_264 = arith.subi %add3A_262, %sub3A_263 : i32
      %ge3A_265 = arith.constant 0 : i32
      %ge3A_266 = arith.cmpi sge, %sub3A_264, %ge3A_265 : i32
      %convert_element_type3A_267 = arith.extui %ge3A_266 : i1 to i32
      %cond3A_268 = arith.constant 0 : i32
      %cond3A_269 = arith.cmpi ne, %convert_element_type3A_267, %cond3A_268 : i32
      scf.if %cond3A_269 {
        %max3A = arith.constant 0 : i32
        %max3A_495 = arith.maxsi %sub3A_264, %max3A : i32
        %dma_wait3A_496 = arith.constant 6 : i32
        %dma_wait3A_497 = arith.constant 6 : i32
        %dma_wait3A_498 = arith.constant 0 : i32
        %dma_wait3A_499 = arith.constant 0 : i32
        %dma_wait3A_500 = tpu.memref_slice %arg9[%dma_wait3A_496, %dma_wait3A_498, %dma_wait3A_499] : memref<8x128x64xf32, #tpu.memory_space<vmem>> -> memref<1x128x64xf32, #tpu.memory_space<vmem>>
        %dma_wait3A_501 = tpu.memref_squeeze %dma_wait3A_500 : memref<1x128x64xf32, #tpu.memory_space<vmem>> -> memref<128x64xf32, #tpu.memory_space<vmem>>
        %dma_wait3A_502 = arith.constant 0 : i32
        %dma_wait3A_503 = tpu.memref_slice %arg8[%max3A_495, %dma_wait3A_502] : memref<80x128xi32, #tpu.memory_space<vmem>> -> memref<1x128xi32, #tpu.memory_space<vmem>>
        %dma_wait3A_504 = tpu.memref_squeeze %dma_wait3A_503 : memref<1x128xi32, #tpu.memory_space<vmem>> -> memref<128xi32, #tpu.memory_space<vmem>>
        %dma_wait3A_505 = arith.constant 0 : i32
        %dma_wait3A_506 = arith.constant 0 : i32
        %dma_wait3A_507 = tpu.memref_slice %arg10[%dma_wait3A_505, %dma_wait3A_506] : memref<10240x64xf32, #tpu.memory_space<vmem_shared>> -> memref<10240x64xf32, #tpu.memory_space<vmem_shared>>
        %dma_wait3A_508 = tpu.memref_slice %arg12[%dma_wait3A_497] : memref<8x!tpu.dma_semaphore, #tpu.memory_space<semaphore_mem>> -> memref<1x!tpu.dma_semaphore, #tpu.memory_space<semaphore_mem>>
        %dma_wait3A_509 = tpu.memref_squeeze %dma_wait3A_508 : memref<1x!tpu.dma_semaphore, #tpu.memory_space<semaphore_mem>> -> memref<!tpu.dma_semaphore, #tpu.memory_space<semaphore_mem>>
        tpu.wait_indirect_dma semaphore(%dma_wait3A_509 : memref<!tpu.dma_semaphore, #tpu.memory_space<semaphore_mem>>) src(%dma_wait3A_501 : memref<128x64xf32, #tpu.memory_space<vmem>>) dst(%dma_wait3A_507 : memref<10240x64xf32, #tpu.memory_space<vmem_shared>>)
      } else {
      }
      %lt3A_270 = arith.constant 80 : i32
      %lt3A_271 = arith.cmpi slt, %add3A_262, %lt3A_270 : i32
      %convert_element_type3A_272 = arith.extui %lt3A_271 : i1 to i32
      %cond3A_273 = arith.constant 0 : i32
      %cond3A_274 = arith.cmpi ne, %convert_element_type3A_272, %cond3A_273 : i32
      scf.if %cond3A_274 {
        %min3A = arith.constant 79 : i32
        %min3A_495 = arith.minsi %add3A_262, %min3A : i32
        %dma_start3A_496 = arith.constant 6 : i32
        %dma_start3A_497 = arith.constant 6 : i32
        %dma_start3A_498 = arith.constant 0 : i32
        %dma_start3A_499 = arith.constant 0 : i32
        %dma_start3A_500 = tpu.memref_slice %arg9[%dma_start3A_496, %dma_start3A_498, %dma_start3A_499] : memref<8x128x64xf32, #tpu.memory_space<vmem>> -> memref<1x128x64xf32, #tpu.memory_space<vmem>>
        %dma_start3A_501 = tpu.memref_squeeze %dma_start3A_500 : memref<1x128x64xf32, #tpu.memory_space<vmem>> -> memref<128x64xf32, #tpu.memory_space<vmem>>
        %dma_start3A_502 = arith.constant 0 : i32
        %dma_start3A_503 = tpu.memref_slice %arg7[%min3A_495, %dma_start3A_502] : memref<80x128xi32, #tpu.memory_space<vmem>> -> memref<1x128xi32, #tpu.memory_space<vmem>>
        %dma_start3A_504 = tpu.memref_squeeze %dma_start3A_503 : memref<1x128xi32, #tpu.memory_space<vmem>> -> memref<128xi32, #tpu.memory_space<vmem>>
        %dma_start3A_505 = arith.constant 0 : i32
        %dma_start3A_506 = arith.constant 0 : i32
        %dma_start3A_507 = tpu.memref_slice %arg2[%dma_start3A_505, %dma_start3A_506] : memref<10240x64xf32, #tpu.memory_space<hbm>> -> memref<10240x64xf32, #tpu.memory_space<hbm>>
        %dma_start3A_508 = tpu.memref_slice %arg11[%dma_start3A_497] : memref<8x!tpu.dma_semaphore, #tpu.memory_space<semaphore_mem>> -> memref<1x!tpu.dma_semaphore, #tpu.memory_space<semaphore_mem>>
        %dma_start3A_509 = tpu.memref_squeeze %dma_start3A_508 : memref<1x!tpu.dma_semaphore, #tpu.memory_space<semaphore_mem>> -> memref<!tpu.dma_semaphore, #tpu.memory_space<semaphore_mem>>
        tpu.enqueue_indirect_dma source(%dma_start3A_507 : memref<10240x64xf32, #tpu.memory_space<hbm>>) target(%dma_start3A_501 : memref<128x64xf32, #tpu.memory_space<vmem>>) offsets(%dma_start3A_504 : memref<128xi32, #tpu.memory_space<vmem>>) semaphore(%dma_start3A_509 : memref<!tpu.dma_semaphore, #tpu.memory_space<semaphore_mem>>)
      } else {
      }
      %add3A_275 = arith.constant 3 : i32
      %add3A_276 = arith.addi %mul3A_145, %add3A_275 : i32
      %dma_wait3A_277 = arith.constant 3 : i32
      %dma_wait3A_278 = arith.constant 3 : i32
      %dma_wait3A_279 = arith.constant 0 : i32
      %dma_wait3A_280 = arith.constant 0 : i32
      %dma_wait3A_281 = tpu.memref_slice %arg9[%dma_wait3A_277, %dma_wait3A_279, %dma_wait3A_280] : memref<8x128x64xf32, #tpu.memory_space<vmem>> -> memref<1x128x64xf32, #tpu.memory_space<vmem>>
      %dma_wait3A_282 = tpu.memref_squeeze %dma_wait3A_281 : memref<1x128x64xf32, #tpu.memory_space<vmem>> -> memref<128x64xf32, #tpu.memory_space<vmem>>
      %dma_wait3A_283 = arith.constant 0 : i32
      %dma_wait3A_284 = tpu.memref_slice %arg7[%add3A_276, %dma_wait3A_283] : memref<80x128xi32, #tpu.memory_space<vmem>> -> memref<1x128xi32, #tpu.memory_space<vmem>>
      %dma_wait3A_285 = tpu.memref_squeeze %dma_wait3A_284 : memref<1x128xi32, #tpu.memory_space<vmem>> -> memref<128xi32, #tpu.memory_space<vmem>>
      %dma_wait3A_286 = arith.constant 0 : i32
      %dma_wait3A_287 = arith.constant 0 : i32
      %dma_wait3A_288 = tpu.memref_slice %arg2[%dma_wait3A_286, %dma_wait3A_287] : memref<10240x64xf32, #tpu.memory_space<hbm>> -> memref<10240x64xf32, #tpu.memory_space<hbm>>
      %dma_wait3A_289 = tpu.memref_slice %arg11[%dma_wait3A_278] : memref<8x!tpu.dma_semaphore, #tpu.memory_space<semaphore_mem>> -> memref<1x!tpu.dma_semaphore, #tpu.memory_space<semaphore_mem>>
      %dma_wait3A_290 = tpu.memref_squeeze %dma_wait3A_289 : memref<1x!tpu.dma_semaphore, #tpu.memory_space<semaphore_mem>> -> memref<!tpu.dma_semaphore, #tpu.memory_space<semaphore_mem>>
      tpu.wait_indirect_dma semaphore(%dma_wait3A_290 : memref<!tpu.dma_semaphore, #tpu.memory_space<semaphore_mem>>) src(%dma_wait3A_288 : memref<10240x64xf32, #tpu.memory_space<hbm>>) dst(%dma_wait3A_282 : memref<128x64xf32, #tpu.memory_space<vmem>>)
      %dma_start3A_291 = arith.constant 3 : i32
      %dma_start3A_292 = arith.constant 3 : i32
      %dma_start3A_293 = arith.constant 0 : i32
      %dma_start3A_294 = arith.constant 0 : i32
      %dma_start3A_295 = tpu.memref_slice %arg9[%dma_start3A_291, %dma_start3A_293, %dma_start3A_294] : memref<8x128x64xf32, #tpu.memory_space<vmem>> -> memref<1x128x64xf32, #tpu.memory_space<vmem>>
      %dma_start3A_296 = tpu.memref_squeeze %dma_start3A_295 : memref<1x128x64xf32, #tpu.memory_space<vmem>> -> memref<128x64xf32, #tpu.memory_space<vmem>>
      %dma_start3A_297 = arith.constant 0 : i32
      %dma_start3A_298 = tpu.memref_slice %arg8[%add3A_276, %dma_start3A_297] : memref<80x128xi32, #tpu.memory_space<vmem>> -> memref<1x128xi32, #tpu.memory_space<vmem>>
      %dma_start3A_299 = tpu.memref_squeeze %dma_start3A_298 : memref<1x128xi32, #tpu.memory_space<vmem>> -> memref<128xi32, #tpu.memory_space<vmem>>
      %dma_start3A_300 = arith.constant 0 : i32
      %dma_start3A_301 = arith.constant 0 : i32
      %dma_start3A_302 = tpu.memref_slice %arg10[%dma_start3A_300, %dma_start3A_301] : memref<10240x64xf32, #tpu.memory_space<vmem_shared>> -> memref<10240x64xf32, #tpu.memory_space<vmem_shared>>
      %dma_start3A_303 = tpu.memref_slice %arg12[%dma_start3A_292] : memref<8x!tpu.dma_semaphore, #tpu.memory_space<semaphore_mem>> -> memref<1x!tpu.dma_semaphore, #tpu.memory_space<semaphore_mem>>
      %dma_start3A_304 = tpu.memref_squeeze %dma_start3A_303 : memref<1x!tpu.dma_semaphore, #tpu.memory_space<semaphore_mem>> -> memref<!tpu.dma_semaphore, #tpu.memory_space<semaphore_mem>>
      tpu.enqueue_indirect_dma source(%dma_start3A_296 : memref<128x64xf32, #tpu.memory_space<vmem>>) target(%dma_start3A_302 : memref<10240x64xf32, #tpu.memory_space<vmem_shared>>) offsets(%dma_start3A_299 : memref<128xi32, #tpu.memory_space<vmem>>) semaphore(%dma_start3A_304 : memref<!tpu.dma_semaphore, #tpu.memory_space<semaphore_mem>>) {add = true}
      %add3A_305 = arith.constant 4 : i32
      %add3A_306 = arith.addi %add3A_276, %add3A_305 : i32
      %sub3A_307 = arith.constant 8 : i32
      %sub3A_308 = arith.subi %add3A_306, %sub3A_307 : i32
      %ge3A_309 = arith.constant 0 : i32
      %ge3A_310 = arith.cmpi sge, %sub3A_308, %ge3A_309 : i32
      %convert_element_type3A_311 = arith.extui %ge3A_310 : i1 to i32
      %cond3A_312 = arith.constant 0 : i32
      %cond3A_313 = arith.cmpi ne, %convert_element_type3A_311, %cond3A_312 : i32
      scf.if %cond3A_313 {
        %max3A = arith.constant 0 : i32
        %max3A_495 = arith.maxsi %sub3A_308, %max3A : i32
        %dma_wait3A_496 = arith.constant 7 : i32
        %dma_wait3A_497 = arith.constant 7 : i32
        %dma_wait3A_498 = arith.constant 0 : i32
        %dma_wait3A_499 = arith.constant 0 : i32
        %dma_wait3A_500 = tpu.memref_slice %arg9[%dma_wait3A_496, %dma_wait3A_498, %dma_wait3A_499] : memref<8x128x64xf32, #tpu.memory_space<vmem>> -> memref<1x128x64xf32, #tpu.memory_space<vmem>>
        %dma_wait3A_501 = tpu.memref_squeeze %dma_wait3A_500 : memref<1x128x64xf32, #tpu.memory_space<vmem>> -> memref<128x64xf32, #tpu.memory_space<vmem>>
        %dma_wait3A_502 = arith.constant 0 : i32
        %dma_wait3A_503 = tpu.memref_slice %arg8[%max3A_495, %dma_wait3A_502] : memref<80x128xi32, #tpu.memory_space<vmem>> -> memref<1x128xi32, #tpu.memory_space<vmem>>
        %dma_wait3A_504 = tpu.memref_squeeze %dma_wait3A_503 : memref<1x128xi32, #tpu.memory_space<vmem>> -> memref<128xi32, #tpu.memory_space<vmem>>
        %dma_wait3A_505 = arith.constant 0 : i32
        %dma_wait3A_506 = arith.constant 0 : i32
        %dma_wait3A_507 = tpu.memref_slice %arg10[%dma_wait3A_505, %dma_wait3A_506] : memref<10240x64xf32, #tpu.memory_space<vmem_shared>> -> memref<10240x64xf32, #tpu.memory_space<vmem_shared>>
        %dma_wait3A_508 = tpu.memref_slice %arg12[%dma_wait3A_497] : memref<8x!tpu.dma_semaphore, #tpu.memory_space<semaphore_mem>> -> memref<1x!tpu.dma_semaphore, #tpu.memory_space<semaphore_mem>>
        %dma_wait3A_509 = tpu.memref_squeeze %dma_wait3A_508 : memref<1x!tpu.dma_semaphore, #tpu.memory_space<semaphore_mem>> -> memref<!tpu.dma_semaphore, #tpu.memory_space<semaphore_mem>>
        tpu.wait_indirect_dma semaphore(%dma_wait3A_509 : memref<!tpu.dma_semaphore, #tpu.memory_space<semaphore_mem>>) src(%dma_wait3A_501 : memref<128x64xf32, #tpu.memory_space<vmem>>) dst(%dma_wait3A_507 : memref<10240x64xf32, #tpu.memory_space<vmem_shared>>)
      } else {
      }
      %lt3A_314 = arith.constant 80 : i32
      %lt3A_315 = arith.cmpi slt, %add3A_306, %lt3A_314 : i32
      %convert_element_type3A_316 = arith.extui %lt3A_315 : i1 to i32
      %cond3A_317 = arith.constant 0 : i32
      %cond3A_318 = arith.cmpi ne, %convert_element_type3A_316, %cond3A_317 : i32
      scf.if %cond3A_318 {
        %min3A = arith.constant 79 : i32
        %min3A_495 = arith.minsi %add3A_306, %min3A : i32
        %dma_start3A_496 = arith.constant 7 : i32
        %dma_start3A_497 = arith.constant 7 : i32
        %dma_start3A_498 = arith.constant 0 : i32
        %dma_start3A_499 = arith.constant 0 : i32
        %dma_start3A_500 = tpu.memref_slice %arg9[%dma_start3A_496, %dma_start3A_498, %dma_start3A_499] : memref<8x128x64xf32, #tpu.memory_space<vmem>> -> memref<1x128x64xf32, #tpu.memory_space<vmem>>
        %dma_start3A_501 = tpu.memref_squeeze %dma_start3A_500 : memref<1x128x64xf32, #tpu.memory_space<vmem>> -> memref<128x64xf32, #tpu.memory_space<vmem>>
        %dma_start3A_502 = arith.constant 0 : i32
        %dma_start3A_503 = tpu.memref_slice %arg7[%min3A_495, %dma_start3A_502] : memref<80x128xi32, #tpu.memory_space<vmem>> -> memref<1x128xi32, #tpu.memory_space<vmem>>
        %dma_start3A_504 = tpu.memref_squeeze %dma_start3A_503 : memref<1x128xi32, #tpu.memory_space<vmem>> -> memref<128xi32, #tpu.memory_space<vmem>>
        %dma_start3A_505 = arith.constant 0 : i32
        %dma_start3A_506 = arith.constant 0 : i32
        %dma_start3A_507 = tpu.memref_slice %arg2[%dma_start3A_505, %dma_start3A_506] : memref<10240x64xf32, #tpu.memory_space<hbm>> -> memref<10240x64xf32, #tpu.memory_space<hbm>>
        %dma_start3A_508 = tpu.memref_slice %arg11[%dma_start3A_497] : memref<8x!tpu.dma_semaphore, #tpu.memory_space<semaphore_mem>> -> memref<1x!tpu.dma_semaphore, #tpu.memory_space<semaphore_mem>>
        %dma_start3A_509 = tpu.memref_squeeze %dma_start3A_508 : memref<1x!tpu.dma_semaphore, #tpu.memory_space<semaphore_mem>> -> memref<!tpu.dma_semaphore, #tpu.memory_space<semaphore_mem>>
        tpu.enqueue_indirect_dma source(%dma_start3A_507 : memref<10240x64xf32, #tpu.memory_space<hbm>>) target(%dma_start3A_501 : memref<128x64xf32, #tpu.memory_space<vmem>>) offsets(%dma_start3A_504 : memref<128xi32, #tpu.memory_space<vmem>>) semaphore(%dma_start3A_509 : memref<!tpu.dma_semaphore, #tpu.memory_space<semaphore_mem>>)
      } else {
      }
      %add3A_319 = arith.constant 4 : i32
      %add3A_320 = arith.addi %mul3A_145, %add3A_319 : i32
      %dma_wait3A_321 = arith.constant 4 : i32
      %dma_wait3A_322 = arith.constant 4 : i32
      %dma_wait3A_323 = arith.constant 0 : i32
      %dma_wait3A_324 = arith.constant 0 : i32
      %dma_wait3A_325 = tpu.memref_slice %arg9[%dma_wait3A_321, %dma_wait3A_323, %dma_wait3A_324] : memref<8x128x64xf32, #tpu.memory_space<vmem>> -> memref<1x128x64xf32, #tpu.memory_space<vmem>>
      %dma_wait3A_326 = tpu.memref_squeeze %dma_wait3A_325 : memref<1x128x64xf32, #tpu.memory_space<vmem>> -> memref<128x64xf32, #tpu.memory_space<vmem>>
      %dma_wait3A_327 = arith.constant 0 : i32
      %dma_wait3A_328 = tpu.memref_slice %arg7[%add3A_320, %dma_wait3A_327] : memref<80x128xi32, #tpu.memory_space<vmem>> -> memref<1x128xi32, #tpu.memory_space<vmem>>
      %dma_wait3A_329 = tpu.memref_squeeze %dma_wait3A_328 : memref<1x128xi32, #tpu.memory_space<vmem>> -> memref<128xi32, #tpu.memory_space<vmem>>
      %dma_wait3A_330 = arith.constant 0 : i32
      %dma_wait3A_331 = arith.constant 0 : i32
      %dma_wait3A_332 = tpu.memref_slice %arg2[%dma_wait3A_330, %dma_wait3A_331] : memref<10240x64xf32, #tpu.memory_space<hbm>> -> memref<10240x64xf32, #tpu.memory_space<hbm>>
      %dma_wait3A_333 = tpu.memref_slice %arg11[%dma_wait3A_322] : memref<8x!tpu.dma_semaphore, #tpu.memory_space<semaphore_mem>> -> memref<1x!tpu.dma_semaphore, #tpu.memory_space<semaphore_mem>>
      %dma_wait3A_334 = tpu.memref_squeeze %dma_wait3A_333 : memref<1x!tpu.dma_semaphore, #tpu.memory_space<semaphore_mem>> -> memref<!tpu.dma_semaphore, #tpu.memory_space<semaphore_mem>>
      tpu.wait_indirect_dma semaphore(%dma_wait3A_334 : memref<!tpu.dma_semaphore, #tpu.memory_space<semaphore_mem>>) src(%dma_wait3A_332 : memref<10240x64xf32, #tpu.memory_space<hbm>>) dst(%dma_wait3A_326 : memref<128x64xf32, #tpu.memory_space<vmem>>)
      %dma_start3A_335 = arith.constant 4 : i32
      %dma_start3A_336 = arith.constant 4 : i32
      %dma_start3A_337 = arith.constant 0 : i32
      %dma_start3A_338 = arith.constant 0 : i32
      %dma_start3A_339 = tpu.memref_slice %arg9[%dma_start3A_335, %dma_start3A_337, %dma_start3A_338] : memref<8x128x64xf32, #tpu.memory_space<vmem>> -> memref<1x128x64xf32, #tpu.memory_space<vmem>>
      %dma_start3A_340 = tpu.memref_squeeze %dma_start3A_339 : memref<1x128x64xf32, #tpu.memory_space<vmem>> -> memref<128x64xf32, #tpu.memory_space<vmem>>
      %dma_start3A_341 = arith.constant 0 : i32
      %dma_start3A_342 = tpu.memref_slice %arg8[%add3A_320, %dma_start3A_341] : memref<80x128xi32, #tpu.memory_space<vmem>> -> memref<1x128xi32, #tpu.memory_space<vmem>>
      %dma_start3A_343 = tpu.memref_squeeze %dma_start3A_342 : memref<1x128xi32, #tpu.memory_space<vmem>> -> memref<128xi32, #tpu.memory_space<vmem>>
      %dma_start3A_344 = arith.constant 0 : i32
      %dma_start3A_345 = arith.constant 0 : i32
      %dma_start3A_346 = tpu.memref_slice %arg10[%dma_start3A_344, %dma_start3A_345] : memref<10240x64xf32, #tpu.memory_space<vmem_shared>> -> memref<10240x64xf32, #tpu.memory_space<vmem_shared>>
      %dma_start3A_347 = tpu.memref_slice %arg12[%dma_start3A_336] : memref<8x!tpu.dma_semaphore, #tpu.memory_space<semaphore_mem>> -> memref<1x!tpu.dma_semaphore, #tpu.memory_space<semaphore_mem>>
      %dma_start3A_348 = tpu.memref_squeeze %dma_start3A_347 : memref<1x!tpu.dma_semaphore, #tpu.memory_space<semaphore_mem>> -> memref<!tpu.dma_semaphore, #tpu.memory_space<semaphore_mem>>
      tpu.enqueue_indirect_dma source(%dma_start3A_340 : memref<128x64xf32, #tpu.memory_space<vmem>>) target(%dma_start3A_346 : memref<10240x64xf32, #tpu.memory_space<vmem_shared>>) offsets(%dma_start3A_343 : memref<128xi32, #tpu.memory_space<vmem>>) semaphore(%dma_start3A_348 : memref<!tpu.dma_semaphore, #tpu.memory_space<semaphore_mem>>) {add = true}
      %add3A_349 = arith.constant 4 : i32
      %add3A_350 = arith.addi %add3A_320, %add3A_349 : i32
      %sub3A_351 = arith.constant 8 : i32
      %sub3A_352 = arith.subi %add3A_350, %sub3A_351 : i32
      %ge3A_353 = arith.constant 0 : i32
      %ge3A_354 = arith.cmpi sge, %sub3A_352, %ge3A_353 : i32
      %convert_element_type3A_355 = arith.extui %ge3A_354 : i1 to i32
      %cond3A_356 = arith.constant 0 : i32
      %cond3A_357 = arith.cmpi ne, %convert_element_type3A_355, %cond3A_356 : i32
      scf.if %cond3A_357 {
        %max3A = arith.constant 0 : i32
        %max3A_495 = arith.maxsi %sub3A_352, %max3A : i32
        %dma_wait3A_496 = arith.constant 0 : i32
        %dma_wait3A_497 = arith.constant 0 : i32
        %dma_wait3A_498 = arith.constant 0 : i32
        %dma_wait3A_499 = arith.constant 0 : i32
        %dma_wait3A_500 = tpu.memref_slice %arg9[%dma_wait3A_496, %dma_wait3A_498, %dma_wait3A_499] : memref<8x128x64xf32, #tpu.memory_space<vmem>> -> memref<1x128x64xf32, #tpu.memory_space<vmem>>
        %dma_wait3A_501 = tpu.memref_squeeze %dma_wait3A_500 : memref<1x128x64xf32, #tpu.memory_space<vmem>> -> memref<128x64xf32, #tpu.memory_space<vmem>>
        %dma_wait3A_502 = arith.constant 0 : i32
        %dma_wait3A_503 = tpu.memref_slice %arg8[%max3A_495, %dma_wait3A_502] : memref<80x128xi32, #tpu.memory_space<vmem>> -> memref<1x128xi32, #tpu.memory_space<vmem>>
        %dma_wait3A_504 = tpu.memref_squeeze %dma_wait3A_503 : memref<1x128xi32, #tpu.memory_space<vmem>> -> memref<128xi32, #tpu.memory_space<vmem>>
        %dma_wait3A_505 = arith.constant 0 : i32
        %dma_wait3A_506 = arith.constant 0 : i32
        %dma_wait3A_507 = tpu.memref_slice %arg10[%dma_wait3A_505, %dma_wait3A_506] : memref<10240x64xf32, #tpu.memory_space<vmem_shared>> -> memref<10240x64xf32, #tpu.memory_space<vmem_shared>>
        %dma_wait3A_508 = tpu.memref_slice %arg12[%dma_wait3A_497] : memref<8x!tpu.dma_semaphore, #tpu.memory_space<semaphore_mem>> -> memref<1x!tpu.dma_semaphore, #tpu.memory_space<semaphore_mem>>
        %dma_wait3A_509 = tpu.memref_squeeze %dma_wait3A_508 : memref<1x!tpu.dma_semaphore, #tpu.memory_space<semaphore_mem>> -> memref<!tpu.dma_semaphore, #tpu.memory_space<semaphore_mem>>
        tpu.wait_indirect_dma semaphore(%dma_wait3A_509 : memref<!tpu.dma_semaphore, #tpu.memory_space<semaphore_mem>>) src(%dma_wait3A_501 : memref<128x64xf32, #tpu.memory_space<vmem>>) dst(%dma_wait3A_507 : memref<10240x64xf32, #tpu.memory_space<vmem_shared>>)
      } else {
      }
      %lt3A_358 = arith.constant 80 : i32
      %lt3A_359 = arith.cmpi slt, %add3A_350, %lt3A_358 : i32
      %convert_element_type3A_360 = arith.extui %lt3A_359 : i1 to i32
      %cond3A_361 = arith.constant 0 : i32
      %cond3A_362 = arith.cmpi ne, %convert_element_type3A_360, %cond3A_361 : i32
      scf.if %cond3A_362 {
        %min3A = arith.constant 79 : i32
        %min3A_495 = arith.minsi %add3A_350, %min3A : i32
        %dma_start3A_496 = arith.constant 0 : i32
        %dma_start3A_497 = arith.constant 0 : i32
        %dma_start3A_498 = arith.constant 0 : i32
        %dma_start3A_499 = arith.constant 0 : i32
        %dma_start3A_500 = tpu.memref_slice %arg9[%dma_start3A_496, %dma_start3A_498, %dma_start3A_499] : memref<8x128x64xf32, #tpu.memory_space<vmem>> -> memref<1x128x64xf32, #tpu.memory_space<vmem>>
        %dma_start3A_501 = tpu.memref_squeeze %dma_start3A_500 : memref<1x128x64xf32, #tpu.memory_space<vmem>> -> memref<128x64xf32, #tpu.memory_space<vmem>>
        %dma_start3A_502 = arith.constant 0 : i32
        %dma_start3A_503 = tpu.memref_slice %arg7[%min3A_495, %dma_start3A_502] : memref<80x128xi32, #tpu.memory_space<vmem>> -> memref<1x128xi32, #tpu.memory_space<vmem>>
        %dma_start3A_504 = tpu.memref_squeeze %dma_start3A_503 : memref<1x128xi32, #tpu.memory_space<vmem>> -> memref<128xi32, #tpu.memory_space<vmem>>
        %dma_start3A_505 = arith.constant 0 : i32
        %dma_start3A_506 = arith.constant 0 : i32
        %dma_start3A_507 = tpu.memref_slice %arg2[%dma_start3A_505, %dma_start3A_506] : memref<10240x64xf32, #tpu.memory_space<hbm>> -> memref<10240x64xf32, #tpu.memory_space<hbm>>
        %dma_start3A_508 = tpu.memref_slice %arg11[%dma_start3A_497] : memref<8x!tpu.dma_semaphore, #tpu.memory_space<semaphore_mem>> -> memref<1x!tpu.dma_semaphore, #tpu.memory_space<semaphore_mem>>
        %dma_start3A_509 = tpu.memref_squeeze %dma_start3A_508 : memref<1x!tpu.dma_semaphore, #tpu.memory_space<semaphore_mem>> -> memref<!tpu.dma_semaphore, #tpu.memory_space<semaphore_mem>>
        tpu.enqueue_indirect_dma source(%dma_start3A_507 : memref<10240x64xf32, #tpu.memory_space<hbm>>) target(%dma_start3A_501 : memref<128x64xf32, #tpu.memory_space<vmem>>) offsets(%dma_start3A_504 : memref<128xi32, #tpu.memory_space<vmem>>) semaphore(%dma_start3A_509 : memref<!tpu.dma_semaphore, #tpu.memory_space<semaphore_mem>>)
      } else {
      }
      %add3A_363 = arith.constant 5 : i32
      %add3A_364 = arith.addi %mul3A_145, %add3A_363 : i32
      %dma_wait3A_365 = arith.constant 5 : i32
      %dma_wait3A_366 = arith.constant 5 : i32
      %dma_wait3A_367 = arith.constant 0 : i32
      %dma_wait3A_368 = arith.constant 0 : i32
      %dma_wait3A_369 = tpu.memref_slice %arg9[%dma_wait3A_365, %dma_wait3A_367, %dma_wait3A_368] : memref<8x128x64xf32, #tpu.memory_space<vmem>> -> memref<1x128x64xf32, #tpu.memory_space<vmem>>
      %dma_wait3A_370 = tpu.memref_squeeze %dma_wait3A_369 : memref<1x128x64xf32, #tpu.memory_space<vmem>> -> memref<128x64xf32, #tpu.memory_space<vmem>>
      %dma_wait3A_371 = arith.constant 0 : i32
      %dma_wait3A_372 = tpu.memref_slice %arg7[%add3A_364, %dma_wait3A_371] : memref<80x128xi32, #tpu.memory_space<vmem>> -> memref<1x128xi32, #tpu.memory_space<vmem>>
      %dma_wait3A_373 = tpu.memref_squeeze %dma_wait3A_372 : memref<1x128xi32, #tpu.memory_space<vmem>> -> memref<128xi32, #tpu.memory_space<vmem>>
      %dma_wait3A_374 = arith.constant 0 : i32
      %dma_wait3A_375 = arith.constant 0 : i32
      %dma_wait3A_376 = tpu.memref_slice %arg2[%dma_wait3A_374, %dma_wait3A_375] : memref<10240x64xf32, #tpu.memory_space<hbm>> -> memref<10240x64xf32, #tpu.memory_space<hbm>>
      %dma_wait3A_377 = tpu.memref_slice %arg11[%dma_wait3A_366] : memref<8x!tpu.dma_semaphore, #tpu.memory_space<semaphore_mem>> -> memref<1x!tpu.dma_semaphore, #tpu.memory_space<semaphore_mem>>
      %dma_wait3A_378 = tpu.memref_squeeze %dma_wait3A_377 : memref<1x!tpu.dma_semaphore, #tpu.memory_space<semaphore_mem>> -> memref<!tpu.dma_semaphore, #tpu.memory_space<semaphore_mem>>
      tpu.wait_indirect_dma semaphore(%dma_wait3A_378 : memref<!tpu.dma_semaphore, #tpu.memory_space<semaphore_mem>>) src(%dma_wait3A_376 : memref<10240x64xf32, #tpu.memory_space<hbm>>) dst(%dma_wait3A_370 : memref<128x64xf32, #tpu.memory_space<vmem>>)
      %dma_start3A_379 = arith.constant 5 : i32
      %dma_start3A_380 = arith.constant 5 : i32
      %dma_start3A_381 = arith.constant 0 : i32
      %dma_start3A_382 = arith.constant 0 : i32
      %dma_start3A_383 = tpu.memref_slice %arg9[%dma_start3A_379, %dma_start3A_381, %dma_start3A_382] : memref<8x128x64xf32, #tpu.memory_space<vmem>> -> memref<1x128x64xf32, #tpu.memory_space<vmem>>
      %dma_start3A_384 = tpu.memref_squeeze %dma_start3A_383 : memref<1x128x64xf32, #tpu.memory_space<vmem>> -> memref<128x64xf32, #tpu.memory_space<vmem>>
      %dma_start3A_385 = arith.constant 0 : i32
      %dma_start3A_386 = tpu.memref_slice %arg8[%add3A_364, %dma_start3A_385] : memref<80x128xi32, #tpu.memory_space<vmem>> -> memref<1x128xi32, #tpu.memory_space<vmem>>
      %dma_start3A_387 = tpu.memref_squeeze %dma_start3A_386 : memref<1x128xi32, #tpu.memory_space<vmem>> -> memref<128xi32, #tpu.memory_space<vmem>>
      %dma_start3A_388 = arith.constant 0 : i32
      %dma_start3A_389 = arith.constant 0 : i32
      %dma_start3A_390 = tpu.memref_slice %arg10[%dma_start3A_388, %dma_start3A_389] : memref<10240x64xf32, #tpu.memory_space<vmem_shared>> -> memref<10240x64xf32, #tpu.memory_space<vmem_shared>>
      %dma_start3A_391 = tpu.memref_slice %arg12[%dma_start3A_380] : memref<8x!tpu.dma_semaphore, #tpu.memory_space<semaphore_mem>> -> memref<1x!tpu.dma_semaphore, #tpu.memory_space<semaphore_mem>>
      %dma_start3A_392 = tpu.memref_squeeze %dma_start3A_391 : memref<1x!tpu.dma_semaphore, #tpu.memory_space<semaphore_mem>> -> memref<!tpu.dma_semaphore, #tpu.memory_space<semaphore_mem>>
      tpu.enqueue_indirect_dma source(%dma_start3A_384 : memref<128x64xf32, #tpu.memory_space<vmem>>) target(%dma_start3A_390 : memref<10240x64xf32, #tpu.memory_space<vmem_shared>>) offsets(%dma_start3A_387 : memref<128xi32, #tpu.memory_space<vmem>>) semaphore(%dma_start3A_392 : memref<!tpu.dma_semaphore, #tpu.memory_space<semaphore_mem>>) {add = true}
      %add3A_393 = arith.constant 4 : i32
      %add3A_394 = arith.addi %add3A_364, %add3A_393 : i32
      %sub3A_395 = arith.constant 8 : i32
      %sub3A_396 = arith.subi %add3A_394, %sub3A_395 : i32
      %ge3A_397 = arith.constant 0 : i32
      %ge3A_398 = arith.cmpi sge, %sub3A_396, %ge3A_397 : i32
      %convert_element_type3A_399 = arith.extui %ge3A_398 : i1 to i32
      %cond3A_400 = arith.constant 0 : i32
      %cond3A_401 = arith.cmpi ne, %convert_element_type3A_399, %cond3A_400 : i32
      scf.if %cond3A_401 {
        %max3A = arith.constant 0 : i32
        %max3A_495 = arith.maxsi %sub3A_396, %max3A : i32
        %dma_wait3A_496 = arith.constant 1 : i32
        %dma_wait3A_497 = arith.constant 1 : i32
        %dma_wait3A_498 = arith.constant 0 : i32
        %dma_wait3A_499 = arith.constant 0 : i32
        %dma_wait3A_500 = tpu.memref_slice %arg9[%dma_wait3A_496, %dma_wait3A_498, %dma_wait3A_499] : memref<8x128x64xf32, #tpu.memory_space<vmem>> -> memref<1x128x64xf32, #tpu.memory_space<vmem>>
        %dma_wait3A_501 = tpu.memref_squeeze %dma_wait3A_500 : memref<1x128x64xf32, #tpu.memory_space<vmem>> -> memref<128x64xf32, #tpu.memory_space<vmem>>
        %dma_wait3A_502 = arith.constant 0 : i32
        %dma_wait3A_503 = tpu.memref_slice %arg8[%max3A_495, %dma_wait3A_502] : memref<80x128xi32, #tpu.memory_space<vmem>> -> memref<1x128xi32, #tpu.memory_space<vmem>>
        %dma_wait3A_504 = tpu.memref_squeeze %dma_wait3A_503 : memref<1x128xi32, #tpu.memory_space<vmem>> -> memref<128xi32, #tpu.memory_space<vmem>>
        %dma_wait3A_505 = arith.constant 0 : i32
        %dma_wait3A_506 = arith.constant 0 : i32
        %dma_wait3A_507 = tpu.memref_slice %arg10[%dma_wait3A_505, %dma_wait3A_506] : memref<10240x64xf32, #tpu.memory_space<vmem_shared>> -> memref<10240x64xf32, #tpu.memory_space<vmem_shared>>
        %dma_wait3A_508 = tpu.memref_slice %arg12[%dma_wait3A_497] : memref<8x!tpu.dma_semaphore, #tpu.memory_space<semaphore_mem>> -> memref<1x!tpu.dma_semaphore, #tpu.memory_space<semaphore_mem>>
        %dma_wait3A_509 = tpu.memref_squeeze %dma_wait3A_508 : memref<1x!tpu.dma_semaphore, #tpu.memory_space<semaphore_mem>> -> memref<!tpu.dma_semaphore, #tpu.memory_space<semaphore_mem>>
        tpu.wait_indirect_dma semaphore(%dma_wait3A_509 : memref<!tpu.dma_semaphore, #tpu.memory_space<semaphore_mem>>) src(%dma_wait3A_501 : memref<128x64xf32, #tpu.memory_space<vmem>>) dst(%dma_wait3A_507 : memref<10240x64xf32, #tpu.memory_space<vmem_shared>>)
      } else {
      }
      %lt3A_402 = arith.constant 80 : i32
      %lt3A_403 = arith.cmpi slt, %add3A_394, %lt3A_402 : i32
      %convert_element_type3A_404 = arith.extui %lt3A_403 : i1 to i32
      %cond3A_405 = arith.constant 0 : i32
      %cond3A_406 = arith.cmpi ne, %convert_element_type3A_404, %cond3A_405 : i32
      scf.if %cond3A_406 {
        %min3A = arith.constant 79 : i32
        %min3A_495 = arith.minsi %add3A_394, %min3A : i32
        %dma_start3A_496 = arith.constant 1 : i32
        %dma_start3A_497 = arith.constant 1 : i32
        %dma_start3A_498 = arith.constant 0 : i32
        %dma_start3A_499 = arith.constant 0 : i32
        %dma_start3A_500 = tpu.memref_slice %arg9[%dma_start3A_496, %dma_start3A_498, %dma_start3A_499] : memref<8x128x64xf32, #tpu.memory_space<vmem>> -> memref<1x128x64xf32, #tpu.memory_space<vmem>>
        %dma_start3A_501 = tpu.memref_squeeze %dma_start3A_500 : memref<1x128x64xf32, #tpu.memory_space<vmem>> -> memref<128x64xf32, #tpu.memory_space<vmem>>
        %dma_start3A_502 = arith.constant 0 : i32
        %dma_start3A_503 = tpu.memref_slice %arg7[%min3A_495, %dma_start3A_502] : memref<80x128xi32, #tpu.memory_space<vmem>> -> memref<1x128xi32, #tpu.memory_space<vmem>>
        %dma_start3A_504 = tpu.memref_squeeze %dma_start3A_503 : memref<1x128xi32, #tpu.memory_space<vmem>> -> memref<128xi32, #tpu.memory_space<vmem>>
        %dma_start3A_505 = arith.constant 0 : i32
        %dma_start3A_506 = arith.constant 0 : i32
        %dma_start3A_507 = tpu.memref_slice %arg2[%dma_start3A_505, %dma_start3A_506] : memref<10240x64xf32, #tpu.memory_space<hbm>> -> memref<10240x64xf32, #tpu.memory_space<hbm>>
        %dma_start3A_508 = tpu.memref_slice %arg11[%dma_start3A_497] : memref<8x!tpu.dma_semaphore, #tpu.memory_space<semaphore_mem>> -> memref<1x!tpu.dma_semaphore, #tpu.memory_space<semaphore_mem>>
        %dma_start3A_509 = tpu.memref_squeeze %dma_start3A_508 : memref<1x!tpu.dma_semaphore, #tpu.memory_space<semaphore_mem>> -> memref<!tpu.dma_semaphore, #tpu.memory_space<semaphore_mem>>
        tpu.enqueue_indirect_dma source(%dma_start3A_507 : memref<10240x64xf32, #tpu.memory_space<hbm>>) target(%dma_start3A_501 : memref<128x64xf32, #tpu.memory_space<vmem>>) offsets(%dma_start3A_504 : memref<128xi32, #tpu.memory_space<vmem>>) semaphore(%dma_start3A_509 : memref<!tpu.dma_semaphore, #tpu.memory_space<semaphore_mem>>)
      } else {
      }
      %add3A_407 = arith.constant 6 : i32
      %add3A_408 = arith.addi %mul3A_145, %add3A_407 : i32
      %dma_wait3A_409 = arith.constant 6 : i32
      %dma_wait3A_410 = arith.constant 6 : i32
      %dma_wait3A_411 = arith.constant 0 : i32
      %dma_wait3A_412 = arith.constant 0 : i32
      %dma_wait3A_413 = tpu.memref_slice %arg9[%dma_wait3A_409, %dma_wait3A_411, %dma_wait3A_412] : memref<8x128x64xf32, #tpu.memory_space<vmem>> -> memref<1x128x64xf32, #tpu.memory_space<vmem>>
      %dma_wait3A_414 = tpu.memref_squeeze %dma_wait3A_413 : memref<1x128x64xf32, #tpu.memory_space<vmem>> -> memref<128x64xf32, #tpu.memory_space<vmem>>
      %dma_wait3A_415 = arith.constant 0 : i32
      %dma_wait3A_416 = tpu.memref_slice %arg7[%add3A_408, %dma_wait3A_415] : memref<80x128xi32, #tpu.memory_space<vmem>> -> memref<1x128xi32, #tpu.memory_space<vmem>>
      %dma_wait3A_417 = tpu.memref_squeeze %dma_wait3A_416 : memref<1x128xi32, #tpu.memory_space<vmem>> -> memref<128xi32, #tpu.memory_space<vmem>>
      %dma_wait3A_418 = arith.constant 0 : i32
      %dma_wait3A_419 = arith.constant 0 : i32
      %dma_wait3A_420 = tpu.memref_slice %arg2[%dma_wait3A_418, %dma_wait3A_419] : memref<10240x64xf32, #tpu.memory_space<hbm>> -> memref<10240x64xf32, #tpu.memory_space<hbm>>
      %dma_wait3A_421 = tpu.memref_slice %arg11[%dma_wait3A_410] : memref<8x!tpu.dma_semaphore, #tpu.memory_space<semaphore_mem>> -> memref<1x!tpu.dma_semaphore, #tpu.memory_space<semaphore_mem>>
      %dma_wait3A_422 = tpu.memref_squeeze %dma_wait3A_421 : memref<1x!tpu.dma_semaphore, #tpu.memory_space<semaphore_mem>> -> memref<!tpu.dma_semaphore, #tpu.memory_space<semaphore_mem>>
      tpu.wait_indirect_dma semaphore(%dma_wait3A_422 : memref<!tpu.dma_semaphore, #tpu.memory_space<semaphore_mem>>) src(%dma_wait3A_420 : memref<10240x64xf32, #tpu.memory_space<hbm>>) dst(%dma_wait3A_414 : memref<128x64xf32, #tpu.memory_space<vmem>>)
      %dma_start3A_423 = arith.constant 6 : i32
      %dma_start3A_424 = arith.constant 6 : i32
      %dma_start3A_425 = arith.constant 0 : i32
      %dma_start3A_426 = arith.constant 0 : i32
      %dma_start3A_427 = tpu.memref_slice %arg9[%dma_start3A_423, %dma_start3A_425, %dma_start3A_426] : memref<8x128x64xf32, #tpu.memory_space<vmem>> -> memref<1x128x64xf32, #tpu.memory_space<vmem>>
      %dma_start3A_428 = tpu.memref_squeeze %dma_start3A_427 : memref<1x128x64xf32, #tpu.memory_space<vmem>> -> memref<128x64xf32, #tpu.memory_space<vmem>>
      %dma_start3A_429 = arith.constant 0 : i32
      %dma_start3A_430 = tpu.memref_slice %arg8[%add3A_408, %dma_start3A_429] : memref<80x128xi32, #tpu.memory_space<vmem>> -> memref<1x128xi32, #tpu.memory_space<vmem>>
      %dma_start3A_431 = tpu.memref_squeeze %dma_start3A_430 : memref<1x128xi32, #tpu.memory_space<vmem>> -> memref<128xi32, #tpu.memory_space<vmem>>
      %dma_start3A_432 = arith.constant 0 : i32
      %dma_start3A_433 = arith.constant 0 : i32
      %dma_start3A_434 = tpu.memref_slice %arg10[%dma_start3A_432, %dma_start3A_433] : memref<10240x64xf32, #tpu.memory_space<vmem_shared>> -> memref<10240x64xf32, #tpu.memory_space<vmem_shared>>
      %dma_start3A_435 = tpu.memref_slice %arg12[%dma_start3A_424] : memref<8x!tpu.dma_semaphore, #tpu.memory_space<semaphore_mem>> -> memref<1x!tpu.dma_semaphore, #tpu.memory_space<semaphore_mem>>
      %dma_start3A_436 = tpu.memref_squeeze %dma_start3A_435 : memref<1x!tpu.dma_semaphore, #tpu.memory_space<semaphore_mem>> -> memref<!tpu.dma_semaphore, #tpu.memory_space<semaphore_mem>>
      tpu.enqueue_indirect_dma source(%dma_start3A_428 : memref<128x64xf32, #tpu.memory_space<vmem>>) target(%dma_start3A_434 : memref<10240x64xf32, #tpu.memory_space<vmem_shared>>) offsets(%dma_start3A_431 : memref<128xi32, #tpu.memory_space<vmem>>) semaphore(%dma_start3A_436 : memref<!tpu.dma_semaphore, #tpu.memory_space<semaphore_mem>>) {add = true}
      %add3A_437 = arith.constant 4 : i32
      %add3A_438 = arith.addi %add3A_408, %add3A_437 : i32
      %sub3A_439 = arith.constant 8 : i32
      %sub3A_440 = arith.subi %add3A_438, %sub3A_439 : i32
      %ge3A_441 = arith.constant 0 : i32
      %ge3A_442 = arith.cmpi sge, %sub3A_440, %ge3A_441 : i32
      %convert_element_type3A_443 = arith.extui %ge3A_442 : i1 to i32
      %cond3A_444 = arith.constant 0 : i32
      %cond3A_445 = arith.cmpi ne, %convert_element_type3A_443, %cond3A_444 : i32
      scf.if %cond3A_445 {
        %max3A = arith.constant 0 : i32
        %max3A_495 = arith.maxsi %sub3A_440, %max3A : i32
        %dma_wait3A_496 = arith.constant 2 : i32
        %dma_wait3A_497 = arith.constant 2 : i32
        %dma_wait3A_498 = arith.constant 0 : i32
        %dma_wait3A_499 = arith.constant 0 : i32
        %dma_wait3A_500 = tpu.memref_slice %arg9[%dma_wait3A_496, %dma_wait3A_498, %dma_wait3A_499] : memref<8x128x64xf32, #tpu.memory_space<vmem>> -> memref<1x128x64xf32, #tpu.memory_space<vmem>>
        %dma_wait3A_501 = tpu.memref_squeeze %dma_wait3A_500 : memref<1x128x64xf32, #tpu.memory_space<vmem>> -> memref<128x64xf32, #tpu.memory_space<vmem>>
        %dma_wait3A_502 = arith.constant 0 : i32
        %dma_wait3A_503 = tpu.memref_slice %arg8[%max3A_495, %dma_wait3A_502] : memref<80x128xi32, #tpu.memory_space<vmem>> -> memref<1x128xi32, #tpu.memory_space<vmem>>
        %dma_wait3A_504 = tpu.memref_squeeze %dma_wait3A_503 : memref<1x128xi32, #tpu.memory_space<vmem>> -> memref<128xi32, #tpu.memory_space<vmem>>
        %dma_wait3A_505 = arith.constant 0 : i32
        %dma_wait3A_506 = arith.constant 0 : i32
        %dma_wait3A_507 = tpu.memref_slice %arg10[%dma_wait3A_505, %dma_wait3A_506] : memref<10240x64xf32, #tpu.memory_space<vmem_shared>> -> memref<10240x64xf32, #tpu.memory_space<vmem_shared>>
        %dma_wait3A_508 = tpu.memref_slice %arg12[%dma_wait3A_497] : memref<8x!tpu.dma_semaphore, #tpu.memory_space<semaphore_mem>> -> memref<1x!tpu.dma_semaphore, #tpu.memory_space<semaphore_mem>>
        %dma_wait3A_509 = tpu.memref_squeeze %dma_wait3A_508 : memref<1x!tpu.dma_semaphore, #tpu.memory_space<semaphore_mem>> -> memref<!tpu.dma_semaphore, #tpu.memory_space<semaphore_mem>>
        tpu.wait_indirect_dma semaphore(%dma_wait3A_509 : memref<!tpu.dma_semaphore, #tpu.memory_space<semaphore_mem>>) src(%dma_wait3A_501 : memref<128x64xf32, #tpu.memory_space<vmem>>) dst(%dma_wait3A_507 : memref<10240x64xf32, #tpu.memory_space<vmem_shared>>)
      } else {
      }
      %lt3A_446 = arith.constant 80 : i32
      %lt3A_447 = arith.cmpi slt, %add3A_438, %lt3A_446 : i32
      %convert_element_type3A_448 = arith.extui %lt3A_447 : i1 to i32
      %cond3A_449 = arith.constant 0 : i32
      %cond3A_450 = arith.cmpi ne, %convert_element_type3A_448, %cond3A_449 : i32
      scf.if %cond3A_450 {
        %min3A = arith.constant 79 : i32
        %min3A_495 = arith.minsi %add3A_438, %min3A : i32
        %dma_start3A_496 = arith.constant 2 : i32
        %dma_start3A_497 = arith.constant 2 : i32
        %dma_start3A_498 = arith.constant 0 : i32
        %dma_start3A_499 = arith.constant 0 : i32
        %dma_start3A_500 = tpu.memref_slice %arg9[%dma_start3A_496, %dma_start3A_498, %dma_start3A_499] : memref<8x128x64xf32, #tpu.memory_space<vmem>> -> memref<1x128x64xf32, #tpu.memory_space<vmem>>
        %dma_start3A_501 = tpu.memref_squeeze %dma_start3A_500 : memref<1x128x64xf32, #tpu.memory_space<vmem>> -> memref<128x64xf32, #tpu.memory_space<vmem>>
        %dma_start3A_502 = arith.constant 0 : i32
        %dma_start3A_503 = tpu.memref_slice %arg7[%min3A_495, %dma_start3A_502] : memref<80x128xi32, #tpu.memory_space<vmem>> -> memref<1x128xi32, #tpu.memory_space<vmem>>
        %dma_start3A_504 = tpu.memref_squeeze %dma_start3A_503 : memref<1x128xi32, #tpu.memory_space<vmem>> -> memref<128xi32, #tpu.memory_space<vmem>>
        %dma_start3A_505 = arith.constant 0 : i32
        %dma_start3A_506 = arith.constant 0 : i32
        %dma_start3A_507 = tpu.memref_slice %arg2[%dma_start3A_505, %dma_start3A_506] : memref<10240x64xf32, #tpu.memory_space<hbm>> -> memref<10240x64xf32, #tpu.memory_space<hbm>>
        %dma_start3A_508 = tpu.memref_slice %arg11[%dma_start3A_497] : memref<8x!tpu.dma_semaphore, #tpu.memory_space<semaphore_mem>> -> memref<1x!tpu.dma_semaphore, #tpu.memory_space<semaphore_mem>>
        %dma_start3A_509 = tpu.memref_squeeze %dma_start3A_508 : memref<1x!tpu.dma_semaphore, #tpu.memory_space<semaphore_mem>> -> memref<!tpu.dma_semaphore, #tpu.memory_space<semaphore_mem>>
        tpu.enqueue_indirect_dma source(%dma_start3A_507 : memref<10240x64xf32, #tpu.memory_space<hbm>>) target(%dma_start3A_501 : memref<128x64xf32, #tpu.memory_space<vmem>>) offsets(%dma_start3A_504 : memref<128xi32, #tpu.memory_space<vmem>>) semaphore(%dma_start3A_509 : memref<!tpu.dma_semaphore, #tpu.memory_space<semaphore_mem>>)
      } else {
      }
      %add3A_451 = arith.constant 7 : i32
      %add3A_452 = arith.addi %mul3A_145, %add3A_451 : i32
      %dma_wait3A_453 = arith.constant 7 : i32
      %dma_wait3A_454 = arith.constant 7 : i32
      %dma_wait3A_455 = arith.constant 0 : i32
      %dma_wait3A_456 = arith.constant 0 : i32
      %dma_wait3A_457 = tpu.memref_slice %arg9[%dma_wait3A_453, %dma_wait3A_455, %dma_wait3A_456] : memref<8x128x64xf32, #tpu.memory_space<vmem>> -> memref<1x128x64xf32, #tpu.memory_space<vmem>>
      %dma_wait3A_458 = tpu.memref_squeeze %dma_wait3A_457 : memref<1x128x64xf32, #tpu.memory_space<vmem>> -> memref<128x64xf32, #tpu.memory_space<vmem>>
      %dma_wait3A_459 = arith.constant 0 : i32
      %dma_wait3A_460 = tpu.memref_slice %arg7[%add3A_452, %dma_wait3A_459] : memref<80x128xi32, #tpu.memory_space<vmem>> -> memref<1x128xi32, #tpu.memory_space<vmem>>
      %dma_wait3A_461 = tpu.memref_squeeze %dma_wait3A_460 : memref<1x128xi32, #tpu.memory_space<vmem>> -> memref<128xi32, #tpu.memory_space<vmem>>
      %dma_wait3A_462 = arith.constant 0 : i32
      %dma_wait3A_463 = arith.constant 0 : i32
      %dma_wait3A_464 = tpu.memref_slice %arg2[%dma_wait3A_462, %dma_wait3A_463] : memref<10240x64xf32, #tpu.memory_space<hbm>> -> memref<10240x64xf32, #tpu.memory_space<hbm>>
      %dma_wait3A_465 = tpu.memref_slice %arg11[%dma_wait3A_454] : memref<8x!tpu.dma_semaphore, #tpu.memory_space<semaphore_mem>> -> memref<1x!tpu.dma_semaphore, #tpu.memory_space<semaphore_mem>>
      %dma_wait3A_466 = tpu.memref_squeeze %dma_wait3A_465 : memref<1x!tpu.dma_semaphore, #tpu.memory_space<semaphore_mem>> -> memref<!tpu.dma_semaphore, #tpu.memory_space<semaphore_mem>>
      tpu.wait_indirect_dma semaphore(%dma_wait3A_466 : memref<!tpu.dma_semaphore, #tpu.memory_space<semaphore_mem>>) src(%dma_wait3A_464 : memref<10240x64xf32, #tpu.memory_space<hbm>>) dst(%dma_wait3A_458 : memref<128x64xf32, #tpu.memory_space<vmem>>)
      %dma_start3A_467 = arith.constant 7 : i32
      %dma_start3A_468 = arith.constant 7 : i32
      %dma_start3A_469 = arith.constant 0 : i32
      %dma_start3A_470 = arith.constant 0 : i32
      %dma_start3A_471 = tpu.memref_slice %arg9[%dma_start3A_467, %dma_start3A_469, %dma_start3A_470] : memref<8x128x64xf32, #tpu.memory_space<vmem>> -> memref<1x128x64xf32, #tpu.memory_space<vmem>>
      %dma_start3A_472 = tpu.memref_squeeze %dma_start3A_471 : memref<1x128x64xf32, #tpu.memory_space<vmem>> -> memref<128x64xf32, #tpu.memory_space<vmem>>
      %dma_start3A_473 = arith.constant 0 : i32
      %dma_start3A_474 = tpu.memref_slice %arg8[%add3A_452, %dma_start3A_473] : memref<80x128xi32, #tpu.memory_space<vmem>> -> memref<1x128xi32, #tpu.memory_space<vmem>>
      %dma_start3A_475 = tpu.memref_squeeze %dma_start3A_474 : memref<1x128xi32, #tpu.memory_space<vmem>> -> memref<128xi32, #tpu.memory_space<vmem>>
      %dma_start3A_476 = arith.constant 0 : i32
      %dma_start3A_477 = arith.constant 0 : i32
      %dma_start3A_478 = tpu.memref_slice %arg10[%dma_start3A_476, %dma_start3A_477] : memref<10240x64xf32, #tpu.memory_space<vmem_shared>> -> memref<10240x64xf32, #tpu.memory_space<vmem_shared>>
      %dma_start3A_479 = tpu.memref_slice %arg12[%dma_start3A_468] : memref<8x!tpu.dma_semaphore, #tpu.memory_space<semaphore_mem>> -> memref<1x!tpu.dma_semaphore, #tpu.memory_space<semaphore_mem>>
      %dma_start3A_480 = tpu.memref_squeeze %dma_start3A_479 : memref<1x!tpu.dma_semaphore, #tpu.memory_space<semaphore_mem>> -> memref<!tpu.dma_semaphore, #tpu.memory_space<semaphore_mem>>
      tpu.enqueue_indirect_dma source(%dma_start3A_472 : memref<128x64xf32, #tpu.memory_space<vmem>>) target(%dma_start3A_478 : memref<10240x64xf32, #tpu.memory_space<vmem_shared>>) offsets(%dma_start3A_475 : memref<128xi32, #tpu.memory_space<vmem>>) semaphore(%dma_start3A_480 : memref<!tpu.dma_semaphore, #tpu.memory_space<semaphore_mem>>) {add = true}
      %add3A_481 = arith.constant 4 : i32
      %add3A_482 = arith.addi %add3A_452, %add3A_481 : i32
      %sub3A_483 = arith.constant 8 : i32
      %sub3A_484 = arith.subi %add3A_482, %sub3A_483 : i32
      %ge3A_485 = arith.constant 0 : i32
      %ge3A_486 = arith.cmpi sge, %sub3A_484, %ge3A_485 : i32
      %convert_element_type3A_487 = arith.extui %ge3A_486 : i1 to i32
      %cond3A_488 = arith.constant 0 : i32
      %cond3A_489 = arith.cmpi ne, %convert_element_type3A_487, %cond3A_488 : i32
      scf.if %cond3A_489 {
        %max3A = arith.constant 0 : i32
        %max3A_495 = arith.maxsi %sub3A_484, %max3A : i32
        %dma_wait3A_496 = arith.constant 3 : i32
        %dma_wait3A_497 = arith.constant 3 : i32
        %dma_wait3A_498 = arith.constant 0 : i32
        %dma_wait3A_499 = arith.constant 0 : i32
        %dma_wait3A_500 = tpu.memref_slice %arg9[%dma_wait3A_496, %dma_wait3A_498, %dma_wait3A_499] : memref<8x128x64xf32, #tpu.memory_space<vmem>> -> memref<1x128x64xf32, #tpu.memory_space<vmem>>
        %dma_wait3A_501 = tpu.memref_squeeze %dma_wait3A_500 : memref<1x128x64xf32, #tpu.memory_space<vmem>> -> memref<128x64xf32, #tpu.memory_space<vmem>>
        %dma_wait3A_502 = arith.constant 0 : i32
        %dma_wait3A_503 = tpu.memref_slice %arg8[%max3A_495, %dma_wait3A_502] : memref<80x128xi32, #tpu.memory_space<vmem>> -> memref<1x128xi32, #tpu.memory_space<vmem>>
        %dma_wait3A_504 = tpu.memref_squeeze %dma_wait3A_503 : memref<1x128xi32, #tpu.memory_space<vmem>> -> memref<128xi32, #tpu.memory_space<vmem>>
        %dma_wait3A_505 = arith.constant 0 : i32
        %dma_wait3A_506 = arith.constant 0 : i32
        %dma_wait3A_507 = tpu.memref_slice %arg10[%dma_wait3A_505, %dma_wait3A_506] : memref<10240x64xf32, #tpu.memory_space<vmem_shared>> -> memref<10240x64xf32, #tpu.memory_space<vmem_shared>>
        %dma_wait3A_508 = tpu.memref_slice %arg12[%dma_wait3A_497] : memref<8x!tpu.dma_semaphore, #tpu.memory_space<semaphore_mem>> -> memref<1x!tpu.dma_semaphore, #tpu.memory_space<semaphore_mem>>
        %dma_wait3A_509 = tpu.memref_squeeze %dma_wait3A_508 : memref<1x!tpu.dma_semaphore, #tpu.memory_space<semaphore_mem>> -> memref<!tpu.dma_semaphore, #tpu.memory_space<semaphore_mem>>
        tpu.wait_indirect_dma semaphore(%dma_wait3A_509 : memref<!tpu.dma_semaphore, #tpu.memory_space<semaphore_mem>>) src(%dma_wait3A_501 : memref<128x64xf32, #tpu.memory_space<vmem>>) dst(%dma_wait3A_507 : memref<10240x64xf32, #tpu.memory_space<vmem_shared>>)
      } else {
      }
      %lt3A_490 = arith.constant 80 : i32
      %lt3A_491 = arith.cmpi slt, %add3A_482, %lt3A_490 : i32
      %convert_element_type3A_492 = arith.extui %lt3A_491 : i1 to i32
      %cond3A_493 = arith.constant 0 : i32
      %cond3A_494 = arith.cmpi ne, %convert_element_type3A_492, %cond3A_493 : i32
      scf.if %cond3A_494 {
        %min3A = arith.constant 79 : i32
        %min3A_495 = arith.minsi %add3A_482, %min3A : i32
        %dma_start3A_496 = arith.constant 3 : i32
        %dma_start3A_497 = arith.constant 3 : i32
        %dma_start3A_498 = arith.constant 0 : i32
        %dma_start3A_499 = arith.constant 0 : i32
        %dma_start3A_500 = tpu.memref_slice %arg9[%dma_start3A_496, %dma_start3A_498, %dma_start3A_499] : memref<8x128x64xf32, #tpu.memory_space<vmem>> -> memref<1x128x64xf32, #tpu.memory_space<vmem>>
        %dma_start3A_501 = tpu.memref_squeeze %dma_start3A_500 : memref<1x128x64xf32, #tpu.memory_space<vmem>> -> memref<128x64xf32, #tpu.memory_space<vmem>>
        %dma_start3A_502 = arith.constant 0 : i32
        %dma_start3A_503 = tpu.memref_slice %arg7[%min3A_495, %dma_start3A_502] : memref<80x128xi32, #tpu.memory_space<vmem>> -> memref<1x128xi32, #tpu.memory_space<vmem>>
        %dma_start3A_504 = tpu.memref_squeeze %dma_start3A_503 : memref<1x128xi32, #tpu.memory_space<vmem>> -> memref<128xi32, #tpu.memory_space<vmem>>
        %dma_start3A_505 = arith.constant 0 : i32
        %dma_start3A_506 = arith.constant 0 : i32
        %dma_start3A_507 = tpu.memref_slice %arg2[%dma_start3A_505, %dma_start3A_506] : memref<10240x64xf32, #tpu.memory_space<hbm>> -> memref<10240x64xf32, #tpu.memory_space<hbm>>
        %dma_start3A_508 = tpu.memref_slice %arg11[%dma_start3A_497] : memref<8x!tpu.dma_semaphore, #tpu.memory_space<semaphore_mem>> -> memref<1x!tpu.dma_semaphore, #tpu.memory_space<semaphore_mem>>
        %dma_start3A_509 = tpu.memref_squeeze %dma_start3A_508 : memref<1x!tpu.dma_semaphore, #tpu.memory_space<semaphore_mem>> -> memref<!tpu.dma_semaphore, #tpu.memory_space<semaphore_mem>>
        tpu.enqueue_indirect_dma source(%dma_start3A_507 : memref<10240x64xf32, #tpu.memory_space<hbm>>) target(%dma_start3A_501 : memref<128x64xf32, #tpu.memory_space<vmem>>) offsets(%dma_start3A_504 : memref<128xi32, #tpu.memory_space<vmem>>) semaphore(%dma_start3A_509 : memref<!tpu.dma_semaphore, #tpu.memory_space<semaphore_mem>>)
      } else {
      }
    }
    %scan3A_82 = arith.constant 10 : i32
    %dma_wait3A = arith.constant 4 : i32
    %dma_wait3A_83 = arith.constant 76 : i32
    %dma_wait3A_84 = arith.constant 4 : i32
    %dma_wait3A_85 = arith.constant 0 : i32
    %dma_wait3A_86 = arith.constant 0 : i32
    %dma_wait3A_87 = tpu.memref_slice %arg9[%dma_wait3A, %dma_wait3A_85, %dma_wait3A_86] : memref<8x128x64xf32, #tpu.memory_space<vmem>> -> memref<1x128x64xf32, #tpu.memory_space<vmem>>
    %dma_wait3A_88 = tpu.memref_squeeze %dma_wait3A_87 : memref<1x128x64xf32, #tpu.memory_space<vmem>> -> memref<128x64xf32, #tpu.memory_space<vmem>>
    %dma_wait3A_89 = arith.constant 0 : i32
    %dma_wait3A_90 = tpu.memref_slice %arg8[%dma_wait3A_83, %dma_wait3A_89] : memref<80x128xi32, #tpu.memory_space<vmem>> -> memref<1x128xi32, #tpu.memory_space<vmem>>
    %dma_wait3A_91 = tpu.memref_squeeze %dma_wait3A_90 : memref<1x128xi32, #tpu.memory_space<vmem>> -> memref<128xi32, #tpu.memory_space<vmem>>
    %dma_wait3A_92 = arith.constant 0 : i32
    %dma_wait3A_93 = arith.constant 0 : i32
    %dma_wait3A_94 = tpu.memref_slice %arg10[%dma_wait3A_92, %dma_wait3A_93] : memref<10240x64xf32, #tpu.memory_space<vmem_shared>> -> memref<10240x64xf32, #tpu.memory_space<vmem_shared>>
    %dma_wait3A_95 = tpu.memref_slice %arg12[%dma_wait3A_84] : memref<8x!tpu.dma_semaphore, #tpu.memory_space<semaphore_mem>> -> memref<1x!tpu.dma_semaphore, #tpu.memory_space<semaphore_mem>>
    %dma_wait3A_96 = tpu.memref_squeeze %dma_wait3A_95 : memref<1x!tpu.dma_semaphore, #tpu.memory_space<semaphore_mem>> -> memref<!tpu.dma_semaphore, #tpu.memory_space<semaphore_mem>>
    tpu.wait_indirect_dma semaphore(%dma_wait3A_96 : memref<!tpu.dma_semaphore, #tpu.memory_space<semaphore_mem>>) src(%dma_wait3A_88 : memref<128x64xf32, #tpu.memory_space<vmem>>) dst(%dma_wait3A_94 : memref<10240x64xf32, #tpu.memory_space<vmem_shared>>)
    %dma_wait3A_97 = arith.constant 5 : i32
    %dma_wait3A_98 = arith.constant 77 : i32
    %dma_wait3A_99 = arith.constant 5 : i32
    %dma_wait3A_100 = arith.constant 0 : i32
    %dma_wait3A_101 = arith.constant 0 : i32
    %dma_wait3A_102 = tpu.memref_slice %arg9[%dma_wait3A_97, %dma_wait3A_100, %dma_wait3A_101] : memref<8x128x64xf32, #tpu.memory_space<vmem>> -> memref<1x128x64xf32, #tpu.memory_space<vmem>>
    %dma_wait3A_103 = tpu.memref_squeeze %dma_wait3A_102 : memref<1x128x64xf32, #tpu.memory_space<vmem>> -> memref<128x64xf32, #tpu.memory_space<vmem>>
    %dma_wait3A_104 = arith.constant 0 : i32
    %dma_wait3A_105 = tpu.memref_slice %arg8[%dma_wait3A_98, %dma_wait3A_104] : memref<80x128xi32, #tpu.memory_space<vmem>> -> memref<1x128xi32, #tpu.memory_space<vmem>>
    %dma_wait3A_106 = tpu.memref_squeeze %dma_wait3A_105 : memref<1x128xi32, #tpu.memory_space<vmem>> -> memref<128xi32, #tpu.memory_space<vmem>>
    %dma_wait3A_107 = arith.constant 0 : i32
    %dma_wait3A_108 = arith.constant 0 : i32
    %dma_wait3A_109 = tpu.memref_slice %arg10[%dma_wait3A_107, %dma_wait3A_108] : memref<10240x64xf32, #tpu.memory_space<vmem_shared>> -> memref<10240x64xf32, #tpu.memory_space<vmem_shared>>
    %dma_wait3A_110 = tpu.memref_slice %arg12[%dma_wait3A_99] : memref<8x!tpu.dma_semaphore, #tpu.memory_space<semaphore_mem>> -> memref<1x!tpu.dma_semaphore, #tpu.memory_space<semaphore_mem>>
    %dma_wait3A_111 = tpu.memref_squeeze %dma_wait3A_110 : memref<1x!tpu.dma_semaphore, #tpu.memory_space<semaphore_mem>> -> memref<!tpu.dma_semaphore, #tpu.memory_space<semaphore_mem>>
    tpu.wait_indirect_dma semaphore(%dma_wait3A_111 : memref<!tpu.dma_semaphore, #tpu.memory_space<semaphore_mem>>) src(%dma_wait3A_103 : memref<128x64xf32, #tpu.memory_space<vmem>>) dst(%dma_wait3A_109 : memref<10240x64xf32, #tpu.memory_space<vmem_shared>>)
    %dma_wait3A_112 = arith.constant 6 : i32
    %dma_wait3A_113 = arith.constant 78 : i32
    %dma_wait3A_114 = arith.constant 6 : i32
    %dma_wait3A_115 = arith.constant 0 : i32
    %dma_wait3A_116 = arith.constant 0 : i32
    %dma_wait3A_117 = tpu.memref_slice %arg9[%dma_wait3A_112, %dma_wait3A_115, %dma_wait3A_116] : memref<8x128x64xf32, #tpu.memory_space<vmem>> -> memref<1x128x64xf32, #tpu.memory_space<vmem>>
    %dma_wait3A_118 = tpu.memref_squeeze %dma_wait3A_117 : memref<1x128x64xf32, #tpu.memory_space<vmem>> -> memref<128x64xf32, #tpu.memory_space<vmem>>
    %dma_wait3A_119 = arith.constant 0 : i32
    %dma_wait3A_120 = tpu.memref_slice %arg8[%dma_wait3A_113, %dma_wait3A_119] : memref<80x128xi32, #tpu.memory_space<vmem>> -> memref<1x128xi32, #tpu.memory_space<vmem>>
    %dma_wait3A_121 = tpu.memref_squeeze %dma_wait3A_120 : memref<1x128xi32, #tpu.memory_space<vmem>> -> memref<128xi32, #tpu.memory_space<vmem>>
    %dma_wait3A_122 = arith.constant 0 : i32
    %dma_wait3A_123 = arith.constant 0 : i32
    %dma_wait3A_124 = tpu.memref_slice %arg10[%dma_wait3A_122, %dma_wait3A_123] : memref<10240x64xf32, #tpu.memory_space<vmem_shared>> -> memref<10240x64xf32, #tpu.memory_space<vmem_shared>>
    %dma_wait3A_125 = tpu.memref_slice %arg12[%dma_wait3A_114] : memref<8x!tpu.dma_semaphore, #tpu.memory_space<semaphore_mem>> -> memref<1x!tpu.dma_semaphore, #tpu.memory_space<semaphore_mem>>
    %dma_wait3A_126 = tpu.memref_squeeze %dma_wait3A_125 : memref<1x!tpu.dma_semaphore, #tpu.memory_space<semaphore_mem>> -> memref<!tpu.dma_semaphore, #tpu.memory_space<semaphore_mem>>
    tpu.wait_indirect_dma semaphore(%dma_wait3A_126 : memref<!tpu.dma_semaphore, #tpu.memory_space<semaphore_mem>>) src(%dma_wait3A_118 : memref<128x64xf32, #tpu.memory_space<vmem>>) dst(%dma_wait3A_124 : memref<10240x64xf32, #tpu.memory_space<vmem_shared>>)
    %dma_wait3A_127 = arith.constant 7 : i32
    %dma_wait3A_128 = arith.constant 79 : i32
    %dma_wait3A_129 = arith.constant 7 : i32
    %dma_wait3A_130 = arith.constant 0 : i32
    %dma_wait3A_131 = arith.constant 0 : i32
    %dma_wait3A_132 = tpu.memref_slice %arg9[%dma_wait3A_127, %dma_wait3A_130, %dma_wait3A_131] : memref<8x128x64xf32, #tpu.memory_space<vmem>> -> memref<1x128x64xf32, #tpu.memory_space<vmem>>
    %dma_wait3A_133 = tpu.memref_squeeze %dma_wait3A_132 : memref<1x128x64xf32, #tpu.memory_space<vmem>> -> memref<128x64xf32, #tpu.memory_space<vmem>>
    %dma_wait3A_134 = arith.constant 0 : i32
    %dma_wait3A_135 = tpu.memref_slice %arg8[%dma_wait3A_128, %dma_wait3A_134] : memref<80x128xi32, #tpu.memory_space<vmem>> -> memref<1x128xi32, #tpu.memory_space<vmem>>
    %dma_wait3A_136 = tpu.memref_squeeze %dma_wait3A_135 : memref<1x128xi32, #tpu.memory_space<vmem>> -> memref<128xi32, #tpu.memory_space<vmem>>
    %dma_wait3A_137 = arith.constant 0 : i32
    %dma_wait3A_138 = arith.constant 0 : i32
    %dma_wait3A_139 = tpu.memref_slice %arg10[%dma_wait3A_137, %dma_wait3A_138] : memref<10240x64xf32, #tpu.memory_space<vmem_shared>> -> memref<10240x64xf32, #tpu.memory_space<vmem_shared>>
    %dma_wait3A_140 = tpu.memref_slice %arg12[%dma_wait3A_129] : memref<8x!tpu.dma_semaphore, #tpu.memory_space<semaphore_mem>> -> memref<1x!tpu.dma_semaphore, #tpu.memory_space<semaphore_mem>>
    %dma_wait3A_141 = tpu.memref_squeeze %dma_wait3A_140 : memref<1x!tpu.dma_semaphore, #tpu.memory_space<semaphore_mem>> -> memref<!tpu.dma_semaphore, #tpu.memory_space<semaphore_mem>>
    tpu.wait_indirect_dma semaphore(%dma_wait3A_141 : memref<!tpu.dma_semaphore, #tpu.memory_space<semaphore_mem>>) src(%dma_wait3A_133 : memref<128x64xf32, #tpu.memory_space<vmem>>) dst(%dma_wait3A_139 : memref<10240x64xf32, #tpu.memory_space<vmem_shared>>)
    %barrier3A_142 = arith.constant 0 : index
    tpu.barrier barrier_id(%barrier3A_142)
    "tpu.region"() ({
      %run_scoped3A = tpu.sem_alloc : memref<!tpu.dma_semaphore, #tpu.memory_space<semaphore_mem>>
      %dma_start3A_143 = arith.constant 0 : i32
      %dma_start3A_144 = tpu.memref_slice %arg6[%arg0, %mul3A_5, %dma_start3A_143] : memref<2x10240x64xf32, #tpu.memory_space<hbm>> -> memref<1x640x64xf32, #tpu.memory_space<hbm>>
      %dma_start3A_145 = tpu.memref_squeeze %dma_start3A_144 : memref<1x640x64xf32, #tpu.memory_space<hbm>> -> memref<640x64xf32, #tpu.memory_space<hbm>>
      %dma_start3A_146 = arith.constant 0 : i32
      %dma_start3A_147 = tpu.memref_slice %arg10[%mul3A_5, %dma_start3A_146] : memref<10240x64xf32, #tpu.memory_space<vmem_shared>> -> memref<640x64xf32, #tpu.memory_space<vmem_shared>>
      tpu.enqueue_dma source(%dma_start3A_147 : memref<640x64xf32, #tpu.memory_space<vmem_shared>>) target(%dma_start3A_145 : memref<640x64xf32, #tpu.memory_space<hbm>>) target_semaphore(%run_scoped3A : memref<!tpu.dma_semaphore, #tpu.memory_space<semaphore_mem>>)
      %dma_wait3A_148 = arith.constant 0 : i32
      %dma_wait3A_149 = tpu.memref_slice %arg6[%arg0, %mul3A_5, %dma_wait3A_148] : memref<2x10240x64xf32, #tpu.memory_space<hbm>> -> memref<1x640x64xf32, #tpu.memory_space<hbm>>
      %dma_wait3A_150 = tpu.memref_squeeze %dma_wait3A_149 : memref<1x640x64xf32, #tpu.memory_space<hbm>> -> memref<640x64xf32, #tpu.memory_space<hbm>>
      %dma_wait3A_151 = arith.constant 0 : i32
      %dma_wait3A_152 = tpu.memref_slice %arg10[%mul3A_5, %dma_wait3A_151] : memref<10240x64xf32, #tpu.memory_space<vmem_shared>> -> memref<640x64xf32, #tpu.memory_space<vmem_shared>>
      tpu.wait_dma2 semaphore(%run_scoped3A : memref<!tpu.dma_semaphore, #tpu.memory_space<semaphore_mem>>) src(%dma_wait3A_152 : memref<640x64xf32, #tpu.memory_space<vmem_shared>>) dst(%dma_wait3A_150 : memref<640x64xf32, #tpu.memory_space<hbm>>)
      tpu.yield
    }) : () -> ()
    return
  }
}

module attributes {stable_mosaic.version = 14 : i64} {
  func.func @_tc1_body(%arg0: memref<10000x128xf32, #tpu.memory_space<vmem>>, %arg1: memref<128x64xf32, #tpu.memory_space<vmem>>, %arg2: memref<2x10240x16xf32, #tpu.memory_space<vmem>>, %arg3: memref<10240x64xf32, #tpu.memory_space<vmem>>) attributes {dimension_semantics = [], scalar_prefetch = 0 : i64, scratch_operands = 0 : i64, tpu.core_type = #tpu.core_type<tc>} {
    %get3A = arith.constant 0 : index
    %get3A_0 = arith.constant 0 : index
    %get3A_1 = arith.constant 0 : index
    %get3A_2 = vector.load %arg2[%get3A, %get3A_0, %get3A_1] : memref<2x10240x16xf32, #tpu.memory_space<vmem>>, vector<1x10240x1xf32>
    %get3A_3 = vector.shape_cast %get3A_2 : vector<1x10240x1xf32> to vector<10240x1xf32>
    %get3A_4 = arith.constant 1 : index
    %get3A_5 = arith.constant 0 : index
    %get3A_6 = arith.constant 0 : index
    %get3A_7 = vector.load %arg2[%get3A_4, %get3A_5, %get3A_6] : memref<2x10240x16xf32, #tpu.memory_space<vmem>>, vector<1x10240x1xf32>
    %get3A_8 = vector.shape_cast %get3A_7 : vector<1x10240x1xf32> to vector<10240x1xf32>
    %add3A = arith.addf %get3A_3, %get3A_8 : vector<10240x1xf32>
    %add3A_9 = arith.constant 1.000000e+00 : f32
    %add3A_10 = vector.broadcast %add3A_9 : f32 to vector<10240x1xf32>
    %add3A_11 = arith.addf %add3A, %add3A_10 : vector<10240x1xf32>
    %rsqrt3A = math.rsqrt %add3A_11 : vector<10240x1xf32>
    %get3A_12 = arith.constant 0 : index
    %get3A_13 = arith.constant 0 : index
    %get3A_14 = vector.load %arg0[%get3A_12, %get3A_13] : memref<10000x128xf32, #tpu.memory_space<vmem>>, vector<10000x128xf32>
    %get3A_15 = arith.constant 0 : index
    %get3A_16 = arith.constant 0 : index
    %get3A_17 = vector.load %arg1[%get3A_15, %get3A_16] : memref<128x64xf32, #tpu.memory_space<vmem>>, vector<128x64xf32>
    %dot_general3A = arith.constant dense<0.000000e+00> : vector<10000x64xf32>
    %dot_general3A_18 = tpu.matmul %get3A_14, %get3A_17, %dot_general3A {dimension_numbers = #tpu.dot_dimension_numbers<[1], [0], [0], [1], [0, 0, 1, 1], [], []>, transpose_lhs_hint = false} : vector<10000x128xf32>, vector<128x64xf32>, vector<10000x64xf32> -> vector<10000x64xf32>
    %slice3A = vector.extract_strided_slice %rsqrt3A {offsets = [0, 0], sizes = [10000, 1], strides = [1, 1]} : vector<10240x1xf32> to vector<10000x1xf32>
    %mul3A = vector.broadcast %slice3A : vector<10000x1xf32> to vector<10000x64xf32>
    %mul3A_19 = arith.mulf %dot_general3A_18, %mul3A : vector<10000x64xf32>
    %swap3A = arith.constant 0 : index
    %swap3A_20 = arith.constant 0 : index
    %swap3A_21 = vector.load %arg3[%swap3A, %swap3A_20] : memref<10240x64xf32, #tpu.memory_space<vmem>>, vector<10000x64xf32>
    tpu.vector_store %arg3[%swap3A, %swap3A_20], %mul3A_19 {strides = array<i32>} : memref<10240x64xf32, #tpu.memory_space<vmem>>, vector<10000x64xf32>,
    %broadcast_in_dim3A = arith.constant 0.000000e+00 : f32
    %broadcast_in_dim3A_22 = vector.broadcast %broadcast_in_dim3A : f32 to vector<240x64xf32>
    %swap3A_23 = arith.constant 10000 : index
    %swap3A_24 = arith.constant 0 : index
    %swap3A_25 = vector.load %arg3[%swap3A_23, %swap3A_24] : memref<10240x64xf32, #tpu.memory_space<vmem>>, vector<240x64xf32>
    tpu.vector_store %arg3[%swap3A_23, %swap3A_24], %broadcast_in_dim3A_22 {strides = array<i32>} : memref<10240x64xf32, #tpu.memory_space<vmem>>, vector<240x64xf32>,
    return
  }
}

module attributes {stable_mosaic.version = 14 : i64} {
  func.func @_tc2_body(%arg0: memref<2x10240x64xf32, #tpu.memory_space<vmem>>, %arg1: memref<10240x64xf32, #tpu.memory_space<vmem>>, %arg2: memref<2x10240x16xf32, #tpu.memory_space<vmem>>, %arg3: memref<1x64xf32, #tpu.memory_space<vmem>>, %arg4: memref<64x32xf32, #tpu.memory_space<vmem>>, %arg5: memref<10240x32xf32, #tpu.memory_space<vmem>>) attributes {dimension_semantics = [], scalar_prefetch = 0 : i64, scratch_operands = 0 : i64, tpu.core_type = #tpu.core_type<tc>} {
    %get3A = arith.constant 0 : index
    %get3A_0 = arith.constant 0 : index
    %get3A_1 = arith.constant 0 : index
    %get3A_2 = vector.load %arg2[%get3A, %get3A_0, %get3A_1] : memref<2x10240x16xf32, #tpu.memory_space<vmem>>, vector<1x10240x1xf32>
    %get3A_3 = vector.shape_cast %get3A_2 : vector<1x10240x1xf32> to vector<10240x1xf32>
    %get3A_4 = arith.constant 1 : index
    %get3A_5 = arith.constant 0 : index
    %get3A_6 = arith.constant 0 : index
    %get3A_7 = vector.load %arg2[%get3A_4, %get3A_5, %get3A_6] : memref<2x10240x16xf32, #tpu.memory_space<vmem>>, vector<1x10240x1xf32>
    %get3A_8 = vector.shape_cast %get3A_7 : vector<1x10240x1xf32> to vector<10240x1xf32>
    %add3A = arith.addf %get3A_3, %get3A_8 : vector<10240x1xf32>
    %add3A_9 = arith.constant 1.000000e+00 : f32
    %add3A_10 = vector.broadcast %add3A_9 : f32 to vector<10240x1xf32>
    %add3A_11 = arith.addf %add3A, %add3A_10 : vector<10240x1xf32>
    %rsqrt3A = math.rsqrt %add3A_11 : vector<10240x1xf32>
    %get3A_12 = arith.constant 0 : index
    %get3A_13 = arith.constant 0 : index
    %get3A_14 = arith.constant 0 : index
    %get3A_15 = vector.load %arg0[%get3A_12, %get3A_13, %get3A_14] : memref<2x10240x64xf32, #tpu.memory_space<vmem>>, vector<1x10240x64xf32>
    %get3A_16 = vector.shape_cast %get3A_15 : vector<1x10240x64xf32> to vector<10240x64xf32>
    %get3A_17 = arith.constant 1 : index
    %get3A_18 = arith.constant 0 : index
    %get3A_19 = arith.constant 0 : index
    %get3A_20 = vector.load %arg0[%get3A_17, %get3A_18, %get3A_19] : memref<2x10240x64xf32, #tpu.memory_space<vmem>>, vector<1x10240x64xf32>
    %get3A_21 = vector.shape_cast %get3A_20 : vector<1x10240x64xf32> to vector<10240x64xf32>
    %add3A_22 = arith.addf %get3A_16, %get3A_21 : vector<10240x64xf32>
    %get3A_23 = arith.constant 0 : index
    %get3A_24 = arith.constant 0 : index
    %get3A_25 = vector.load %arg1[%get3A_23, %get3A_24] : memref<10240x64xf32, #tpu.memory_space<vmem>>, vector<10240x64xf32>
    %add3A_26 = arith.addf %add3A_22, %get3A_25 : vector<10240x64xf32>
    %mul3A = vector.broadcast %rsqrt3A : vector<10240x1xf32> to vector<10240x64xf32>
    %mul3A_27 = arith.mulf %add3A_26, %mul3A : vector<10240x64xf32>
    %get3A_28 = arith.constant 0 : index
    %get3A_29 = arith.constant 0 : index
    %get3A_30 = vector.load %arg3[%get3A_28, %get3A_29] : memref<1x64xf32, #tpu.memory_space<vmem>>, vector<1x64xf32>
    %add3A_31 = vector.broadcast %get3A_30 : vector<1x64xf32> to vector<10240x64xf32>
    %add3A_32 = arith.addf %mul3A_27, %add3A_31 : vector<10240x64xf32>
    %max3A = arith.constant 0.000000e+00 : f32
    %max3A_33 = vector.broadcast %max3A : f32 to vector<10240x64xf32>
    %max3A_34 = arith.maximumf %add3A_32, %max3A_33 : vector<10240x64xf32>
    %get3A_35 = arith.constant 0 : index
    %get3A_36 = arith.constant 0 : index
    %get3A_37 = vector.load %arg4[%get3A_35, %get3A_36] : memref<64x32xf32, #tpu.memory_space<vmem>>, vector<64x32xf32>
    %dot_general3A = arith.constant dense<0.000000e+00> : vector<10240x32xf32>
    %dot_general3A_38 = tpu.matmul %max3A_34, %get3A_37, %dot_general3A {dimension_numbers = #tpu.dot_dimension_numbers<[1], [0], [0], [1], [0, 0, 1, 1], [], []>, transpose_lhs_hint = false} : vector<10240x64xf32>, vector<64x32xf32>, vector<10240x32xf32> -> vector<10240x32xf32>
    %mul3A_39 = vector.broadcast %rsqrt3A : vector<10240x1xf32> to vector<10240x32xf32>
    %mul3A_40 = arith.mulf %dot_general3A_38, %mul3A_39 : vector<10240x32xf32>
    %swap3A = arith.constant 0 : index
    %swap3A_41 = arith.constant 0 : index
    %swap3A_42 = vector.load %arg5[%swap3A, %swap3A_41] : memref<10240x32xf32, #tpu.memory_space<vmem>>, vector<10240x32xf32>
    tpu.vector_store %arg5[%swap3A, %swap3A_41], %mul3A_40 {strides = array<i32>} : memref<10240x32xf32, #tpu.memory_space<vmem>>, vector<10240x32xf32>,
    return
  }
}

module attributes {stable_mosaic.version = 14 : i64} {
  func.func @_tc3_body(%arg0: memref<2x10240x32xf32, #tpu.memory_space<vmem>>, %arg1: memref<10240x32xf32, #tpu.memory_space<vmem>>, %arg2: memref<2x10240x16xf32, #tpu.memory_space<vmem>>, %arg3: memref<1x32xf32, #tpu.memory_space<vmem>>, %arg4: memref<10000x32xf32, #tpu.memory_space<vmem>>) attributes {dimension_semantics = [], scalar_prefetch = 0 : i64, scratch_operands = 0 : i64, tpu.core_type = #tpu.core_type<tc>} {
    %get3A = arith.constant 0 : index
    %get3A_0 = arith.constant 0 : index
    %get3A_1 = arith.constant 0 : index
    %get3A_2 = vector.load %arg2[%get3A, %get3A_0, %get3A_1] : memref<2x10240x16xf32, #tpu.memory_space<vmem>>, vector<1x10240x1xf32>
    %get3A_3 = vector.shape_cast %get3A_2 : vector<1x10240x1xf32> to vector<10240x1xf32>
    %get3A_4 = arith.constant 1 : index
    %get3A_5 = arith.constant 0 : index
    %get3A_6 = arith.constant 0 : index
    %get3A_7 = vector.load %arg2[%get3A_4, %get3A_5, %get3A_6] : memref<2x10240x16xf32, #tpu.memory_space<vmem>>, vector<1x10240x1xf32>
    %get3A_8 = vector.shape_cast %get3A_7 : vector<1x10240x1xf32> to vector<10240x1xf32>
    %add3A = arith.addf %get3A_3, %get3A_8 : vector<10240x1xf32>
    %add3A_9 = arith.constant 1.000000e+00 : f32
    %add3A_10 = vector.broadcast %add3A_9 : f32 to vector<10240x1xf32>
    %add3A_11 = arith.addf %add3A, %add3A_10 : vector<10240x1xf32>
    %rsqrt3A = math.rsqrt %add3A_11 : vector<10240x1xf32>
    %get3A_12 = arith.constant 0 : index
    %get3A_13 = arith.constant 0 : index
    %get3A_14 = arith.constant 0 : index
    %get3A_15 = vector.load %arg0[%get3A_12, %get3A_13, %get3A_14] : memref<2x10240x32xf32, #tpu.memory_space<vmem>>, vector<1x10240x32xf32>
    %get3A_16 = vector.shape_cast %get3A_15 : vector<1x10240x32xf32> to vector<10240x32xf32>
    %get3A_17 = arith.constant 1 : index
    %get3A_18 = arith.constant 0 : index
    %get3A_19 = arith.constant 0 : index
    %get3A_20 = vector.load %arg0[%get3A_17, %get3A_18, %get3A_19] : memref<2x10240x32xf32, #tpu.memory_space<vmem>>, vector<1x10240x32xf32>
    %get3A_21 = vector.shape_cast %get3A_20 : vector<1x10240x32xf32> to vector<10240x32xf32>
    %add3A_22 = arith.addf %get3A_16, %get3A_21 : vector<10240x32xf32>
    %get3A_23 = arith.constant 0 : index
    %get3A_24 = arith.constant 0 : index
    %get3A_25 = vector.load %arg1[%get3A_23, %get3A_24] : memref<10240x32xf32, #tpu.memory_space<vmem>>, vector<10240x32xf32>
    %add3A_26 = arith.addf %add3A_22, %get3A_25 : vector<10240x32xf32>
    %mul3A = vector.broadcast %rsqrt3A : vector<10240x1xf32> to vector<10240x32xf32>
    %mul3A_27 = arith.mulf %add3A_26, %mul3A : vector<10240x32xf32>
    %get3A_28 = arith.constant 0 : index
    %get3A_29 = arith.constant 0 : index
    %get3A_30 = vector.load %arg3[%get3A_28, %get3A_29] : memref<1x32xf32, #tpu.memory_space<vmem>>, vector<1x32xf32>
    %add3A_31 = vector.broadcast %get3A_30 : vector<1x32xf32> to vector<10240x32xf32>
    %add3A_32 = arith.addf %mul3A_27, %add3A_31 : vector<10240x32xf32>
    %slice3A = vector.extract_strided_slice %add3A_32 {offsets = [0, 0], sizes = [10000, 32], strides = [1, 1]} : vector<10240x32xf32> to vector<10000x32xf32>
    %swap3A = arith.constant 0 : index
    %swap3A_33 = arith.constant 0 : index
    %swap3A_34 = vector.load %arg4[%swap3A, %swap3A_33] : memref<10000x32xf32, #tpu.memory_space<vmem>>, vector<10000x32xf32>
    tpu.vector_store %arg4[%swap3A, %swap3A_33], %slice3A {strides = array<i32>} : memref<10000x32xf32, #tpu.memory_space<vmem>>, vector<10000x32xf32>,
    return
  }
}

</mosaic_0001>

<sc_bundles>
// kernel: kernel.11.cloned.1.call-start
scs
__scs_entry_jumppad:
0x0: {  	(pc) =	sbr.rel $0x88, $3  }
0x1: {  	(tag) =	ssettag $0x0;
	lr =	simm.s32 $0x1  }
0x2: {  	[smem:$0x3F9B] =	sst lr;
	_ =	strace $0xD0000000  }
0x3: {  	_ = 	snop  }
0x4: {  	_ = 	snop  }
0x5: {  	_ = 	snop  }
0x6: {  	_ = 	snop  }
0x7: {  	_ = 	snop  }
__scs_overlays_trampoline_lowered:
0x8: {  	[smem:$0x3FAA] =	sst s0  }
0x9: {  	[smem:$0x3FAB] =	sst s1  }
0xa: {  	[smem:$0x3FAC] =	sst s2  }
0xb: {  	[smem:$0x3FAD] =	sst s3  }
0xc: {  	[smem:$0x3FAE] =	sst s4  }
0xd: {  	[smem:$0x3FAF] =	sst s5  }
0xe: {  	[smem:$0x3FB0] =	sst s6  }
0xf: {  	[smem:$0x3FB1] =	sst s7  }
0x10: {  	[smem:$0x3FB2] =	sst s8  }
0x11: {  	[smem:$0x3FB3] =	sst s9;
	s0 =	simm.s32 @!p0 $0x0  }
0x12: {  	s1 =	sld [smem:$0x3F99];
	s0 =	simm.s32 @p0 $0x1  }
0x13: {  	[smem:$0x3FB4] =	sst s0;
	s0 =	simm.s32 @!p1 $0x0  }
0x14: {  	s2 =	sld [smem:$0x3F98];
	s0 =	simm.s32 @p1 $0x1  }
0x15: {  	[smem:$0x3FB5] =	sst s0;
	s0 =	simm.s32 @!p2 $0x0  }
0x16: {  	s3 =	sld [smem:$0x3FDB];
	s0 =	simm.s32 @p2 $0x1  }
0x17: {  	s4 =	simm.s32 $0x1BF5;
	[smem:$0x3FB7] =	sst s0  }
0x18: {  	s0 =	sld [smem:$0x3F9A];
	_ =	swait.ge [sflag:s4], $0x0  }
0x19: {  	s7 =	sld [smem:$0x3F9B]  }
0x1a: {  	s8 =	sadd.s32 $0xFFFFE003, lr  }
0x1b: {  	s9 =	sadd.s32 $0xFFFFFEF7, lr;
	s5 =	simm.s32 $0xFFFFFFFF;
	p2 =	slt.u32 s8, $0xFFFFF086  }
0x1c: {  	p1 =	slt.u32 s9, $0xF7A;
	s5 =	simm.s32 @!p2 $0x0  }
0x1d: {  	s5 =	simm.s32 @p1 $0x1;
	p0 =	seq.s32 s7, s2  }
0x1e: {  	s7 =	smul.u32 @!p0 $0xF7A, s2;
	p2 =	seq.s32 @!p0 s5, $0x0  }
0x1f: {  	s9 =	smul.u32 $0xF7A, s1;
	s8 =	simm.s32 @!p0 $0x1BF5;
	p2 =	por !p2, p0  }
0x20: {  	[sflag:s8] =	ssyncset.s32 @!p0 $0xFFFFF086;
	s6 =	sadd.s32 @!p0 s3, s7;
	s7 =	simm.s32 @!p0 $0x108  }
0x21: {  	s3 =	sadd.s32 s3, s9;
	s6 =	sadd.s32 @!p0 $0x88, s6;
	s7 =	simm.s32 @p2 $0x1082  }
0x22: {  	[simem:s7], [sflag:s8] =	dma.local @!p0 [hbm:s6], $0xF7A  }
0x23: {  	s9 =	sor.u32 $0xD0000000, s2;
	s6 =	simm.s32 $0x108;
	_ =	swait.ge @!p0 [sflag:s8], $0x0  }
0x24: {  	s3 =	sadd.s32 $0x88, s3;
	s6 =	simm.s32 @!p1 $0x1082;
	[sflag:s4] =	ssyncset.s32 $0xFFFFF086  }
0x25: {  	[simem:s6], [sflag:s4] =	dma.local [hbm:s3], $0xF7A  }
0x26: {  	[smem:$0x3F9B] =	sst s1;
	(tag) =	ssettag s2;
	_ =	strace s9  }
0x27: {  	s1 =	sld [smem:$0x3FAB]  }
0x28: {  	s2 =	sld [smem:$0x3FAC]  }
0x29: {  	s4 =	sld [smem:$0x3FAE]  }
0x2a: {  	p0 =	seq.s32 s5, $0x0;
	s5 =	sld [smem:$0x3FAF]  }
0x2b: {  	s6 =	sld [smem:$0x3FB0]  }
0x2c: {  	s7 =	sld [smem:$0x3FB1]  }
0x2d: {  	s3 =	simm.s32 $0x108;
	s8 =	sld [smem:$0x3FB2]  }
0x2e: {  	s3 =	simm.s32 @!p0 $0x1082;
	s9 =	sld [smem:$0x3FB3]  }
0x2f: {  	lr =	sadd.s32 s0, s3;
	s0 =	sld [smem:$0x3FAA]  }
0x30: {  	s3 =	sld [smem:$0x3FAD]  }
0x31: {  	[smem:$0x3FB6] =	sst s10  }
0x32: {  	s10 =	sld [smem:$0x3FB4];
	_ =	sdelay $0x3  }
0x33: {  	p0 =	seq.s32 s10, $0x1;
	s10 =	sld [smem:$0x3FB6];
	_ =	sdelay $0x3  }
0x34: {  	[smem:$0x3FB6] =	sst s10  }
0x35: {  	s10 =	sld [smem:$0x3FB5];
	_ =	sdelay $0x3  }
0x36: {  	p1 =	seq.s32 s10, $0x1;
	s10 =	sld [smem:$0x3FB6];
	_ =	sdelay $0x3  }
0x37: {  	[smem:$0x3FB6] =	sst s10  }
0x38: {  	s10 =	sld [smem:$0x3FB7]  }
0x39: {  	_ = 	snop;
	(pc) =	sbr.ind lr, $3  }
0x3a: {  	_ = 	snop  }
0x3b: {  	_ = 	snop  }
0x3c: {  	p2 =	seq.s32 s10, $0x1;
	s10 =	sld [smem:$0x3FB6]  }
0x3d: {  	_ =	shalt  }
0x3e: {  	_ =	shalt  }
0x3f: {  	_ =	shalt  }
0x40: {  	_ =	shalt  }
0x41: {  	_ =	shalt  }
0x42: {  	_ =	shalt  }
0x43: {  	_ =	shalt  }
0x44: {  	_ =	shalt  }
0x45: {  	_ =	shalt  }
0x46: {  	_ =	shalt  }
0x47: {  	_ =	shalt  }
0x48: {  	_ =	shalt  }
0x49: {  	_ =	shalt  }
0x4a: {  	_ =	shalt  }
0x4b: {  	_ =	shalt  }
0x4c: {  	_ =	shalt  }
0x4d: {  	_ =	shalt  }
0x4e: {  	_ =	shalt  }
0x4f: {  	_ =	shalt  }
0x50: {  	_ =	shalt  }
0x51: {  	_ =	shalt  }
0x52: {  	_ =	shalt  }
0x53: {  	_ =	shalt  }
0x54: {  	_ =	shalt  }
0x55: {  	_ =	shalt  }
0x56: {  	_ =	shalt  }
0x57: {  	_ =	shalt  }
0x58: {  	_ =	shalt  }
0x59: {  	_ =	shalt  }
0x5a: {  	_ =	shalt  }
0x5b: {  	_ =	shalt  }
0x5c: {  	_ =	shalt  }
0x5d: {  	_ =	shalt  }
0x5e: {  	_ =	shalt  }
0x5f: {  	_ =	shalt  }
0x60: {  	_ =	shalt  }
0x61: {  	_ =	shalt  }
0x62: {  	_ =	shalt  }
0x63: {  	_ =	shalt  }
0x64: {  	_ =	shalt  }
0x65: {  	_ =	shalt  }
0x66: {  	_ =	shalt  }
0x67: {  	_ =	shalt  }
0x68: {  	_ =	shalt  }
0x69: {  	_ =	shalt  }
0x6a: {  	_ =	shalt  }
0x6b: {  	_ =	shalt  }
0x6c: {  	_ =	shalt  }
0x6d: {  	_ =	shalt  }
0x6e: {  	_ =	shalt  }
0x6f: {  	_ =	shalt  }
0x70: {  	_ =	shalt  }
0x71: {  	_ =	shalt  }
0x72: {  	_ =	shalt  }
0x73: {  	_ =	shalt  }
0x74: {  	_ =	shalt  }
0x75: {  	_ =	shalt  }
0x76: {  	_ =	shalt  }
0x77: {  	_ =	shalt  }
0x78: {  	_ =	shalt  }
0x79: {  	_ =	shalt  }
0x7a: {  	_ =	shalt  }
0x7b: {  	_ =	shalt  }
0x7c: {  	_ =	shalt  }
0x7d: {  	_ =	shalt  }
0x7e: {  	_ =	shalt  }
0x7f: {  	_ =	shalt  }
0x80: {  	_ =	shalt  }
0x81: {  	_ =	shalt  }
0x82: {  	_ =	shalt  }
0x83: {  	_ =	shalt  }
0x84: {  	_ =	shalt  }
0x85: {  	_ =	shalt  }
0x86: {  	_ =	shalt  }
0x87: {  	_ =	shalt  }
.Lfunc_end0:
.L_simem_size_0:
called_computation.1_lowered:
.L_overlay_start_0:
0x88: {  	s2 =	sld [smem:$0x3FD9]  }
0x89: {  	s3 =	sld [smem:$0x3FFE];
	_ =	sdelay $0x1  }
0x8a: {  	s1 =	srdreg.scid  }
0x8b: {  	s0 =	sand.u32 $0x1, s1  }
0x8c: {  	s16 =	sshll.u32 s0, $0xA;
	s2 =	sadd.s32 s3, s2  }
0x8d: {  	s2 =	sadd.s32 s2, s16  }
0x8e: {  	[smem:$0x3FC2] =	sst s2  }
0x8f: {  	_ = 	snop  }
0x90: {  	(tm) =	ssettm $0x1  }
0x91: {  	s17 =	sld [smem:$0x3FFB];
	_ =	sdelay $0x3  }
0x92: {  	_ =	strace s17  }
0x93: {  	s2 =	sld [smem:$0x3FFC];
	_ =	sdelay $0x3  }
0x94: {  	_ =	strace s2  }
0x95: {  	s2 =	sld [smem:$0x3FFD];
	_ =	sdelay $0x3  }
0x96: {  	_ =	strace s2  }
0x97: {  	_ =	strace $0x8FFFFFFF  }
0x98: {  	s18 =	sld [smem:$0x3FDB];
	_ =	sdelay $0x1  }
0x99: {  	s19 =	simm.s32 $_scs_section_size  }
0x9a: {  	s4 =	simm.s32 $_size__tile_overlayer_lowered;
	s5 =	simm.s32 $_tile_overlayer_lowered  }
0x9b: {  	s22 =	simm.s32 $0x1BFF;
	s21 =	sshll.u32 s5, $0x1;
	s2 =	sadd.s32 s19, s18  }
0x9c: {  	s6 =	simm.s32 $0x0;
	s20 =	sshll.u32 s4, $0x1;
	s4 =	sadd.s32 s21, s2  }
0x9d: {  	[timem:s6], [sflag:s22] =	dma.local [hbm:s4], s20  }
0x9e: {  	_ =	swait.ge [sflag:s22], s20  }
0x9f: {  	s3 =	ssub.s32 $0x0, s20;
	[sflag:s22] =	ssyncset.done $0x0  }
0xa0: {  	[sflag:s22] =	ssyncadd.s32 s3;
	_ =	sdelay $0x1  }
0xa1: {  	s23 =	simm.s32 $0x1B8B  }
0xa2: {  	_ =	swait.ge [sflag:s23], $0x1  }
0xa3: {  	[sflag:s23] =	ssyncset.done $0x0  }
0xa4: {  	s25 =	simm.s32 $0x1B8E;
	s24 =	sld [smem:$0x3FFE];
	[sflag:s23] =	ssyncadd.s32 $0xFFFFFFFF  }
0xa5: {  	s26 =	simm.s32 $execute0_lowered;
	[smem:$0x3FD2] =	sst s25  }
0xa6: {  	s4 =	sshll.u32 s26, $0x1;
	_ =	strace $0x80000049;
	[dreg:$0x1] =	wrdreg $0xFFFFFFFF  }
0xa7: {  	s28 =	simm.s32 $_size_execute0_lowered;
	s2 =	sadd.s32 s2, s4;
	[dreg:$0x0] =	wrdreg $0x0  }
0xa8: {  	s4 =	sshll.u32 s28, $0x1;
	[dreg:$0x2] =	wrdreg s2  }
0xa9: {  	[dreg:$0x3] =	wrdreg s4  }
0xaa: {  	[dreg:$0x4] =	wrdreg $0xC0  }
0xab: {  	_ =	task [dreg:s6], $0x5FFFF  }
0xac: {  	[dreg:$0x1] =	wrdreg $0xFFFFFFFF  }
0xad: {  	[dreg:$0x0] =	wrdreg $0x60  }
0xae: {  	[dreg:$0x2] =	wrdreg s24  }
0xaf: {  	[dreg:$0x3] =	wrdreg $0x150000  }
0xb0: {  	[dreg:$0x4] =	wrdreg $0x9  }
0xb1: {  	_ =	task.clear_ibuf [dreg:s6], $0x5FFFF;
	_ =	strace $0x90000049  }
0xb2: {  	s29 =	simm.s32 $0x9;
	_ =	strace $0x8000004B  }
0xb3: {  	_ =	swait.ge [sflag:s29], $0x1  }
0xb4: {  	[sflag:s29] =	ssyncadd.s32 $0xFFFFFFFF  }
0xb5: {  	_ =	strace $0x9000004B  }
0xb6: {  	_ =	sfence  }
0xb7: {  	s30 =	sld [smem:$0x0];
	_ =	sdelay $0x2  }
0xb8: {  	s31 =	sshll.u32 s1, $0xD;
	s1 =	sshrl.u32 s1, $0x2  }
0xb9: {  	s3 =	sand.u32 $0x4000, s31;
	s1 =	sadd.s32 s1, s30  }
0xba: {  	s0 =	sor.u32 s3, s0;
	s1 =	sshll.u32 s1, $0x11  }
0xbb: {  	s0 =	sor.u32 s1, s0  }
0xbc: {  	s0 =	sadd.s32 $0x8F2B, s0  }
0xbd: {  	[sflag:s0] =	ssyncadd.remote.s32 $0x1  }
0xbe: {  	_ =	sfence.sel $0xFFFF  }
0xbf: {  	[dreg:$0x0] =	wrdreg $0xFFFFFFFF;
	(pc) =	sbr.abs _section_cstart, $3  }
0xc0: {  	[dreg:$0x1] =	wrdreg $0xFFFFFFFF  }
0xc1: {  	_ =	task.clear_ibuf [dreg:s6], $0x2FFFF;
	_ =	strace $0x9FFFFFFF  }
0xc2: {  	(tm) =	ssettm $0x7FFFFFFF  }
0xc3: {  	_ =	shalt  }
tec
execute0_lowered:
.L_overlay_start_1:
0x0: {  	(tag) =	ssettag $0x1  }
0x1: {  	s0 =	srdreg.scid;
	s3 =	rddreg [dreg:$0x0]  }
0x2: {  	s5 =	stileid.u32;
	s2 =	rddreg [dreg:$0x1]  }
0x3: {  	s4 =	simm.s32 $0x0;
	s15 =	simm.s32 $0x11;
	s16 =	simm.s32 $0x80  }
0x4: {  	s17 =	simm.s32 $0x5000;
	s18 =	simm.s32 $0x7000;
	s28 =	simm.s32 $0x3  }
0x5: {  	s29 =	simm.s32 $0x11000;
	s30 =	simm.s32 $0x4;
	s31 =	simm.s32 $0x13000  }
0x6: {  	s12 =	simm.s32 $0x0;
	s0 =	sand.u32 $0x1, s0;
	s6 =	smul.u32 $0xA000, s5  }
0x7: {  	[smem:$0x7FF] =	sst s4;
	s4 =	sadd.s32 $0x8F000, s3;
	s8 =	sadd.s32 $0x16800, s3  }
0x8: {  	p1 =	seq.s32 s5, $0xF;
	s21 =	sshll.u32 s5, $0x6;
	s24 =	sadd.s32 $0xC500, s3  }
0x9: {  	s25 =	sadd.s32 $0x16140, s3;
	_ =	strace $0x8000004A;
	[dreg:$0x3] =	wrdreg s8  }
0xa: {  	s1 =	sshll.u32 s0, $0x4;
	s7 =	smul.u32 $0xA0000, s0;
	[dreg:$0x7] =	wrdreg s24  }
0xb: {  	s9 =	ssub.s32 $0x2, s0;
	p0 =	seq.s32 s0, $0x1;
	[dreg:$0x8] =	wrdreg s25  }
0xc: {  	s24 =	simm.s32 $0xD000;
	s25 =	simm.s32 $0x2;
	s1 =	sor.u32 s5, s1  }
0xd: {  	s19 =	sshrl.u32 s6, $0x3;
	s10 =	sshrl.u32 s9, $0x1;
	p0 =	por !p1, !p0  }
0xe: {  	s1 =	smul.u32 $0x2800, s1;
	s7 =	sadd.s32 s6, s7;
	s8 =	sadd.s32 s19, s3  }
0xf: {  	s9 =	ssub.s32 s9, s10;
	s6 =	sadd.s32 s6, s2;
	p0 =	por !p0, !p0  }
0x10: {  	s19 =	simm.s32 $0xB;
	s7 =	sshrl.u32 s7, $0x3;
	s22 =	sadd.s32 $0xA3000, s8  }
0x11: {  	s26 =	smax.u32 s9, $0x1;
	s14 =	sshrl.u32 s6, $0x3;
	s6 =	simm.s32 $0xC  }
0x12: {  	s1 =	sshrl.u32 s1, $0x3;
	s20 =	sadd.s32 s7, s3;
	[dreg:$0x4] =	wrdreg s22  }
0x13: {  	s7 =	sor.u32 $0x1C11, s21;
	[dreg:$0xa] =	wrdreg s26;
	s22 =	simm.s32 $0xB000  }
.Ltmp0:
0x14: {  	s26 =	simm.s32 $0xF000;
	s21 =	simm.s32 $0x8;
	(pc) =	sbr.rel .LBB2_1-.Ltmp0, $4  }
0x15: {  	s1 =	sadd.s32 s1, s3;
	s0 =	sadd.s32 $0xB7000, s20;
	s20 =	simm.s32 $0x9000  }
0x16: {  	s3 =	simm.s32 $0x7;
	s23 =	sadd.s32 $0x2A00, s1;
	[dreg:$0x9] =	wrdreg s0  }
0x17: {  	s1 =	sadd.s32 $0xC640, s1;
	s0 =	simm.s32 $0x9;
	[dreg:$0x5] =	wrdreg s23  }
0x18: {  	[dreg:$0x6] =	wrdreg s1;
	s23 =	simm.s32 $0x1;
	s1 =	simm.s32 $0x5  }
.LBB2_4:
0x19: {  	_ =	swait.ge [sflag:s21], $0x2000  }
0x1a: {  	[sflag:s21] =	ssyncset.done $0x0  }
0x1b: {  	[sflag:s21] =	ssyncadd.s32 $0xFFFFE000  }
0x1c: {  	[spmem:s2] =	stream.indirect.scatter.add.f32 [tilespmem:s31], [sflag:$0x10], $0x40, s9, s16, $0xb8;
	[tilespmem:$0x1F000] =	vst v63  }
0x1d: {  	_ =	swait.ge [sflag:s6], $0x2000  }
0x1e: {  	[sflag:s6] =	ssyncset.done $0x0  }
0x1f: {  	s5 =	simm.s32 $0xD;
	[sflag:s6] =	ssyncadd.s32 $0xFFFFE000  }
0x20: {  	_ =	swait.ge [sflag:s5], $0x2000  }
0x21: {  	[sflag:s5] =	ssyncset.done $0x0  }
0x22: {  	s8 =	simm.s32 $0xE;
	[sflag:s5] =	ssyncadd.s32 $0xFFFFE000  }
0x23: {  	_ =	swait.ge [sflag:s8], $0x2000  }
0x24: {  	[sflag:s8] =	ssyncset.done $0x0  }
0x25: {  	s9 =	simm.s32 $0xF;
	[sflag:s8] =	ssyncadd.s32 $0xFFFFE000  }
0x26: {  	_ =	swait.ge [sflag:s9], $0x2000  }
0x27: {  	[sflag:s9] =	ssyncset.done $0x0  }
0x28: {  	s10 =	simm.s32 $0x10;
	[sflag:s9] =	ssyncadd.s32 $0xFFFFE000  }
0x29: {  	_ =	swait.ge [sflag:s10], $0x2000  }
0x2a: {  	[sflag:s10] =	ssyncset.done $0x0  }
0x2b: {  	[sflag:s10] =	ssyncadd.s32 $0xFFFFE000  }
0x2c: {  	[bflag:$0x0] =	sbarrier.arrive $0xFFFF  }
0x2d: {  	s11 =	rddreg [dreg:$0x9]  }
0x2e: {  	[hbm:s11], [sflag:s7] =	dma.local [spmem:s14], $0x1400  }
0x2f: {  	_ =	swait.ge [sflag:s15], $0x1400  }
0x30: {  	s12 =	sadd.s32 $0x1, s12;
	s13 =	rddreg [dreg:$0xa]  }
0x31: {  	p1 =	sne.s32 s12, s13  }
.Ltmp1:
0x32: {  	_ = 	snop;
	(pc) =	sbr.rel @!p1 .LBB2_5-.Ltmp1, $3  }
0x33: {  	_ =	sdelay $0x1  }
0x34: {  	[sflag:s15] =	ssyncset.done $0x0  }
0x35: {  	[sflag:s15] =	ssyncadd.s32 $0xFFFFEC00  }
.LBB2_1:
0x36: {  	s5 =	rddreg [dreg:$0x4]  }
0x37: {  	[spmem:s14], [sflag:s7] =	dma.local [hbm:s5], $0x1400  }
0x38: {  	_ =	swait.ge [sflag:s15], $0x1400  }
0x39: {  	s8 =	simm.s32 @!p0 $0x0;
	[sflag:s15] =	ssyncset.done $0x0  }
0x3a: {  	s9 =	simm.s32 @!p0 $0x11;
	s5 =	rddreg [dreg:$0x5];
	[sflag:s15] =	ssyncadd.s32 $0xFFFFEC00  }
0x3b: {  	[tilespmem:s8], [sflag:$0x11] =	stream.linear.gather @!p0 [hbm4b:s5+s8], $0x2800, $0x38;
	[tilespmem:$0x1F000] =	vst v63  }
0x3c: {  	_ =	swait.ge @!p0 [sflag:s9], $0x2800  }
0x3d: {  	[sflag:s9] =	ssyncset.done @!p0 $0x0  }
0x3e: {  	s13 =	simm.s32 @!p0 $0x2800;
	s5 =	rddreg [dreg:$0x6];
	[sflag:s9] =	ssyncadd.s32 @!p0 $0xFFFFD800  }
0x3f: {  	[tilespmem:s13], [sflag:$0x11] =	stream.linear.gather @!p0 [hbm4b:s5+s8], $0x2800, $0x38;
	[tilespmem:$0x1F000] =	vst v63  }
0x40: {  	_ =	swait.ge @!p0 [sflag:s9], $0x2800  }
0x41: {  	s8 =	simm.s32 @p0 $0x0;
	[sflag:s9] =	ssyncset.done @!p0 $0x0  }
0x42: {  	s5 =	rddreg [dreg:$0x7];
	[sflag:s9] =	ssyncadd.s32 @!p0 $0xFFFFD800;
	s9 =	simm.s32 @p0 $0x11  }
0x43: {  	[tilespmem:s8], [sflag:$0x11] =	stream.linear.gather @p0 [hbm4b:s5+s8], $0xA00, $0x38;
	[tilespmem:$0x1F000] =	vst v63  }
0x44: {  	_ =	swait.ge @p0 [sflag:s9], $0xA00  }
0x45: {  	[sflag:s9] =	ssyncset.done @p0 $0x0  }
0x46: {  	s13 =	simm.s32 @p0 $0xA00;
	s5 =	rddreg [dreg:$0x3];
	[sflag:s9] =	ssyncadd.s32 @p0 $0xFFFFF600  }
0x47: {  	[tilespmem:s13], [sflag:$0x11] =	stream.linear.gather @p0 [hbm4b:s5+s8], $0x1E00, $0x38;
	[tilespmem:$0x1F000] =	vst v63  }
0x48: {  	_ =	swait.ge @p0 [sflag:s9], $0x1E00  }
0x49: {  	[sflag:s9] =	ssyncset.done @p0 $0x0  }
0x4a: {  	s13 =	simm.s32 @p0 $0x2800;
	s10 =	rddreg [dreg:$0x8];
	[sflag:s9] =	ssyncadd.s32 @p0 $0xFFFFE200  }
0x4b: {  	[tilespmem:s13], [sflag:$0x11] =	stream.linear.gather @p0 [hbm4b:s10+s8], $0xA00, $0x38;
	[tilespmem:$0x1F000] =	vst v63  }
0x4c: {  	_ =	swait.ge @p0 [sflag:s9], $0xA00  }
0x4d: {  	[sflag:s9] =	ssyncset.done @p0 $0x0  }
0x4e: {  	s13 =	simm.s32 @p0 $0x3200;
	[sflag:s9] =	ssyncadd.s32 @p0 $0xFFFFF600  }
0x4f: {  	[tilespmem:s13], [sflag:$0x11] =	stream.linear.gather @p0 [hbm4b:s5+s8], $0x1E00, $0x38;
	[tilespmem:$0x1F000] =	vst v63  }
0x50: {  	_ =	swait.ge @p0 [sflag:s9], $0x1E00  }
0x51: {  	[sflag:s9] =	ssyncset.done @p0 $0x0  }
0x52: {  	[sflag:s9] =	ssyncadd.s32 @p0 $0xFFFFE200  }
0x53: {  	s10 =	simm.s32 $0x0;
	[bflag:$0x0] =	sbarrier.arrive $0xFFFF  }
0x54: {  	[tilespmem:s17], [sflag:$0x1] =	stream.indirect.gather [hbm4b:s4+s16], $0x40, s10, s16, $0xb8;
	[tilespmem:$0x1F000] =	vst v63  }
0x55: {  	_ = 	snop  }
0x56: {  	[tilespmem:s18], [sflag:$0x2] =	stream.indirect.gather [hbm4b:s4+s16], $0x40, s16, s16, $0xb8;
	[tilespmem:$0x1F000] =	vst v63  }
0x57: {  	s11 =	simm.s32 $0x100  }
0x58: {  	[tilespmem:s20], [sflag:$0x3] =	stream.indirect.gather [hbm4b:s4+s16], $0x40, s11, s16, $0xb8;
	[tilespmem:$0x1F000] =	vst v63  }
0x59: {  	s13 =	simm.s32 $0x180  }
0x5a: {  	[tilespmem:s22], [sflag:$0x4] =	stream.indirect.gather [hbm4b:s4+s16], $0x40, s13, s16, $0xb8;
	[tilespmem:$0x1F000] =	vst v63  }
0x5b: {  	s13 =	simm.s32 $0x0  }
.LBB2_2:
0x5c: {  	_ =	swait.ge [sflag:s23], $0x2000  }
0x5d: {  	s8 =	sshra.s32 s13, $0x2;
	[sflag:s23] =	ssyncset.done $0x0  }
0x5e: {  	p1 =	seq.s32 s13, $0x0;
	s9 =	sadd.s32 $0x2800, s8;
	[sflag:s23] =	ssyncadd.s32 $0xFFFFE000  }
0x5f: {  	[spmem:s2] =	stream.indirect.scatter.add.f32 [tilespmem:s17], [sflag:$0x9], $0x40, s9, s16, $0xb8;
	[tilespmem:$0x1F000] =	vst v63  }
0x60: {  	s9 =	simm.s32 @!p1 $0xD  }
0x61: {  	_ =	swait.ge @!p1 [sflag:s9], $0x2000  }
0x62: {  	[sflag:s9] =	ssyncset.done @!p1 $0x0  }
0x63: {  	s5 =	sadd.s32 $0x200, s8;
	[sflag:s9] =	ssyncadd.s32 @!p1 $0xFFFFE000  }
0x64: {  	[tilespmem:s24], [sflag:$0x5] =	stream.indirect.gather [hbm4b:s4+s16], $0x40, s5, s16, $0xb8;
	[tilespmem:$0x1F000] =	vst v63  }
0x65: {  	_ =	swait.ge [sflag:s25], $0x2000  }
0x66: {  	[sflag:s25] =	ssyncset.done $0x0  }
0x67: {  	s10 =	sadd.s32 $0x2880, s8;
	s9 =	simm.s32 @!p1 $0xE;
	[sflag:s25] =	ssyncadd.s32 $0xFFFFE000  }
0x68: {  	[spmem:s2] =	stream.indirect.scatter.add.f32 [tilespmem:s18], [sflag:$0xA], $0x40, s10, s16, $0xb8;
	[tilespmem:$0x1F000] =	vst v63  }
0x69: {  	_ =	swait.ge @!p1 [sflag:s9], $0x2000  }
0x6a: {  	[sflag:s9] =	ssyncset.done @!p1 $0x0  }
0x6b: {  	s11 =	sadd.s32 $0x280, s8;
	[sflag:s9] =	ssyncadd.s32 @!p1 $0xFFFFE000  }
0x6c: {  	[tilespmem:s26], [sflag:$0x6] =	stream.indirect.gather [hbm4b:s4+s16], $0x40, s11, s16, $0xb8;
	[tilespmem:$0x1F000] =	vst v63  }
0x6d: {  	_ =	swait.ge [sflag:s28], $0x2000  }
0x6e: {  	[sflag:s28] =	ssyncset.done $0x0  }
0x6f: {  	s5 =	sadd.s32 $0x2900, s8;
	s9 =	simm.s32 @!p1 $0xF;
	[sflag:s28] =	ssyncadd.s32 $0xFFFFE000  }
0x70: {  	[spmem:s2] =	stream.indirect.scatter.add.f32 [tilespmem:s20], [sflag:$0xB], $0x40, s5, s16, $0xb8;
	[tilespmem:$0x1F000] =	vst v63  }
0x71: {  	_ =	swait.ge @!p1 [sflag:s9], $0x2000  }
0x72: {  	[sflag:s9] =	ssyncset.done @!p1 $0x0  }
0x73: {  	s10 =	sadd.s32 $0x300, s8;
	[sflag:s9] =	ssyncadd.s32 @!p1 $0xFFFFE000  }
0x74: {  	[tilespmem:s29], [sflag:$0x7] =	stream.indirect.gather [hbm4b:s4+s16], $0x40, s10, s16, $0xb8;
	[tilespmem:$0x1F000] =	vst v63  }
0x75: {  	_ =	swait.ge [sflag:s30], $0x2000  }
0x76: {  	[sflag:s30] =	ssyncset.done $0x0  }
0x77: {  	s11 =	sadd.s32 $0x2980, s8;
	s9 =	simm.s32 @!p1 $0x10;
	[sflag:s30] =	ssyncadd.s32 $0xFFFFE000  }
0x78: {  	[spmem:s2] =	stream.indirect.scatter.add.f32 [tilespmem:s22], [sflag:$0xC], $0x40, s11, s16, $0xb8;
	[tilespmem:$0x1F000] =	vst v63  }
0x79: {  	_ =	swait.ge @!p1 [sflag:s9], $0x2000  }
0x7a: {  	[sflag:s9] =	ssyncset.done @!p1 $0x0  }
0x7b: {  	s5 =	sadd.s32 $0x380, s8;
	[sflag:s9] =	ssyncadd.s32 @!p1 $0xFFFFE000  }
0x7c: {  	[tilespmem:s31], [sflag:$0x8] =	stream.indirect.gather [hbm4b:s4+s16], $0x40, s5, s16, $0xb8;
	[tilespmem:$0x1F000] =	vst v63  }
0x7d: {  	_ =	swait.ge [sflag:s1], $0x2000  }
0x7e: {  	[sflag:s1] =	ssyncset.done $0x0  }
0x7f: {  	s10 =	sadd.s32 $0x2A00, s8;
	[sflag:s1] =	ssyncadd.s32 $0xFFFFE000  }
0x80: {  	[spmem:s2] =	stream.indirect.scatter.add.f32 [tilespmem:s24], [sflag:$0xD], $0x40, s10, s16, $0xb8;
	[tilespmem:$0x1F000] =	vst v63  }
0x81: {  	_ =	swait.ge [sflag:s0], $0x2000  }
0x82: {  	p1 =	seq.s32 s13, $0x9000;
	[sflag:s0] =	ssyncset.done $0x0  }
0x83: {  	s9 =	simm.s32 @p1 $0x6;
	[sflag:s0] =	ssyncadd.s32 $0xFFFFE000  }
0x84: {  	_ =	swait.ge @p1 [sflag:s9], $0x2000  }
0x85: {  	[sflag:s9] =	ssyncset.done @p1 $0x0  }
0x86: {  	[sflag:s9] =	ssyncadd.s32 @p1 $0xFFFFE000;
	s9 =	sshra.s32 @p1 s13, $0x2  }
0x87: {  	s11 =	simm.s32 @p1 $0xF000;
	s10 =	simm.s32 @p1 $0x80;
	s9 =	sadd.s32 @p1 $0x2A80, s9  }
0x88: {  	[spmem:s2] =	stream.indirect.scatter.add.f32 @p1 [tilespmem:s11], [sflag:$0xE], $0x40, s9, s10, $0xb8;
	[tilespmem:$0x1F000] =	vst v63  }
0x89: {  	s9 =	simm.s32 @p1 $0xA  }
0x8a: {  	_ =	swait.ge @p1 [sflag:s9], $0x2000  }
0x8b: {  	[sflag:s9] =	ssyncset.done @p1 $0x0  }
0x8c: {  	[sflag:s9] =	ssyncadd.s32 @p1 $0xFFFFE000;
	s9 =	sshra.s32 @!p1 s13, $0x2  }
0x8d: {  	s5 =	simm.s32 @!p1 $0x5000;
	s11 =	simm.s32 @!p1 $0x80;
	s10 =	sadd.s32 @!p1 $0x400, s9  }
0x8e: {  	[tilespmem:s5], [sflag:$0x1] =	stream.indirect.gather @!p1 [hbm4b:s4+s11], $0x40, s10, s11, $0xb8;
	[tilespmem:$0x1F000] =	vst v63  }
0x8f: {  	s5 =	simm.s32 @!p1 $0x6  }
0x90: {  	_ =	swait.ge @!p1 [sflag:s5], $0x2000  }
0x91: {  	[sflag:s5] =	ssyncset.done @!p1 $0x0  }
0x92: {  	s10 =	simm.s32 @!p1 $0xF000;
	[sflag:s5] =	ssyncadd.s32 @!p1 $0xFFFFE000;
	s5 =	sadd.s32 @!p1 $0x2A80, s9  }
0x93: {  	[spmem:s2] =	stream.indirect.scatter.add.f32 @!p1 [tilespmem:s10], [sflag:$0xE], $0x40, s5, s11, $0xb8;
	[tilespmem:$0x1F000] =	vst v63  }
0x94: {  	s5 =	simm.s32 @!p1 $0xA  }
0x95: {  	_ =	swait.ge @!p1 [sflag:s5], $0x2000  }
0x96: {  	[sflag:s5] =	ssyncset.done @!p1 $0x0  }
0x97: {  	[sflag:s5] =	ssyncadd.s32 @!p1 $0xFFFFE000;
	s5 =	sadd.s32 @!p1 $0x480, s9;
	s9 =	simm.s32 @!p1 $0x7000  }
0x98: {  	[tilespmem:s9], [sflag:$0x2] =	stream.indirect.gather @!p1 [hbm4b:s4+s11], $0x40, s5, s11, $0xb8;
	[tilespmem:$0x1F000] =	vst v63  }
0x99: {  	_ =	swait.ge [sflag:s3], $0x2000  }
0x9a: {  	[sflag:s3] =	ssyncset.done $0x0  }
.Ltmp2:
0x9b: {  	s11 =	sadd.s32 $0x2B00, s8;
	[sflag:s3] =	ssyncadd.s32 $0xFFFFE000;
	(pc) =	sbr.rel @p1 .LBB2_4-.Ltmp2, $4  }
0x9c: {  	[spmem:s2] =	stream.indirect.scatter.add.f32 [tilespmem:s29], [sflag:$0xF], $0x40, s11, s16, $0xb8;
	[tilespmem:$0x1F000] =	vst v63  }
0x9d: {  	_ =	swait.ge [sflag:s19], $0x2000  }
0x9e: {  	[sflag:s19] =	ssyncset.done $0x0  }
0x9f: {  	s9 =	sadd.s32 $0x2B80, s8;
	[sflag:s19] =	ssyncadd.s32 $0xFFFFE000  }
0xa0: {  	s5 =	sadd.s32 $0x500, s8  }
0xa1: {  	[tilespmem:s20], [sflag:$0x3] =	stream.indirect.gather [hbm4b:s4+s16], $0x40, s5, s16, $0xb8;
	[tilespmem:$0x1F000] =	vst v63  }
0xa2: {  	_ =	swait.ge [sflag:s21], $0x2000  }
0xa3: {  	[sflag:s21] =	ssyncset.done $0x0  }
0xa4: {  	[sflag:s21] =	ssyncadd.s32 $0xFFFFE000  }
0xa5: {  	[spmem:s2] =	stream.indirect.scatter.add.f32 [tilespmem:s31], [sflag:$0x10], $0x40, s9, s16, $0xb8;
	[tilespmem:$0x1F000] =	vst v63  }
.Ltmp3:
0xa6: {  	_ = 	snop;
	(pc) =	sbr.rel .LBB2_2-.Ltmp3, $4  }
0xa7: {  	_ =	swait.ge [sflag:s6], $0x2000  }
0xa8: {  	[sflag:s6] =	ssyncset.done $0x0  }
0xa9: {  	s11 =	sadd.s32 $0x580, s8;
	s13 =	sadd.s32 $0x1000, s13;
	[sflag:s6] =	ssyncadd.s32 $0xFFFFE000  }
0xaa: {  	[tilespmem:s22], [sflag:$0x4] =	stream.indirect.gather [hbm4b:s4+s16], $0x40, s11, s16, $0xb8;
	[tilespmem:$0x1F000] =	vst v63  }
.LBB2_5:
0xab: {  	_ =	sfence.sel $0x180000  }
0xac: {  	[bflag:$0x0] =	sbarrier.arrive $0xFFFF  }
0xad: {  	_ =	strace $0x9000004A  }
0xae: {  	s0 =	stileid.u32;
	[bflag:$0x2] =	sbarrier.arrive $0xFFFF  }
0xaf: {  	p0 =	sne.s32 s0, $0x0;
	s0 =	rddreg [dreg:$0x2]  }
0xb0: {  	s0 =	sadd.s32 @!p0 $0x100000, s0  }
0xb1: {  	[sflag:s0] =	ssyncadd.tile.s32 @!p0 $0x1;
	_ =	shalt  }
.Lfunc_end2:
_tile_overlayer_lowered:
.L_overlay_start_2:
0xb2: {  	(tag) =	ssettag $0x2  }
0xb3: {  	s0 =	rddreg [dreg:$0x0];
	s2 =	stileid.u32  }
0xb4: {  	s1 =	rddreg [dreg:$0x1];
	p0 =	sne.s32 s2, $0x0  }
0xb5: {  	s3 =	rddreg [dreg:$0x2];
	[bflag:$0x3] =	sbarrier.arrive $0xFFFF;
	s2 =	simm.s32 @!p0 $0x1C11  }
0xb6: {  	[timem:s3], [sflag:s2] =	dma.local @!p0 [hbm:s0], s1  }
0xb7: {  	s0 =	simm.s32 @!p0 $0x11  }
0xb8: {  	_ =	swait.ge @!p0 [sflag:s0], s1  }
0xb9: {  	s1 =	ssub.s32 @!p0 $0x0, s1;
	[sflag:s0] =	ssyncset.done @!p0 $0x0  }
0xba: {  	[sflag:s0] =	ssyncadd.s32 @!p0 s1  }
0xbb: {  	[bflag:$0x3] =	sbarrier.arrive $0xFFFF  }
0xbc: {  	_ =	shalt  }

// kernel: kernel.14.cloned.1.call-start
scs
__scs_entry_jumppad:
0x0: {  	(pc) =	sbr.rel $0x88, $3  }
0x1: {  	(tag) =	ssettag $0x0;
	lr =	simm.s32 $0x1  }
0x2: {  	[smem:$0x3F9B] =	sst lr;
	_ =	strace $0xD0000000  }
0x3: {  	_ = 	snop  }
0x4: {  	_ = 	snop  }
0x5: {  	_ = 	snop  }
0x6: {  	_ = 	snop  }
0x7: {  	_ = 	snop  }
__scs_overlays_trampoline_lowered:
0x8: {  	[smem:$0x3FAA] =	sst s0  }
0x9: {  	[smem:$0x3FAB] =	sst s1  }
0xa: {  	[smem:$0x3FAC] =	sst s2  }
0xb: {  	[smem:$0x3FAD] =	sst s3  }
0xc: {  	[smem:$0x3FAE] =	sst s4  }
0xd: {  	[smem:$0x3FAF] =	sst s5  }
0xe: {  	[smem:$0x3FB0] =	sst s6  }
0xf: {  	[smem:$0x3FB1] =	sst s7  }
0x10: {  	[smem:$0x3FB2] =	sst s8  }
0x11: {  	[smem:$0x3FB3] =	sst s9;
	s0 =	simm.s32 @!p0 $0x0  }
0x12: {  	s1 =	sld [smem:$0x3F99];
	s0 =	simm.s32 @p0 $0x1  }
0x13: {  	[smem:$0x3FB4] =	sst s0;
	s0 =	simm.s32 @!p1 $0x0  }
0x14: {  	s2 =	sld [smem:$0x3F98];
	s0 =	simm.s32 @p1 $0x1  }
0x15: {  	[smem:$0x3FB5] =	sst s0;
	s0 =	simm.s32 @!p2 $0x0  }
0x16: {  	s3 =	sld [smem:$0x3FDB];
	s0 =	simm.s32 @p2 $0x1  }
0x17: {  	s4 =	simm.s32 $0x1BF5;
	[smem:$0x3FB7] =	sst s0  }
0x18: {  	s0 =	sld [smem:$0x3F9A];
	_ =	swait.ge [sflag:s4], $0x0  }
0x19: {  	s7 =	sld [smem:$0x3F9B]  }
0x1a: {  	s8 =	sadd.s32 $0xFFFFE003, lr  }
0x1b: {  	s9 =	sadd.s32 $0xFFFFFEF7, lr;
	s5 =	simm.s32 $0xFFFFFFFF;
	p2 =	slt.u32 s8, $0xFFFFF086  }
0x1c: {  	p1 =	slt.u32 s9, $0xF7A;
	s5 =	simm.s32 @!p2 $0x0  }
0x1d: {  	s5 =	simm.s32 @p1 $0x1;
	p0 =	seq.s32 s7, s2  }
0x1e: {  	s7 =	smul.u32 @!p0 $0xF7A, s2;
	p2 =	seq.s32 @!p0 s5, $0x0  }
0x1f: {  	s9 =	smul.u32 $0xF7A, s1;
	s8 =	simm.s32 @!p0 $0x1BF5;
	p2 =	por !p2, p0  }
0x20: {  	[sflag:s8] =	ssyncset.s32 @!p0 $0xFFFFF086;
	s6 =	sadd.s32 @!p0 s3, s7;
	s7 =	simm.s32 @!p0 $0x108  }
0x21: {  	s3 =	sadd.s32 s3, s9;
	s6 =	sadd.s32 @!p0 $0x88, s6;
	s7 =	simm.s32 @p2 $0x1082  }
0x22: {  	[simem:s7], [sflag:s8] =	dma.local @!p0 [hbm:s6], $0xF7A  }
0x23: {  	s9 =	sor.u32 $0xD0000000, s2;
	s6 =	simm.s32 $0x108;
	_ =	swait.ge @!p0 [sflag:s8], $0x0  }
0x24: {  	s3 =	sadd.s32 $0x88, s3;
	s6 =	simm.s32 @!p1 $0x1082;
	[sflag:s4] =	ssyncset.s32 $0xFFFFF086  }
0x25: {  	[simem:s6], [sflag:s4] =	dma.local [hbm:s3], $0xF7A  }
0x26: {  	[smem:$0x3F9B] =	sst s1;
	(tag) =	ssettag s2;
	_ =	strace s9  }
0x27: {  	s1 =	sld [smem:$0x3FAB]  }
0x28: {  	s2 =	sld [smem:$0x3FAC]  }
0x29: {  	s4 =	sld [smem:$0x3FAE]  }
0x2a: {  	p0 =	seq.s32 s5, $0x0;
	s5 =	sld [smem:$0x3FAF]  }
0x2b: {  	s6 =	sld [smem:$0x3FB0]  }
0x2c: {  	s7 =	sld [smem:$0x3FB1]  }
0x2d: {  	s3 =	simm.s32 $0x108;
	s8 =	sld [smem:$0x3FB2]  }
0x2e: {  	s3 =	simm.s32 @!p0 $0x1082;
	s9 =	sld [smem:$0x3FB3]  }
0x2f: {  	lr =	sadd.s32 s0, s3;
	s0 =	sld [smem:$0x3FAA]  }
0x30: {  	s3 =	sld [smem:$0x3FAD]  }
0x31: {  	[smem:$0x3FB6] =	sst s10  }
0x32: {  	s10 =	sld [smem:$0x3FB4];
	_ =	sdelay $0x3  }
0x33: {  	p0 =	seq.s32 s10, $0x1;
	s10 =	sld [smem:$0x3FB6];
	_ =	sdelay $0x3  }
0x34: {  	[smem:$0x3FB6] =	sst s10  }
0x35: {  	s10 =	sld [smem:$0x3FB5];
	_ =	sdelay $0x3  }
0x36: {  	p1 =	seq.s32 s10, $0x1;
	s10 =	sld [smem:$0x3FB6];
	_ =	sdelay $0x3  }
0x37: {  	[smem:$0x3FB6] =	sst s10  }
0x38: {  	s10 =	sld [smem:$0x3FB7]  }
0x39: {  	_ = 	snop;
	(pc) =	sbr.ind lr, $3  }
0x3a: {  	_ = 	snop  }
0x3b: {  	_ = 	snop  }
0x3c: {  	p2 =	seq.s32 s10, $0x1;
	s10 =	sld [smem:$0x3FB6]  }
0x3d: {  	_ =	shalt  }
0x3e: {  	_ =	shalt  }
0x3f: {  	_ =	shalt  }
0x40: {  	_ =	shalt  }
0x41: {  	_ =	shalt  }
0x42: {  	_ =	shalt  }
0x43: {  	_ =	shalt  }
0x44: {  	_ =	shalt  }
0x45: {  	_ =	shalt  }
0x46: {  	_ =	shalt  }
0x47: {  	_ =	shalt  }
0x48: {  	_ =	shalt  }
0x49: {  	_ =	shalt  }
0x4a: {  	_ =	shalt  }
0x4b: {  	_ =	shalt  }
0x4c: {  	_ =	shalt  }
0x4d: {  	_ =	shalt  }
0x4e: {  	_ =	shalt  }
0x4f: {  	_ =	shalt  }
0x50: {  	_ =	shalt  }
0x51: {  	_ =	shalt  }
0x52: {  	_ =	shalt  }
0x53: {  	_ =	shalt  }
0x54: {  	_ =	shalt  }
0x55: {  	_ =	shalt  }
0x56: {  	_ =	shalt  }
0x57: {  	_ =	shalt  }
0x58: {  	_ =	shalt  }
0x59: {  	_ =	shalt  }
0x5a: {  	_ =	shalt  }
0x5b: {  	_ =	shalt  }
0x5c: {  	_ =	shalt  }
0x5d: {  	_ =	shalt  }
0x5e: {  	_ =	shalt  }
0x5f: {  	_ =	shalt  }
0x60: {  	_ =	shalt  }
0x61: {  	_ =	shalt  }
0x62: {  	_ =	shalt  }
0x63: {  	_ =	shalt  }
0x64: {  	_ =	shalt  }
0x65: {  	_ =	shalt  }
0x66: {  	_ =	shalt  }
0x67: {  	_ =	shalt  }
0x68: {  	_ =	shalt  }
0x69: {  	_ =	shalt  }
0x6a: {  	_ =	shalt  }
0x6b: {  	_ =	shalt  }
0x6c: {  	_ =	shalt  }
0x6d: {  	_ =	shalt  }
0x6e: {  	_ =	shalt  }
0x6f: {  	_ =	shalt  }
0x70: {  	_ =	shalt  }
0x71: {  	_ =	shalt  }
0x72: {  	_ =	shalt  }
0x73: {  	_ =	shalt  }
0x74: {  	_ =	shalt  }
0x75: {  	_ =	shalt  }
0x76: {  	_ =	shalt  }
0x77: {  	_ =	shalt  }
0x78: {  	_ =	shalt  }
0x79: {  	_ =	shalt  }
0x7a: {  	_ =	shalt  }
0x7b: {  	_ =	shalt  }
0x7c: {  	_ =	shalt  }
0x7d: {  	_ =	shalt  }
0x7e: {  	_ =	shalt  }
0x7f: {  	_ =	shalt  }
0x80: {  	_ =	shalt  }
0x81: {  	_ =	shalt  }
0x82: {  	_ =	shalt  }
0x83: {  	_ =	shalt  }
0x84: {  	_ =	shalt  }
0x85: {  	_ =	shalt  }
0x86: {  	_ =	shalt  }
0x87: {  	_ =	shalt  }
.Lfunc_end0:
.L_simem_size_0:
called_computation.2_lowered:
.L_overlay_start_0:
0x88: {  	s2 =	sld [smem:$0x3FD9]  }
0x89: {  	s3 =	sld [smem:$0x3FFE];
	_ =	sdelay $0x1  }
0x8a: {  	s1 =	srdreg.scid  }
0x8b: {  	s0 =	sand.u32 $0x1, s1  }
0x8c: {  	s16 =	sshll.u32 s0, $0xA;
	s2 =	sadd.s32 s3, s2  }
0x8d: {  	s2 =	sadd.s32 s2, s16  }
0x8e: {  	[smem:$0x3FC2] =	sst s2  }
0x8f: {  	_ = 	snop  }
0x90: {  	(tm) =	ssettm $0x1  }
0x91: {  	s17 =	sld [smem:$0x3FFB];
	_ =	sdelay $0x3  }
0x92: {  	_ =	strace s17  }
0x93: {  	s2 =	sld [smem:$0x3FFC];
	_ =	sdelay $0x3  }
0x94: {  	_ =	strace s2  }
0x95: {  	s2 =	sld [smem:$0x3FFD];
	_ =	sdelay $0x3  }
0x96: {  	_ =	strace s2  }
0x97: {  	_ =	strace $0x8FFFFFFF  }
0x98: {  	s18 =	sld [smem:$0x3FDB];
	_ =	sdelay $0x1  }
0x99: {  	s19 =	simm.s32 $_scs_section_size  }
0x9a: {  	s4 =	simm.s32 $_size__tile_overlayer_lowered;
	s5 =	simm.s32 $_tile_overlayer_lowered  }
0x9b: {  	s22 =	simm.s32 $0x1BFF;
	s21 =	sshll.u32 s5, $0x1;
	s2 =	sadd.s32 s19, s18  }
0x9c: {  	s6 =	simm.s32 $0x0;
	s20 =	sshll.u32 s4, $0x1;
	s4 =	sadd.s32 s21, s2  }
0x9d: {  	[timem:s6], [sflag:s22] =	dma.local [hbm:s4], s20  }
0x9e: {  	_ =	swait.ge [sflag:s22], s20  }
0x9f: {  	s3 =	ssub.s32 $0x0, s20;
	[sflag:s22] =	ssyncset.done $0x0  }
0xa0: {  	[sflag:s22] =	ssyncadd.s32 s3;
	_ =	sdelay $0x1  }
0xa1: {  	s23 =	simm.s32 $0x1B8B  }
0xa2: {  	_ =	swait.ge [sflag:s23], $0x1  }
0xa3: {  	[sflag:s23] =	ssyncset.done $0x0  }
0xa4: {  	s25 =	simm.s32 $0x1B8E;
	s24 =	sld [smem:$0x3FFE];
	[sflag:s23] =	ssyncadd.s32 $0xFFFFFFFF  }
0xa5: {  	s26 =	simm.s32 $execute0_lowered;
	[smem:$0x3FD2] =	sst s25  }
0xa6: {  	s4 =	sshll.u32 s26, $0x1;
	_ =	strace $0x8000004C;
	[dreg:$0x1] =	wrdreg $0xFFFFFFFF  }
0xa7: {  	s28 =	simm.s32 $_size_execute0_lowered;
	s2 =	sadd.s32 s2, s4;
	[dreg:$0x0] =	wrdreg $0x0  }
0xa8: {  	s4 =	sshll.u32 s28, $0x1;
	[dreg:$0x2] =	wrdreg s2  }
0xa9: {  	[dreg:$0x3] =	wrdreg s4  }
0xaa: {  	[dreg:$0x4] =	wrdreg $0xC0  }
0xab: {  	_ =	task [dreg:s6], $0x5FFFF  }
0xac: {  	[dreg:$0x1] =	wrdreg $0xFFFFFFFF  }
0xad: {  	[dreg:$0x0] =	wrdreg $0x60  }
0xae: {  	[dreg:$0x2] =	wrdreg s24  }
0xaf: {  	[dreg:$0x3] =	wrdreg $0xD0000  }
0xb0: {  	[dreg:$0x4] =	wrdreg $0x9  }
0xb1: {  	_ =	task.clear_ibuf [dreg:s6], $0x5FFFF;
	_ =	strace $0x9000004C  }
0xb2: {  	s29 =	simm.s32 $0x9;
	_ =	strace $0x8000004E  }
0xb3: {  	_ =	swait.ge [sflag:s29], $0x1  }
0xb4: {  	[sflag:s29] =	ssyncadd.s32 $0xFFFFFFFF  }
0xb5: {  	_ =	strace $0x9000004E  }
0xb6: {  	_ =	sfence  }
0xb7: {  	s30 =	sld [smem:$0x0];
	_ =	sdelay $0x2  }
0xb8: {  	s31 =	sshll.u32 s1, $0xD;
	s1 =	sshrl.u32 s1, $0x2  }
0xb9: {  	s3 =	sand.u32 $0x4000, s31;
	s1 =	sadd.s32 s1, s30  }
0xba: {  	s0 =	sor.u32 s3, s0;
	s1 =	sshll.u32 s1, $0x11  }
0xbb: {  	s0 =	sor.u32 s1, s0  }
0xbc: {  	s0 =	sadd.s32 $0x8F2B, s0  }
0xbd: {  	[sflag:s0] =	ssyncadd.remote.s32 $0x1  }
0xbe: {  	_ =	sfence.sel $0xFFFF  }
0xbf: {  	[dreg:$0x0] =	wrdreg $0xFFFFFFFF;
	(pc) =	sbr.abs _section_cstart, $3  }
0xc0: {  	[dreg:$0x1] =	wrdreg $0xFFFFFFFF  }
0xc1: {  	_ =	task.clear_ibuf [dreg:s6], $0x2FFFF;
	_ =	strace $0x9FFFFFFF  }
0xc2: {  	(tm) =	ssettm $0x7FFFFFFF  }
0xc3: {  	_ =	shalt  }
tec
execute0_lowered:
.L_overlay_start_1:
0x0: {  	(tag) =	ssettag $0x1  }
0x1: {  	s0 =	srdreg.scid;
	s3 =	rddreg [dreg:$0x0]  }
0x2: {  	s5 =	stileid.u32;
	s2 =	rddreg [dreg:$0x1]  }
0x3: {  	s4 =	simm.s32 $0x0;
	s15 =	simm.s32 $0x11;
	s16 =	simm.s32 $0x80  }
0x4: {  	s17 =	simm.s32 $0x5000;
	s18 =	simm.s32 $0x6000;
	s28 =	simm.s32 $0x3  }
0x5: {  	s29 =	simm.s32 $0xB000;
	s30 =	simm.s32 $0x4;
	s31 =	simm.s32 $0xC000  }
0x6: {  	s12 =	simm.s32 $0x0;
	s0 =	sand.u32 $0x1, s0;
	s6 =	smul.u32 $0x5000, s5  }
0x7: {  	[smem:$0x7FF] =	sst s4;
	s4 =	sadd.s32 $0x67000, s3;
	s8 =	sadd.s32 $0x16C00, s3  }
0x8: {  	p1 =	seq.s32 s5, $0xF;
	s21 =	sshll.u32 s5, $0x6;
	s24 =	sadd.s32 $0xC500, s3  }
0x9: {  	s25 =	sadd.s32 $0x16140, s3;
	_ =	strace $0x8000004D;
	[dreg:$0x3] =	wrdreg s8  }
0xa: {  	s1 =	sshll.u32 s0, $0x4;
	s7 =	smul.u32 $0x50000, s0;
	[dreg:$0x7] =	wrdreg s24  }
0xb: {  	s9 =	ssub.s32 $0x2, s0;
	p0 =	seq.s32 s0, $0x1;
	[dreg:$0x8] =	wrdreg s25  }
0xc: {  	s24 =	simm.s32 $0x9000;
	s25 =	simm.s32 $0x2;
	s1 =	sor.u32 s5, s1  }
0xd: {  	s19 =	sshrl.u32 s6, $0x3;
	s10 =	sshrl.u32 s9, $0x1;
	p0 =	por !p1, !p0  }
0xe: {  	s1 =	smul.u32 $0x2800, s1;
	s7 =	sadd.s32 s6, s7;
	s8 =	sadd.s32 s19, s3  }
0xf: {  	s9 =	ssub.s32 s9, s10;
	s6 =	sadd.s32 s6, s2;
	p0 =	por !p0, !p0  }
0x10: {  	s19 =	simm.s32 $0xB;
	s7 =	sshrl.u32 s7, $0x3;
	s22 =	sadd.s32 $0x71000, s8  }
0x11: {  	s26 =	smax.u32 s9, $0x1;
	s14 =	sshrl.u32 s6, $0x3;
	s6 =	simm.s32 $0xC  }
0x12: {  	s1 =	sshrl.u32 s1, $0x3;
	s20 =	sadd.s32 s7, s3;
	[dreg:$0x4] =	wrdreg s22  }
0x13: {  	s7 =	sor.u32 $0x1C11, s21;
	[dreg:$0xa] =	wrdreg s26;
	s22 =	simm.s32 $0x8000  }
.Ltmp0:
0x14: {  	s26 =	simm.s32 $0xA000;
	s21 =	simm.s32 $0x8;
	(pc) =	sbr.rel .LBB2_1-.Ltmp0, $4  }
0x15: {  	s1 =	sadd.s32 s1, s3;
	s0 =	sadd.s32 $0x7B000, s20;
	s20 =	simm.s32 $0x7000  }
0x16: {  	s3 =	simm.s32 $0x7;
	s23 =	sadd.s32 $0x2A00, s1;
	[dreg:$0x9] =	wrdreg s0  }
0x17: {  	s1 =	sadd.s32 $0xC640, s1;
	s0 =	simm.s32 $0x9;
	[dreg:$0x5] =	wrdreg s23  }
0x18: {  	[dreg:$0x6] =	wrdreg s1;
	s23 =	simm.s32 $0x1;
	s1 =	simm.s32 $0x5  }
.LBB2_4:
0x19: {  	_ =	swait.ge [sflag:s21], $0x1000  }
0x1a: {  	[sflag:s21] =	ssyncset.done $0x0  }
0x1b: {  	[sflag:s21] =	ssyncadd.s32 $0xFFFFF000  }
0x1c: {  	[spmem:s2] =	stream.indirect.scatter.add.f32 [tilespmem:s31], [sflag:$0x10], $0x20, s9, s16, $0xb8;
	[tilespmem:$0x12000] =	vst v63  }
0x1d: {  	_ =	swait.ge [sflag:s6], $0x1000  }
0x1e: {  	[sflag:s6] =	ssyncset.done $0x0  }
0x1f: {  	s5 =	simm.s32 $0xD;
	[sflag:s6] =	ssyncadd.s32 $0xFFFFF000  }
0x20: {  	_ =	swait.ge [sflag:s5], $0x1000  }
0x21: {  	[sflag:s5] =	ssyncset.done $0x0  }
0x22: {  	s8 =	simm.s32 $0xE;
	[sflag:s5] =	ssyncadd.s32 $0xFFFFF000  }
0x23: {  	_ =	swait.ge [sflag:s8], $0x1000  }
0x24: {  	[sflag:s8] =	ssyncset.done $0x0  }
0x25: {  	s9 =	simm.s32 $0xF;
	[sflag:s8] =	ssyncadd.s32 $0xFFFFF000  }
0x26: {  	_ =	swait.ge [sflag:s9], $0x1000  }
0x27: {  	[sflag:s9] =	ssyncset.done $0x0  }
0x28: {  	s10 =	simm.s32 $0x10;
	[sflag:s9] =	ssyncadd.s32 $0xFFFFF000  }
0x29: {  	_ =	swait.ge [sflag:s10], $0x1000  }
0x2a: {  	[sflag:s10] =	ssyncset.done $0x0  }
0x2b: {  	[sflag:s10] =	ssyncadd.s32 $0xFFFFF000  }
0x2c: {  	[bflag:$0x0] =	sbarrier.arrive $0xFFFF  }
0x2d: {  	s11 =	rddreg [dreg:$0x9]  }
0x2e: {  	[hbm:s11], [sflag:s7] =	dma.local [spmem:s14], $0xA00  }
0x2f: {  	_ =	swait.ge [sflag:s15], $0xA00  }
0x30: {  	s12 =	sadd.s32 $0x1, s12;
	s13 =	rddreg [dreg:$0xa]  }
0x31: {  	p1 =	sne.s32 s12, s13  }
.Ltmp1:
0x32: {  	_ = 	snop;
	(pc) =	sbr.rel @!p1 .LBB2_5-.Ltmp1, $3  }
0x33: {  	_ =	sdelay $0x1  }
0x34: {  	[sflag:s15] =	ssyncset.done $0x0  }
0x35: {  	[sflag:s15] =	ssyncadd.s32 $0xFFFFF600  }
.LBB2_1:
0x36: {  	s5 =	rddreg [dreg:$0x4]  }
0x37: {  	[spmem:s14], [sflag:s7] =	dma.local [hbm:s5], $0xA00  }
0x38: {  	_ =	swait.ge [sflag:s15], $0xA00  }
0x39: {  	s8 =	simm.s32 @!p0 $0x0;
	[sflag:s15] =	ssyncset.done $0x0  }
0x3a: {  	s9 =	simm.s32 @!p0 $0x11;
	s5 =	rddreg [dreg:$0x5];
	[sflag:s15] =	ssyncadd.s32 $0xFFFFF600  }
0x3b: {  	[tilespmem:s8], [sflag:$0x11] =	stream.linear.gather @!p0 [hbm4b:s5+s8], $0x2800, $0x38;
	[tilespmem:$0x12000] =	vst v63  }
0x3c: {  	_ =	swait.ge @!p0 [sflag:s9], $0x2800  }
0x3d: {  	[sflag:s9] =	ssyncset.done @!p0 $0x0  }
0x3e: {  	s13 =	simm.s32 @!p0 $0x2800;
	s5 =	rddreg [dreg:$0x6];
	[sflag:s9] =	ssyncadd.s32 @!p0 $0xFFFFD800  }
0x3f: {  	[tilespmem:s13], [sflag:$0x11] =	stream.linear.gather @!p0 [hbm4b:s5+s8], $0x2800, $0x38;
	[tilespmem:$0x12000] =	vst v63  }
0x40: {  	_ =	swait.ge @!p0 [sflag:s9], $0x2800  }
0x41: {  	s8 =	simm.s32 @p0 $0x0;
	[sflag:s9] =	ssyncset.done @!p0 $0x0  }
0x42: {  	s5 =	rddreg [dreg:$0x7];
	[sflag:s9] =	ssyncadd.s32 @!p0 $0xFFFFD800;
	s9 =	simm.s32 @p0 $0x11  }
0x43: {  	[tilespmem:s8], [sflag:$0x11] =	stream.linear.gather @p0 [hbm4b:s5+s8], $0xA00, $0x38;
	[tilespmem:$0x12000] =	vst v63  }
0x44: {  	_ =	swait.ge @p0 [sflag:s9], $0xA00  }
0x45: {  	[sflag:s9] =	ssyncset.done @p0 $0x0  }
0x46: {  	s13 =	simm.s32 @p0 $0xA00;
	s5 =	rddreg [dreg:$0x3];
	[sflag:s9] =	ssyncadd.s32 @p0 $0xFFFFF600  }
0x47: {  	[tilespmem:s13], [sflag:$0x11] =	stream.linear.gather @p0 [hbm4b:s5+s8], $0x1E00, $0x38;
	[tilespmem:$0x12000] =	vst v63  }
0x48: {  	_ =	swait.ge @p0 [sflag:s9], $0x1E00  }
0x49: {  	[sflag:s9] =	ssyncset.done @p0 $0x0  }
0x4a: {  	s13 =	simm.s32 @p0 $0x2800;
	s10 =	rddreg [dreg:$0x8];
	[sflag:s9] =	ssyncadd.s32 @p0 $0xFFFFE200  }
0x4b: {  	[tilespmem:s13], [sflag:$0x11] =	stream.linear.gather @p0 [hbm4b:s10+s8], $0xA00, $0x38;
	[tilespmem:$0x12000] =	vst v63  }
0x4c: {  	_ =	swait.ge @p0 [sflag:s9], $0xA00  }
0x4d: {  	[sflag:s9] =	ssyncset.done @p0 $0x0  }
0x4e: {  	s13 =	simm.s32 @p0 $0x3200;
	[sflag:s9] =	ssyncadd.s32 @p0 $0xFFFFF600  }
0x4f: {  	[tilespmem:s13], [sflag:$0x11] =	stream.linear.gather @p0 [hbm4b:s5+s8], $0x1E00, $0x38;
	[tilespmem:$0x12000] =	vst v63  }
0x50: {  	_ =	swait.ge @p0 [sflag:s9], $0x1E00  }
0x51: {  	[sflag:s9] =	ssyncset.done @p0 $0x0  }
0x52: {  	[sflag:s9] =	ssyncadd.s32 @p0 $0xFFFFE200  }
0x53: {  	s10 =	simm.s32 $0x0;
	[bflag:$0x0] =	sbarrier.arrive $0xFFFF  }
0x54: {  	[tilespmem:s17], [sflag:$0x1] =	stream.indirect.gather [hbm4b:s4+s16], $0x20, s10, s16, $0xb8;
	[tilespmem:$0x12000] =	vst v63  }
0x55: {  	_ = 	snop  }
0x56: {  	[tilespmem:s18], [sflag:$0x2] =	stream.indirect.gather [hbm4b:s4+s16], $0x20, s16, s16, $0xb8;
	[tilespmem:$0x12000] =	vst v63  }
0x57: {  	s11 =	simm.s32 $0x100  }
0x58: {  	[tilespmem:s20], [sflag:$0x3] =	stream.indirect.gather [hbm4b:s4+s16], $0x20, s11, s16, $0xb8;
	[tilespmem:$0x12000] =	vst v63  }
0x59: {  	s13 =	simm.s32 $0x180  }
0x5a: {  	[tilespmem:s22], [sflag:$0x4] =	stream.indirect.gather [hbm4b:s4+s16], $0x20, s13, s16, $0xb8;
	[tilespmem:$0x12000] =	vst v63  }
0x5b: {  	s13 =	simm.s32 $0x0  }
.LBB2_2:
0x5c: {  	_ =	swait.ge [sflag:s23], $0x1000  }
0x5d: {  	s8 =	sshra.s32 s13, $0x2;
	[sflag:s23] =	ssyncset.done $0x0  }
0x5e: {  	p1 =	seq.s32 s13, $0x0;
	s9 =	sadd.s32 $0x2800, s8;
	[sflag:s23] =	ssyncadd.s32 $0xFFFFF000  }
0x5f: {  	[spmem:s2] =	stream.indirect.scatter.add.f32 [tilespmem:s17], [sflag:$0x9], $0x20, s9, s16, $0xb8;
	[tilespmem:$0x12000] =	vst v63  }
0x60: {  	s9 =	simm.s32 @!p1 $0xD  }
0x61: {  	_ =	swait.ge @!p1 [sflag:s9], $0x1000  }
0x62: {  	[sflag:s9] =	ssyncset.done @!p1 $0x0  }
0x63: {  	s5 =	sadd.s32 $0x200, s8;
	[sflag:s9] =	ssyncadd.s32 @!p1 $0xFFFFF000  }
0x64: {  	[tilespmem:s24], [sflag:$0x5] =	stream.indirect.gather [hbm4b:s4+s16], $0x20, s5, s16, $0xb8;
	[tilespmem:$0x12000] =	vst v63  }
0x65: {  	_ =	swait.ge [sflag:s25], $0x1000  }
0x66: {  	[sflag:s25] =	ssyncset.done $0x0  }
0x67: {  	s10 =	sadd.s32 $0x2880, s8;
	s9 =	simm.s32 @!p1 $0xE;
	[sflag:s25] =	ssyncadd.s32 $0xFFFFF000  }
0x68: {  	[spmem:s2] =	stream.indirect.scatter.add.f32 [tilespmem:s18], [sflag:$0xA], $0x20, s10, s16, $0xb8;
	[tilespmem:$0x12000] =	vst v63  }
0x69: {  	_ =	swait.ge @!p1 [sflag:s9], $0x1000  }
0x6a: {  	[sflag:s9] =	ssyncset.done @!p1 $0x0  }
0x6b: {  	s11 =	sadd.s32 $0x280, s8;
	[sflag:s9] =	ssyncadd.s32 @!p1 $0xFFFFF000  }
0x6c: {  	[tilespmem:s26], [sflag:$0x6] =	stream.indirect.gather [hbm4b:s4+s16], $0x20, s11, s16, $0xb8;
	[tilespmem:$0x12000] =	vst v63  }
0x6d: {  	_ =	swait.ge [sflag:s28], $0x1000  }
0x6e: {  	[sflag:s28] =	ssyncset.done $0x0  }
0x6f: {  	s5 =	sadd.s32 $0x2900, s8;
	s9 =	simm.s32 @!p1 $0xF;
	[sflag:s28] =	ssyncadd.s32 $0xFFFFF000  }
0x70: {  	[spmem:s2] =	stream.indirect.scatter.add.f32 [tilespmem:s20], [sflag:$0xB], $0x20, s5, s16, $0xb8;
	[tilespmem:$0x12000] =	vst v63  }
0x71: {  	_ =	swait.ge @!p1 [sflag:s9], $0x1000  }
0x72: {  	[sflag:s9] =	ssyncset.done @!p1 $0x0  }
0x73: {  	s10 =	sadd.s32 $0x300, s8;
	[sflag:s9] =	ssyncadd.s32 @!p1 $0xFFFFF000  }
0x74: {  	[tilespmem:s29], [sflag:$0x7] =	stream.indirect.gather [hbm4b:s4+s16], $0x20, s10, s16, $0xb8;
	[tilespmem:$0x12000] =	vst v63  }
0x75: {  	_ =	swait.ge [sflag:s30], $0x1000  }
0x76: {  	[sflag:s30] =	ssyncset.done $0x0  }
0x77: {  	s11 =	sadd.s32 $0x2980, s8;
	s9 =	simm.s32 @!p1 $0x10;
	[sflag:s30] =	ssyncadd.s32 $0xFFFFF000  }
0x78: {  	[spmem:s2] =	stream.indirect.scatter.add.f32 [tilespmem:s22], [sflag:$0xC], $0x20, s11, s16, $0xb8;
	[tilespmem:$0x12000] =	vst v63  }
0x79: {  	_ =	swait.ge @!p1 [sflag:s9], $0x1000  }
0x7a: {  	[sflag:s9] =	ssyncset.done @!p1 $0x0  }
0x7b: {  	s5 =	sadd.s32 $0x380, s8;
	[sflag:s9] =	ssyncadd.s32 @!p1 $0xFFFFF000  }
0x7c: {  	[tilespmem:s31], [sflag:$0x8] =	stream.indirect.gather [hbm4b:s4+s16], $0x20, s5, s16, $0xb8;
	[tilespmem:$0x12000] =	vst v63  }
0x7d: {  	_ =	swait.ge [sflag:s1], $0x1000  }
0x7e: {  	[sflag:s1] =	ssyncset.done $0x0  }
0x7f: {  	s10 =	sadd.s32 $0x2A00, s8;
	[sflag:s1] =	ssyncadd.s32 $0xFFFFF000  }
0x80: {  	[spmem:s2] =	stream.indirect.scatter.add.f32 [tilespmem:s24], [sflag:$0xD], $0x20, s10, s16, $0xb8;
	[tilespmem:$0x12000] =	vst v63  }
0x81: {  	_ =	swait.ge [sflag:s0], $0x1000  }
0x82: {  	p1 =	seq.s32 s13, $0x9000;
	[sflag:s0] =	ssyncset.done $0x0  }
0x83: {  	s9 =	simm.s32 @p1 $0x6;
	[sflag:s0] =	ssyncadd.s32 $0xFFFFF000  }
0x84: {  	_ =	swait.ge @p1 [sflag:s9], $0x1000  }
0x85: {  	[sflag:s9] =	ssyncset.done @p1 $0x0  }
0x86: {  	[sflag:s9] =	ssyncadd.s32 @p1 $0xFFFFF000;
	s9 =	sshra.s32 @p1 s13, $0x2  }
0x87: {  	s11 =	simm.s32 @p1 $0xA000;
	s10 =	simm.s32 @p1 $0x80;
	s9 =	sadd.s32 @p1 $0x2A80, s9  }
0x88: {  	[spmem:s2] =	stream.indirect.scatter.add.f32 @p1 [tilespmem:s11], [sflag:$0xE], $0x20, s9, s10, $0xb8;
	[tilespmem:$0x12000] =	vst v63  }
0x89: {  	s9 =	simm.s32 @p1 $0xA  }
0x8a: {  	_ =	swait.ge @p1 [sflag:s9], $0x1000  }
0x8b: {  	[sflag:s9] =	ssyncset.done @p1 $0x0  }
0x8c: {  	[sflag:s9] =	ssyncadd.s32 @p1 $0xFFFFF000;
	s9 =	sshra.s32 @!p1 s13, $0x2  }
0x8d: {  	s5 =	simm.s32 @!p1 $0x5000;
	s11 =	simm.s32 @!p1 $0x80;
	s10 =	sadd.s32 @!p1 $0x400, s9  }
0x8e: {  	[tilespmem:s5], [sflag:$0x1] =	stream.indirect.gather @!p1 [hbm4b:s4+s11], $0x20, s10, s11, $0xb8;
	[tilespmem:$0x12000] =	vst v63  }
0x8f: {  	s5 =	simm.s32 @!p1 $0x6  }
0x90: {  	_ =	swait.ge @!p1 [sflag:s5], $0x1000  }
0x91: {  	[sflag:s5] =	ssyncset.done @!p1 $0x0  }
0x92: {  	s10 =	simm.s32 @!p1 $0xA000;
	[sflag:s5] =	ssyncadd.s32 @!p1 $0xFFFFF000;
	s5 =	sadd.s32 @!p1 $0x2A80, s9  }
0x93: {  	[spmem:s2] =	stream.indirect.scatter.add.f32 @!p1 [tilespmem:s10], [sflag:$0xE], $0x20, s5, s11, $0xb8;
	[tilespmem:$0x12000] =	vst v63  }
0x94: {  	s5 =	simm.s32 @!p1 $0xA  }
0x95: {  	_ =	swait.ge @!p1 [sflag:s5], $0x1000  }
0x96: {  	[sflag:s5] =	ssyncset.done @!p1 $0x0  }
0x97: {  	[sflag:s5] =	ssyncadd.s32 @!p1 $0xFFFFF000;
	s5 =	sadd.s32 @!p1 $0x480, s9;
	s9 =	simm.s32 @!p1 $0x6000  }
0x98: {  	[tilespmem:s9], [sflag:$0x2] =	stream.indirect.gather @!p1 [hbm4b:s4+s11], $0x20, s5, s11, $0xb8;
	[tilespmem:$0x12000] =	vst v63  }
0x99: {  	_ =	swait.ge [sflag:s3], $0x1000  }
0x9a: {  	[sflag:s3] =	ssyncset.done $0x0  }
.Ltmp2:
0x9b: {  	s11 =	sadd.s32 $0x2B00, s8;
	[sflag:s3] =	ssyncadd.s32 $0xFFFFF000;
	(pc) =	sbr.rel @p1 .LBB2_4-.Ltmp2, $4  }
0x9c: {  	[spmem:s2] =	stream.indirect.scatter.add.f32 [tilespmem:s29], [sflag:$0xF], $0x20, s11, s16, $0xb8;
	[tilespmem:$0x12000] =	vst v63  }
0x9d: {  	_ =	swait.ge [sflag:s19], $0x1000  }
0x9e: {  	[sflag:s19] =	ssyncset.done $0x0  }
0x9f: {  	s9 =	sadd.s32 $0x2B80, s8;
	[sflag:s19] =	ssyncadd.s32 $0xFFFFF000  }
0xa0: {  	s5 =	sadd.s32 $0x500, s8  }
0xa1: {  	[tilespmem:s20], [sflag:$0x3] =	stream.indirect.gather [hbm4b:s4+s16], $0x20, s5, s16, $0xb8;
	[tilespmem:$0x12000] =	vst v63  }
0xa2: {  	_ =	swait.ge [sflag:s21], $0x1000  }
0xa3: {  	[sflag:s21] =	ssyncset.done $0x0  }
0xa4: {  	[sflag:s21] =	ssyncadd.s32 $0xFFFFF000  }
0xa5: {  	[spmem:s2] =	stream.indirect.scatter.add.f32 [tilespmem:s31], [sflag:$0x10], $0x20, s9, s16, $0xb8;
	[tilespmem:$0x12000] =	vst v63  }
.Ltmp3:
0xa6: {  	_ = 	snop;
	(pc) =	sbr.rel .LBB2_2-.Ltmp3, $4  }
0xa7: {  	_ =	swait.ge [sflag:s6], $0x1000  }
0xa8: {  	[sflag:s6] =	ssyncset.done $0x0  }
0xa9: {  	s11 =	sadd.s32 $0x580, s8;
	s13 =	sadd.s32 $0x1000, s13;
	[sflag:s6] =	ssyncadd.s32 $0xFFFFF000  }
0xaa: {  	[tilespmem:s22], [sflag:$0x4] =	stream.indirect.gather [hbm4b:s4+s16], $0x20, s11, s16, $0xb8;
	[tilespmem:$0x12000] =	vst v63  }
.LBB2_5:
0xab: {  	_ =	sfence.sel $0x180000  }
0xac: {  	[bflag:$0x0] =	sbarrier.arrive $0xFFFF  }
0xad: {  	_ =	strace $0x9000004D  }
0xae: {  	s0 =	stileid.u32;
	[bflag:$0x2] =	sbarrier.arrive $0xFFFF  }
0xaf: {  	p0 =	sne.s32 s0, $0x0;
	s0 =	rddreg [dreg:$0x2]  }
0xb0: {  	s0 =	sadd.s32 @!p0 $0x100000, s0  }
0xb1: {  	[sflag:s0] =	ssyncadd.tile.s32 @!p0 $0x1;
	_ =	shalt  }
.Lfunc_end2:
_tile_overlayer_lowered:
.L_overlay_start_2:
0xb2: {  	(tag) =	ssettag $0x2  }
0xb3: {  	s0 =	rddreg [dreg:$0x0];
	s2 =	stileid.u32  }
0xb4: {  	s1 =	rddreg [dreg:$0x1];
	p0 =	sne.s32 s2, $0x0  }
0xb5: {  	s3 =	rddreg [dreg:$0x2];
	[bflag:$0x3] =	sbarrier.arrive $0xFFFF;
	s2 =	simm.s32 @!p0 $0x1C11  }
0xb6: {  	[timem:s3], [sflag:s2] =	dma.local @!p0 [hbm:s0], s1  }
0xb7: {  	s0 =	simm.s32 @!p0 $0x11  }
0xb8: {  	_ =	swait.ge @!p0 [sflag:s0], s1  }
0xb9: {  	s1 =	ssub.s32 @!p0 $0x0, s1;
	[sflag:s0] =	ssyncset.done @!p0 $0x0  }
0xba: {  	[sflag:s0] =	ssyncadd.s32 @!p0 s1  }
0xbb: {  	[bflag:$0x3] =	sbarrier.arrive $0xFFFF  }
0xbc: {  	_ =	shalt  }

// kernel: kernel.8.cloned.1.call-start
scs
__scs_entry_jumppad:
0x0: {  	(pc) =	sbr.rel $0x88, $3  }
0x1: {  	(tag) =	ssettag $0x0;
	lr =	simm.s32 $0x1  }
0x2: {  	[smem:$0x3F9B] =	sst lr;
	_ =	strace $0xD0000000  }
0x3: {  	_ = 	snop  }
0x4: {  	_ = 	snop  }
0x5: {  	_ = 	snop  }
0x6: {  	_ = 	snop  }
0x7: {  	_ = 	snop  }
__scs_overlays_trampoline_lowered:
0x8: {  	[smem:$0x3FAA] =	sst s0  }
0x9: {  	[smem:$0x3FAB] =	sst s1  }
0xa: {  	[smem:$0x3FAC] =	sst s2  }
0xb: {  	[smem:$0x3FAD] =	sst s3  }
0xc: {  	[smem:$0x3FAE] =	sst s4  }
0xd: {  	[smem:$0x3FAF] =	sst s5  }
0xe: {  	[smem:$0x3FB0] =	sst s6  }
0xf: {  	[smem:$0x3FB1] =	sst s7  }
0x10: {  	[smem:$0x3FB2] =	sst s8  }
0x11: {  	[smem:$0x3FB3] =	sst s9;
	s0 =	simm.s32 @!p0 $0x0  }
0x12: {  	s1 =	sld [smem:$0x3F99];
	s0 =	simm.s32 @p0 $0x1  }
0x13: {  	[smem:$0x3FB4] =	sst s0;
	s0 =	simm.s32 @!p1 $0x0  }
0x14: {  	s2 =	sld [smem:$0x3F98];
	s0 =	simm.s32 @p1 $0x1  }
0x15: {  	[smem:$0x3FB5] =	sst s0;
	s0 =	simm.s32 @!p2 $0x0  }
0x16: {  	s3 =	sld [smem:$0x3FDB];
	s0 =	simm.s32 @p2 $0x1  }
0x17: {  	s4 =	simm.s32 $0x1BF5;
	[smem:$0x3FB7] =	sst s0  }
0x18: {  	s0 =	sld [smem:$0x3F9A];
	_ =	swait.ge [sflag:s4], $0x0  }
0x19: {  	s7 =	sld [smem:$0x3F9B]  }
0x1a: {  	s8 =	sadd.s32 $0xFFFFE003, lr  }
0x1b: {  	s9 =	sadd.s32 $0xFFFFFEF7, lr;
	s5 =	simm.s32 $0xFFFFFFFF;
	p2 =	slt.u32 s8, $0xFFFFF086  }
0x1c: {  	p1 =	slt.u32 s9, $0xF7A;
	s5 =	simm.s32 @!p2 $0x0  }
0x1d: {  	s5 =	simm.s32 @p1 $0x1;
	p0 =	seq.s32 s7, s2  }
0x1e: {  	s7 =	smul.u32 @!p0 $0xF7A, s2;
	p2 =	seq.s32 @!p0 s5, $0x0  }
0x1f: {  	s9 =	smul.u32 $0xF7A, s1;
	s8 =	simm.s32 @!p0 $0x1BF5;
	p2 =	por !p2, p0  }
0x20: {  	[sflag:s8] =	ssyncset.s32 @!p0 $0xFFFFF086;
	s6 =	sadd.s32 @!p0 s3, s7;
	s7 =	simm.s32 @!p0 $0x108  }
0x21: {  	s3 =	sadd.s32 s3, s9;
	s6 =	sadd.s32 @!p0 $0x88, s6;
	s7 =	simm.s32 @p2 $0x1082  }
0x22: {  	[simem:s7], [sflag:s8] =	dma.local @!p0 [hbm:s6], $0xF7A  }
0x23: {  	s9 =	sor.u32 $0xD0000000, s2;
	s6 =	simm.s32 $0x108;
	_ =	swait.ge @!p0 [sflag:s8], $0x0  }
0x24: {  	s3 =	sadd.s32 $0x88, s3;
	s6 =	simm.s32 @!p1 $0x1082;
	[sflag:s4] =	ssyncset.s32 $0xFFFFF086  }
0x25: {  	[simem:s6], [sflag:s4] =	dma.local [hbm:s3], $0xF7A  }
0x26: {  	[smem:$0x3F9B] =	sst s1;
	(tag) =	ssettag s2;
	_ =	strace s9  }
0x27: {  	s1 =	sld [smem:$0x3FAB]  }
0x28: {  	s2 =	sld [smem:$0x3FAC]  }
0x29: {  	s4 =	sld [smem:$0x3FAE]  }
0x2a: {  	p0 =	seq.s32 s5, $0x0;
	s5 =	sld [smem:$0x3FAF]  }
0x2b: {  	s6 =	sld [smem:$0x3FB0]  }
0x2c: {  	s7 =	sld [smem:$0x3FB1]  }
0x2d: {  	s3 =	simm.s32 $0x108;
	s8 =	sld [smem:$0x3FB2]  }
0x2e: {  	s3 =	simm.s32 @!p0 $0x1082;
	s9 =	sld [smem:$0x3FB3]  }
0x2f: {  	lr =	sadd.s32 s0, s3;
	s0 =	sld [smem:$0x3FAA]  }
0x30: {  	s3 =	sld [smem:$0x3FAD]  }
0x31: {  	[smem:$0x3FB6] =	sst s10  }
0x32: {  	s10 =	sld [smem:$0x3FB4];
	_ =	sdelay $0x3  }
0x33: {  	p0 =	seq.s32 s10, $0x1;
	s10 =	sld [smem:$0x3FB6];
	_ =	sdelay $0x3  }
0x34: {  	[smem:$0x3FB6] =	sst s10  }
0x35: {  	s10 =	sld [smem:$0x3FB5];
	_ =	sdelay $0x3  }
0x36: {  	p1 =	seq.s32 s10, $0x1;
	s10 =	sld [smem:$0x3FB6];
	_ =	sdelay $0x3  }
0x37: {  	[smem:$0x3FB6] =	sst s10  }
0x38: {  	s10 =	sld [smem:$0x3FB7]  }
0x39: {  	_ = 	snop;
	(pc) =	sbr.ind lr, $3  }
0x3a: {  	_ = 	snop  }
0x3b: {  	_ = 	snop  }
0x3c: {  	p2 =	seq.s32 s10, $0x1;
	s10 =	sld [smem:$0x3FB6]  }
0x3d: {  	_ =	shalt  }
0x3e: {  	_ =	shalt  }
0x3f: {  	_ =	shalt  }
0x40: {  	_ =	shalt  }
0x41: {  	_ =	shalt  }
0x42: {  	_ =	shalt  }
0x43: {  	_ =	shalt  }
0x44: {  	_ =	shalt  }
0x45: {  	_ =	shalt  }
0x46: {  	_ =	shalt  }
0x47: {  	_ =	shalt  }
0x48: {  	_ =	shalt  }
0x49: {  	_ =	shalt  }
0x4a: {  	_ =	shalt  }
0x4b: {  	_ =	shalt  }
0x4c: {  	_ =	shalt  }
0x4d: {  	_ =	shalt  }
0x4e: {  	_ =	shalt  }
0x4f: {  	_ =	shalt  }
0x50: {  	_ =	shalt  }
0x51: {  	_ =	shalt  }
0x52: {  	_ =	shalt  }
0x53: {  	_ =	shalt  }
0x54: {  	_ =	shalt  }
0x55: {  	_ =	shalt  }
0x56: {  	_ =	shalt  }
0x57: {  	_ =	shalt  }
0x58: {  	_ =	shalt  }
0x59: {  	_ =	shalt  }
0x5a: {  	_ =	shalt  }
0x5b: {  	_ =	shalt  }
0x5c: {  	_ =	shalt  }
0x5d: {  	_ =	shalt  }
0x5e: {  	_ =	shalt  }
0x5f: {  	_ =	shalt  }
0x60: {  	_ =	shalt  }
0x61: {  	_ =	shalt  }
0x62: {  	_ =	shalt  }
0x63: {  	_ =	shalt  }
0x64: {  	_ =	shalt  }
0x65: {  	_ =	shalt  }
0x66: {  	_ =	shalt  }
0x67: {  	_ =	shalt  }
0x68: {  	_ =	shalt  }
0x69: {  	_ =	shalt  }
0x6a: {  	_ =	shalt  }
0x6b: {  	_ =	shalt  }
0x6c: {  	_ =	shalt  }
0x6d: {  	_ =	shalt  }
0x6e: {  	_ =	shalt  }
0x6f: {  	_ =	shalt  }
0x70: {  	_ =	shalt  }
0x71: {  	_ =	shalt  }
0x72: {  	_ =	shalt  }
0x73: {  	_ =	shalt  }
0x74: {  	_ =	shalt  }
0x75: {  	_ =	shalt  }
0x76: {  	_ =	shalt  }
0x77: {  	_ =	shalt  }
0x78: {  	_ =	shalt  }
0x79: {  	_ =	shalt  }
0x7a: {  	_ =	shalt  }
0x7b: {  	_ =	shalt  }
0x7c: {  	_ =	shalt  }
0x7d: {  	_ =	shalt  }
0x7e: {  	_ =	shalt  }
0x7f: {  	_ =	shalt  }
0x80: {  	_ =	shalt  }
0x81: {  	_ =	shalt  }
0x82: {  	_ =	shalt  }
0x83: {  	_ =	shalt  }
0x84: {  	_ =	shalt  }
0x85: {  	_ =	shalt  }
0x86: {  	_ =	shalt  }
0x87: {  	_ =	shalt  }
.Lfunc_end0:
.L_simem_size_0:
called_computation_lowered:
.L_overlay_start_0:
0x88: {  	s2 =	sld [smem:$0x3FD9]  }
0x89: {  	s3 =	sld [smem:$0x3FFE];
	_ =	sdelay $0x1  }
0x8a: {  	s1 =	srdreg.scid  }
0x8b: {  	s0 =	sand.u32 $0x1, s1  }
0x8c: {  	s17 =	sshll.u32 s0, $0xA;
	s2 =	sadd.s32 s3, s2  }
0x8d: {  	s2 =	sadd.s32 s2, s17  }
0x8e: {  	[smem:$0x3FC2] =	sst s2  }
0x8f: {  	_ = 	snop  }
0x90: {  	s2 =	sld [smem:$0x3FD0];
	(tm) =	ssettm $0x1  }
0x91: {  	s18 =	sld [smem:$0x3FFB];
	_ =	sdelay $0x3  }
0x92: {  	_ =	strace s18  }
0x93: {  	s3 =	sld [smem:$0x3FFC];
	_ =	sdelay $0x3  }
0x94: {  	_ =	strace s3  }
0x95: {  	s3 =	sld [smem:$0x3FFD];
	_ =	sdelay $0x3  }
0x96: {  	_ =	strace s3  }
0x97: {  	_ =	strace $0x8FFFFFFF  }
0x98: {  	s19 =	sld [smem:$0x3FDB];
	_ =	sdelay $0x1  }
0x99: {  	s4 =	simm.s32 $_scs_section_size  }
0x9a: {  	s5 =	simm.s32 $_size__tile_overlayer_lowered;
	s6 =	simm.s32 $_tile_overlayer_lowered  }
0x9b: {  	s22 =	simm.s32 $0x1BFF;
	s21 =	sshll.u32 s6, $0x1;
	s3 =	sadd.s32 s4, s19  }
0x9c: {  	s7 =	simm.s32 $0x0;
	s20 =	sshll.u32 s5, $0x1;
	s5 =	sadd.s32 s21, s3  }
0x9d: {  	[timem:s7], [sflag:s22] =	dma.local [hbm:s5], s20  }
0x9e: {  	_ =	swait.ge [sflag:s22], s20  }
0x9f: {  	s4 =	ssub.s32 $0x0, s20;
	[sflag:s22] =	ssyncset.done $0x0  }
0xa0: {  	[sflag:s22] =	ssyncadd.s32 s4;
	_ =	sdelay $0x1  }
0xa1: {  	s23 =	simm.s32 $0x1B8B  }
0xa2: {  	_ =	swait.ge [sflag:s23], $0x1  }
0xa3: {  	[sflag:s23] =	ssyncset.done $0x0  }
0xa4: {  	s25 =	simm.s32 $0x1B8E;
	s24 =	sld [smem:$0x3FFE];
	[sflag:s23] =	ssyncadd.s32 $0xFFFFFFFF  }
0xa5: {  	s26 =	simm.s32 $execute0_lowered;
	[smem:$0x3FD2] =	sst s25  }
0xa6: {  	s5 =	sshll.u32 s26, $0x1;
	_ =	strace $0x80000046;
	[dreg:$0x1] =	wrdreg $0xFFFFFFFF  }
0xa7: {  	s28 =	simm.s32 $_size_execute0_lowered;
	s3 =	sadd.s32 s3, s5;
	[dreg:$0x0] =	wrdreg $0x0  }
0xa8: {  	s5 =	sshll.u32 s28, $0x1;
	[dreg:$0x2] =	wrdreg s3  }
0xa9: {  	[dreg:$0x3] =	wrdreg s5  }
0xaa: {  	[dreg:$0x4] =	wrdreg $0xC0  }
0xab: {  	_ =	task [dreg:s7], $0x5FFFF  }
0xac: {  	[dreg:$0x1] =	wrdreg $0xFFFFFFFF  }
0xad: {  	[dreg:$0x0] =	wrdreg $0x60  }
0xae: {  	[dreg:$0x2] =	wrdreg s24  }
0xaf: {  	[dreg:$0x3] =	wrdreg s2  }
0xb0: {  	[dreg:$0x4] =	wrdreg $0x30000  }
0xb1: {  	[dreg:$0x5] =	wrdreg $0x9  }
0xb2: {  	_ =	task.clear_ibuf [dreg:s7], $0x6FFFF;
	_ =	strace $0x90000046  }
0xb3: {  	s29 =	simm.s32 $0x9;
	_ =	strace $0x80000048  }
0xb4: {  	_ =	swait.ge [sflag:s29], $0x1  }
0xb5: {  	[sflag:s29] =	ssyncadd.s32 $0xFFFFFFFF  }
0xb6: {  	_ =	strace $0x90000048  }
0xb7: {  	_ =	sfence  }
0xb8: {  	s30 =	sld [smem:$0x0];
	_ =	sdelay $0x2  }
0xb9: {  	s31 =	sshll.u32 s1, $0xD;
	s1 =	sshrl.u32 s1, $0x2  }
0xba: {  	s3 =	sand.u32 $0x4000, s31;
	s1 =	sadd.s32 s1, s30  }
0xbb: {  	s0 =	sor.u32 s3, s0;
	s1 =	sshll.u32 s1, $0x11  }
0xbc: {  	s0 =	sor.u32 s1, s0  }
0xbd: {  	s0 =	sadd.s32 $0x8F2B, s0  }
0xbe: {  	[sflag:s0] =	ssyncadd.remote.s32 $0x1  }
0xbf: {  	_ =	sfence.sel $0xFFFF  }
0xc0: {  	[dreg:$0x0] =	wrdreg $0xFFFFFFFF;
	(pc) =	sbr.abs _section_cstart, $3  }
0xc1: {  	[dreg:$0x1] =	wrdreg $0xFFFFFFFF  }
0xc2: {  	_ =	task.clear_ibuf [dreg:s7], $0x2FFFF;
	_ =	strace $0x9FFFFFFF  }
0xc3: {  	(tm) =	ssettm $0x7FFFFFFF  }
tec
execute0_lowered:
.L_overlay_start_1:
0x0: {  	(tag) =	ssettag $0x1  }
0x1: {  	s9 =	rddreg [dreg:$0x0]  }
0x2: {  	s6 =	rddreg [dreg:$0x1]  }
0x3: {  	s2 =	rddreg [dreg:$0x2]  }
0x4: {  	s0 =	rddreg [dreg:$0x3];
	s4 =	srdreg.scid  }
0x5: {  	s1 =	stileid.u32;
	s3 =	simm.s32 $0x0;
	s15 =	simm.s32 $0x80  }
0x6: {  	s16 =	simm.s32 $0x1;
	s17 =	simm.s32 $0x0;
	s7 =	sand.u32 $0x1, s4  }
0x7: {  	s8 =	smul.u32 $0x2800, s1;
	[smem:$0x7FF] =	sst s3;
	s4 =	sadd.s32 $0x16400, s9  }
0x8: {  	s5 =	sadd.s32 $0x17000, s9;
	p1 =	seq.s32 s1, $0xF;
	s31 =	sshll.u32 s1, $0x6  }
0x9: {  	s10 =	smul.u32 $0x28000, s7;
	_ =	strace $0x80000047;
	s11 =	ssub.s32 $0x2, s7  }
0xa: {  	s12 =	sshll.u32 s7, $0x4;
	p0 =	seq.s32 s7, $0x1;
	s13 =	sshrl.u32 s11, $0x1  }
0xb: {  	s12 =	sor.u32 s1, s12;
	p0 =	por !p1, !p0;
	s30 =	sadd.s32 s8, s2  }
0xc: {  	s10 =	sadd.s32 s8, s10;
	s29 =	smul.u32 $0x2800, s12;
	s11 =	ssub.s32 s11, s13  }
0xd: {  	p0 =	por !p0, !p0;
	s8 =	sshrl.u32 s8, $0x3;
	s12 =	sshrl.u32 s30, $0x3  }
0xe: {  	s13 =	simm.s32 $0x2;
	s10 =	sshrl.u32 s10, $0x3;
	s6 =	sadd.s32 s6, s8  }
0xf: {  	s11 =	smax.u32 s11, $0x1;
	s10 =	sadd.s32 s10, s9;
	s7 =	sshrl.u32 s29, $0x3  }
0x10: {  	s14 =	sadd.s32 s9, s7;
	s7 =	sor.u32 $0x1C02, s31;
	s9 =	sadd.s32 $0x16140, s9  }
0x11: {  	s10 =	sadd.s32 $0x17200, s10;
	s8 =	sadd.s32 $0xC640, s14;
	s14 =	simm.s32 $0x2800  }
.LBB2_1:
0x12: {  	[spmem:s12], [sflag:s7] =	dma.local [hbm:s6], $0x500  }
0x13: {  	_ =	swait.ge [sflag:s13], $0x500  }
0x14: {  	[sflag:s13] =	ssyncset.done $0x0  }
0x15: {  	[sflag:s13] =	ssyncadd.s32 $0xFFFFFB00  }
0x16: {  	[tilespmem:s14], [sflag:$0x2] =	stream.linear.gather [hbm4b:s5+s3], $0x800, $0x38;
	[tilespmem:$0x5800] =	vst v63  }
0x17: {  	_ =	swait.ge [sflag:s13], $0x800  }
0x18: {  	[sflag:s13] =	ssyncset.done $0x0  }
0x19: {  	s18 =	simm.s32 @!p0 $0x0;
	[sflag:s13] =	ssyncadd.s32 $0xFFFFF800  }
0x1a: {  	[tilespmem:s18], [sflag:$0x2] =	stream.linear.gather @!p0 [hbm4b:s8+s18], $0x2800, $0x38;
	[tilespmem:$0x5800] =	vst v63  }
0x1b: {  	s18 =	simm.s32 @!p0 $0x2  }
0x1c: {  	_ =	swait.ge @!p0 [sflag:s18], $0x2800  }
0x1d: {  	[sflag:s18] =	ssyncset.done @!p0 $0x0  }
0x1e: {  	s19 =	simm.s32 @p0 $0x2;
	[sflag:s18] =	ssyncadd.s32 @!p0 $0xFFFFD800;
	s18 =	simm.s32 @p0 $0x0  }
0x1f: {  	[tilespmem:s18], [sflag:$0x2] =	stream.linear.gather @p0 [hbm4b:s9+s18], $0xA00, $0x38;
	[tilespmem:$0x5800] =	vst v63  }
0x20: {  	_ =	swait.ge @p0 [sflag:s19], $0xA00  }
0x21: {  	[sflag:s19] =	ssyncset.done @p0 $0x0  }
0x22: {  	s20 =	simm.s32 @p0 $0xA00;
	[sflag:s19] =	ssyncadd.s32 @p0 $0xFFFFF600  }
0x23: {  	[tilespmem:s20], [sflag:$0x2] =	stream.linear.gather @p0 [hbm4b:s4+s18], $0x1E00, $0x38;
	[tilespmem:$0x5800] =	vst v63  }
0x24: {  	_ =	swait.ge @p0 [sflag:s19], $0x1E00  }
0x25: {  	[sflag:s19] =	ssyncset.done @p0 $0x0  }
0x26: {  	[sflag:s19] =	ssyncadd.s32 @p0 $0xFFFFE200  }
0x27: {  	s18 =	simm.s32 $0x0;
	[bflag:$0x0] =	sbarrier.arrive $0xFFFF  }
.LBB2_2:
0x28: {  	p1 =	sne.s32 s18, $0x9E00  }
.Ltmp0:
0x29: {  	_ = 	snop;
	(pc) =	sbr.rel @p1 .LBB2_2-.Ltmp0, $3  }
0x2a: {  	_ =	sdelay $0x1  }
0x2b: {  	s19 =	sshra.s32 s18, $0x2;
	s18 =	sadd.s32 $0x200, s18  }
0x2c: {  	[spmem:s2] =	stream.indirect.scatter.add.f32 [tilespmem:s14], [sflag:$0x1], $0x10, s19, s15, $0xb8;
	[tilespmem:$0x5800] =	vst v63  }
0x2d: {  	_ =	swait.ge [sflag:s16], $0x800  }
0x2e: {  	s18 =	simm.s32 $0x4F;
	[sflag:s16] =	ssyncset.done $0x0  }
.LBB2_4:
0x2f: {  	p1 =	sne.s32 s18, $0x1;
	s18 =	sadd.s32 $0xFFFFFFFF, s18;
	[sflag:s16] =	ssyncadd.s32 $0xFFFFF800  }
.Ltmp1:
0x30: {  	(pc) =	sbr.rel @p1 .LBB2_4-.Ltmp1, $3  }
0x31: {  	_ =	sdelay $0x1  }
0x32: {  	_ =	swait.ge [sflag:s16], $0x800  }
0x33: {  	[sflag:s16] =	ssyncset.done $0x0  }
0x34: {  	s17 =	sadd.s32 $0x1, s17  }
0x35: {  	[sflag:s16] =	ssyncadd.s32 $0xFFFFF800;
	p1 =	sne.s32 s17, s11  }
.Ltmp2:
0x36: {  	[bflag:$0x0] =	sbarrier.arrive $0xFFFF;
	(pc) =	sbr.rel @p1 .LBB2_1-.Ltmp2, $4  }
0x37: {  	[hbm:s10], [sflag:s7] =	dma.local [spmem:s12], $0x500  }
0x38: {  	_ =	swait.ge [sflag:s13], $0x500  }
0x39: {  	[sflag:s13] =	ssyncset.done $0x0  }
0x3a: {  	[sflag:s13] =	ssyncadd.s32 $0xFFFFFB00  }
0x3b: {  	_ =	sfence.sel $0x180000  }
0x3c: {  	[bflag:$0x0] =	sbarrier.arrive $0xFFFF  }
0x3d: {  	p0 =	sne.s32 s1, $0x0;
	_ =	strace $0x90000047  }
0x3e: {  	s0 =	sadd.s32 @!p0 $0x100000, s0;
	[bflag:$0x2] =	sbarrier.arrive $0xFFFF  }
0x3f: {  	[sflag:s0] =	ssyncadd.tile.s32 @!p0 $0x1;
	_ =	shalt  }
.Lfunc_end2:
_tile_overlayer_lowered:
.L_overlay_start_2:
0x40: {  	(tag) =	ssettag $0x2  }
0x41: {  	s0 =	rddreg [dreg:$0x0];
	s2 =	stileid.u32  }
0x42: {  	s1 =	rddreg [dreg:$0x1];
	p0 =	sne.s32 s2, $0x0  }
0x43: {  	s3 =	rddreg [dreg:$0x2];
	[bflag:$0x3] =	sbarrier.arrive $0xFFFF;
	s2 =	simm.s32 @!p0 $0x1C02  }
0x44: {  	[timem:s3], [sflag:s2] =	dma.local @!p0 [hbm:s0], s1  }
0x45: {  	s0 =	simm.s32 @!p0 $0x2  }
0x46: {  	_ =	swait.ge @!p0 [sflag:s0], s1  }
0x47: {  	s1 =	ssub.s32 @!p0 $0x0, s1;
	[sflag:s0] =	ssyncset.done @!p0 $0x0  }
0x48: {  	[sflag:s0] =	ssyncadd.s32 @!p0 s1  }
0x49: {  	[bflag:$0x3] =	sbarrier.arrive $0xFFFF  }
0x4a: {  	_ =	shalt  }

</sc_bundles>
